<compile_context>
chip_gen: v7x
topology: tpu7x:2x2x1
jax: 0.10.2.dev20260603
libtpu: 0.0.44.dev20260713+nightly
codegen_flags: <defaults>
</compile_context>

<pallas_src>
import functools

import jax
import jax.numpy as jnp
from jax import lax
from jax.experimental import pallas as pl
from jax.experimental.pallas import tpu as pltpu
from jax.experimental.pallas import tpu_sc as plsc

N = 10000
E = 160000
DIM = 256
L = 16
NG = DIM // L
ETOT = E + N
CH = 64
NT = 32
TRANGE = 320
ACC_ROWS = TRANGE + 8
ACC_D = DIM
DEN_LEN = 352
DUMP = TRANGE
LAST_ROWS = N - 31 * TRANGE
ROUTE_PAD = 1 << 20
EPAD = ((ETOT + CH - 1) // CH) * CH
NB = 48


def _gat_edge_body(xl_hbm, xr_hbm, att_hbm, src_hbm, dstg_hbm, dstr_hbm,
                   est_hbm, zz_hbm, out_hbm, den_hbm,
                   att_v, est_v, sidx, didx, dreg, xls, xrd, acc, den,
                   sem1, sem2):
    c = lax.axis_index("c")
    s = lax.axis_index("s")
    wid = c * 16 + s
    nbase = wid * TRANGE

    pltpu.sync_copy(att_hbm, att_v)
    pltpu.sync_copy(est_hbm, est_v)
    pltpu.sync_copy(zz_hbm, acc)
    for zi in range(DEN_LEN // L):
        den[pl.ds(zi * L, L)] = jnp.zeros((L,), jnp.float32)

    epair = est_v[pl.ds(wid, L)]
    e0 = epair[0]
    e1 = epair[1]
    e0a = pl.multiple_of((e0 // CH) * CH, CH)
    nch = (e1 - e0a + CH - 1) // CH

    onehot0 = lax.iota(jnp.int32, L) == 0
    lanes = lax.iota(jnp.int32, L)

    def chunk(ci, carry):
        eb = pl.multiple_of(e0a + ci * CH, CH)
        pltpu.sync_copy(src_hbm.at[pl.ds(eb, CH)], sidx)
        pltpu.sync_copy(dstg_hbm.at[pl.ds(eb, CH)], didx)
        pltpu.sync_copy(dstr_hbm.at[pl.ds(eb, CH)], dreg.at[pl.ds(0, CH)])
        cp1 = pltpu.async_copy(xl_hbm.at[sidx], xls, sem1)
        cp2 = pltpu.async_copy(xr_hbm.at[didx], xrd, sem2)
        cp1.wait()
        cp2.wait()

        def edge(e, carry2):
            accv = jnp.zeros((L,), jnp.float32)
            xv = []
            for g in range(NG):
                a = xls[e, pl.ds(g * L, L)]
                b = xrd[e, pl.ds(g * L, L)]
                u = a + b
                m = jnp.maximum(u, 0.2 * u)
                accv = accv + m * att_v[pl.ds(g * L, L)]
                xv.append(a)
            for k in (1, 2, 4, 8):
                accv = accv + accv.at[lanes ^ k].get(mode="promise_in_bounds")
            ev = jnp.exp(accv)
            r = dreg[pl.ds(e, L)][0] - nbase
            ok = (r >= 0) & (r < TRANGE)
            rc = jnp.where(ok, r, jnp.int32(DUMP))
            for g in range(NG):
                sl = pl.ds(g * L, L)
                acc[rc, sl] = acc[rc, sl] + xv[g] * ev
            dl = pl.ds(rc, L)
            den[dl] = den[dl] + jnp.where(onehot0, ev, 0.0)
            return carry2

        lax.fori_loop(0, CH, edge, 0)
        return carry

    lax.fori_loop(0, nch, chunk, 0)

    @pl.when(wid < NT - 1)
    def _writeback():
        ob = pl.multiple_of(nbase, 8)
        pltpu.sync_copy(acc.at[pl.ds(0, TRANGE)], out_hbm.at[pl.ds(ob, TRANGE)])
        pltpu.sync_copy(den.at[pl.ds(0, TRANGE)], den_hbm.at[pl.ds(ob, TRANGE)])

    @pl.when(wid == NT - 1)
    def _writeback_last():
        pltpu.sync_copy(acc.at[pl.ds(0, LAST_ROWS)],
                        out_hbm.at[pl.ds((NT - 1) * TRANGE, LAST_ROWS)])
        pltpu.sync_copy(den.at[pl.ds(0, LAST_ROWS)],
                        den_hbm.at[pl.ds((NT - 1) * TRANGE, LAST_ROWS)])


def _gat_edge_stage(xl, xr, att, srcp, dstg, dstr, est, zz):
    mesh = plsc.VectorSubcoreMesh(core_axis_name="c", subcore_axis_name="s")
    fn = pl.kernel(
        _gat_edge_body,
        out_type=(jax.ShapeDtypeStruct((N, ACC_D), jnp.float32),
                  jax.ShapeDtypeStruct((N,), jnp.float32)),
        mesh=mesh,
        scratch_types=[
            pltpu.VMEM((DIM,), jnp.float32),
            pltpu.VMEM((NB,), jnp.int32),
            pltpu.VMEM((CH,), jnp.int32),
            pltpu.VMEM((CH,), jnp.int32),
            pltpu.VMEM((CH + L,), jnp.int32),
            pltpu.VMEM((CH, DIM), jnp.float32),
            pltpu.VMEM((CH, DIM), jnp.float32),
            pltpu.VMEM((ACC_ROWS, ACC_D), jnp.float32),
            pltpu.VMEM((DEN_LEN,), jnp.float32),
            pltpu.SemaphoreType.DMA,
            pltpu.SemaphoreType.DMA,
        ],
    )
    return fn(xl, xr, att, srcp, dstg, dstr, est, zz)


BN = 1000


def _proj0_body(x_ref, wl_ref, bl_ref, wr_ref, br_ref, xl_ref, xr_ref):
    x = x_ref[...]
    xl_ref[...] = x * wl_ref[...] + bl_ref[...]
    xr_ref[...] = x * wr_ref[...] + br_ref[...]


def _proj0(x, Wl0, bl0, Wr0, br0):
    return pl.pallas_call(
        _proj0_body,
        grid=(N // BN,),
        in_specs=[
            pl.BlockSpec((BN, 1), lambda i: (i, 0)),
            pl.BlockSpec((1, DIM), lambda i: (0, 0)),
            pl.BlockSpec((1, DIM), lambda i: (0, 0)),
            pl.BlockSpec((1, DIM), lambda i: (0, 0)),
            pl.BlockSpec((1, DIM), lambda i: (0, 0)),
        ],
        out_specs=[
            pl.BlockSpec((BN, DIM), lambda i: (i, 0)),
            pl.BlockSpec((BN, DIM), lambda i: (i, 0)),
        ],
        out_shape=[
            jax.ShapeDtypeStruct((N, DIM), jnp.float32),
            jax.ShapeDtypeStruct((N, DIM), jnp.float32),
        ],
    )(x, Wl0.reshape(1, DIM), bl0.reshape(1, DIM),
      Wr0.reshape(1, DIM), br0.reshape(1, DIM))


def _norm_acc(acc, den):
    return acc / (den + 1e-16)


def _proj1_body(acc_ref, den_ref, bias_ref, wl_ref, bl_ref, wr_ref, br_ref,
                xl_ref, xr_ref):
    h = _norm_acc(acc_ref[...], den_ref[...]) + bias_ref[...]
    xl_ref[...] = lax.dot_general(h, wl_ref[...], (((1,), (0,)), ((), ())),
                                  preferred_element_type=jnp.float32) + bl_ref[...]
    xr_ref[...] = lax.dot_general(h, wr_ref[...], (((1,), (0,)), ((), ())),
                                  preferred_element_type=jnp.float32) + br_ref[...]


def _proj1(acc, den, bias0, Wl1, bl1, Wr1, br1):
    return pl.pallas_call(
        _proj1_body,
        grid=(N // BN,),
        in_specs=[
            pl.BlockSpec((BN, ACC_D), lambda i: (i, 0)),
            pl.BlockSpec((BN, 1), lambda i: (i, 0)),
            pl.BlockSpec((1, DIM), lambda i: (0, 0)),
            pl.BlockSpec((DIM, DIM), lambda i: (0, 0)),
            pl.BlockSpec((1, DIM), lambda i: (0, 0)),
            pl.BlockSpec((DIM, DIM), lambda i: (0, 0)),
            pl.BlockSpec((1, DIM), lambda i: (0, 0)),
        ],
        out_specs=[
            pl.BlockSpec((BN, DIM), lambda i: (i, 0)),
            pl.BlockSpec((BN, DIM), lambda i: (i, 0)),
        ],
        out_shape=[
            jax.ShapeDtypeStruct((N, DIM), jnp.float32),
            jax.ShapeDtypeStruct((N, DIM), jnp.float32),
        ],
    )(acc, den.reshape(N, 1), bias0.reshape(1, DIM), Wl1, bl1.reshape(1, DIM),
      Wr1, br1.reshape(1, DIM))


def _layer_norm(x, g, b):
    mu = x.mean(axis=-1, keepdims=True)
    var = ((x - mu) ** 2).mean(axis=-1, keepdims=True)
    return (x - mu) / jnp.sqrt(var + 1e-5) * g + b


def _gelu(x):
    return 0.5 * x * (1.0 + lax.erf(x / jnp.float32(1.4142135623730951)))


def _head_body(acc_ref, den_ref, bias_ref, w1_ref, b1_ref, g1_ref, be1_ref,
               w2_ref, b2_ref, g2_ref, be2_ref, w3_ref, b3_ref, out_ref):
    h = _norm_acc(acc_ref[...], den_ref[...]) + bias_ref[...]
    t = lax.dot_general(h, w1_ref[...], (((1,), (0,)), ((), ())),
                        preferred_element_type=jnp.float32) + b1_ref[...]
    t = _gelu(_layer_norm(t, g1_ref[...], be1_ref[...]))
    t = lax.dot_general(t, w2_ref[...], (((1,), (0,)), ((), ())),
                        preferred_element_type=jnp.float32) + b2_ref[...]
    t = _gelu(_layer_norm(t, g2_ref[...], be2_ref[...]))
    o = lax.dot_general(t, w3_ref[...], (((1,), (0,)), ((), ())),
                        preferred_element_type=jnp.float32) + b3_ref[...]
    out_ref[...] = jax.nn.sigmoid(o)


def _head(acc, den, bias1, W1, b1, g1, be1, W2, b2, g2, be2, W3, b3):
    full = lambda shape: pl.BlockSpec(shape, lambda i: tuple(0 for _ in shape))
    return pl.pallas_call(
        _head_body,
        grid=(N // BN,),
        in_specs=[
            pl.BlockSpec((BN, ACC_D), lambda i: (i, 0)),
            pl.BlockSpec((BN, 1), lambda i: (i, 0)),
            full((1, DIM)),
            full((DIM, DIM)), full((1, DIM)), full((1, DIM)), full((1, DIM)),
            full((DIM, DIM)), full((1, DIM)), full((1, DIM)), full((1, DIM)),
            full((DIM, 1)), full((1, 1)),
        ],
        out_specs=pl.BlockSpec((BN, 1), lambda i: (i, 0)),
        out_shape=jax.ShapeDtypeStruct((N, 1), jnp.float32),
    )(acc, den.reshape(N, 1), bias1.reshape(1, DIM),
      W1, b1.reshape(1, DIM), g1.reshape(1, DIM), be1.reshape(1, DIM),
      W2, b2.reshape(1, DIM), g2.reshape(1, DIM), be2.reshape(1, DIM),
      W3, b3.reshape(1, 1))


@jax.jit
def kernel(x, edge_index, Wl0, bl0, Wr0, br0, att0, bias0,
           Wl1, bl1, Wr1, br1, att1, bias1,
           W1, b1, g1, be1, W2, b2, g2, be2, W3, b3):
    loop = jnp.arange(N, dtype=edge_index.dtype)
    src = jnp.concatenate([edge_index[0], loop])
    dst = jnp.concatenate([edge_index[1], loop])
    order = jnp.argsort(dst)
    src_s = jnp.take(src, order)
    dst_s = jnp.take(dst, order)
    pad = EPAD - ETOT
    srcp = jnp.concatenate([src_s, jnp.zeros((pad,), jnp.int32)])
    dstg = jnp.concatenate([dst_s, jnp.zeros((pad,), jnp.int32)])
    dstr = jnp.concatenate([dst_s, jnp.full((pad,), ROUTE_PAD, jnp.int32)])
    bounds = jnp.arange(NB, dtype=jnp.int32) * TRANGE
    est = jnp.searchsorted(dst_s, bounds).astype(jnp.int32)
    zz = jnp.zeros((ACC_ROWS, ACC_D), jnp.float32)

    xl0, xr0 = _proj0(x, Wl0, bl0, Wr0, br0)
    acc0, den0 = _gat_edge_stage(xl0, xr0, att0, srcp, dstg, dstr, est, zz)
    xl1, xr1 = _proj1(acc0, den0, bias0, Wl1, bl1, Wr1, br1)
    acc1, den1 = _gat_edge_stage(xl1, xr1, att1, srcp, dstg, dstr, est, zz)
    return _head(acc1, den1, bias1, W1, b1, g1, be1, W2, b2, g2, be2, W3, b3)

# --- scband reference (transcript-rebuilt; emitter-appended) ---
"""Pipeline reference for scband-causal-discoverer-66975720014541 (READ-ONLY COPY).

The authoritative reference and input builder live on the scoring server;
editing this copy changes nothing except your own understanding.
"""

import jax, jax.numpy as jnp
import numpy as np

N = 10000
E = 160000
DIM = 256


def gatv2(x, src, dst, Wl, bl, Wr, br, att, bias, num_nodes):
    # PyG GATv2Conv (heads=1, concat=True, negative_slope=0.2)
    xl = x @ Wl + bl  # applied to source nodes (x_j)
    xr = x @ Wr + br  # applied to target nodes (x_i)
    m = xl[src] + xr[dst]
    m = jnp.where(m > 0, m, 0.2 * m)  # leaky_relu
    alpha = (m * att).sum(axis=-1)
    amax = jax.ops.segment_max(alpha, dst, num_segments=num_nodes)
    amax = jnp.where(jnp.isfinite(amax), amax, 0.0)
    amax = jax.lax.stop_gradient(amax)
    ex = jnp.exp(alpha - amax[dst])
    denom = jax.ops.segment_sum(ex, dst, num_segments=num_nodes)
    a = ex / (denom[dst] + 1e-16)
    out = jax.ops.segment_sum(xl[src] * a[:, None], dst, num_segments=num_nodes)
    return out + bias


def layer_norm(x, g, b, eps=1e-5):
    mu = x.mean(axis=-1, keepdims=True)
    var = ((x - mu) ** 2).mean(axis=-1, keepdims=True)
    return (x - mu) / jnp.sqrt(var + eps) * g + b


def gelu(x):
    return 0.5 * x * (1.0 + jax.lax.erf(x / jnp.float32(np.sqrt(2.0))))


def setup_inputs(seed: int = 0):
    key = jax.random.key(seed)
    ks = jax.random.split(key, 16)
    s = 0.05
    inp = {}
    inp["x"] = jax.random.normal(ks[0], (N, 1), dtype=jnp.float32)
    inp["edge_index"] = jax.random.randint(ks[1], (2, E), 0, N, dtype=jnp.int32)
    # GATv2 layer 0 (in=1 -> dim)
    inp["Wl0"] = jax.random.normal(ks[2], (1, DIM), jnp.float32) * s
    inp["bl0"] = jnp.zeros((DIM,), jnp.float32)
    inp["Wr0"] = jax.random.normal(ks[3], (1, DIM), jnp.float32) * s
    inp["br0"] = jnp.zeros((DIM,), jnp.float32)
    inp["att0"] = jax.random.normal(ks[4], (DIM,), jnp.float32) * s
    inp["bias0"] = jnp.zeros((DIM,), jnp.float32)
    # GATv2 layer 1 (dim -> dim)
    inp["Wl1"] = jax.random.normal(ks[5], (DIM, DIM), jnp.float32) * s
    inp["bl1"] = jnp.zeros((DIM,), jnp.float32)
    inp["Wr1"] = jax.random.normal(ks[6], (DIM, DIM), jnp.float32) * s
    inp["br1"] = jnp.zeros((DIM,), jnp.float32)
    inp["att1"] = jax.random.normal(ks[7], (DIM,), jnp.float32) * s
    inp["bias1"] = jnp.zeros((DIM,), jnp.float32)
    # clf MLP
    inp["W1"] = jax.random.normal(ks[8], (DIM, DIM), jnp.float32) * s
    inp["b1"] = jnp.zeros((DIM,), jnp.float32)
    inp["g1"] = jnp.ones((DIM,), jnp.float32)
    inp["be1"] = jnp.zeros((DIM,), jnp.float32)
    inp["W2"] = jax.random.normal(ks[9], (DIM, DIM), jnp.float32) * s
    inp["b2"] = jnp.zeros((DIM,), jnp.float32)
    inp["g2"] = jnp.ones((DIM,), jnp.float32)
    inp["be2"] = jnp.zeros((DIM,), jnp.float32)
    inp["W3"] = jax.random.normal(ks[10], (DIM, 1), jnp.float32) * s
    inp["b3"] = jnp.zeros((1,), jnp.float32)
    return inp


def reference(x, edge_index, Wl0, bl0, Wr0, br0, att0, bias0, Wl1, bl1, Wr1, br1, att1, bias1, W1, b1, g1, be1, W2, b2, g2, be2, W3, b3):
    # add_self_loops=True
    loop = jnp.arange(N, dtype=edge_index.dtype)
    src = jnp.concatenate([edge_index[0], loop])
    dst = jnp.concatenate([edge_index[1], loop])
    h = gatv2(x, src, dst, Wl0, bl0, Wr0, br0, att0, bias0, N)
    h = gatv2(h, src, dst, Wl1, bl1, Wr1, br1, att1, bias1, N)
    h = gelu(layer_norm(h @ W1 + b1, g1, be1))
    h = gelu(layer_norm(h @ W2 + b2, g2, be2))
    out = jax.nn.sigmoid(h @ W3 + b3)
    return out

if __name__ == "__main__":
    import jax
    _d = setup_inputs()
    print(jax.jit(kernel)(*tuple(_d.values())))

</pallas_src>

<mosaic_0001>
#map = affine_map<(d0, d1) -> (0, 0)>
#map1 = affine_map<(d0, d1) -> (0)>
module attributes {stable_mosaic.version = 14 : i64} {
  func.func @_gat_edge_body(%arg0: i32, %arg1: i32, %arg2: memref<10000x256xf32, #tpu.memory_space<hbm>>, %arg3: memref<10000x256xf32, #tpu.memory_space<hbm>>, %arg4: memref<256xf32, #tpu.memory_space<hbm>>, %arg5: memref<170048xi32, #tpu.memory_space<hbm>>, %arg6: memref<170048xi32, #tpu.memory_space<hbm>>, %arg7: memref<170048xi32, #tpu.memory_space<hbm>>, %arg8: memref<48xi32, #tpu.memory_space<hbm>>, %arg9: memref<328x256xf32, #tpu.memory_space<hbm>>, %arg10: memref<10000x256xf32, #tpu.memory_space<hbm>>, %arg11: memref<10000xf32, #tpu.memory_space<hbm>>, %arg12: memref<256xf32, #tpu.memory_space<vmem>>, %arg13: memref<48xi32, #tpu.memory_space<vmem>>, %arg14: memref<64xi32, #tpu.memory_space<vmem>>, %arg15: memref<64xi32, #tpu.memory_space<vmem>>, %arg16: memref<80xi32, #tpu.memory_space<vmem>>, %arg17: memref<64x256xf32, #tpu.memory_space<vmem>>, %arg18: memref<64x256xf32, #tpu.memory_space<vmem>>, %arg19: memref<328x256xf32, #tpu.memory_space<vmem>>, %arg20: memref<352xf32, #tpu.memory_space<vmem>>, %arg21: memref<!tpu.dma_semaphore, #tpu.memory_space<semaphore_mem>>, %arg22: memref<!tpu.dma_semaphore, #tpu.memory_space<semaphore_mem>>) attributes {dimension_semantics = [#tpu.dimension_semantics<core_parallel>, #tpu.dimension_semantics<subcore_parallel>], iteration_bounds = array<i64: 2, 16>, scalar_prefetch = 0 : i64, scratch_operands = 11 : i64, tpu.core_type = #tpu.core_type<sc_vector_subcore>, window_params = [{transform_indices = #map}, {transform_indices = #map}, {transform_indices = #map1}, {transform_indices = #map1}, {transform_indices = #map1}, {transform_indices = #map1}, {transform_indices = #map1}, {transform_indices = #map}, {transform_indices = #map}, {transform_indices = #map1}]} {
    %mul3A = arith.constant 16 : i32
    %mul3A_0 = arith.muli %arg0, %mul3A : i32
    %add3A = arith.addi %mul3A_0, %arg1 : i32
    %mul3A_1 = arith.constant 320 : i32
    %mul3A_2 = arith.muli %add3A, %mul3A_1 : i32
    "tpu.region"() ({
      %run_scoped3A = tpu.sem_alloc : memref<!tpu.dma_semaphore, #tpu.memory_space<semaphore_mem>>
      tpu.enqueue_dma source(%arg4 : memref<256xf32, #tpu.memory_space<hbm>>) target(%arg12 : memref<256xf32, #tpu.memory_space<vmem>>) target_semaphore(%run_scoped3A : memref<!tpu.dma_semaphore, #tpu.memory_space<semaphore_mem>>)
      tpu.wait_dma2 semaphore(%run_scoped3A : memref<!tpu.dma_semaphore, #tpu.memory_space<semaphore_mem>>) src(%arg4 : memref<256xf32, #tpu.memory_space<hbm>>) dst(%arg12 : memref<256xf32, #tpu.memory_space<vmem>>)
      tpu.yield
    }) : () -> ()
    "tpu.region"() ({
      %run_scoped3A = tpu.sem_alloc : memref<!tpu.dma_semaphore, #tpu.memory_space<semaphore_mem>>
      tpu.enqueue_dma source(%arg8 : memref<48xi32, #tpu.memory_space<hbm>>) target(%arg13 : memref<48xi32, #tpu.memory_space<vmem>>) target_semaphore(%run_scoped3A : memref<!tpu.dma_semaphore, #tpu.memory_space<semaphore_mem>>)
      tpu.wait_dma2 semaphore(%run_scoped3A : memref<!tpu.dma_semaphore, #tpu.memory_space<semaphore_mem>>) src(%arg8 : memref<48xi32, #tpu.memory_space<hbm>>) dst(%arg13 : memref<48xi32, #tpu.memory_space<vmem>>)
      tpu.yield
    }) : () -> ()
    "tpu.region"() ({
      %run_scoped3A = tpu.sem_alloc : memref<!tpu.dma_semaphore, #tpu.memory_space<semaphore_mem>>
      tpu.enqueue_dma source(%arg9 : memref<328x256xf32, #tpu.memory_space<hbm>>) target(%arg19 : memref<328x256xf32, #tpu.memory_space<vmem>>) target_semaphore(%run_scoped3A : memref<!tpu.dma_semaphore, #tpu.memory_space<semaphore_mem>>)
      tpu.wait_dma2 semaphore(%run_scoped3A : memref<!tpu.dma_semaphore, #tpu.memory_space<semaphore_mem>>) src(%arg9 : memref<328x256xf32, #tpu.memory_space<hbm>>) dst(%arg19 : memref<328x256xf32, #tpu.memory_space<vmem>>)
      tpu.yield
    }) : () -> ()
    %broadcast_in_dim3A = arith.constant 0.000000e+00 : f32
    %broadcast_in_dim3A_3 = vector.broadcast %broadcast_in_dim3A : f32 to vector<16xf32>
    %swap3A = arith.constant 0 : index
    %swap3A_4 = tpu.vector_load %arg20[%swap3A] {strides = array<i32>} : memref<352xf32, #tpu.memory_space<vmem>>, vector<16xf32>,
    %swap3A_5 = vector.shape_cast %swap3A_4 : vector<16xf32> to vector<16xf32>
    %swap3A_6 = vector.shape_cast %broadcast_in_dim3A_3 : vector<16xf32> to vector<16xf32>
    tpu.vector_store %arg20[%swap3A], %swap3A_6 {strides = array<i32>} : memref<352xf32, #tpu.memory_space<vmem>>, vector<16xf32>,
    %broadcast_in_dim3A_7 = arith.constant 0.000000e+00 : f32
    %broadcast_in_dim3A_8 = vector.broadcast %broadcast_in_dim3A_7 : f32 to vector<16xf32>
    %swap3A_9 = arith.constant 16 : index
    %swap3A_10 = tpu.vector_load %arg20[%swap3A_9] {strides = array<i32>} : memref<352xf32, #tpu.memory_space<vmem>>, vector<16xf32>,
    %swap3A_11 = vector.shape_cast %swap3A_10 : vector<16xf32> to vector<16xf32>
    %swap3A_12 = vector.shape_cast %broadcast_in_dim3A_8 : vector<16xf32> to vector<16xf32>
    tpu.vector_store %arg20[%swap3A_9], %swap3A_12 {strides = array<i32>} : memref<352xf32, #tpu.memory_space<vmem>>, vector<16xf32>,
    %broadcast_in_dim3A_13 = arith.constant 0.000000e+00 : f32
    %broadcast_in_dim3A_14 = vector.broadcast %broadcast_in_dim3A_13 : f32 to vector<16xf32>
    %swap3A_15 = arith.constant 32 : index
    %swap3A_16 = tpu.vector_load %arg20[%swap3A_15] {strides = array<i32>} : memref<352xf32, #tpu.memory_space<vmem>>, vector<16xf32>,
    %swap3A_17 = vector.shape_cast %swap3A_16 : vector<16xf32> to vector<16xf32>
    %swap3A_18 = vector.shape_cast %broadcast_in_dim3A_14 : vector<16xf32> to vector<16xf32>
    tpu.vector_store %arg20[%swap3A_15], %swap3A_18 {strides = array<i32>} : memref<352xf32, #tpu.memory_space<vmem>>, vector<16xf32>,
    %broadcast_in_dim3A_19 = arith.constant 0.000000e+00 : f32
    %broadcast_in_dim3A_20 = vector.broadcast %broadcast_in_dim3A_19 : f32 to vector<16xf32>
    %swap3A_21 = arith.constant 48 : index
    %swap3A_22 = tpu.vector_load %arg20[%swap3A_21] {strides = array<i32>} : memref<352xf32, #tpu.memory_space<vmem>>, vector<16xf32>,
    %swap3A_23 = vector.shape_cast %swap3A_22 : vector<16xf32> to vector<16xf32>
    %swap3A_24 = vector.shape_cast %broadcast_in_dim3A_20 : vector<16xf32> to vector<16xf32>
    tpu.vector_store %arg20[%swap3A_21], %swap3A_24 {strides = array<i32>} : memref<352xf32, #tpu.memory_space<vmem>>, vector<16xf32>,
    %broadcast_in_dim3A_25 = arith.constant 0.000000e+00 : f32
    %broadcast_in_dim3A_26 = vector.broadcast %broadcast_in_dim3A_25 : f32 to vector<16xf32>
    %swap3A_27 = arith.constant 64 : index
    %swap3A_28 = tpu.vector_load %arg20[%swap3A_27] {strides = array<i32>} : memref<352xf32, #tpu.memory_space<vmem>>, vector<16xf32>,
    %swap3A_29 = vector.shape_cast %swap3A_28 : vector<16xf32> to vector<16xf32>
    %swap3A_30 = vector.shape_cast %broadcast_in_dim3A_26 : vector<16xf32> to vector<16xf32>
    tpu.vector_store %arg20[%swap3A_27], %swap3A_30 {strides = array<i32>} : memref<352xf32, #tpu.memory_space<vmem>>, vector<16xf32>,
    %broadcast_in_dim3A_31 = arith.constant 0.000000e+00 : f32
    %broadcast_in_dim3A_32 = vector.broadcast %broadcast_in_dim3A_31 : f32 to vector<16xf32>
    %swap3A_33 = arith.constant 80 : index
    %swap3A_34 = tpu.vector_load %arg20[%swap3A_33] {strides = array<i32>} : memref<352xf32, #tpu.memory_space<vmem>>, vector<16xf32>,
    %swap3A_35 = vector.shape_cast %swap3A_34 : vector<16xf32> to vector<16xf32>
    %swap3A_36 = vector.shape_cast %broadcast_in_dim3A_32 : vector<16xf32> to vector<16xf32>
    tpu.vector_store %arg20[%swap3A_33], %swap3A_36 {strides = array<i32>} : memref<352xf32, #tpu.memory_space<vmem>>, vector<16xf32>,
    %broadcast_in_dim3A_37 = arith.constant 0.000000e+00 : f32
    %broadcast_in_dim3A_38 = vector.broadcast %broadcast_in_dim3A_37 : f32 to vector<16xf32>
    %swap3A_39 = arith.constant 96 : index
    %swap3A_40 = tpu.vector_load %arg20[%swap3A_39] {strides = array<i32>} : memref<352xf32, #tpu.memory_space<vmem>>, vector<16xf32>,
    %swap3A_41 = vector.shape_cast %swap3A_40 : vector<16xf32> to vector<16xf32>
    %swap3A_42 = vector.shape_cast %broadcast_in_dim3A_38 : vector<16xf32> to vector<16xf32>
    tpu.vector_store %arg20[%swap3A_39], %swap3A_42 {strides = array<i32>} : memref<352xf32, #tpu.memory_space<vmem>>, vector<16xf32>,
    %broadcast_in_dim3A_43 = arith.constant 0.000000e+00 : f32
    %broadcast_in_dim3A_44 = vector.broadcast %broadcast_in_dim3A_43 : f32 to vector<16xf32>
    %swap3A_45 = arith.constant 112 : index
    %swap3A_46 = tpu.vector_load %arg20[%swap3A_45] {strides = array<i32>} : memref<352xf32, #tpu.memory_space<vmem>>, vector<16xf32>,
    %swap3A_47 = vector.shape_cast %swap3A_46 : vector<16xf32> to vector<16xf32>
    %swap3A_48 = vector.shape_cast %broadcast_in_dim3A_44 : vector<16xf32> to vector<16xf32>
    tpu.vector_store %arg20[%swap3A_45], %swap3A_48 {strides = array<i32>} : memref<352xf32, #tpu.memory_space<vmem>>, vector<16xf32>,
    %broadcast_in_dim3A_49 = arith.constant 0.000000e+00 : f32
    %broadcast_in_dim3A_50 = vector.broadcast %broadcast_in_dim3A_49 : f32 to vector<16xf32>
    %swap3A_51 = arith.constant 128 : index
    %swap3A_52 = tpu.vector_load %arg20[%swap3A_51] {strides = array<i32>} : memref<352xf32, #tpu.memory_space<vmem>>, vector<16xf32>,
    %swap3A_53 = vector.shape_cast %swap3A_52 : vector<16xf32> to vector<16xf32>
    %swap3A_54 = vector.shape_cast %broadcast_in_dim3A_50 : vector<16xf32> to vector<16xf32>
    tpu.vector_store %arg20[%swap3A_51], %swap3A_54 {strides = array<i32>} : memref<352xf32, #tpu.memory_space<vmem>>, vector<16xf32>,
    %broadcast_in_dim3A_55 = arith.constant 0.000000e+00 : f32
    %broadcast_in_dim3A_56 = vector.broadcast %broadcast_in_dim3A_55 : f32 to vector<16xf32>
    %swap3A_57 = arith.constant 144 : index
    %swap3A_58 = tpu.vector_load %arg20[%swap3A_57] {strides = array<i32>} : memref<352xf32, #tpu.memory_space<vmem>>, vector<16xf32>,
    %swap3A_59 = vector.shape_cast %swap3A_58 : vector<16xf32> to vector<16xf32>
    %swap3A_60 = vector.shape_cast %broadcast_in_dim3A_56 : vector<16xf32> to vector<16xf32>
    tpu.vector_store %arg20[%swap3A_57], %swap3A_60 {strides = array<i32>} : memref<352xf32, #tpu.memory_space<vmem>>, vector<16xf32>,
    %broadcast_in_dim3A_61 = arith.constant 0.000000e+00 : f32
    %broadcast_in_dim3A_62 = vector.broadcast %broadcast_in_dim3A_61 : f32 to vector<16xf32>
    %swap3A_63 = arith.constant 160 : index
    %swap3A_64 = tpu.vector_load %arg20[%swap3A_63] {strides = array<i32>} : memref<352xf32, #tpu.memory_space<vmem>>, vector<16xf32>,
    %swap3A_65 = vector.shape_cast %swap3A_64 : vector<16xf32> to vector<16xf32>
    %swap3A_66 = vector.shape_cast %broadcast_in_dim3A_62 : vector<16xf32> to vector<16xf32>
    tpu.vector_store %arg20[%swap3A_63], %swap3A_66 {strides = array<i32>} : memref<352xf32, #tpu.memory_space<vmem>>, vector<16xf32>,
    %broadcast_in_dim3A_67 = arith.constant 0.000000e+00 : f32
    %broadcast_in_dim3A_68 = vector.broadcast %broadcast_in_dim3A_67 : f32 to vector<16xf32>
    %swap3A_69 = arith.constant 176 : index
    %swap3A_70 = tpu.vector_load %arg20[%swap3A_69] {strides = array<i32>} : memref<352xf32, #tpu.memory_space<vmem>>, vector<16xf32>,
    %swap3A_71 = vector.shape_cast %swap3A_70 : vector<16xf32> to vector<16xf32>
    %swap3A_72 = vector.shape_cast %broadcast_in_dim3A_68 : vector<16xf32> to vector<16xf32>
    tpu.vector_store %arg20[%swap3A_69], %swap3A_72 {strides = array<i32>} : memref<352xf32, #tpu.memory_space<vmem>>, vector<16xf32>,
    %broadcast_in_dim3A_73 = arith.constant 0.000000e+00 : f32
    %broadcast_in_dim3A_74 = vector.broadcast %broadcast_in_dim3A_73 : f32 to vector<16xf32>
    %swap3A_75 = arith.constant 192 : index
    %swap3A_76 = tpu.vector_load %arg20[%swap3A_75] {strides = array<i32>} : memref<352xf32, #tpu.memory_space<vmem>>, vector<16xf32>,
    %swap3A_77 = vector.shape_cast %swap3A_76 : vector<16xf32> to vector<16xf32>
    %swap3A_78 = vector.shape_cast %broadcast_in_dim3A_74 : vector<16xf32> to vector<16xf32>
    tpu.vector_store %arg20[%swap3A_75], %swap3A_78 {strides = array<i32>} : memref<352xf32, #tpu.memory_space<vmem>>, vector<16xf32>,
    %broadcast_in_dim3A_79 = arith.constant 0.000000e+00 : f32
    %broadcast_in_dim3A_80 = vector.broadcast %broadcast_in_dim3A_79 : f32 to vector<16xf32>
    %swap3A_81 = arith.constant 208 : index
    %swap3A_82 = tpu.vector_load %arg20[%swap3A_81] {strides = array<i32>} : memref<352xf32, #tpu.memory_space<vmem>>, vector<16xf32>,
    %swap3A_83 = vector.shape_cast %swap3A_82 : vector<16xf32> to vector<16xf32>
    %swap3A_84 = vector.shape_cast %broadcast_in_dim3A_80 : vector<16xf32> to vector<16xf32>
    tpu.vector_store %arg20[%swap3A_81], %swap3A_84 {strides = array<i32>} : memref<352xf32, #tpu.memory_space<vmem>>, vector<16xf32>,
    %broadcast_in_dim3A_85 = arith.constant 0.000000e+00 : f32
    %broadcast_in_dim3A_86 = vector.broadcast %broadcast_in_dim3A_85 : f32 to vector<16xf32>
    %swap3A_87 = arith.constant 224 : index
    %swap3A_88 = tpu.vector_load %arg20[%swap3A_87] {strides = array<i32>} : memref<352xf32, #tpu.memory_space<vmem>>, vector<16xf32>,
    %swap3A_89 = vector.shape_cast %swap3A_88 : vector<16xf32> to vector<16xf32>
    %swap3A_90 = vector.shape_cast %broadcast_in_dim3A_86 : vector<16xf32> to vector<16xf32>
    tpu.vector_store %arg20[%swap3A_87], %swap3A_90 {strides = array<i32>} : memref<352xf32, #tpu.memory_space<vmem>>, vector<16xf32>,
    %broadcast_in_dim3A_91 = arith.constant 0.000000e+00 : f32
    %broadcast_in_dim3A_92 = vector.broadcast %broadcast_in_dim3A_91 : f32 to vector<16xf32>
    %swap3A_93 = arith.constant 240 : index
    %swap3A_94 = tpu.vector_load %arg20[%swap3A_93] {strides = array<i32>} : memref<352xf32, #tpu.memory_space<vmem>>, vector<16xf32>,
    %swap3A_95 = vector.shape_cast %swap3A_94 : vector<16xf32> to vector<16xf32>
    %swap3A_96 = vector.shape_cast %broadcast_in_dim3A_92 : vector<16xf32> to vector<16xf32>
    tpu.vector_store %arg20[%swap3A_93], %swap3A_96 {strides = array<i32>} : memref<352xf32, #tpu.memory_space<vmem>>, vector<16xf32>,
    %broadcast_in_dim3A_97 = arith.constant 0.000000e+00 : f32
    %broadcast_in_dim3A_98 = vector.broadcast %broadcast_in_dim3A_97 : f32 to vector<16xf32>
    %swap3A_99 = arith.constant 256 : index
    %swap3A_100 = tpu.vector_load %arg20[%swap3A_99] {strides = array<i32>} : memref<352xf32, #tpu.memory_space<vmem>>, vector<16xf32>,
    %swap3A_101 = vector.shape_cast %swap3A_100 : vector<16xf32> to vector<16xf32>
    %swap3A_102 = vector.shape_cast %broadcast_in_dim3A_98 : vector<16xf32> to vector<16xf32>
    tpu.vector_store %arg20[%swap3A_99], %swap3A_102 {strides = array<i32>} : memref<352xf32, #tpu.memory_space<vmem>>, vector<16xf32>,
    %broadcast_in_dim3A_103 = arith.constant 0.000000e+00 : f32
    %broadcast_in_dim3A_104 = vector.broadcast %broadcast_in_dim3A_103 : f32 to vector<16xf32>
    %swap3A_105 = arith.constant 272 : index
    %swap3A_106 = tpu.vector_load %arg20[%swap3A_105] {strides = array<i32>} : memref<352xf32, #tpu.memory_space<vmem>>, vector<16xf32>,
    %swap3A_107 = vector.shape_cast %swap3A_106 : vector<16xf32> to vector<16xf32>
    %swap3A_108 = vector.shape_cast %broadcast_in_dim3A_104 : vector<16xf32> to vector<16xf32>
    tpu.vector_store %arg20[%swap3A_105], %swap3A_108 {strides = array<i32>} : memref<352xf32, #tpu.memory_space<vmem>>, vector<16xf32>,
    %broadcast_in_dim3A_109 = arith.constant 0.000000e+00 : f32
    %broadcast_in_dim3A_110 = vector.broadcast %broadcast_in_dim3A_109 : f32 to vector<16xf32>
    %swap3A_111 = arith.constant 288 : index
    %swap3A_112 = tpu.vector_load %arg20[%swap3A_111] {strides = array<i32>} : memref<352xf32, #tpu.memory_space<vmem>>, vector<16xf32>,
    %swap3A_113 = vector.shape_cast %swap3A_112 : vector<16xf32> to vector<16xf32>
    %swap3A_114 = vector.shape_cast %broadcast_in_dim3A_110 : vector<16xf32> to vector<16xf32>
    tpu.vector_store %arg20[%swap3A_111], %swap3A_114 {strides = array<i32>} : memref<352xf32, #tpu.memory_space<vmem>>, vector<16xf32>,
    %broadcast_in_dim3A_115 = arith.constant 0.000000e+00 : f32
    %broadcast_in_dim3A_116 = vector.broadcast %broadcast_in_dim3A_115 : f32 to vector<16xf32>
    %swap3A_117 = arith.constant 304 : index
    %swap3A_118 = tpu.vector_load %arg20[%swap3A_117] {strides = array<i32>} : memref<352xf32, #tpu.memory_space<vmem>>, vector<16xf32>,
    %swap3A_119 = vector.shape_cast %swap3A_118 : vector<16xf32> to vector<16xf32>
    %swap3A_120 = vector.shape_cast %broadcast_in_dim3A_116 : vector<16xf32> to vector<16xf32>
    tpu.vector_store %arg20[%swap3A_117], %swap3A_120 {strides = array<i32>} : memref<352xf32, #tpu.memory_space<vmem>>, vector<16xf32>,
    %broadcast_in_dim3A_121 = arith.constant 0.000000e+00 : f32
    %broadcast_in_dim3A_122 = vector.broadcast %broadcast_in_dim3A_121 : f32 to vector<16xf32>
    %swap3A_123 = arith.constant 320 : index
    %swap3A_124 = tpu.vector_load %arg20[%swap3A_123] {strides = array<i32>} : memref<352xf32, #tpu.memory_space<vmem>>, vector<16xf32>,
    %swap3A_125 = vector.shape_cast %swap3A_124 : vector<16xf32> to vector<16xf32>
    %swap3A_126 = vector.shape_cast %broadcast_in_dim3A_122 : vector<16xf32> to vector<16xf32>
    tpu.vector_store %arg20[%swap3A_123], %swap3A_126 {strides = array<i32>} : memref<352xf32, #tpu.memory_space<vmem>>, vector<16xf32>,
    %broadcast_in_dim3A_127 = arith.constant 0.000000e+00 : f32
    %broadcast_in_dim3A_128 = vector.broadcast %broadcast_in_dim3A_127 : f32 to vector<16xf32>
    %swap3A_129 = arith.constant 336 : index
    %swap3A_130 = tpu.vector_load %arg20[%swap3A_129] {strides = array<i32>} : memref<352xf32, #tpu.memory_space<vmem>>, vector<16xf32>,
    %swap3A_131 = vector.shape_cast %swap3A_130 : vector<16xf32> to vector<16xf32>
    %swap3A_132 = vector.shape_cast %broadcast_in_dim3A_128 : vector<16xf32> to vector<16xf32>
    tpu.vector_store %arg20[%swap3A_129], %swap3A_132 {strides = array<i32>} : memref<352xf32, #tpu.memory_space<vmem>>, vector<16xf32>,
    %get3A = arith.index_cast %add3A : i32 to index
    %get3A_133 = tpu.vector_load %arg13[%get3A] {strides = array<i32>} : memref<48xi32, #tpu.memory_space<vmem>>, vector<16xi32>,
    %get3A_134 = vector.shape_cast %get3A_133 : vector<16xi32> to vector<16xi32>
    %slice3A = vector.extract_strided_slice %get3A_134 {offsets = [0], sizes = [1], strides = [1]} : vector<16xi32> to vector<1xi32>
    %squeeze3A = vector.extract %slice3A[0] : i32 from vector<1xi32>
    %slice3A_135 = vector.extract_strided_slice %get3A_134 {offsets = [1], sizes = [1], strides = [1]} : vector<16xi32> to vector<1xi32>
    %squeeze3A_136 = vector.extract %slice3A_135[0] : i32 from vector<1xi32>
    %jit3A = arith.constant 64 : i32
    %div3A = arith.divsi %squeeze3A, %jit3A : i32
    %sign3A = arith.constant 0 : i32
    %sign3A_137 = arith.cmpi sgt, %squeeze3A, %sign3A : i32
    %sign3A_138 = arith.extui %sign3A_137 : i1 to i32
    %sign3A_139 = arith.constant 0 : i32
    %sign3A_140 = arith.cmpi slt, %squeeze3A, %sign3A_139 : i32
    %sign3A_141 = arith.extui %sign3A_140 : i1 to i32
    %sign3A_142 = arith.subi %sign3A_138, %sign3A_141 : i32
    %sign3A_143 = arith.constant 0 : i32
    %sign3A_144 = arith.cmpi sgt, %jit3A, %sign3A_143 : i32
    %sign3A_145 = arith.extui %sign3A_144 : i1 to i32
    %sign3A_146 = arith.constant 0 : i32
    %sign3A_147 = arith.cmpi slt, %jit3A, %sign3A_146 : i32
    %sign3A_148 = arith.extui %sign3A_147 : i1 to i32
    %sign3A_149 = arith.subi %sign3A_145, %sign3A_148 : i32
    %ne3A = arith.cmpi ne, %sign3A_142, %sign3A_149 : i32
    %rem3A = arith.remsi %squeeze3A, %jit3A : i32
    %ne3A_150 = arith.constant 0 : i32
    %ne3A_151 = arith.cmpi ne, %rem3A, %ne3A_150 : i32
    %and3A = arith.andi %ne3A, %ne3A_151 : i1
    %sub3A = arith.constant 1 : i32
    %sub3A_152 = arith.subi %div3A, %sub3A : i32
    %select_n3A = arith.select %and3A, %sub3A_152, %div3A : i32
    %mul3A_153 = arith.constant 64 : i32
    %mul3A_154 = arith.muli %select_n3A, %mul3A_153 : i32
    %multiple_of3A = tpu.assume_multiple %mul3A_154, 64 : i32
    %sub3A_155 = arith.subi %squeeze3A_136, %multiple_of3A : i32
    %add3A_156 = arith.constant 64 : i32
    %add3A_157 = arith.addi %sub3A_155, %add3A_156 : i32
    %sub3A_158 = arith.constant 1 : i32
    %sub3A_159 = arith.subi %add3A_157, %sub3A_158 : i32
    %jit3A_160 = arith.constant 64 : i32
    %div3A_161 = arith.divsi %sub3A_159, %jit3A_160 : i32
    %sign3A_162 = arith.constant 0 : i32
    %sign3A_163 = arith.cmpi sgt, %sub3A_159, %sign3A_162 : i32
    %sign3A_164 = arith.extui %sign3A_163 : i1 to i32
    %sign3A_165 = arith.constant 0 : i32
    %sign3A_166 = arith.cmpi slt, %sub3A_159, %sign3A_165 : i32
    %sign3A_167 = arith.extui %sign3A_166 : i1 to i32
    %sign3A_168 = arith.subi %sign3A_164, %sign3A_167 : i32
    %sign3A_169 = arith.constant 0 : i32
    %sign3A_170 = arith.cmpi sgt, %jit3A_160, %sign3A_169 : i32
    %sign3A_171 = arith.extui %sign3A_170 : i1 to i32
    %sign3A_172 = arith.constant 0 : i32
    %sign3A_173 = arith.cmpi slt, %jit3A_160, %sign3A_172 : i32
    %sign3A_174 = arith.extui %sign3A_173 : i1 to i32
    %sign3A_175 = arith.subi %sign3A_171, %sign3A_174 : i32
    %ne3A_176 = arith.cmpi ne, %sign3A_168, %sign3A_175 : i32
    %rem3A_177 = arith.remsi %sub3A_159, %jit3A_160 : i32
    %ne3A_178 = arith.constant 0 : i32
    %ne3A_179 = arith.cmpi ne, %rem3A_177, %ne3A_178 : i32
    %and3A_180 = arith.andi %ne3A_176, %ne3A_179 : i1
    %sub3A_181 = arith.constant 1 : i32
    %sub3A_182 = arith.subi %div3A_161, %sub3A_181 : i32
    %select_n3A_183 = arith.select %and3A_180, %sub3A_182, %div3A_161 : i32
    %iota3A = tpu.iota {dimensions = array<i32: 0>} : vector<16xi32>
    %eq3A = arith.constant 0 : i32
    %eq3A_184 = vector.broadcast %eq3A : i32 to vector<16xi32>
    %eq3A_185 = arith.cmpi eq, %iota3A, %eq3A_184 : vector<16xi32>
    %iota3A_186 = tpu.iota {dimensions = array<i32: 0>} : vector<16xi32>
    %while3A = arith.constant 0 : i32
    %while3A_187 = arith.constant 0 : i32
    %while3A_188 = arith.subi %select_n3A_183, %while3A_187 : i32
    %while3A_189 = arith.addi %while3A_187, %while3A_188 : i32
    %while3A_190 = arith.constant 1 : i32
    %while3A_191 = arith.divsi %while3A_188, %while3A_190 : i32
    %while3A_192 = arith.muli %while3A_191, %while3A_190 : i32
    %while3A_193 = arith.addi %while3A_187, %while3A_192 : i32
    %while3A_194 = arith.constant 1 : i32
    scf.for %while3A_203 = %while3A_187 to %while3A_193 step %while3A_194  : i32 {
      %mul3A_204 = arith.constant 64 : i32
      %mul3A_205 = arith.muli %while3A_203, %mul3A_204 : i32
      %add3A_206 = arith.addi %multiple_of3A, %mul3A_205 : i32
      %multiple_of3A_207 = tpu.assume_multiple %add3A_206, 64 : i32
      "tpu.region"() ({
        %run_scoped3A = tpu.sem_alloc : memref<!tpu.dma_semaphore, #tpu.memory_space<semaphore_mem>>
        %dma_start3A_223 = tpu.memref_slice %arg5[%multiple_of3A_207] : memref<170048xi32, #tpu.memory_space<hbm>> -> memref<64xi32, #tpu.memory_space<hbm>>
        %dma_start3A_224 = tpu.memref_slice %arg5[%multiple_of3A_207] : memref<170048xi32, #tpu.memory_space<hbm>> -> memref<64xi32, #tpu.memory_space<hbm>>
        tpu.enqueue_dma source(%dma_start3A_224 : memref<64xi32, #tpu.memory_space<hbm>>) target(%arg14 : memref<64xi32, #tpu.memory_space<vmem>>) target_semaphore(%run_scoped3A : memref<!tpu.dma_semaphore, #tpu.memory_space<semaphore_mem>>)
        %dma_wait3A_225 = tpu.memref_slice %arg5[%multiple_of3A_207] : memref<170048xi32, #tpu.memory_space<hbm>> -> memref<64xi32, #tpu.memory_space<hbm>>
        %dma_wait3A_226 = tpu.memref_slice %arg5[%multiple_of3A_207] : memref<170048xi32, #tpu.memory_space<hbm>> -> memref<64xi32, #tpu.memory_space<hbm>>
        tpu.wait_dma2 semaphore(%run_scoped3A : memref<!tpu.dma_semaphore, #tpu.memory_space<semaphore_mem>>) src(%dma_wait3A_226 : memref<64xi32, #tpu.memory_space<hbm>>) dst(%arg14 : memref<64xi32, #tpu.memory_space<vmem>>)
        tpu.yield
      }) : () -> ()
      "tpu.region"() ({
        %run_scoped3A = tpu.sem_alloc : memref<!tpu.dma_semaphore, #tpu.memory_space<semaphore_mem>>
        %dma_start3A_223 = tpu.memref_slice %arg6[%multiple_of3A_207] : memref<170048xi32, #tpu.memory_space<hbm>> -> memref<64xi32, #tpu.memory_space<hbm>>
        %dma_start3A_224 = tpu.memref_slice %arg6[%multiple_of3A_207] : memref<170048xi32, #tpu.memory_space<hbm>> -> memref<64xi32, #tpu.memory_space<hbm>>
        tpu.enqueue_dma source(%dma_start3A_224 : memref<64xi32, #tpu.memory_space<hbm>>) target(%arg15 : memref<64xi32, #tpu.memory_space<vmem>>) target_semaphore(%run_scoped3A : memref<!tpu.dma_semaphore, #tpu.memory_space<semaphore_mem>>)
        %dma_wait3A_225 = tpu.memref_slice %arg6[%multiple_of3A_207] : memref<170048xi32, #tpu.memory_space<hbm>> -> memref<64xi32, #tpu.memory_space<hbm>>
        %dma_wait3A_226 = tpu.memref_slice %arg6[%multiple_of3A_207] : memref<170048xi32, #tpu.memory_space<hbm>> -> memref<64xi32, #tpu.memory_space<hbm>>
        tpu.wait_dma2 semaphore(%run_scoped3A : memref<!tpu.dma_semaphore, #tpu.memory_space<semaphore_mem>>) src(%dma_wait3A_226 : memref<64xi32, #tpu.memory_space<hbm>>) dst(%arg15 : memref<64xi32, #tpu.memory_space<vmem>>)
        tpu.yield
      }) : () -> ()
      "tpu.region"() ({
        %run_scoped3A = tpu.sem_alloc : memref<!tpu.dma_semaphore, #tpu.memory_space<semaphore_mem>>
        %dma_start3A_223 = arith.constant 0 : i32
        %dma_start3A_224 = tpu.memref_slice %arg16[%dma_start3A_223] : memref<80xi32, #tpu.memory_space<vmem>> -> memref<64xi32, #tpu.memory_space<vmem>>
        %dma_start3A_225 = tpu.memref_slice %arg7[%multiple_of3A_207] : memref<170048xi32, #tpu.memory_space<hbm>> -> memref<64xi32, #tpu.memory_space<hbm>>
        %dma_start3A_226 = arith.constant 0 : i32
        %dma_start3A_227 = tpu.memref_slice %arg16[%dma_start3A_226] : memref<80xi32, #tpu.memory_space<vmem>> -> memref<64xi32, #tpu.memory_space<vmem>>
        %dma_start3A_228 = tpu.memref_slice %arg7[%multiple_of3A_207] : memref<170048xi32, #tpu.memory_space<hbm>> -> memref<64xi32, #tpu.memory_space<hbm>>
        tpu.enqueue_dma source(%dma_start3A_228 : memref<64xi32, #tpu.memory_space<hbm>>) target(%dma_start3A_227 : memref<64xi32, #tpu.memory_space<vmem>>) target_semaphore(%run_scoped3A : memref<!tpu.dma_semaphore, #tpu.memory_space<semaphore_mem>>)
        %dma_wait3A_229 = arith.constant 0 : i32
        %dma_wait3A_230 = tpu.memref_slice %arg16[%dma_wait3A_229] : memref<80xi32, #tpu.memory_space<vmem>> -> memref<64xi32, #tpu.memory_space<vmem>>
        %dma_wait3A_231 = tpu.memref_slice %arg7[%multiple_of3A_207] : memref<170048xi32, #tpu.memory_space<hbm>> -> memref<64xi32, #tpu.memory_space<hbm>>
        %dma_wait3A_232 = arith.constant 0 : i32
        %dma_wait3A_233 = tpu.memref_slice %arg16[%dma_wait3A_232] : memref<80xi32, #tpu.memory_space<vmem>> -> memref<64xi32, #tpu.memory_space<vmem>>
        %dma_wait3A_234 = tpu.memref_slice %arg7[%multiple_of3A_207] : memref<170048xi32, #tpu.memory_space<hbm>> -> memref<64xi32, #tpu.memory_space<hbm>>
        tpu.wait_dma2 semaphore(%run_scoped3A : memref<!tpu.dma_semaphore, #tpu.memory_space<semaphore_mem>>) src(%dma_wait3A_234 : memref<64xi32, #tpu.memory_space<hbm>>) dst(%dma_wait3A_233 : memref<64xi32, #tpu.memory_space<vmem>>)
        tpu.yield
      }) : () -> ()
      %dma_start3A = arith.constant 0 : i32
      %dma_start3A_208 = arith.constant 0 : i32
      %dma_start3A_209 = tpu.memref_slice %arg2[%dma_start3A, %dma_start3A_208] : memref<10000x256xf32, #tpu.memory_space<hbm>> -> memref<10000x256xf32, #tpu.memory_space<hbm>>
      tpu.enqueue_indirect_dma source(%dma_start3A_209 : memref<10000x256xf32, #tpu.memory_space<hbm>>) target(%arg17 : memref<64x256xf32, #tpu.memory_space<vmem>>) offsets(%arg14 : memref<64xi32, #tpu.memory_space<vmem>>) semaphore(%arg21 : memref<!tpu.dma_semaphore, #tpu.memory_space<semaphore_mem>>)
      %dma_start3A_210 = arith.constant 0 : i32
      %dma_start3A_211 = arith.constant 0 : i32
      %dma_start3A_212 = tpu.memref_slice %arg3[%dma_start3A_210, %dma_start3A_211] : memref<10000x256xf32, #tpu.memory_space<hbm>> -> memref<10000x256xf32, #tpu.memory_space<hbm>>
      tpu.enqueue_indirect_dma source(%dma_start3A_212 : memref<10000x256xf32, #tpu.memory_space<hbm>>) target(%arg18 : memref<64x256xf32, #tpu.memory_space<vmem>>) offsets(%arg15 : memref<64xi32, #tpu.memory_space<vmem>>) semaphore(%arg22 : memref<!tpu.dma_semaphore, #tpu.memory_space<semaphore_mem>>)
      %dma_wait3A = arith.constant 0 : i32
      %dma_wait3A_213 = arith.constant 0 : i32
      %dma_wait3A_214 = tpu.memref_slice %arg2[%dma_wait3A, %dma_wait3A_213] : memref<10000x256xf32, #tpu.memory_space<hbm>> -> memref<10000x256xf32, #tpu.memory_space<hbm>>
      tpu.wait_indirect_dma semaphore(%arg21 : memref<!tpu.dma_semaphore, #tpu.memory_space<semaphore_mem>>) src(%dma_wait3A_214 : memref<10000x256xf32, #tpu.memory_space<hbm>>) dst(%arg17 : memref<64x256xf32, #tpu.memory_space<vmem>>)
      %dma_wait3A_215 = arith.constant 0 : i32
      %dma_wait3A_216 = arith.constant 0 : i32
      %dma_wait3A_217 = tpu.memref_slice %arg3[%dma_wait3A_215, %dma_wait3A_216] : memref<10000x256xf32, #tpu.memory_space<hbm>> -> memref<10000x256xf32, #tpu.memory_space<hbm>>
      tpu.wait_indirect_dma semaphore(%arg22 : memref<!tpu.dma_semaphore, #tpu.memory_space<semaphore_mem>>) src(%dma_wait3A_217 : memref<10000x256xf32, #tpu.memory_space<hbm>>) dst(%arg18 : memref<64x256xf32, #tpu.memory_space<vmem>>)
      %scan3A = arith.constant 0 : i32
      %scan3A_218 = arith.constant 0 : i32
      %scan3A_219 = arith.constant 64 : i32
      %scan3A_220 = arith.addi %scan3A_218, %scan3A_219 : i32
      %scan3A_221 = arith.constant 1 : i32
      scf.for %scan3A_223 = %scan3A_218 to %scan3A_220 step %scan3A_221  : i32 {
        %broadcast_in_dim3A_224 = arith.constant 0.000000e+00 : f32
        %broadcast_in_dim3A_225 = vector.broadcast %broadcast_in_dim3A_224 : f32 to vector<16xf32>
        %get3A_226 = arith.index_cast %scan3A_223 : i32 to index
        %get3A_227 = arith.constant 0 : index
        %get3A_228 = tpu.vector_load %arg17[%get3A_226, %get3A_227] {strides = array<i32>} : memref<64x256xf32, #tpu.memory_space<vmem>>, vector<1x16xf32>,
        %get3A_229 = vector.shape_cast %get3A_228 : vector<1x16xf32> to vector<16xf32>
        %get3A_230 = arith.index_cast %scan3A_223 : i32 to index
        %get3A_231 = arith.constant 0 : index
        %get3A_232 = tpu.vector_load %arg18[%get3A_230, %get3A_231] {strides = array<i32>} : memref<64x256xf32, #tpu.memory_space<vmem>>, vector<1x16xf32>,
        %get3A_233 = vector.shape_cast %get3A_232 : vector<1x16xf32> to vector<16xf32>
        %add3A_234 = arith.addf %get3A_229, %get3A_233 : vector<16xf32>
        %mul3A_235 = arith.constant 2.000000e-01 : f32
        %mul3A_236 = vector.broadcast %mul3A_235 : f32 to vector<16xf32>
        %mul3A_237 = arith.mulf %mul3A_236, %add3A_234 : vector<16xf32>
        %max3A = arith.maximumf %add3A_234, %mul3A_237 : vector<16xf32>
        %get3A_238 = arith.constant 0 : index
        %get3A_239 = tpu.vector_load %arg12[%get3A_238] {strides = array<i32>} : memref<256xf32, #tpu.memory_space<vmem>>, vector<16xf32>,
        %get3A_240 = vector.shape_cast %get3A_239 : vector<16xf32> to vector<16xf32>
        %mul3A_241 = arith.mulf %max3A, %get3A_240 : vector<16xf32>
        %add3A_242 = arith.addf %broadcast_in_dim3A_225, %mul3A_241 : vector<16xf32>
        %get3A_243 = arith.index_cast %scan3A_223 : i32 to index
        %get3A_244 = arith.constant 16 : index
        %get3A_245 = tpu.vector_load %arg17[%get3A_243, %get3A_244] {strides = array<i32>} : memref<64x256xf32, #tpu.memory_space<vmem>>, vector<1x16xf32>,
        %get3A_246 = vector.shape_cast %get3A_245 : vector<1x16xf32> to vector<16xf32>
        %get3A_247 = arith.index_cast %scan3A_223 : i32 to index
        %get3A_248 = arith.constant 16 : index
        %get3A_249 = tpu.vector_load %arg18[%get3A_247, %get3A_248] {strides = array<i32>} : memref<64x256xf32, #tpu.memory_space<vmem>>, vector<1x16xf32>,
        %get3A_250 = vector.shape_cast %get3A_249 : vector<1x16xf32> to vector<16xf32>
        %add3A_251 = arith.addf %get3A_246, %get3A_250 : vector<16xf32>
        %mul3A_252 = arith.constant 2.000000e-01 : f32
        %mul3A_253 = vector.broadcast %mul3A_252 : f32 to vector<16xf32>
        %mul3A_254 = arith.mulf %mul3A_253, %add3A_251 : vector<16xf32>
        %max3A_255 = arith.maximumf %add3A_251, %mul3A_254 : vector<16xf32>
        %get3A_256 = arith.constant 16 : index
        %get3A_257 = tpu.vector_load %arg12[%get3A_256] {strides = array<i32>} : memref<256xf32, #tpu.memory_space<vmem>>, vector<16xf32>,
        %get3A_258 = vector.shape_cast %get3A_257 : vector<16xf32> to vector<16xf32>
        %mul3A_259 = arith.mulf %max3A_255, %get3A_258 : vector<16xf32>
        %add3A_260 = arith.addf %add3A_242, %mul3A_259 : vector<16xf32>
        %get3A_261 = arith.index_cast %scan3A_223 : i32 to index
        %get3A_262 = arith.constant 32 : index
        %get3A_263 = tpu.vector_load %arg17[%get3A_261, %get3A_262] {strides = array<i32>} : memref<64x256xf32, #tpu.memory_space<vmem>>, vector<1x16xf32>,
        %get3A_264 = vector.shape_cast %get3A_263 : vector<1x16xf32> to vector<16xf32>
        %get3A_265 = arith.index_cast %scan3A_223 : i32 to index
        %get3A_266 = arith.constant 32 : index
        %get3A_267 = tpu.vector_load %arg18[%get3A_265, %get3A_266] {strides = array<i32>} : memref<64x256xf32, #tpu.memory_space<vmem>>, vector<1x16xf32>,
        %get3A_268 = vector.shape_cast %get3A_267 : vector<1x16xf32> to vector<16xf32>
        %add3A_269 = arith.addf %get3A_264, %get3A_268 : vector<16xf32>
        %mul3A_270 = arith.constant 2.000000e-01 : f32
        %mul3A_271 = vector.broadcast %mul3A_270 : f32 to vector<16xf32>
        %mul3A_272 = arith.mulf %mul3A_271, %add3A_269 : vector<16xf32>
        %max3A_273 = arith.maximumf %add3A_269, %mul3A_272 : vector<16xf32>
        %get3A_274 = arith.constant 32 : index
        %get3A_275 = tpu.vector_load %arg12[%get3A_274] {strides = array<i32>} : memref<256xf32, #tpu.memory_space<vmem>>, vector<16xf32>,
        %get3A_276 = vector.shape_cast %get3A_275 : vector<16xf32> to vector<16xf32>
        %mul3A_277 = arith.mulf %max3A_273, %get3A_276 : vector<16xf32>
        %add3A_278 = arith.addf %add3A_260, %mul3A_277 : vector<16xf32>
        %get3A_279 = arith.index_cast %scan3A_223 : i32 to index
        %get3A_280 = arith.constant 48 : index
        %get3A_281 = tpu.vector_load %arg17[%get3A_279, %get3A_280] {strides = array<i32>} : memref<64x256xf32, #tpu.memory_space<vmem>>, vector<1x16xf32>,
        %get3A_282 = vector.shape_cast %get3A_281 : vector<1x16xf32> to vector<16xf32>
        %get3A_283 = arith.index_cast %scan3A_223 : i32 to index
        %get3A_284 = arith.constant 48 : index
        %get3A_285 = tpu.vector_load %arg18[%get3A_283, %get3A_284] {strides = array<i32>} : memref<64x256xf32, #tpu.memory_space<vmem>>, vector<1x16xf32>,
        %get3A_286 = vector.shape_cast %get3A_285 : vector<1x16xf32> to vector<16xf32>
        %add3A_287 = arith.addf %get3A_282, %get3A_286 : vector<16xf32>
        %mul3A_288 = arith.constant 2.000000e-01 : f32
        %mul3A_289 = vector.broadcast %mul3A_288 : f32 to vector<16xf32>
        %mul3A_290 = arith.mulf %mul3A_289, %add3A_287 : vector<16xf32>
        %max3A_291 = arith.maximumf %add3A_287, %mul3A_290 : vector<16xf32>
        %get3A_292 = arith.constant 48 : index
        %get3A_293 = tpu.vector_load %arg12[%get3A_292] {strides = array<i32>} : memref<256xf32, #tpu.memory_space<vmem>>, vector<16xf32>,
        %get3A_294 = vector.shape_cast %get3A_293 : vector<16xf32> to vector<16xf32>
        %mul3A_295 = arith.mulf %max3A_291, %get3A_294 : vector<16xf32>
        %add3A_296 = arith.addf %add3A_278, %mul3A_295 : vector<16xf32>
        %get3A_297 = arith.index_cast %scan3A_223 : i32 to index
        %get3A_298 = arith.constant 64 : index
        %get3A_299 = tpu.vector_load %arg17[%get3A_297, %get3A_298] {strides = array<i32>} : memref<64x256xf32, #tpu.memory_space<vmem>>, vector<1x16xf32>,
        %get3A_300 = vector.shape_cast %get3A_299 : vector<1x16xf32> to vector<16xf32>
        %get3A_301 = arith.index_cast %scan3A_223 : i32 to index
        %get3A_302 = arith.constant 64 : index
        %get3A_303 = tpu.vector_load %arg18[%get3A_301, %get3A_302] {strides = array<i32>} : memref<64x256xf32, #tpu.memory_space<vmem>>, vector<1x16xf32>,
        %get3A_304 = vector.shape_cast %get3A_303 : vector<1x16xf32> to vector<16xf32>
        %add3A_305 = arith.addf %get3A_300, %get3A_304 : vector<16xf32>
        %mul3A_306 = arith.constant 2.000000e-01 : f32
        %mul3A_307 = vector.broadcast %mul3A_306 : f32 to vector<16xf32>
        %mul3A_308 = arith.mulf %mul3A_307, %add3A_305 : vector<16xf32>
        %max3A_309 = arith.maximumf %add3A_305, %mul3A_308 : vector<16xf32>
        %get3A_310 = arith.constant 64 : index
        %get3A_311 = tpu.vector_load %arg12[%get3A_310] {strides = array<i32>} : memref<256xf32, #tpu.memory_space<vmem>>, vector<16xf32>,
        %get3A_312 = vector.shape_cast %get3A_311 : vector<16xf32> to vector<16xf32>
        %mul3A_313 = arith.mulf %max3A_309, %get3A_312 : vector<16xf32>
        %add3A_314 = arith.addf %add3A_296, %mul3A_313 : vector<16xf32>
        %get3A_315 = arith.index_cast %scan3A_223 : i32 to index
        %get3A_316 = arith.constant 80 : index
        %get3A_317 = tpu.vector_load %arg17[%get3A_315, %get3A_316] {strides = array<i32>} : memref<64x256xf32, #tpu.memory_space<vmem>>, vector<1x16xf32>,
        %get3A_318 = vector.shape_cast %get3A_317 : vector<1x16xf32> to vector<16xf32>
        %get3A_319 = arith.index_cast %scan3A_223 : i32 to index
        %get3A_320 = arith.constant 80 : index
        %get3A_321 = tpu.vector_load %arg18[%get3A_319, %get3A_320] {strides = array<i32>} : memref<64x256xf32, #tpu.memory_space<vmem>>, vector<1x16xf32>,
        %get3A_322 = vector.shape_cast %get3A_321 : vector<1x16xf32> to vector<16xf32>
        %add3A_323 = arith.addf %get3A_318, %get3A_322 : vector<16xf32>
        %mul3A_324 = arith.constant 2.000000e-01 : f32
        %mul3A_325 = vector.broadcast %mul3A_324 : f32 to vector<16xf32>
        %mul3A_326 = arith.mulf %mul3A_325, %add3A_323 : vector<16xf32>
        %max3A_327 = arith.maximumf %add3A_323, %mul3A_326 : vector<16xf32>
        %get3A_328 = arith.constant 80 : index
        %get3A_329 = tpu.vector_load %arg12[%get3A_328] {strides = array<i32>} : memref<256xf32, #tpu.memory_space<vmem>>, vector<16xf32>,
        %get3A_330 = vector.shape_cast %get3A_329 : vector<16xf32> to vector<16xf32>
        %mul3A_331 = arith.mulf %max3A_327, %get3A_330 : vector<16xf32>
        %add3A_332 = arith.addf %add3A_314, %mul3A_331 : vector<16xf32>
        %get3A_333 = arith.index_cast %scan3A_223 : i32 to index
        %get3A_334 = arith.constant 96 : index
        %get3A_335 = tpu.vector_load %arg17[%get3A_333, %get3A_334] {strides = array<i32>} : memref<64x256xf32, #tpu.memory_space<vmem>>, vector<1x16xf32>,
        %get3A_336 = vector.shape_cast %get3A_335 : vector<1x16xf32> to vector<16xf32>
        %get3A_337 = arith.index_cast %scan3A_223 : i32 to index
        %get3A_338 = arith.constant 96 : index
        %get3A_339 = tpu.vector_load %arg18[%get3A_337, %get3A_338] {strides = array<i32>} : memref<64x256xf32, #tpu.memory_space<vmem>>, vector<1x16xf32>,
        %get3A_340 = vector.shape_cast %get3A_339 : vector<1x16xf32> to vector<16xf32>
        %add3A_341 = arith.addf %get3A_336, %get3A_340 : vector<16xf32>
        %mul3A_342 = arith.constant 2.000000e-01 : f32
        %mul3A_343 = vector.broadcast %mul3A_342 : f32 to vector<16xf32>
        %mul3A_344 = arith.mulf %mul3A_343, %add3A_341 : vector<16xf32>
        %max3A_345 = arith.maximumf %add3A_341, %mul3A_344 : vector<16xf32>
        %get3A_346 = arith.constant 96 : index
        %get3A_347 = tpu.vector_load %arg12[%get3A_346] {strides = array<i32>} : memref<256xf32, #tpu.memory_space<vmem>>, vector<16xf32>,
        %get3A_348 = vector.shape_cast %get3A_347 : vector<16xf32> to vector<16xf32>
        %mul3A_349 = arith.mulf %max3A_345, %get3A_348 : vector<16xf32>
        %add3A_350 = arith.addf %add3A_332, %mul3A_349 : vector<16xf32>
        %get3A_351 = arith.index_cast %scan3A_223 : i32 to index
        %get3A_352 = arith.constant 112 : index
        %get3A_353 = tpu.vector_load %arg17[%get3A_351, %get3A_352] {strides = array<i32>} : memref<64x256xf32, #tpu.memory_space<vmem>>, vector<1x16xf32>,
        %get3A_354 = vector.shape_cast %get3A_353 : vector<1x16xf32> to vector<16xf32>
        %get3A_355 = arith.index_cast %scan3A_223 : i32 to index
        %get3A_356 = arith.constant 112 : index
        %get3A_357 = tpu.vector_load %arg18[%get3A_355, %get3A_356] {strides = array<i32>} : memref<64x256xf32, #tpu.memory_space<vmem>>, vector<1x16xf32>,
        %get3A_358 = vector.shape_cast %get3A_357 : vector<1x16xf32> to vector<16xf32>
        %add3A_359 = arith.addf %get3A_354, %get3A_358 : vector<16xf32>
        %mul3A_360 = arith.constant 2.000000e-01 : f32
        %mul3A_361 = vector.broadcast %mul3A_360 : f32 to vector<16xf32>
        %mul3A_362 = arith.mulf %mul3A_361, %add3A_359 : vector<16xf32>
        %max3A_363 = arith.maximumf %add3A_359, %mul3A_362 : vector<16xf32>
        %get3A_364 = arith.constant 112 : index
        %get3A_365 = tpu.vector_load %arg12[%get3A_364] {strides = array<i32>} : memref<256xf32, #tpu.memory_space<vmem>>, vector<16xf32>,
        %get3A_366 = vector.shape_cast %get3A_365 : vector<16xf32> to vector<16xf32>
        %mul3A_367 = arith.mulf %max3A_363, %get3A_366 : vector<16xf32>
        %add3A_368 = arith.addf %add3A_350, %mul3A_367 : vector<16xf32>
        %get3A_369 = arith.index_cast %scan3A_223 : i32 to index
        %get3A_370 = arith.constant 128 : index
        %get3A_371 = tpu.vector_load %arg17[%get3A_369, %get3A_370] {strides = array<i32>} : memref<64x256xf32, #tpu.memory_space<vmem>>, vector<1x16xf32>,
        %get3A_372 = vector.shape_cast %get3A_371 : vector<1x16xf32> to vector<16xf32>
        %get3A_373 = arith.index_cast %scan3A_223 : i32 to index
        %get3A_374 = arith.constant 128 : index
        %get3A_375 = tpu.vector_load %arg18[%get3A_373, %get3A_374] {strides = array<i32>} : memref<64x256xf32, #tpu.memory_space<vmem>>, vector<1x16xf32>,
        %get3A_376 = vector.shape_cast %get3A_375 : vector<1x16xf32> to vector<16xf32>
        %add3A_377 = arith.addf %get3A_372, %get3A_376 : vector<16xf32>
        %mul3A_378 = arith.constant 2.000000e-01 : f32
        %mul3A_379 = vector.broadcast %mul3A_378 : f32 to vector<16xf32>
        %mul3A_380 = arith.mulf %mul3A_379, %add3A_377 : vector<16xf32>
        %max3A_381 = arith.maximumf %add3A_377, %mul3A_380 : vector<16xf32>
        %get3A_382 = arith.constant 128 : index
        %get3A_383 = tpu.vector_load %arg12[%get3A_382] {strides = array<i32>} : memref<256xf32, #tpu.memory_space<vmem>>, vector<16xf32>,
        %get3A_384 = vector.shape_cast %get3A_383 : vector<16xf32> to vector<16xf32>
        %mul3A_385 = arith.mulf %max3A_381, %get3A_384 : vector<16xf32>
        %add3A_386 = arith.addf %add3A_368, %mul3A_385 : vector<16xf32>
        %get3A_387 = arith.index_cast %scan3A_223 : i32 to index
        %get3A_388 = arith.constant 144 : index
        %get3A_389 = tpu.vector_load %arg17[%get3A_387, %get3A_388] {strides = array<i32>} : memref<64x256xf32, #tpu.memory_space<vmem>>, vector<1x16xf32>,
        %get3A_390 = vector.shape_cast %get3A_389 : vector<1x16xf32> to vector<16xf32>
        %get3A_391 = arith.index_cast %scan3A_223 : i32 to index
        %get3A_392 = arith.constant 144 : index
        %get3A_393 = tpu.vector_load %arg18[%get3A_391, %get3A_392] {strides = array<i32>} : memref<64x256xf32, #tpu.memory_space<vmem>>, vector<1x16xf32>,
        %get3A_394 = vector.shape_cast %get3A_393 : vector<1x16xf32> to vector<16xf32>
        %add3A_395 = arith.addf %get3A_390, %get3A_394 : vector<16xf32>
        %mul3A_396 = arith.constant 2.000000e-01 : f32
        %mul3A_397 = vector.broadcast %mul3A_396 : f32 to vector<16xf32>
        %mul3A_398 = arith.mulf %mul3A_397, %add3A_395 : vector<16xf32>
        %max3A_399 = arith.maximumf %add3A_395, %mul3A_398 : vector<16xf32>
        %get3A_400 = arith.constant 144 : index
        %get3A_401 = tpu.vector_load %arg12[%get3A_400] {strides = array<i32>} : memref<256xf32, #tpu.memory_space<vmem>>, vector<16xf32>,
        %get3A_402 = vector.shape_cast %get3A_401 : vector<16xf32> to vector<16xf32>
        %mul3A_403 = arith.mulf %max3A_399, %get3A_402 : vector<16xf32>
        %add3A_404 = arith.addf %add3A_386, %mul3A_403 : vector<16xf32>
        %get3A_405 = arith.index_cast %scan3A_223 : i32 to index
        %get3A_406 = arith.constant 160 : index
        %get3A_407 = tpu.vector_load %arg17[%get3A_405, %get3A_406] {strides = array<i32>} : memref<64x256xf32, #tpu.memory_space<vmem>>, vector<1x16xf32>,
        %get3A_408 = vector.shape_cast %get3A_407 : vector<1x16xf32> to vector<16xf32>
        %get3A_409 = arith.index_cast %scan3A_223 : i32 to index
        %get3A_410 = arith.constant 160 : index
        %get3A_411 = tpu.vector_load %arg18[%get3A_409, %get3A_410] {strides = array<i32>} : memref<64x256xf32, #tpu.memory_space<vmem>>, vector<1x16xf32>,
        %get3A_412 = vector.shape_cast %get3A_411 : vector<1x16xf32> to vector<16xf32>
        %add3A_413 = arith.addf %get3A_408, %get3A_412 : vector<16xf32>
        %mul3A_414 = arith.constant 2.000000e-01 : f32
        %mul3A_415 = vector.broadcast %mul3A_414 : f32 to vector<16xf32>
        %mul3A_416 = arith.mulf %mul3A_415, %add3A_413 : vector<16xf32>
        %max3A_417 = arith.maximumf %add3A_413, %mul3A_416 : vector<16xf32>
        %get3A_418 = arith.constant 160 : index
        %get3A_419 = tpu.vector_load %arg12[%get3A_418] {strides = array<i32>} : memref<256xf32, #tpu.memory_space<vmem>>, vector<16xf32>,
        %get3A_420 = vector.shape_cast %get3A_419 : vector<16xf32> to vector<16xf32>
        %mul3A_421 = arith.mulf %max3A_417, %get3A_420 : vector<16xf32>
        %add3A_422 = arith.addf %add3A_404, %mul3A_421 : vector<16xf32>
        %get3A_423 = arith.index_cast %scan3A_223 : i32 to index
        %get3A_424 = arith.constant 176 : index
        %get3A_425 = tpu.vector_load %arg17[%get3A_423, %get3A_424] {strides = array<i32>} : memref<64x256xf32, #tpu.memory_space<vmem>>, vector<1x16xf32>,
        %get3A_426 = vector.shape_cast %get3A_425 : vector<1x16xf32> to vector<16xf32>
        %get3A_427 = arith.index_cast %scan3A_223 : i32 to index
        %get3A_428 = arith.constant 176 : index
        %get3A_429 = tpu.vector_load %arg18[%get3A_427, %get3A_428] {strides = array<i32>} : memref<64x256xf32, #tpu.memory_space<vmem>>, vector<1x16xf32>,
        %get3A_430 = vector.shape_cast %get3A_429 : vector<1x16xf32> to vector<16xf32>
        %add3A_431 = arith.addf %get3A_426, %get3A_430 : vector<16xf32>
        %mul3A_432 = arith.constant 2.000000e-01 : f32
        %mul3A_433 = vector.broadcast %mul3A_432 : f32 to vector<16xf32>
        %mul3A_434 = arith.mulf %mul3A_433, %add3A_431 : vector<16xf32>
        %max3A_435 = arith.maximumf %add3A_431, %mul3A_434 : vector<16xf32>
        %get3A_436 = arith.constant 176 : index
        %get3A_437 = tpu.vector_load %arg12[%get3A_436] {strides = array<i32>} : memref<256xf32, #tpu.memory_space<vmem>>, vector<16xf32>,
        %get3A_438 = vector.shape_cast %get3A_437 : vector<16xf32> to vector<16xf32>
        %mul3A_439 = arith.mulf %max3A_435, %get3A_438 : vector<16xf32>
        %add3A_440 = arith.addf %add3A_422, %mul3A_439 : vector<16xf32>
        %get3A_441 = arith.index_cast %scan3A_223 : i32 to index
        %get3A_442 = arith.constant 192 : index
        %get3A_443 = tpu.vector_load %arg17[%get3A_441, %get3A_442] {strides = array<i32>} : memref<64x256xf32, #tpu.memory_space<vmem>>, vector<1x16xf32>,
        %get3A_444 = vector.shape_cast %get3A_443 : vector<1x16xf32> to vector<16xf32>
        %get3A_445 = arith.index_cast %scan3A_223 : i32 to index
        %get3A_446 = arith.constant 192 : index
        %get3A_447 = tpu.vector_load %arg18[%get3A_445, %get3A_446] {strides = array<i32>} : memref<64x256xf32, #tpu.memory_space<vmem>>, vector<1x16xf32>,
        %get3A_448 = vector.shape_cast %get3A_447 : vector<1x16xf32> to vector<16xf32>
        %add3A_449 = arith.addf %get3A_444, %get3A_448 : vector<16xf32>
        %mul3A_450 = arith.constant 2.000000e-01 : f32
        %mul3A_451 = vector.broadcast %mul3A_450 : f32 to vector<16xf32>
        %mul3A_452 = arith.mulf %mul3A_451, %add3A_449 : vector<16xf32>
        %max3A_453 = arith.maximumf %add3A_449, %mul3A_452 : vector<16xf32>
        %get3A_454 = arith.constant 192 : index
        %get3A_455 = tpu.vector_load %arg12[%get3A_454] {strides = array<i32>} : memref<256xf32, #tpu.memory_space<vmem>>, vector<16xf32>,
        %get3A_456 = vector.shape_cast %get3A_455 : vector<16xf32> to vector<16xf32>
        %mul3A_457 = arith.mulf %max3A_453, %get3A_456 : vector<16xf32>
        %add3A_458 = arith.addf %add3A_440, %mul3A_457 : vector<16xf32>
        %get3A_459 = arith.index_cast %scan3A_223 : i32 to index
        %get3A_460 = arith.constant 208 : index
        %get3A_461 = tpu.vector_load %arg17[%get3A_459, %get3A_460] {strides = array<i32>} : memref<64x256xf32, #tpu.memory_space<vmem>>, vector<1x16xf32>,
        %get3A_462 = vector.shape_cast %get3A_461 : vector<1x16xf32> to vector<16xf32>
        %get3A_463 = arith.index_cast %scan3A_223 : i32 to index
        %get3A_464 = arith.constant 208 : index
        %get3A_465 = tpu.vector_load %arg18[%get3A_463, %get3A_464] {strides = array<i32>} : memref<64x256xf32, #tpu.memory_space<vmem>>, vector<1x16xf32>,
        %get3A_466 = vector.shape_cast %get3A_465 : vector<1x16xf32> to vector<16xf32>
        %add3A_467 = arith.addf %get3A_462, %get3A_466 : vector<16xf32>
        %mul3A_468 = arith.constant 2.000000e-01 : f32
        %mul3A_469 = vector.broadcast %mul3A_468 : f32 to vector<16xf32>
        %mul3A_470 = arith.mulf %mul3A_469, %add3A_467 : vector<16xf32>
        %max3A_471 = arith.maximumf %add3A_467, %mul3A_470 : vector<16xf32>
        %get3A_472 = arith.constant 208 : index
        %get3A_473 = tpu.vector_load %arg12[%get3A_472] {strides = array<i32>} : memref<256xf32, #tpu.memory_space<vmem>>, vector<16xf32>,
        %get3A_474 = vector.shape_cast %get3A_473 : vector<16xf32> to vector<16xf32>
        %mul3A_475 = arith.mulf %max3A_471, %get3A_474 : vector<16xf32>
        %add3A_476 = arith.addf %add3A_458, %mul3A_475 : vector<16xf32>
        %get3A_477 = arith.index_cast %scan3A_223 : i32 to index
        %get3A_478 = arith.constant 224 : index
        %get3A_479 = tpu.vector_load %arg17[%get3A_477, %get3A_478] {strides = array<i32>} : memref<64x256xf32, #tpu.memory_space<vmem>>, vector<1x16xf32>,
        %get3A_480 = vector.shape_cast %get3A_479 : vector<1x16xf32> to vector<16xf32>
        %get3A_481 = arith.index_cast %scan3A_223 : i32 to index
        %get3A_482 = arith.constant 224 : index
        %get3A_483 = tpu.vector_load %arg18[%get3A_481, %get3A_482] {strides = array<i32>} : memref<64x256xf32, #tpu.memory_space<vmem>>, vector<1x16xf32>,
        %get3A_484 = vector.shape_cast %get3A_483 : vector<1x16xf32> to vector<16xf32>
        %add3A_485 = arith.addf %get3A_480, %get3A_484 : vector<16xf32>
        %mul3A_486 = arith.constant 2.000000e-01 : f32
        %mul3A_487 = vector.broadcast %mul3A_486 : f32 to vector<16xf32>
        %mul3A_488 = arith.mulf %mul3A_487, %add3A_485 : vector<16xf32>
        %max3A_489 = arith.maximumf %add3A_485, %mul3A_488 : vector<16xf32>
        %get3A_490 = arith.constant 224 : index
        %get3A_491 = tpu.vector_load %arg12[%get3A_490] {strides = array<i32>} : memref<256xf32, #tpu.memory_space<vmem>>, vector<16xf32>,
        %get3A_492 = vector.shape_cast %get3A_491 : vector<16xf32> to vector<16xf32>
        %mul3A_493 = arith.mulf %max3A_489, %get3A_492 : vector<16xf32>
        %add3A_494 = arith.addf %add3A_476, %mul3A_493 : vector<16xf32>
        %get3A_495 = arith.index_cast %scan3A_223 : i32 to index
        %get3A_496 = arith.constant 240 : index
        %get3A_497 = tpu.vector_load %arg17[%get3A_495, %get3A_496] {strides = array<i32>} : memref<64x256xf32, #tpu.memory_space<vmem>>, vector<1x16xf32>,
        %get3A_498 = vector.shape_cast %get3A_497 : vector<1x16xf32> to vector<16xf32>
        %get3A_499 = arith.index_cast %scan3A_223 : i32 to index
        %get3A_500 = arith.constant 240 : index
        %get3A_501 = tpu.vector_load %arg18[%get3A_499, %get3A_500] {strides = array<i32>} : memref<64x256xf32, #tpu.memory_space<vmem>>, vector<1x16xf32>,
        %get3A_502 = vector.shape_cast %get3A_501 : vector<1x16xf32> to vector<16xf32>
        %add3A_503 = arith.addf %get3A_498, %get3A_502 : vector<16xf32>
        %mul3A_504 = arith.constant 2.000000e-01 : f32
        %mul3A_505 = vector.broadcast %mul3A_504 : f32 to vector<16xf32>
        %mul3A_506 = arith.mulf %mul3A_505, %add3A_503 : vector<16xf32>
        %max3A_507 = arith.maximumf %add3A_503, %mul3A_506 : vector<16xf32>
        %get3A_508 = arith.constant 240 : index
        %get3A_509 = tpu.vector_load %arg12[%get3A_508] {strides = array<i32>} : memref<256xf32, #tpu.memory_space<vmem>>, vector<16xf32>,
        %get3A_510 = vector.shape_cast %get3A_509 : vector<16xf32> to vector<16xf32>
        %mul3A_511 = arith.mulf %max3A_507, %get3A_510 : vector<16xf32>
        %add3A_512 = arith.addf %add3A_494, %mul3A_511 : vector<16xf32>
        %xor3A = arith.constant 1 : i32
        %xor3A_513 = vector.broadcast %xor3A : i32 to vector<16xi32>
        %xor3A_514 = arith.xori %iota3A_186, %xor3A_513 : vector<16xi32>
        %lt3A_515 = arith.constant 0 : i32
        %lt3A_516 = vector.broadcast %lt3A_515 : i32 to vector<16xi32>
        %lt3A_517 = arith.cmpi slt, %xor3A_514, %lt3A_516 : vector<16xi32>
        %add3A_518 = arith.constant 16 : i32
        %add3A_519 = vector.broadcast %add3A_518 : i32 to vector<16xi32>
        %add3A_520 = arith.addi %xor3A_514, %add3A_519 : vector<16xi32>
        %select_n3A_521 = arith.select %lt3A_517, %add3A_520, %xor3A_514 : vector<16xi1>, vector<16xi32>
        %broadcast_in_dim3A_522 = vector.shape_cast %select_n3A_521 : vector<16xi32> to vector<16x1xi32>
        %gather3A = vector.shape_cast %broadcast_in_dim3A_522 : vector<16x1xi32> to vector<16xi32>
        %gather3A_523 = tpu.dynamic_gather %add3A_512[%gather3A] in [0] : vector<16xf32>, vector<16xi32> -> vector<16xf32>
        %add3A_524 = arith.addf %add3A_512, %gather3A_523 : vector<16xf32>
        %xor3A_525 = arith.constant 2 : i32
        %xor3A_526 = vector.broadcast %xor3A_525 : i32 to vector<16xi32>
        %xor3A_527 = arith.xori %iota3A_186, %xor3A_526 : vector<16xi32>
        %lt3A_528 = arith.constant 0 : i32
        %lt3A_529 = vector.broadcast %lt3A_528 : i32 to vector<16xi32>
        %lt3A_530 = arith.cmpi slt, %xor3A_527, %lt3A_529 : vector<16xi32>
        %add3A_531 = arith.constant 16 : i32
        %add3A_532 = vector.broadcast %add3A_531 : i32 to vector<16xi32>
        %add3A_533 = arith.addi %xor3A_527, %add3A_532 : vector<16xi32>
        %select_n3A_534 = arith.select %lt3A_530, %add3A_533, %xor3A_527 : vector<16xi1>, vector<16xi32>
        %broadcast_in_dim3A_535 = vector.shape_cast %select_n3A_534 : vector<16xi32> to vector<16x1xi32>
        %gather3A_536 = vector.shape_cast %broadcast_in_dim3A_535 : vector<16x1xi32> to vector<16xi32>
        %gather3A_537 = tpu.dynamic_gather %add3A_524[%gather3A_536] in [0] : vector<16xf32>, vector<16xi32> -> vector<16xf32>
        %add3A_538 = arith.addf %add3A_524, %gather3A_537 : vector<16xf32>
        %xor3A_539 = arith.constant 4 : i32
        %xor3A_540 = vector.broadcast %xor3A_539 : i32 to vector<16xi32>
        %xor3A_541 = arith.xori %iota3A_186, %xor3A_540 : vector<16xi32>
        %lt3A_542 = arith.constant 0 : i32
        %lt3A_543 = vector.broadcast %lt3A_542 : i32 to vector<16xi32>
        %lt3A_544 = arith.cmpi slt, %xor3A_541, %lt3A_543 : vector<16xi32>
        %add3A_545 = arith.constant 16 : i32
        %add3A_546 = vector.broadcast %add3A_545 : i32 to vector<16xi32>
        %add3A_547 = arith.addi %xor3A_541, %add3A_546 : vector<16xi32>
        %select_n3A_548 = arith.select %lt3A_544, %add3A_547, %xor3A_541 : vector<16xi1>, vector<16xi32>
        %broadcast_in_dim3A_549 = vector.shape_cast %select_n3A_548 : vector<16xi32> to vector<16x1xi32>
        %gather3A_550 = vector.shape_cast %broadcast_in_dim3A_549 : vector<16x1xi32> to vector<16xi32>
        %gather3A_551 = tpu.dynamic_gather %add3A_538[%gather3A_550] in [0] : vector<16xf32>, vector<16xi32> -> vector<16xf32>
        %add3A_552 = arith.addf %add3A_538, %gather3A_551 : vector<16xf32>
        %xor3A_553 = arith.constant 8 : i32
        %xor3A_554 = vector.broadcast %xor3A_553 : i32 to vector<16xi32>
        %xor3A_555 = arith.xori %iota3A_186, %xor3A_554 : vector<16xi32>
        %lt3A_556 = arith.constant 0 : i32
        %lt3A_557 = vector.broadcast %lt3A_556 : i32 to vector<16xi32>
        %lt3A_558 = arith.cmpi slt, %xor3A_555, %lt3A_557 : vector<16xi32>
        %add3A_559 = arith.constant 16 : i32
        %add3A_560 = vector.broadcast %add3A_559 : i32 to vector<16xi32>
        %add3A_561 = arith.addi %xor3A_555, %add3A_560 : vector<16xi32>
        %select_n3A_562 = arith.select %lt3A_558, %add3A_561, %xor3A_555 : vector<16xi1>, vector<16xi32>
        %broadcast_in_dim3A_563 = vector.shape_cast %select_n3A_562 : vector<16xi32> to vector<16x1xi32>
        %gather3A_564 = vector.shape_cast %broadcast_in_dim3A_563 : vector<16x1xi32> to vector<16xi32>
        %gather3A_565 = tpu.dynamic_gather %add3A_552[%gather3A_564] in [0] : vector<16xf32>, vector<16xi32> -> vector<16xf32>
        %add3A_566 = arith.addf %add3A_552, %gather3A_565 : vector<16xf32>
        %exp3A = math.exp %add3A_566 : vector<16xf32>
        %get3A_567 = arith.index_cast %scan3A_223 : i32 to index
        %get3A_568 = tpu.vector_load %arg16[%get3A_567] {strides = array<i32>} : memref<80xi32, #tpu.memory_space<vmem>>, vector<16xi32>,
        %get3A_569 = vector.shape_cast %get3A_568 : vector<16xi32> to vector<16xi32>
        %slice3A_570 = vector.extract_strided_slice %get3A_569 {offsets = [0], sizes = [1], strides = [1]} : vector<16xi32> to vector<1xi32>
        %squeeze3A_571 = vector.extract %slice3A_570[0] : i32 from vector<1xi32>
        %sub3A_572 = arith.subi %squeeze3A_571, %mul3A_2 : i32
        %ge3A = arith.constant 0 : i32
        %ge3A_573 = arith.cmpi sge, %sub3A_572, %ge3A : i32
        %lt3A_574 = arith.constant 320 : i32
        %lt3A_575 = arith.cmpi slt, %sub3A_572, %lt3A_574 : i32
        %and3A_576 = arith.andi %ge3A_573, %lt3A_575 : i1
        %jit3A_577 = arith.constant 320 : i32
        %select_n3A_578 = arith.select %and3A_576, %sub3A_572, %jit3A_577 : i32
        %get3A_579 = arith.index_cast %select_n3A_578 : i32 to index
        %get3A_580 = arith.constant 0 : index
        %get3A_581 = tpu.vector_load %arg19[%get3A_579, %get3A_580] {strides = array<i32>} : memref<328x256xf32, #tpu.memory_space<vmem>>, vector<1x16xf32>,
        %get3A_582 = vector.shape_cast %get3A_581 : vector<1x16xf32> to vector<16xf32>
        %mul3A_583 = arith.mulf %get3A_229, %exp3A : vector<16xf32>
        %add3A_584 = arith.addf %get3A_582, %mul3A_583 : vector<16xf32>
        %swap3A_585 = arith.index_cast %select_n3A_578 : i32 to index
        %swap3A_586 = arith.constant 0 : index
        %swap3A_587 = tpu.vector_load %arg19[%swap3A_585, %swap3A_586] {strides = array<i32>} : memref<328x256xf32, #tpu.memory_space<vmem>>, vector<1x16xf32>,
        %swap3A_588 = vector.shape_cast %swap3A_587 : vector<1x16xf32> to vector<16xf32>
        %swap3A_589 = vector.shape_cast %add3A_584 : vector<16xf32> to vector<1x16xf32>
        tpu.vector_store %arg19[%swap3A_585, %swap3A_586], %swap3A_589 {strides = array<i32>} : memref<328x256xf32, #tpu.memory_space<vmem>>, vector<1x16xf32>,
        %get3A_590 = arith.index_cast %select_n3A_578 : i32 to index
        %get3A_591 = arith.constant 16 : index
        %get3A_592 = tpu.vector_load %arg19[%get3A_590, %get3A_591] {strides = array<i32>} : memref<328x256xf32, #tpu.memory_space<vmem>>, vector<1x16xf32>,
        %get3A_593 = vector.shape_cast %get3A_592 : vector<1x16xf32> to vector<16xf32>
        %mul3A_594 = arith.mulf %get3A_246, %exp3A : vector<16xf32>
        %add3A_595 = arith.addf %get3A_593, %mul3A_594 : vector<16xf32>
        %swap3A_596 = arith.index_cast %select_n3A_578 : i32 to index
        %swap3A_597 = arith.constant 16 : index
        %swap3A_598 = tpu.vector_load %arg19[%swap3A_596, %swap3A_597] {strides = array<i32>} : memref<328x256xf32, #tpu.memory_space<vmem>>, vector<1x16xf32>,
        %swap3A_599 = vector.shape_cast %swap3A_598 : vector<1x16xf32> to vector<16xf32>
        %swap3A_600 = vector.shape_cast %add3A_595 : vector<16xf32> to vector<1x16xf32>
        tpu.vector_store %arg19[%swap3A_596, %swap3A_597], %swap3A_600 {strides = array<i32>} : memref<328x256xf32, #tpu.memory_space<vmem>>, vector<1x16xf32>,
        %get3A_601 = arith.index_cast %select_n3A_578 : i32 to index
        %get3A_602 = arith.constant 32 : index
        %get3A_603 = tpu.vector_load %arg19[%get3A_601, %get3A_602] {strides = array<i32>} : memref<328x256xf32, #tpu.memory_space<vmem>>, vector<1x16xf32>,
        %get3A_604 = vector.shape_cast %get3A_603 : vector<1x16xf32> to vector<16xf32>
        %mul3A_605 = arith.mulf %get3A_264, %exp3A : vector<16xf32>
        %add3A_606 = arith.addf %get3A_604, %mul3A_605 : vector<16xf32>
        %swap3A_607 = arith.index_cast %select_n3A_578 : i32 to index
        %swap3A_608 = arith.constant 32 : index
        %swap3A_609 = tpu.vector_load %arg19[%swap3A_607, %swap3A_608] {strides = array<i32>} : memref<328x256xf32, #tpu.memory_space<vmem>>, vector<1x16xf32>,
        %swap3A_610 = vector.shape_cast %swap3A_609 : vector<1x16xf32> to vector<16xf32>
        %swap3A_611 = vector.shape_cast %add3A_606 : vector<16xf32> to vector<1x16xf32>
        tpu.vector_store %arg19[%swap3A_607, %swap3A_608], %swap3A_611 {strides = array<i32>} : memref<328x256xf32, #tpu.memory_space<vmem>>, vector<1x16xf32>,
        %get3A_612 = arith.index_cast %select_n3A_578 : i32 to index
        %get3A_613 = arith.constant 48 : index
        %get3A_614 = tpu.vector_load %arg19[%get3A_612, %get3A_613] {strides = array<i32>} : memref<328x256xf32, #tpu.memory_space<vmem>>, vector<1x16xf32>,
        %get3A_615 = vector.shape_cast %get3A_614 : vector<1x16xf32> to vector<16xf32>
        %mul3A_616 = arith.mulf %get3A_282, %exp3A : vector<16xf32>
        %add3A_617 = arith.addf %get3A_615, %mul3A_616 : vector<16xf32>
        %swap3A_618 = arith.index_cast %select_n3A_578 : i32 to index
        %swap3A_619 = arith.constant 48 : index
        %swap3A_620 = tpu.vector_load %arg19[%swap3A_618, %swap3A_619] {strides = array<i32>} : memref<328x256xf32, #tpu.memory_space<vmem>>, vector<1x16xf32>,
        %swap3A_621 = vector.shape_cast %swap3A_620 : vector<1x16xf32> to vector<16xf32>
        %swap3A_622 = vector.shape_cast %add3A_617 : vector<16xf32> to vector<1x16xf32>
        tpu.vector_store %arg19[%swap3A_618, %swap3A_619], %swap3A_622 {strides = array<i32>} : memref<328x256xf32, #tpu.memory_space<vmem>>, vector<1x16xf32>,
        %get3A_623 = arith.index_cast %select_n3A_578 : i32 to index
        %get3A_624 = arith.constant 64 : index
        %get3A_625 = tpu.vector_load %arg19[%get3A_623, %get3A_624] {strides = array<i32>} : memref<328x256xf32, #tpu.memory_space<vmem>>, vector<1x16xf32>,
        %get3A_626 = vector.shape_cast %get3A_625 : vector<1x16xf32> to vector<16xf32>
        %mul3A_627 = arith.mulf %get3A_300, %exp3A : vector<16xf32>
        %add3A_628 = arith.addf %get3A_626, %mul3A_627 : vector<16xf32>
        %swap3A_629 = arith.index_cast %select_n3A_578 : i32 to index
        %swap3A_630 = arith.constant 64 : index
        %swap3A_631 = tpu.vector_load %arg19[%swap3A_629, %swap3A_630] {strides = array<i32>} : memref<328x256xf32, #tpu.memory_space<vmem>>, vector<1x16xf32>,
        %swap3A_632 = vector.shape_cast %swap3A_631 : vector<1x16xf32> to vector<16xf32>
        %swap3A_633 = vector.shape_cast %add3A_628 : vector<16xf32> to vector<1x16xf32>
        tpu.vector_store %arg19[%swap3A_629, %swap3A_630], %swap3A_633 {strides = array<i32>} : memref<328x256xf32, #tpu.memory_space<vmem>>, vector<1x16xf32>,
        %get3A_634 = arith.index_cast %select_n3A_578 : i32 to index
        %get3A_635 = arith.constant 80 : index
        %get3A_636 = tpu.vector_load %arg19[%get3A_634, %get3A_635] {strides = array<i32>} : memref<328x256xf32, #tpu.memory_space<vmem>>, vector<1x16xf32>,
        %get3A_637 = vector.shape_cast %get3A_636 : vector<1x16xf32> to vector<16xf32>
        %mul3A_638 = arith.mulf %get3A_318, %exp3A : vector<16xf32>
        %add3A_639 = arith.addf %get3A_637, %mul3A_638 : vector<16xf32>
        %swap3A_640 = arith.index_cast %select_n3A_578 : i32 to index
        %swap3A_641 = arith.constant 80 : index
        %swap3A_642 = tpu.vector_load %arg19[%swap3A_640, %swap3A_641] {strides = array<i32>} : memref<328x256xf32, #tpu.memory_space<vmem>>, vector<1x16xf32>,
        %swap3A_643 = vector.shape_cast %swap3A_642 : vector<1x16xf32> to vector<16xf32>
        %swap3A_644 = vector.shape_cast %add3A_639 : vector<16xf32> to vector<1x16xf32>
        tpu.vector_store %arg19[%swap3A_640, %swap3A_641], %swap3A_644 {strides = array<i32>} : memref<328x256xf32, #tpu.memory_space<vmem>>, vector<1x16xf32>,
        %get3A_645 = arith.index_cast %select_n3A_578 : i32 to index
        %get3A_646 = arith.constant 96 : index
        %get3A_647 = tpu.vector_load %arg19[%get3A_645, %get3A_646] {strides = array<i32>} : memref<328x256xf32, #tpu.memory_space<vmem>>, vector<1x16xf32>,
        %get3A_648 = vector.shape_cast %get3A_647 : vector<1x16xf32> to vector<16xf32>
        %mul3A_649 = arith.mulf %get3A_336, %exp3A : vector<16xf32>
        %add3A_650 = arith.addf %get3A_648, %mul3A_649 : vector<16xf32>
        %swap3A_651 = arith.index_cast %select_n3A_578 : i32 to index
        %swap3A_652 = arith.constant 96 : index
        %swap3A_653 = tpu.vector_load %arg19[%swap3A_651, %swap3A_652] {strides = array<i32>} : memref<328x256xf32, #tpu.memory_space<vmem>>, vector<1x16xf32>,
        %swap3A_654 = vector.shape_cast %swap3A_653 : vector<1x16xf32> to vector<16xf32>
        %swap3A_655 = vector.shape_cast %add3A_650 : vector<16xf32> to vector<1x16xf32>
        tpu.vector_store %arg19[%swap3A_651, %swap3A_652], %swap3A_655 {strides = array<i32>} : memref<328x256xf32, #tpu.memory_space<vmem>>, vector<1x16xf32>,
        %get3A_656 = arith.index_cast %select_n3A_578 : i32 to index
        %get3A_657 = arith.constant 112 : index
        %get3A_658 = tpu.vector_load %arg19[%get3A_656, %get3A_657] {strides = array<i32>} : memref<328x256xf32, #tpu.memory_space<vmem>>, vector<1x16xf32>,
        %get3A_659 = vector.shape_cast %get3A_658 : vector<1x16xf32> to vector<16xf32>
        %mul3A_660 = arith.mulf %get3A_354, %exp3A : vector<16xf32>
        %add3A_661 = arith.addf %get3A_659, %mul3A_660 : vector<16xf32>
        %swap3A_662 = arith.index_cast %select_n3A_578 : i32 to index
        %swap3A_663 = arith.constant 112 : index
        %swap3A_664 = tpu.vector_load %arg19[%swap3A_662, %swap3A_663] {strides = array<i32>} : memref<328x256xf32, #tpu.memory_space<vmem>>, vector<1x16xf32>,
        %swap3A_665 = vector.shape_cast %swap3A_664 : vector<1x16xf32> to vector<16xf32>
        %swap3A_666 = vector.shape_cast %add3A_661 : vector<16xf32> to vector<1x16xf32>
        tpu.vector_store %arg19[%swap3A_662, %swap3A_663], %swap3A_666 {strides = array<i32>} : memref<328x256xf32, #tpu.memory_space<vmem>>, vector<1x16xf32>,
        %get3A_667 = arith.index_cast %select_n3A_578 : i32 to index
        %get3A_668 = arith.constant 128 : index
        %get3A_669 = tpu.vector_load %arg19[%get3A_667, %get3A_668] {strides = array<i32>} : memref<328x256xf32, #tpu.memory_space<vmem>>, vector<1x16xf32>,
        %get3A_670 = vector.shape_cast %get3A_669 : vector<1x16xf32> to vector<16xf32>
        %mul3A_671 = arith.mulf %get3A_372, %exp3A : vector<16xf32>
        %add3A_672 = arith.addf %get3A_670, %mul3A_671 : vector<16xf32>
        %swap3A_673 = arith.index_cast %select_n3A_578 : i32 to index
        %swap3A_674 = arith.constant 128 : index
        %swap3A_675 = tpu.vector_load %arg19[%swap3A_673, %swap3A_674] {strides = array<i32>} : memref<328x256xf32, #tpu.memory_space<vmem>>, vector<1x16xf32>,
        %swap3A_676 = vector.shape_cast %swap3A_675 : vector<1x16xf32> to vector<16xf32>
        %swap3A_677 = vector.shape_cast %add3A_672 : vector<16xf32> to vector<1x16xf32>
        tpu.vector_store %arg19[%swap3A_673, %swap3A_674], %swap3A_677 {strides = array<i32>} : memref<328x256xf32, #tpu.memory_space<vmem>>, vector<1x16xf32>,
        %get3A_678 = arith.index_cast %select_n3A_578 : i32 to index
        %get3A_679 = arith.constant 144 : index
        %get3A_680 = tpu.vector_load %arg19[%get3A_678, %get3A_679] {strides = array<i32>} : memref<328x256xf32, #tpu.memory_space<vmem>>, vector<1x16xf32>,
        %get3A_681 = vector.shape_cast %get3A_680 : vector<1x16xf32> to vector<16xf32>
        %mul3A_682 = arith.mulf %get3A_390, %exp3A : vector<16xf32>
        %add3A_683 = arith.addf %get3A_681, %mul3A_682 : vector<16xf32>
        %swap3A_684 = arith.index_cast %select_n3A_578 : i32 to index
        %swap3A_685 = arith.constant 144 : index
        %swap3A_686 = tpu.vector_load %arg19[%swap3A_684, %swap3A_685] {strides = array<i32>} : memref<328x256xf32, #tpu.memory_space<vmem>>, vector<1x16xf32>,
        %swap3A_687 = vector.shape_cast %swap3A_686 : vector<1x16xf32> to vector<16xf32>
        %swap3A_688 = vector.shape_cast %add3A_683 : vector<16xf32> to vector<1x16xf32>
        tpu.vector_store %arg19[%swap3A_684, %swap3A_685], %swap3A_688 {strides = array<i32>} : memref<328x256xf32, #tpu.memory_space<vmem>>, vector<1x16xf32>,
        %get3A_689 = arith.index_cast %select_n3A_578 : i32 to index
        %get3A_690 = arith.constant 160 : index
        %get3A_691 = tpu.vector_load %arg19[%get3A_689, %get3A_690] {strides = array<i32>} : memref<328x256xf32, #tpu.memory_space<vmem>>, vector<1x16xf32>,
        %get3A_692 = vector.shape_cast %get3A_691 : vector<1x16xf32> to vector<16xf32>
        %mul3A_693 = arith.mulf %get3A_408, %exp3A : vector<16xf32>
        %add3A_694 = arith.addf %get3A_692, %mul3A_693 : vector<16xf32>
        %swap3A_695 = arith.index_cast %select_n3A_578 : i32 to index
        %swap3A_696 = arith.constant 160 : index
        %swap3A_697 = tpu.vector_load %arg19[%swap3A_695, %swap3A_696] {strides = array<i32>} : memref<328x256xf32, #tpu.memory_space<vmem>>, vector<1x16xf32>,
        %swap3A_698 = vector.shape_cast %swap3A_697 : vector<1x16xf32> to vector<16xf32>
        %swap3A_699 = vector.shape_cast %add3A_694 : vector<16xf32> to vector<1x16xf32>
        tpu.vector_store %arg19[%swap3A_695, %swap3A_696], %swap3A_699 {strides = array<i32>} : memref<328x256xf32, #tpu.memory_space<vmem>>, vector<1x16xf32>,
        %get3A_700 = arith.index_cast %select_n3A_578 : i32 to index
        %get3A_701 = arith.constant 176 : index
        %get3A_702 = tpu.vector_load %arg19[%get3A_700, %get3A_701] {strides = array<i32>} : memref<328x256xf32, #tpu.memory_space<vmem>>, vector<1x16xf32>,
        %get3A_703 = vector.shape_cast %get3A_702 : vector<1x16xf32> to vector<16xf32>
        %mul3A_704 = arith.mulf %get3A_426, %exp3A : vector<16xf32>
        %add3A_705 = arith.addf %get3A_703, %mul3A_704 : vector<16xf32>
        %swap3A_706 = arith.index_cast %select_n3A_578 : i32 to index
        %swap3A_707 = arith.constant 176 : index
        %swap3A_708 = tpu.vector_load %arg19[%swap3A_706, %swap3A_707] {strides = array<i32>} : memref<328x256xf32, #tpu.memory_space<vmem>>, vector<1x16xf32>,
        %swap3A_709 = vector.shape_cast %swap3A_708 : vector<1x16xf32> to vector<16xf32>
        %swap3A_710 = vector.shape_cast %add3A_705 : vector<16xf32> to vector<1x16xf32>
        tpu.vector_store %arg19[%swap3A_706, %swap3A_707], %swap3A_710 {strides = array<i32>} : memref<328x256xf32, #tpu.memory_space<vmem>>, vector<1x16xf32>,
        %get3A_711 = arith.index_cast %select_n3A_578 : i32 to index
        %get3A_712 = arith.constant 192 : index
        %get3A_713 = tpu.vector_load %arg19[%get3A_711, %get3A_712] {strides = array<i32>} : memref<328x256xf32, #tpu.memory_space<vmem>>, vector<1x16xf32>,
        %get3A_714 = vector.shape_cast %get3A_713 : vector<1x16xf32> to vector<16xf32>
        %mul3A_715 = arith.mulf %get3A_444, %exp3A : vector<16xf32>
        %add3A_716 = arith.addf %get3A_714, %mul3A_715 : vector<16xf32>
        %swap3A_717 = arith.index_cast %select_n3A_578 : i32 to index
        %swap3A_718 = arith.constant 192 : index
        %swap3A_719 = tpu.vector_load %arg19[%swap3A_717, %swap3A_718] {strides = array<i32>} : memref<328x256xf32, #tpu.memory_space<vmem>>, vector<1x16xf32>,
        %swap3A_720 = vector.shape_cast %swap3A_719 : vector<1x16xf32> to vector<16xf32>
        %swap3A_721 = vector.shape_cast %add3A_716 : vector<16xf32> to vector<1x16xf32>
        tpu.vector_store %arg19[%swap3A_717, %swap3A_718], %swap3A_721 {strides = array<i32>} : memref<328x256xf32, #tpu.memory_space<vmem>>, vector<1x16xf32>,
        %get3A_722 = arith.index_cast %select_n3A_578 : i32 to index
        %get3A_723 = arith.constant 208 : index
        %get3A_724 = tpu.vector_load %arg19[%get3A_722, %get3A_723] {strides = array<i32>} : memref<328x256xf32, #tpu.memory_space<vmem>>, vector<1x16xf32>,
        %get3A_725 = vector.shape_cast %get3A_724 : vector<1x16xf32> to vector<16xf32>
        %mul3A_726 = arith.mulf %get3A_462, %exp3A : vector<16xf32>
        %add3A_727 = arith.addf %get3A_725, %mul3A_726 : vector<16xf32>
        %swap3A_728 = arith.index_cast %select_n3A_578 : i32 to index
        %swap3A_729 = arith.constant 208 : index
        %swap3A_730 = tpu.vector_load %arg19[%swap3A_728, %swap3A_729] {strides = array<i32>} : memref<328x256xf32, #tpu.memory_space<vmem>>, vector<1x16xf32>,
        %swap3A_731 = vector.shape_cast %swap3A_730 : vector<1x16xf32> to vector<16xf32>
        %swap3A_732 = vector.shape_cast %add3A_727 : vector<16xf32> to vector<1x16xf32>
        tpu.vector_store %arg19[%swap3A_728, %swap3A_729], %swap3A_732 {strides = array<i32>} : memref<328x256xf32, #tpu.memory_space<vmem>>, vector<1x16xf32>,
        %get3A_733 = arith.index_cast %select_n3A_578 : i32 to index
        %get3A_734 = arith.constant 224 : index
        %get3A_735 = tpu.vector_load %arg19[%get3A_733, %get3A_734] {strides = array<i32>} : memref<328x256xf32, #tpu.memory_space<vmem>>, vector<1x16xf32>,
        %get3A_736 = vector.shape_cast %get3A_735 : vector<1x16xf32> to vector<16xf32>
        %mul3A_737 = arith.mulf %get3A_480, %exp3A : vector<16xf32>
        %add3A_738 = arith.addf %get3A_736, %mul3A_737 : vector<16xf32>
        %swap3A_739 = arith.index_cast %select_n3A_578 : i32 to index
        %swap3A_740 = arith.constant 224 : index
        %swap3A_741 = tpu.vector_load %arg19[%swap3A_739, %swap3A_740] {strides = array<i32>} : memref<328x256xf32, #tpu.memory_space<vmem>>, vector<1x16xf32>,
        %swap3A_742 = vector.shape_cast %swap3A_741 : vector<1x16xf32> to vector<16xf32>
        %swap3A_743 = vector.shape_cast %add3A_738 : vector<16xf32> to vector<1x16xf32>
        tpu.vector_store %arg19[%swap3A_739, %swap3A_740], %swap3A_743 {strides = array<i32>} : memref<328x256xf32, #tpu.memory_space<vmem>>, vector<1x16xf32>,
        %get3A_744 = arith.index_cast %select_n3A_578 : i32 to index
        %get3A_745 = arith.constant 240 : index
        %get3A_746 = tpu.vector_load %arg19[%get3A_744, %get3A_745] {strides = array<i32>} : memref<328x256xf32, #tpu.memory_space<vmem>>, vector<1x16xf32>,
        %get3A_747 = vector.shape_cast %get3A_746 : vector<1x16xf32> to vector<16xf32>
        %mul3A_748 = arith.mulf %get3A_498, %exp3A : vector<16xf32>
        %add3A_749 = arith.addf %get3A_747, %mul3A_748 : vector<16xf32>
        %swap3A_750 = arith.index_cast %select_n3A_578 : i32 to index
        %swap3A_751 = arith.constant 240 : index
        %swap3A_752 = tpu.vector_load %arg19[%swap3A_750, %swap3A_751] {strides = array<i32>} : memref<328x256xf32, #tpu.memory_space<vmem>>, vector<1x16xf32>,
        %swap3A_753 = vector.shape_cast %swap3A_752 : vector<1x16xf32> to vector<16xf32>
        %swap3A_754 = vector.shape_cast %add3A_749 : vector<16xf32> to vector<1x16xf32>
        tpu.vector_store %arg19[%swap3A_750, %swap3A_751], %swap3A_754 {strides = array<i32>} : memref<328x256xf32, #tpu.memory_space<vmem>>, vector<1x16xf32>,
        %get3A_755 = arith.index_cast %select_n3A_578 : i32 to index
        %get3A_756 = tpu.vector_load %arg20[%get3A_755] {strides = array<i32>} : memref<352xf32, #tpu.memory_space<vmem>>, vector<16xf32>,
        %get3A_757 = vector.shape_cast %get3A_756 : vector<16xf32> to vector<16xf32>
        %jit3A_758 = arith.constant 0.000000e+00 : f32
        %broadcast_in_dim3A_759 = vector.broadcast %jit3A_758 : f32 to vector<16xf32>
        %select_n3A_760 = arith.select %eq3A_185, %exp3A, %broadcast_in_dim3A_759 : vector<16xi1>, vector<16xf32>
        %add3A_761 = arith.addf %get3A_757, %select_n3A_760 : vector<16xf32>
        %swap3A_762 = arith.index_cast %select_n3A_578 : i32 to index
        %swap3A_763 = tpu.vector_load %arg20[%swap3A_762] {strides = array<i32>} : memref<352xf32, #tpu.memory_space<vmem>>, vector<16xf32>,
        %swap3A_764 = vector.shape_cast %swap3A_763 : vector<16xf32> to vector<16xf32>
        %swap3A_765 = vector.shape_cast %add3A_761 : vector<16xf32> to vector<16xf32>
        tpu.vector_store %arg20[%swap3A_762], %swap3A_765 {strides = array<i32>} : memref<352xf32, #tpu.memory_space<vmem>>, vector<16xf32>,
      }
      %scan3A_222 = arith.constant 64 : i32
    }
    %while3A_195 = arith.constant 1 : i32
    scf.for %while3A_203 = %while3A_193 to %while3A_189 step %while3A_195  : i32 {
      %mul3A_204 = arith.constant 64 : i32
      %mul3A_205 = arith.muli %while3A_203, %mul3A_204 : i32
      %add3A_206 = arith.addi %multiple_of3A, %mul3A_205 : i32
      %multiple_of3A_207 = tpu.assume_multiple %add3A_206, 64 : i32
      "tpu.region"() ({
        %run_scoped3A = tpu.sem_alloc : memref<!tpu.dma_semaphore, #tpu.memory_space<semaphore_mem>>
        %dma_start3A_223 = tpu.memref_slice %arg5[%multiple_of3A_207] : memref<170048xi32, #tpu.memory_space<hbm>> -> memref<64xi32, #tpu.memory_space<hbm>>
        %dma_start3A_224 = tpu.memref_slice %arg5[%multiple_of3A_207] : memref<170048xi32, #tpu.memory_space<hbm>> -> memref<64xi32, #tpu.memory_space<hbm>>
        tpu.enqueue_dma source(%dma_start3A_224 : memref<64xi32, #tpu.memory_space<hbm>>) target(%arg14 : memref<64xi32, #tpu.memory_space<vmem>>) target_semaphore(%run_scoped3A : memref<!tpu.dma_semaphore, #tpu.memory_space<semaphore_mem>>)
        %dma_wait3A_225 = tpu.memref_slice %arg5[%multiple_of3A_207] : memref<170048xi32, #tpu.memory_space<hbm>> -> memref<64xi32, #tpu.memory_space<hbm>>
        %dma_wait3A_226 = tpu.memref_slice %arg5[%multiple_of3A_207] : memref<170048xi32, #tpu.memory_space<hbm>> -> memref<64xi32, #tpu.memory_space<hbm>>
        tpu.wait_dma2 semaphore(%run_scoped3A : memref<!tpu.dma_semaphore, #tpu.memory_space<semaphore_mem>>) src(%dma_wait3A_226 : memref<64xi32, #tpu.memory_space<hbm>>) dst(%arg14 : memref<64xi32, #tpu.memory_space<vmem>>)
        tpu.yield
      }) : () -> ()
      "tpu.region"() ({
        %run_scoped3A = tpu.sem_alloc : memref<!tpu.dma_semaphore, #tpu.memory_space<semaphore_mem>>
        %dma_start3A_223 = tpu.memref_slice %arg6[%multiple_of3A_207] : memref<170048xi32, #tpu.memory_space<hbm>> -> memref<64xi32, #tpu.memory_space<hbm>>
        %dma_start3A_224 = tpu.memref_slice %arg6[%multiple_of3A_207] : memref<170048xi32, #tpu.memory_space<hbm>> -> memref<64xi32, #tpu.memory_space<hbm>>
        tpu.enqueue_dma source(%dma_start3A_224 : memref<64xi32, #tpu.memory_space<hbm>>) target(%arg15 : memref<64xi32, #tpu.memory_space<vmem>>) target_semaphore(%run_scoped3A : memref<!tpu.dma_semaphore, #tpu.memory_space<semaphore_mem>>)
        %dma_wait3A_225 = tpu.memref_slice %arg6[%multiple_of3A_207] : memref<170048xi32, #tpu.memory_space<hbm>> -> memref<64xi32, #tpu.memory_space<hbm>>
        %dma_wait3A_226 = tpu.memref_slice %arg6[%multiple_of3A_207] : memref<170048xi32, #tpu.memory_space<hbm>> -> memref<64xi32, #tpu.memory_space<hbm>>
        tpu.wait_dma2 semaphore(%run_scoped3A : memref<!tpu.dma_semaphore, #tpu.memory_space<semaphore_mem>>) src(%dma_wait3A_226 : memref<64xi32, #tpu.memory_space<hbm>>) dst(%arg15 : memref<64xi32, #tpu.memory_space<vmem>>)
        tpu.yield
      }) : () -> ()
      "tpu.region"() ({
        %run_scoped3A = tpu.sem_alloc : memref<!tpu.dma_semaphore, #tpu.memory_space<semaphore_mem>>
        %dma_start3A_223 = arith.constant 0 : i32
        %dma_start3A_224 = tpu.memref_slice %arg16[%dma_start3A_223] : memref<80xi32, #tpu.memory_space<vmem>> -> memref<64xi32, #tpu.memory_space<vmem>>
        %dma_start3A_225 = tpu.memref_slice %arg7[%multiple_of3A_207] : memref<170048xi32, #tpu.memory_space<hbm>> -> memref<64xi32, #tpu.memory_space<hbm>>
        %dma_start3A_226 = arith.constant 0 : i32
        %dma_start3A_227 = tpu.memref_slice %arg16[%dma_start3A_226] : memref<80xi32, #tpu.memory_space<vmem>> -> memref<64xi32, #tpu.memory_space<vmem>>
        %dma_start3A_228 = tpu.memref_slice %arg7[%multiple_of3A_207] : memref<170048xi32, #tpu.memory_space<hbm>> -> memref<64xi32, #tpu.memory_space<hbm>>
        tpu.enqueue_dma source(%dma_start3A_228 : memref<64xi32, #tpu.memory_space<hbm>>) target(%dma_start3A_227 : memref<64xi32, #tpu.memory_space<vmem>>) target_semaphore(%run_scoped3A : memref<!tpu.dma_semaphore, #tpu.memory_space<semaphore_mem>>)
        %dma_wait3A_229 = arith.constant 0 : i32
        %dma_wait3A_230 = tpu.memref_slice %arg16[%dma_wait3A_229] : memref<80xi32, #tpu.memory_space<vmem>> -> memref<64xi32, #tpu.memory_space<vmem>>
        %dma_wait3A_231 = tpu.memref_slice %arg7[%multiple_of3A_207] : memref<170048xi32, #tpu.memory_space<hbm>> -> memref<64xi32, #tpu.memory_space<hbm>>
        %dma_wait3A_232 = arith.constant 0 : i32
        %dma_wait3A_233 = tpu.memref_slice %arg16[%dma_wait3A_232] : memref<80xi32, #tpu.memory_space<vmem>> -> memref<64xi32, #tpu.memory_space<vmem>>
        %dma_wait3A_234 = tpu.memref_slice %arg7[%multiple_of3A_207] : memref<170048xi32, #tpu.memory_space<hbm>> -> memref<64xi32, #tpu.memory_space<hbm>>
        tpu.wait_dma2 semaphore(%run_scoped3A : memref<!tpu.dma_semaphore, #tpu.memory_space<semaphore_mem>>) src(%dma_wait3A_234 : memref<64xi32, #tpu.memory_space<hbm>>) dst(%dma_wait3A_233 : memref<64xi32, #tpu.memory_space<vmem>>)
        tpu.yield
      }) : () -> ()
      %dma_start3A = arith.constant 0 : i32
      %dma_start3A_208 = arith.constant 0 : i32
      %dma_start3A_209 = tpu.memref_slice %arg2[%dma_start3A, %dma_start3A_208] : memref<10000x256xf32, #tpu.memory_space<hbm>> -> memref<10000x256xf32, #tpu.memory_space<hbm>>
      tpu.enqueue_indirect_dma source(%dma_start3A_209 : memref<10000x256xf32, #tpu.memory_space<hbm>>) target(%arg17 : memref<64x256xf32, #tpu.memory_space<vmem>>) offsets(%arg14 : memref<64xi32, #tpu.memory_space<vmem>>) semaphore(%arg21 : memref<!tpu.dma_semaphore, #tpu.memory_space<semaphore_mem>>)
      %dma_start3A_210 = arith.constant 0 : i32
      %dma_start3A_211 = arith.constant 0 : i32
      %dma_start3A_212 = tpu.memref_slice %arg3[%dma_start3A_210, %dma_start3A_211] : memref<10000x256xf32, #tpu.memory_space<hbm>> -> memref<10000x256xf32, #tpu.memory_space<hbm>>
      tpu.enqueue_indirect_dma source(%dma_start3A_212 : memref<10000x256xf32, #tpu.memory_space<hbm>>) target(%arg18 : memref<64x256xf32, #tpu.memory_space<vmem>>) offsets(%arg15 : memref<64xi32, #tpu.memory_space<vmem>>) semaphore(%arg22 : memref<!tpu.dma_semaphore, #tpu.memory_space<semaphore_mem>>)
      %dma_wait3A = arith.constant 0 : i32
      %dma_wait3A_213 = arith.constant 0 : i32
      %dma_wait3A_214 = tpu.memref_slice %arg2[%dma_wait3A, %dma_wait3A_213] : memref<10000x256xf32, #tpu.memory_space<hbm>> -> memref<10000x256xf32, #tpu.memory_space<hbm>>
      tpu.wait_indirect_dma semaphore(%arg21 : memref<!tpu.dma_semaphore, #tpu.memory_space<semaphore_mem>>) src(%dma_wait3A_214 : memref<10000x256xf32, #tpu.memory_space<hbm>>) dst(%arg17 : memref<64x256xf32, #tpu.memory_space<vmem>>)
      %dma_wait3A_215 = arith.constant 0 : i32
      %dma_wait3A_216 = arith.constant 0 : i32
      %dma_wait3A_217 = tpu.memref_slice %arg3[%dma_wait3A_215, %dma_wait3A_216] : memref<10000x256xf32, #tpu.memory_space<hbm>> -> memref<10000x256xf32, #tpu.memory_space<hbm>>
      tpu.wait_indirect_dma semaphore(%arg22 : memref<!tpu.dma_semaphore, #tpu.memory_space<semaphore_mem>>) src(%dma_wait3A_217 : memref<10000x256xf32, #tpu.memory_space<hbm>>) dst(%arg18 : memref<64x256xf32, #tpu.memory_space<vmem>>)
      %scan3A = arith.constant 0 : i32
      %scan3A_218 = arith.constant 0 : i32
      %scan3A_219 = arith.constant 64 : i32
      %scan3A_220 = arith.addi %scan3A_218, %scan3A_219 : i32
      %scan3A_221 = arith.constant 1 : i32
      scf.for %scan3A_223 = %scan3A_218 to %scan3A_220 step %scan3A_221  : i32 {
        %broadcast_in_dim3A_224 = arith.constant 0.000000e+00 : f32
        %broadcast_in_dim3A_225 = vector.broadcast %broadcast_in_dim3A_224 : f32 to vector<16xf32>
        %get3A_226 = arith.index_cast %scan3A_223 : i32 to index
        %get3A_227 = arith.constant 0 : index
        %get3A_228 = tpu.vector_load %arg17[%get3A_226, %get3A_227] {strides = array<i32>} : memref<64x256xf32, #tpu.memory_space<vmem>>, vector<1x16xf32>,
        %get3A_229 = vector.shape_cast %get3A_228 : vector<1x16xf32> to vector<16xf32>
        %get3A_230 = arith.index_cast %scan3A_223 : i32 to index
        %get3A_231 = arith.constant 0 : index
        %get3A_232 = tpu.vector_load %arg18[%get3A_230, %get3A_231] {strides = array<i32>} : memref<64x256xf32, #tpu.memory_space<vmem>>, vector<1x16xf32>,
        %get3A_233 = vector.shape_cast %get3A_232 : vector<1x16xf32> to vector<16xf32>
        %add3A_234 = arith.addf %get3A_229, %get3A_233 : vector<16xf32>
        %mul3A_235 = arith.constant 2.000000e-01 : f32
        %mul3A_236 = vector.broadcast %mul3A_235 : f32 to vector<16xf32>
        %mul3A_237 = arith.mulf %mul3A_236, %add3A_234 : vector<16xf32>
        %max3A = arith.maximumf %add3A_234, %mul3A_237 : vector<16xf32>
        %get3A_238 = arith.constant 0 : index
        %get3A_239 = tpu.vector_load %arg12[%get3A_238] {strides = array<i32>} : memref<256xf32, #tpu.memory_space<vmem>>, vector<16xf32>,
        %get3A_240 = vector.shape_cast %get3A_239 : vector<16xf32> to vector<16xf32>
        %mul3A_241 = arith.mulf %max3A, %get3A_240 : vector<16xf32>
        %add3A_242 = arith.addf %broadcast_in_dim3A_225, %mul3A_241 : vector<16xf32>
        %get3A_243 = arith.index_cast %scan3A_223 : i32 to index
        %get3A_244 = arith.constant 16 : index
        %get3A_245 = tpu.vector_load %arg17[%get3A_243, %get3A_244] {strides = array<i32>} : memref<64x256xf32, #tpu.memory_space<vmem>>, vector<1x16xf32>,
        %get3A_246 = vector.shape_cast %get3A_245 : vector<1x16xf32> to vector<16xf32>
        %get3A_247 = arith.index_cast %scan3A_223 : i32 to index
        %get3A_248 = arith.constant 16 : index
        %get3A_249 = tpu.vector_load %arg18[%get3A_247, %get3A_248] {strides = array<i32>} : memref<64x256xf32, #tpu.memory_space<vmem>>, vector<1x16xf32>,
        %get3A_250 = vector.shape_cast %get3A_249 : vector<1x16xf32> to vector<16xf32>
        %add3A_251 = arith.addf %get3A_246, %get3A_250 : vector<16xf32>
        %mul3A_252 = arith.constant 2.000000e-01 : f32
        %mul3A_253 = vector.broadcast %mul3A_252 : f32 to vector<16xf32>
        %mul3A_254 = arith.mulf %mul3A_253, %add3A_251 : vector<16xf32>
        %max3A_255 = arith.maximumf %add3A_251, %mul3A_254 : vector<16xf32>
        %get3A_256 = arith.constant 16 : index
        %get3A_257 = tpu.vector_load %arg12[%get3A_256] {strides = array<i32>} : memref<256xf32, #tpu.memory_space<vmem>>, vector<16xf32>,
        %get3A_258 = vector.shape_cast %get3A_257 : vector<16xf32> to vector<16xf32>
        %mul3A_259 = arith.mulf %max3A_255, %get3A_258 : vector<16xf32>
        %add3A_260 = arith.addf %add3A_242, %mul3A_259 : vector<16xf32>
        %get3A_261 = arith.index_cast %scan3A_223 : i32 to index
        %get3A_262 = arith.constant 32 : index
        %get3A_263 = tpu.vector_load %arg17[%get3A_261, %get3A_262] {strides = array<i32>} : memref<64x256xf32, #tpu.memory_space<vmem>>, vector<1x16xf32>,
        %get3A_264 = vector.shape_cast %get3A_263 : vector<1x16xf32> to vector<16xf32>
        %get3A_265 = arith.index_cast %scan3A_223 : i32 to index
        %get3A_266 = arith.constant 32 : index
        %get3A_267 = tpu.vector_load %arg18[%get3A_265, %get3A_266] {strides = array<i32>} : memref<64x256xf32, #tpu.memory_space<vmem>>, vector<1x16xf32>,
        %get3A_268 = vector.shape_cast %get3A_267 : vector<1x16xf32> to vector<16xf32>
        %add3A_269 = arith.addf %get3A_264, %get3A_268 : vector<16xf32>
        %mul3A_270 = arith.constant 2.000000e-01 : f32
        %mul3A_271 = vector.broadcast %mul3A_270 : f32 to vector<16xf32>
        %mul3A_272 = arith.mulf %mul3A_271, %add3A_269 : vector<16xf32>
        %max3A_273 = arith.maximumf %add3A_269, %mul3A_272 : vector<16xf32>
        %get3A_274 = arith.constant 32 : index
        %get3A_275 = tpu.vector_load %arg12[%get3A_274] {strides = array<i32>} : memref<256xf32, #tpu.memory_space<vmem>>, vector<16xf32>,
        %get3A_276 = vector.shape_cast %get3A_275 : vector<16xf32> to vector<16xf32>
        %mul3A_277 = arith.mulf %max3A_273, %get3A_276 : vector<16xf32>
        %add3A_278 = arith.addf %add3A_260, %mul3A_277 : vector<16xf32>
        %get3A_279 = arith.index_cast %scan3A_223 : i32 to index
        %get3A_280 = arith.constant 48 : index
        %get3A_281 = tpu.vector_load %arg17[%get3A_279, %get3A_280] {strides = array<i32>} : memref<64x256xf32, #tpu.memory_space<vmem>>, vector<1x16xf32>,
        %get3A_282 = vector.shape_cast %get3A_281 : vector<1x16xf32> to vector<16xf32>
        %get3A_283 = arith.index_cast %scan3A_223 : i32 to index
        %get3A_284 = arith.constant 48 : index
        %get3A_285 = tpu.vector_load %arg18[%get3A_283, %get3A_284] {strides = array<i32>} : memref<64x256xf32, #tpu.memory_space<vmem>>, vector<1x16xf32>,
        %get3A_286 = vector.shape_cast %get3A_285 : vector<1x16xf32> to vector<16xf32>
        %add3A_287 = arith.addf %get3A_282, %get3A_286 : vector<16xf32>
        %mul3A_288 = arith.constant 2.000000e-01 : f32
        %mul3A_289 = vector.broadcast %mul3A_288 : f32 to vector<16xf32>
        %mul3A_290 = arith.mulf %mul3A_289, %add3A_287 : vector<16xf32>
        %max3A_291 = arith.maximumf %add3A_287, %mul3A_290 : vector<16xf32>
        %get3A_292 = arith.constant 48 : index
        %get3A_293 = tpu.vector_load %arg12[%get3A_292] {strides = array<i32>} : memref<256xf32, #tpu.memory_space<vmem>>, vector<16xf32>,
        %get3A_294 = vector.shape_cast %get3A_293 : vector<16xf32> to vector<16xf32>
        %mul3A_295 = arith.mulf %max3A_291, %get3A_294 : vector<16xf32>
        %add3A_296 = arith.addf %add3A_278, %mul3A_295 : vector<16xf32>
        %get3A_297 = arith.index_cast %scan3A_223 : i32 to index
        %get3A_298 = arith.constant 64 : index
        %get3A_299 = tpu.vector_load %arg17[%get3A_297, %get3A_298] {strides = array<i32>} : memref<64x256xf32, #tpu.memory_space<vmem>>, vector<1x16xf32>,
        %get3A_300 = vector.shape_cast %get3A_299 : vector<1x16xf32> to vector<16xf32>
        %get3A_301 = arith.index_cast %scan3A_223 : i32 to index
        %get3A_302 = arith.constant 64 : index
        %get3A_303 = tpu.vector_load %arg18[%get3A_301, %get3A_302] {strides = array<i32>} : memref<64x256xf32, #tpu.memory_space<vmem>>, vector<1x16xf32>,
        %get3A_304 = vector.shape_cast %get3A_303 : vector<1x16xf32> to vector<16xf32>
        %add3A_305 = arith.addf %get3A_300, %get3A_304 : vector<16xf32>
        %mul3A_306 = arith.constant 2.000000e-01 : f32
        %mul3A_307 = vector.broadcast %mul3A_306 : f32 to vector<16xf32>
        %mul3A_308 = arith.mulf %mul3A_307, %add3A_305 : vector<16xf32>
        %max3A_309 = arith.maximumf %add3A_305, %mul3A_308 : vector<16xf32>
        %get3A_310 = arith.constant 64 : index
        %get3A_311 = tpu.vector_load %arg12[%get3A_310] {strides = array<i32>} : memref<256xf32, #tpu.memory_space<vmem>>, vector<16xf32>,
        %get3A_312 = vector.shape_cast %get3A_311 : vector<16xf32> to vector<16xf32>
        %mul3A_313 = arith.mulf %max3A_309, %get3A_312 : vector<16xf32>
        %add3A_314 = arith.addf %add3A_296, %mul3A_313 : vector<16xf32>
        %get3A_315 = arith.index_cast %scan3A_223 : i32 to index
        %get3A_316 = arith.constant 80 : index
        %get3A_317 = tpu.vector_load %arg17[%get3A_315, %get3A_316] {strides = array<i32>} : memref<64x256xf32, #tpu.memory_space<vmem>>, vector<1x16xf32>,
        %get3A_318 = vector.shape_cast %get3A_317 : vector<1x16xf32> to vector<16xf32>
        %get3A_319 = arith.index_cast %scan3A_223 : i32 to index
        %get3A_320 = arith.constant 80 : index
        %get3A_321 = tpu.vector_load %arg18[%get3A_319, %get3A_320] {strides = array<i32>} : memref<64x256xf32, #tpu.memory_space<vmem>>, vector<1x16xf32>,
        %get3A_322 = vector.shape_cast %get3A_321 : vector<1x16xf32> to vector<16xf32>
        %add3A_323 = arith.addf %get3A_318, %get3A_322 : vector<16xf32>
        %mul3A_324 = arith.constant 2.000000e-01 : f32
        %mul3A_325 = vector.broadcast %mul3A_324 : f32 to vector<16xf32>
        %mul3A_326 = arith.mulf %mul3A_325, %add3A_323 : vector<16xf32>
        %max3A_327 = arith.maximumf %add3A_323, %mul3A_326 : vector<16xf32>
        %get3A_328 = arith.constant 80 : index
        %get3A_329 = tpu.vector_load %arg12[%get3A_328] {strides = array<i32>} : memref<256xf32, #tpu.memory_space<vmem>>, vector<16xf32>,
        %get3A_330 = vector.shape_cast %get3A_329 : vector<16xf32> to vector<16xf32>
        %mul3A_331 = arith.mulf %max3A_327, %get3A_330 : vector<16xf32>
        %add3A_332 = arith.addf %add3A_314, %mul3A_331 : vector<16xf32>
        %get3A_333 = arith.index_cast %scan3A_223 : i32 to index
        %get3A_334 = arith.constant 96 : index
        %get3A_335 = tpu.vector_load %arg17[%get3A_333, %get3A_334] {strides = array<i32>} : memref<64x256xf32, #tpu.memory_space<vmem>>, vector<1x16xf32>,
        %get3A_336 = vector.shape_cast %get3A_335 : vector<1x16xf32> to vector<16xf32>
        %get3A_337 = arith.index_cast %scan3A_223 : i32 to index
        %get3A_338 = arith.constant 96 : index
        %get3A_339 = tpu.vector_load %arg18[%get3A_337, %get3A_338] {strides = array<i32>} : memref<64x256xf32, #tpu.memory_space<vmem>>, vector<1x16xf32>,
        %get3A_340 = vector.shape_cast %get3A_339 : vector<1x16xf32> to vector<16xf32>
        %add3A_341 = arith.addf %get3A_336, %get3A_340 : vector<16xf32>
        %mul3A_342 = arith.constant 2.000000e-01 : f32
        %mul3A_343 = vector.broadcast %mul3A_342 : f32 to vector<16xf32>
        %mul3A_344 = arith.mulf %mul3A_343, %add3A_341 : vector<16xf32>
        %max3A_345 = arith.maximumf %add3A_341, %mul3A_344 : vector<16xf32>
        %get3A_346 = arith.constant 96 : index
        %get3A_347 = tpu.vector_load %arg12[%get3A_346] {strides = array<i32>} : memref<256xf32, #tpu.memory_space<vmem>>, vector<16xf32>,
        %get3A_348 = vector.shape_cast %get3A_347 : vector<16xf32> to vector<16xf32>
        %mul3A_349 = arith.mulf %max3A_345, %get3A_348 : vector<16xf32>
        %add3A_350 = arith.addf %add3A_332, %mul3A_349 : vector<16xf32>
        %get3A_351 = arith.index_cast %scan3A_223 : i32 to index
        %get3A_352 = arith.constant 112 : index
        %get3A_353 = tpu.vector_load %arg17[%get3A_351, %get3A_352] {strides = array<i32>} : memref<64x256xf32, #tpu.memory_space<vmem>>, vector<1x16xf32>,
        %get3A_354 = vector.shape_cast %get3A_353 : vector<1x16xf32> to vector<16xf32>
        %get3A_355 = arith.index_cast %scan3A_223 : i32 to index
        %get3A_356 = arith.constant 112 : index
        %get3A_357 = tpu.vector_load %arg18[%get3A_355, %get3A_356] {strides = array<i32>} : memref<64x256xf32, #tpu.memory_space<vmem>>, vector<1x16xf32>,
        %get3A_358 = vector.shape_cast %get3A_357 : vector<1x16xf32> to vector<16xf32>
        %add3A_359 = arith.addf %get3A_354, %get3A_358 : vector<16xf32>
        %mul3A_360 = arith.constant 2.000000e-01 : f32
        %mul3A_361 = vector.broadcast %mul3A_360 : f32 to vector<16xf32>
        %mul3A_362 = arith.mulf %mul3A_361, %add3A_359 : vector<16xf32>
        %max3A_363 = arith.maximumf %add3A_359, %mul3A_362 : vector<16xf32>
        %get3A_364 = arith.constant 112 : index
        %get3A_365 = tpu.vector_load %arg12[%get3A_364] {strides = array<i32>} : memref<256xf32, #tpu.memory_space<vmem>>, vector<16xf32>,
        %get3A_366 = vector.shape_cast %get3A_365 : vector<16xf32> to vector<16xf32>
        %mul3A_367 = arith.mulf %max3A_363, %get3A_366 : vector<16xf32>
        %add3A_368 = arith.addf %add3A_350, %mul3A_367 : vector<16xf32>
        %get3A_369 = arith.index_cast %scan3A_223 : i32 to index
        %get3A_370 = arith.constant 128 : index
        %get3A_371 = tpu.vector_load %arg17[%get3A_369, %get3A_370] {strides = array<i32>} : memref<64x256xf32, #tpu.memory_space<vmem>>, vector<1x16xf32>,
        %get3A_372 = vector.shape_cast %get3A_371 : vector<1x16xf32> to vector<16xf32>
        %get3A_373 = arith.index_cast %scan3A_223 : i32 to index
        %get3A_374 = arith.constant 128 : index
        %get3A_375 = tpu.vector_load %arg18[%get3A_373, %get3A_374] {strides = array<i32>} : memref<64x256xf32, #tpu.memory_space<vmem>>, vector<1x16xf32>,
        %get3A_376 = vector.shape_cast %get3A_375 : vector<1x16xf32> to vector<16xf32>
        %add3A_377 = arith.addf %get3A_372, %get3A_376 : vector<16xf32>
        %mul3A_378 = arith.constant 2.000000e-01 : f32
        %mul3A_379 = vector.broadcast %mul3A_378 : f32 to vector<16xf32>
        %mul3A_380 = arith.mulf %mul3A_379, %add3A_377 : vector<16xf32>
        %max3A_381 = arith.maximumf %add3A_377, %mul3A_380 : vector<16xf32>
        %get3A_382 = arith.constant 128 : index
        %get3A_383 = tpu.vector_load %arg12[%get3A_382] {strides = array<i32>} : memref<256xf32, #tpu.memory_space<vmem>>, vector<16xf32>,
        %get3A_384 = vector.shape_cast %get3A_383 : vector<16xf32> to vector<16xf32>
        %mul3A_385 = arith.mulf %max3A_381, %get3A_384 : vector<16xf32>
        %add3A_386 = arith.addf %add3A_368, %mul3A_385 : vector<16xf32>
        %get3A_387 = arith.index_cast %scan3A_223 : i32 to index
        %get3A_388 = arith.constant 144 : index
        %get3A_389 = tpu.vector_load %arg17[%get3A_387, %get3A_388] {strides = array<i32>} : memref<64x256xf32, #tpu.memory_space<vmem>>, vector<1x16xf32>,
        %get3A_390 = vector.shape_cast %get3A_389 : vector<1x16xf32> to vector<16xf32>
        %get3A_391 = arith.index_cast %scan3A_223 : i32 to index
        %get3A_392 = arith.constant 144 : index
        %get3A_393 = tpu.vector_load %arg18[%get3A_391, %get3A_392] {strides = array<i32>} : memref<64x256xf32, #tpu.memory_space<vmem>>, vector<1x16xf32>,
        %get3A_394 = vector.shape_cast %get3A_393 : vector<1x16xf32> to vector<16xf32>
        %add3A_395 = arith.addf %get3A_390, %get3A_394 : vector<16xf32>
        %mul3A_396 = arith.constant 2.000000e-01 : f32
        %mul3A_397 = vector.broadcast %mul3A_396 : f32 to vector<16xf32>
        %mul3A_398 = arith.mulf %mul3A_397, %add3A_395 : vector<16xf32>
        %max3A_399 = arith.maximumf %add3A_395, %mul3A_398 : vector<16xf32>
        %get3A_400 = arith.constant 144 : index
        %get3A_401 = tpu.vector_load %arg12[%get3A_400] {strides = array<i32>} : memref<256xf32, #tpu.memory_space<vmem>>, vector<16xf32>,
        %get3A_402 = vector.shape_cast %get3A_401 : vector<16xf32> to vector<16xf32>
        %mul3A_403 = arith.mulf %max3A_399, %get3A_402 : vector<16xf32>
        %add3A_404 = arith.addf %add3A_386, %mul3A_403 : vector<16xf32>
        %get3A_405 = arith.index_cast %scan3A_223 : i32 to index
        %get3A_406 = arith.constant 160 : index
        %get3A_407 = tpu.vector_load %arg17[%get3A_405, %get3A_406] {strides = array<i32>} : memref<64x256xf32, #tpu.memory_space<vmem>>, vector<1x16xf32>,
        %get3A_408 = vector.shape_cast %get3A_407 : vector<1x16xf32> to vector<16xf32>
        %get3A_409 = arith.index_cast %scan3A_223 : i32 to index
        %get3A_410 = arith.constant 160 : index
        %get3A_411 = tpu.vector_load %arg18[%get3A_409, %get3A_410] {strides = array<i32>} : memref<64x256xf32, #tpu.memory_space<vmem>>, vector<1x16xf32>,
        %get3A_412 = vector.shape_cast %get3A_411 : vector<1x16xf32> to vector<16xf32>
        %add3A_413 = arith.addf %get3A_408, %get3A_412 : vector<16xf32>
        %mul3A_414 = arith.constant 2.000000e-01 : f32
        %mul3A_415 = vector.broadcast %mul3A_414 : f32 to vector<16xf32>
        %mul3A_416 = arith.mulf %mul3A_415, %add3A_413 : vector<16xf32>
        %max3A_417 = arith.maximumf %add3A_413, %mul3A_416 : vector<16xf32>
        %get3A_418 = arith.constant 160 : index
        %get3A_419 = tpu.vector_load %arg12[%get3A_418] {strides = array<i32>} : memref<256xf32, #tpu.memory_space<vmem>>, vector<16xf32>,
        %get3A_420 = vector.shape_cast %get3A_419 : vector<16xf32> to vector<16xf32>
        %mul3A_421 = arith.mulf %max3A_417, %get3A_420 : vector<16xf32>
        %add3A_422 = arith.addf %add3A_404, %mul3A_421 : vector<16xf32>
        %get3A_423 = arith.index_cast %scan3A_223 : i32 to index
        %get3A_424 = arith.constant 176 : index
        %get3A_425 = tpu.vector_load %arg17[%get3A_423, %get3A_424] {strides = array<i32>} : memref<64x256xf32, #tpu.memory_space<vmem>>, vector<1x16xf32>,
        %get3A_426 = vector.shape_cast %get3A_425 : vector<1x16xf32> to vector<16xf32>
        %get3A_427 = arith.index_cast %scan3A_223 : i32 to index
        %get3A_428 = arith.constant 176 : index
        %get3A_429 = tpu.vector_load %arg18[%get3A_427, %get3A_428] {strides = array<i32>} : memref<64x256xf32, #tpu.memory_space<vmem>>, vector<1x16xf32>,
        %get3A_430 = vector.shape_cast %get3A_429 : vector<1x16xf32> to vector<16xf32>
        %add3A_431 = arith.addf %get3A_426, %get3A_430 : vector<16xf32>
        %mul3A_432 = arith.constant 2.000000e-01 : f32
        %mul3A_433 = vector.broadcast %mul3A_432 : f32 to vector<16xf32>
        %mul3A_434 = arith.mulf %mul3A_433, %add3A_431 : vector<16xf32>
        %max3A_435 = arith.maximumf %add3A_431, %mul3A_434 : vector<16xf32>
        %get3A_436 = arith.constant 176 : index
        %get3A_437 = tpu.vector_load %arg12[%get3A_436] {strides = array<i32>} : memref<256xf32, #tpu.memory_space<vmem>>, vector<16xf32>,
        %get3A_438 = vector.shape_cast %get3A_437 : vector<16xf32> to vector<16xf32>
        %mul3A_439 = arith.mulf %max3A_435, %get3A_438 : vector<16xf32>
        %add3A_440 = arith.addf %add3A_422, %mul3A_439 : vector<16xf32>
        %get3A_441 = arith.index_cast %scan3A_223 : i32 to index
        %get3A_442 = arith.constant 192 : index
        %get3A_443 = tpu.vector_load %arg17[%get3A_441, %get3A_442] {strides = array<i32>} : memref<64x256xf32, #tpu.memory_space<vmem>>, vector<1x16xf32>,
        %get3A_444 = vector.shape_cast %get3A_443 : vector<1x16xf32> to vector<16xf32>
        %get3A_445 = arith.index_cast %scan3A_223 : i32 to index
        %get3A_446 = arith.constant 192 : index
        %get3A_447 = tpu.vector_load %arg18[%get3A_445, %get3A_446] {strides = array<i32>} : memref<64x256xf32, #tpu.memory_space<vmem>>, vector<1x16xf32>,
        %get3A_448 = vector.shape_cast %get3A_447 : vector<1x16xf32> to vector<16xf32>
        %add3A_449 = arith.addf %get3A_444, %get3A_448 : vector<16xf32>
        %mul3A_450 = arith.constant 2.000000e-01 : f32
        %mul3A_451 = vector.broadcast %mul3A_450 : f32 to vector<16xf32>
        %mul3A_452 = arith.mulf %mul3A_451, %add3A_449 : vector<16xf32>
        %max3A_453 = arith.maximumf %add3A_449, %mul3A_452 : vector<16xf32>
        %get3A_454 = arith.constant 192 : index
        %get3A_455 = tpu.vector_load %arg12[%get3A_454] {strides = array<i32>} : memref<256xf32, #tpu.memory_space<vmem>>, vector<16xf32>,
        %get3A_456 = vector.shape_cast %get3A_455 : vector<16xf32> to vector<16xf32>
        %mul3A_457 = arith.mulf %max3A_453, %get3A_456 : vector<16xf32>
        %add3A_458 = arith.addf %add3A_440, %mul3A_457 : vector<16xf32>
        %get3A_459 = arith.index_cast %scan3A_223 : i32 to index
        %get3A_460 = arith.constant 208 : index
        %get3A_461 = tpu.vector_load %arg17[%get3A_459, %get3A_460] {strides = array<i32>} : memref<64x256xf32, #tpu.memory_space<vmem>>, vector<1x16xf32>,
        %get3A_462 = vector.shape_cast %get3A_461 : vector<1x16xf32> to vector<16xf32>
        %get3A_463 = arith.index_cast %scan3A_223 : i32 to index
        %get3A_464 = arith.constant 208 : index
        %get3A_465 = tpu.vector_load %arg18[%get3A_463, %get3A_464] {strides = array<i32>} : memref<64x256xf32, #tpu.memory_space<vmem>>, vector<1x16xf32>,
        %get3A_466 = vector.shape_cast %get3A_465 : vector<1x16xf32> to vector<16xf32>
        %add3A_467 = arith.addf %get3A_462, %get3A_466 : vector<16xf32>
        %mul3A_468 = arith.constant 2.000000e-01 : f32
        %mul3A_469 = vector.broadcast %mul3A_468 : f32 to vector<16xf32>
        %mul3A_470 = arith.mulf %mul3A_469, %add3A_467 : vector<16xf32>
        %max3A_471 = arith.maximumf %add3A_467, %mul3A_470 : vector<16xf32>
        %get3A_472 = arith.constant 208 : index
        %get3A_473 = tpu.vector_load %arg12[%get3A_472] {strides = array<i32>} : memref<256xf32, #tpu.memory_space<vmem>>, vector<16xf32>,
        %get3A_474 = vector.shape_cast %get3A_473 : vector<16xf32> to vector<16xf32>
        %mul3A_475 = arith.mulf %max3A_471, %get3A_474 : vector<16xf32>
        %add3A_476 = arith.addf %add3A_458, %mul3A_475 : vector<16xf32>
        %get3A_477 = arith.index_cast %scan3A_223 : i32 to index
        %get3A_478 = arith.constant 224 : index
        %get3A_479 = tpu.vector_load %arg17[%get3A_477, %get3A_478] {strides = array<i32>} : memref<64x256xf32, #tpu.memory_space<vmem>>, vector<1x16xf32>,
        %get3A_480 = vector.shape_cast %get3A_479 : vector<1x16xf32> to vector<16xf32>
        %get3A_481 = arith.index_cast %scan3A_223 : i32 to index
        %get3A_482 = arith.constant 224 : index
        %get3A_483 = tpu.vector_load %arg18[%get3A_481, %get3A_482] {strides = array<i32>} : memref<64x256xf32, #tpu.memory_space<vmem>>, vector<1x16xf32>,
        %get3A_484 = vector.shape_cast %get3A_483 : vector<1x16xf32> to vector<16xf32>
        %add3A_485 = arith.addf %get3A_480, %get3A_484 : vector<16xf32>
        %mul3A_486 = arith.constant 2.000000e-01 : f32
        %mul3A_487 = vector.broadcast %mul3A_486 : f32 to vector<16xf32>
        %mul3A_488 = arith.mulf %mul3A_487, %add3A_485 : vector<16xf32>
        %max3A_489 = arith.maximumf %add3A_485, %mul3A_488 : vector<16xf32>
        %get3A_490 = arith.constant 224 : index
        %get3A_491 = tpu.vector_load %arg12[%get3A_490] {strides = array<i32>} : memref<256xf32, #tpu.memory_space<vmem>>, vector<16xf32>,
        %get3A_492 = vector.shape_cast %get3A_491 : vector<16xf32> to vector<16xf32>
        %mul3A_493 = arith.mulf %max3A_489, %get3A_492 : vector<16xf32>
        %add3A_494 = arith.addf %add3A_476, %mul3A_493 : vector<16xf32>
        %get3A_495 = arith.index_cast %scan3A_223 : i32 to index
        %get3A_496 = arith.constant 240 : index
        %get3A_497 = tpu.vector_load %arg17[%get3A_495, %get3A_496] {strides = array<i32>} : memref<64x256xf32, #tpu.memory_space<vmem>>, vector<1x16xf32>,
        %get3A_498 = vector.shape_cast %get3A_497 : vector<1x16xf32> to vector<16xf32>
        %get3A_499 = arith.index_cast %scan3A_223 : i32 to index
        %get3A_500 = arith.constant 240 : index
        %get3A_501 = tpu.vector_load %arg18[%get3A_499, %get3A_500] {strides = array<i32>} : memref<64x256xf32, #tpu.memory_space<vmem>>, vector<1x16xf32>,
        %get3A_502 = vector.shape_cast %get3A_501 : vector<1x16xf32> to vector<16xf32>
        %add3A_503 = arith.addf %get3A_498, %get3A_502 : vector<16xf32>
        %mul3A_504 = arith.constant 2.000000e-01 : f32
        %mul3A_505 = vector.broadcast %mul3A_504 : f32 to vector<16xf32>
        %mul3A_506 = arith.mulf %mul3A_505, %add3A_503 : vector<16xf32>
        %max3A_507 = arith.maximumf %add3A_503, %mul3A_506 : vector<16xf32>
        %get3A_508 = arith.constant 240 : index
        %get3A_509 = tpu.vector_load %arg12[%get3A_508] {strides = array<i32>} : memref<256xf32, #tpu.memory_space<vmem>>, vector<16xf32>,
        %get3A_510 = vector.shape_cast %get3A_509 : vector<16xf32> to vector<16xf32>
        %mul3A_511 = arith.mulf %max3A_507, %get3A_510 : vector<16xf32>
        %add3A_512 = arith.addf %add3A_494, %mul3A_511 : vector<16xf32>
        %xor3A = arith.constant 1 : i32
        %xor3A_513 = vector.broadcast %xor3A : i32 to vector<16xi32>
        %xor3A_514 = arith.xori %iota3A_186, %xor3A_513 : vector<16xi32>
        %lt3A_515 = arith.constant 0 : i32
        %lt3A_516 = vector.broadcast %lt3A_515 : i32 to vector<16xi32>
        %lt3A_517 = arith.cmpi slt, %xor3A_514, %lt3A_516 : vector<16xi32>
        %add3A_518 = arith.constant 16 : i32
        %add3A_519 = vector.broadcast %add3A_518 : i32 to vector<16xi32>
        %add3A_520 = arith.addi %xor3A_514, %add3A_519 : vector<16xi32>
        %select_n3A_521 = arith.select %lt3A_517, %add3A_520, %xor3A_514 : vector<16xi1>, vector<16xi32>
        %broadcast_in_dim3A_522 = vector.shape_cast %select_n3A_521 : vector<16xi32> to vector<16x1xi32>
        %gather3A = vector.shape_cast %broadcast_in_dim3A_522 : vector<16x1xi32> to vector<16xi32>
        %gather3A_523 = tpu.dynamic_gather %add3A_512[%gather3A] in [0] : vector<16xf32>, vector<16xi32> -> vector<16xf32>
        %add3A_524 = arith.addf %add3A_512, %gather3A_523 : vector<16xf32>
        %xor3A_525 = arith.constant 2 : i32
        %xor3A_526 = vector.broadcast %xor3A_525 : i32 to vector<16xi32>
        %xor3A_527 = arith.xori %iota3A_186, %xor3A_526 : vector<16xi32>
        %lt3A_528 = arith.constant 0 : i32
        %lt3A_529 = vector.broadcast %lt3A_528 : i32 to vector<16xi32>
        %lt3A_530 = arith.cmpi slt, %xor3A_527, %lt3A_529 : vector<16xi32>
        %add3A_531 = arith.constant 16 : i32
        %add3A_532 = vector.broadcast %add3A_531 : i32 to vector<16xi32>
        %add3A_533 = arith.addi %xor3A_527, %add3A_532 : vector<16xi32>
        %select_n3A_534 = arith.select %lt3A_530, %add3A_533, %xor3A_527 : vector<16xi1>, vector<16xi32>
        %broadcast_in_dim3A_535 = vector.shape_cast %select_n3A_534 : vector<16xi32> to vector<16x1xi32>
        %gather3A_536 = vector.shape_cast %broadcast_in_dim3A_535 : vector<16x1xi32> to vector<16xi32>
        %gather3A_537 = tpu.dynamic_gather %add3A_524[%gather3A_536] in [0] : vector<16xf32>, vector<16xi32> -> vector<16xf32>
        %add3A_538 = arith.addf %add3A_524, %gather3A_537 : vector<16xf32>
        %xor3A_539 = arith.constant 4 : i32
        %xor3A_540 = vector.broadcast %xor3A_539 : i32 to vector<16xi32>
        %xor3A_541 = arith.xori %iota3A_186, %xor3A_540 : vector<16xi32>
        %lt3A_542 = arith.constant 0 : i32
        %lt3A_543 = vector.broadcast %lt3A_542 : i32 to vector<16xi32>
        %lt3A_544 = arith.cmpi slt, %xor3A_541, %lt3A_543 : vector<16xi32>
        %add3A_545 = arith.constant 16 : i32
        %add3A_546 = vector.broadcast %add3A_545 : i32 to vector<16xi32>
        %add3A_547 = arith.addi %xor3A_541, %add3A_546 : vector<16xi32>
        %select_n3A_548 = arith.select %lt3A_544, %add3A_547, %xor3A_541 : vector<16xi1>, vector<16xi32>
        %broadcast_in_dim3A_549 = vector.shape_cast %select_n3A_548 : vector<16xi32> to vector<16x1xi32>
        %gather3A_550 = vector.shape_cast %broadcast_in_dim3A_549 : vector<16x1xi32> to vector<16xi32>
        %gather3A_551 = tpu.dynamic_gather %add3A_538[%gather3A_550] in [0] : vector<16xf32>, vector<16xi32> -> vector<16xf32>
        %add3A_552 = arith.addf %add3A_538, %gather3A_551 : vector<16xf32>
        %xor3A_553 = arith.constant 8 : i32
        %xor3A_554 = vector.broadcast %xor3A_553 : i32 to vector<16xi32>
        %xor3A_555 = arith.xori %iota3A_186, %xor3A_554 : vector<16xi32>
        %lt3A_556 = arith.constant 0 : i32
        %lt3A_557 = vector.broadcast %lt3A_556 : i32 to vector<16xi32>
        %lt3A_558 = arith.cmpi slt, %xor3A_555, %lt3A_557 : vector<16xi32>
        %add3A_559 = arith.constant 16 : i32
        %add3A_560 = vector.broadcast %add3A_559 : i32 to vector<16xi32>
        %add3A_561 = arith.addi %xor3A_555, %add3A_560 : vector<16xi32>
        %select_n3A_562 = arith.select %lt3A_558, %add3A_561, %xor3A_555 : vector<16xi1>, vector<16xi32>
        %broadcast_in_dim3A_563 = vector.shape_cast %select_n3A_562 : vector<16xi32> to vector<16x1xi32>
        %gather3A_564 = vector.shape_cast %broadcast_in_dim3A_563 : vector<16x1xi32> to vector<16xi32>
        %gather3A_565 = tpu.dynamic_gather %add3A_552[%gather3A_564] in [0] : vector<16xf32>, vector<16xi32> -> vector<16xf32>
        %add3A_566 = arith.addf %add3A_552, %gather3A_565 : vector<16xf32>
        %exp3A = math.exp %add3A_566 : vector<16xf32>
        %get3A_567 = arith.index_cast %scan3A_223 : i32 to index
        %get3A_568 = tpu.vector_load %arg16[%get3A_567] {strides = array<i32>} : memref<80xi32, #tpu.memory_space<vmem>>, vector<16xi32>,
        %get3A_569 = vector.shape_cast %get3A_568 : vector<16xi32> to vector<16xi32>
        %slice3A_570 = vector.extract_strided_slice %get3A_569 {offsets = [0], sizes = [1], strides = [1]} : vector<16xi32> to vector<1xi32>
        %squeeze3A_571 = vector.extract %slice3A_570[0] : i32 from vector<1xi32>
        %sub3A_572 = arith.subi %squeeze3A_571, %mul3A_2 : i32
        %ge3A = arith.constant 0 : i32
        %ge3A_573 = arith.cmpi sge, %sub3A_572, %ge3A : i32
        %lt3A_574 = arith.constant 320 : i32
        %lt3A_575 = arith.cmpi slt, %sub3A_572, %lt3A_574 : i32
        %and3A_576 = arith.andi %ge3A_573, %lt3A_575 : i1
        %jit3A_577 = arith.constant 320 : i32
        %select_n3A_578 = arith.select %and3A_576, %sub3A_572, %jit3A_577 : i32
        %get3A_579 = arith.index_cast %select_n3A_578 : i32 to index
        %get3A_580 = arith.constant 0 : index
        %get3A_581 = tpu.vector_load %arg19[%get3A_579, %get3A_580] {strides = array<i32>} : memref<328x256xf32, #tpu.memory_space<vmem>>, vector<1x16xf32>,
        %get3A_582 = vector.shape_cast %get3A_581 : vector<1x16xf32> to vector<16xf32>
        %mul3A_583 = arith.mulf %get3A_229, %exp3A : vector<16xf32>
        %add3A_584 = arith.addf %get3A_582, %mul3A_583 : vector<16xf32>
        %swap3A_585 = arith.index_cast %select_n3A_578 : i32 to index
        %swap3A_586 = arith.constant 0 : index
        %swap3A_587 = tpu.vector_load %arg19[%swap3A_585, %swap3A_586] {strides = array<i32>} : memref<328x256xf32, #tpu.memory_space<vmem>>, vector<1x16xf32>,
        %swap3A_588 = vector.shape_cast %swap3A_587 : vector<1x16xf32> to vector<16xf32>
        %swap3A_589 = vector.shape_cast %add3A_584 : vector<16xf32> to vector<1x16xf32>
        tpu.vector_store %arg19[%swap3A_585, %swap3A_586], %swap3A_589 {strides = array<i32>} : memref<328x256xf32, #tpu.memory_space<vmem>>, vector<1x16xf32>,
        %get3A_590 = arith.index_cast %select_n3A_578 : i32 to index
        %get3A_591 = arith.constant 16 : index
        %get3A_592 = tpu.vector_load %arg19[%get3A_590, %get3A_591] {strides = array<i32>} : memref<328x256xf32, #tpu.memory_space<vmem>>, vector<1x16xf32>,
        %get3A_593 = vector.shape_cast %get3A_592 : vector<1x16xf32> to vector<16xf32>
        %mul3A_594 = arith.mulf %get3A_246, %exp3A : vector<16xf32>
        %add3A_595 = arith.addf %get3A_593, %mul3A_594 : vector<16xf32>
        %swap3A_596 = arith.index_cast %select_n3A_578 : i32 to index
        %swap3A_597 = arith.constant 16 : index
        %swap3A_598 = tpu.vector_load %arg19[%swap3A_596, %swap3A_597] {strides = array<i32>} : memref<328x256xf32, #tpu.memory_space<vmem>>, vector<1x16xf32>,
        %swap3A_599 = vector.shape_cast %swap3A_598 : vector<1x16xf32> to vector<16xf32>
        %swap3A_600 = vector.shape_cast %add3A_595 : vector<16xf32> to vector<1x16xf32>
        tpu.vector_store %arg19[%swap3A_596, %swap3A_597], %swap3A_600 {strides = array<i32>} : memref<328x256xf32, #tpu.memory_space<vmem>>, vector<1x16xf32>,
        %get3A_601 = arith.index_cast %select_n3A_578 : i32 to index
        %get3A_602 = arith.constant 32 : index
        %get3A_603 = tpu.vector_load %arg19[%get3A_601, %get3A_602] {strides = array<i32>} : memref<328x256xf32, #tpu.memory_space<vmem>>, vector<1x16xf32>,
        %get3A_604 = vector.shape_cast %get3A_603 : vector<1x16xf32> to vector<16xf32>
        %mul3A_605 = arith.mulf %get3A_264, %exp3A : vector<16xf32>
        %add3A_606 = arith.addf %get3A_604, %mul3A_605 : vector<16xf32>
        %swap3A_607 = arith.index_cast %select_n3A_578 : i32 to index
        %swap3A_608 = arith.constant 32 : index
        %swap3A_609 = tpu.vector_load %arg19[%swap3A_607, %swap3A_608] {strides = array<i32>} : memref<328x256xf32, #tpu.memory_space<vmem>>, vector<1x16xf32>,
        %swap3A_610 = vector.shape_cast %swap3A_609 : vector<1x16xf32> to vector<16xf32>
        %swap3A_611 = vector.shape_cast %add3A_606 : vector<16xf32> to vector<1x16xf32>
        tpu.vector_store %arg19[%swap3A_607, %swap3A_608], %swap3A_611 {strides = array<i32>} : memref<328x256xf32, #tpu.memory_space<vmem>>, vector<1x16xf32>,
        %get3A_612 = arith.index_cast %select_n3A_578 : i32 to index
        %get3A_613 = arith.constant 48 : index
        %get3A_614 = tpu.vector_load %arg19[%get3A_612, %get3A_613] {strides = array<i32>} : memref<328x256xf32, #tpu.memory_space<vmem>>, vector<1x16xf32>,
        %get3A_615 = vector.shape_cast %get3A_614 : vector<1x16xf32> to vector<16xf32>
        %mul3A_616 = arith.mulf %get3A_282, %exp3A : vector<16xf32>
        %add3A_617 = arith.addf %get3A_615, %mul3A_616 : vector<16xf32>
        %swap3A_618 = arith.index_cast %select_n3A_578 : i32 to index
        %swap3A_619 = arith.constant 48 : index
        %swap3A_620 = tpu.vector_load %arg19[%swap3A_618, %swap3A_619] {strides = array<i32>} : memref<328x256xf32, #tpu.memory_space<vmem>>, vector<1x16xf32>,
        %swap3A_621 = vector.shape_cast %swap3A_620 : vector<1x16xf32> to vector<16xf32>
        %swap3A_622 = vector.shape_cast %add3A_617 : vector<16xf32> to vector<1x16xf32>
        tpu.vector_store %arg19[%swap3A_618, %swap3A_619], %swap3A_622 {strides = array<i32>} : memref<328x256xf32, #tpu.memory_space<vmem>>, vector<1x16xf32>,
        %get3A_623 = arith.index_cast %select_n3A_578 : i32 to index
        %get3A_624 = arith.constant 64 : index
        %get3A_625 = tpu.vector_load %arg19[%get3A_623, %get3A_624] {strides = array<i32>} : memref<328x256xf32, #tpu.memory_space<vmem>>, vector<1x16xf32>,
        %get3A_626 = vector.shape_cast %get3A_625 : vector<1x16xf32> to vector<16xf32>
        %mul3A_627 = arith.mulf %get3A_300, %exp3A : vector<16xf32>
        %add3A_628 = arith.addf %get3A_626, %mul3A_627 : vector<16xf32>
        %swap3A_629 = arith.index_cast %select_n3A_578 : i32 to index
        %swap3A_630 = arith.constant 64 : index
        %swap3A_631 = tpu.vector_load %arg19[%swap3A_629, %swap3A_630] {strides = array<i32>} : memref<328x256xf32, #tpu.memory_space<vmem>>, vector<1x16xf32>,
        %swap3A_632 = vector.shape_cast %swap3A_631 : vector<1x16xf32> to vector<16xf32>
        %swap3A_633 = vector.shape_cast %add3A_628 : vector<16xf32> to vector<1x16xf32>
        tpu.vector_store %arg19[%swap3A_629, %swap3A_630], %swap3A_633 {strides = array<i32>} : memref<328x256xf32, #tpu.memory_space<vmem>>, vector<1x16xf32>,
        %get3A_634 = arith.index_cast %select_n3A_578 : i32 to index
        %get3A_635 = arith.constant 80 : index
        %get3A_636 = tpu.vector_load %arg19[%get3A_634, %get3A_635] {strides = array<i32>} : memref<328x256xf32, #tpu.memory_space<vmem>>, vector<1x16xf32>,
        %get3A_637 = vector.shape_cast %get3A_636 : vector<1x16xf32> to vector<16xf32>
        %mul3A_638 = arith.mulf %get3A_318, %exp3A : vector<16xf32>
        %add3A_639 = arith.addf %get3A_637, %mul3A_638 : vector<16xf32>
        %swap3A_640 = arith.index_cast %select_n3A_578 : i32 to index
        %swap3A_641 = arith.constant 80 : index
        %swap3A_642 = tpu.vector_load %arg19[%swap3A_640, %swap3A_641] {strides = array<i32>} : memref<328x256xf32, #tpu.memory_space<vmem>>, vector<1x16xf32>,
        %swap3A_643 = vector.shape_cast %swap3A_642 : vector<1x16xf32> to vector<16xf32>
        %swap3A_644 = vector.shape_cast %add3A_639 : vector<16xf32> to vector<1x16xf32>
        tpu.vector_store %arg19[%swap3A_640, %swap3A_641], %swap3A_644 {strides = array<i32>} : memref<328x256xf32, #tpu.memory_space<vmem>>, vector<1x16xf32>,
        %get3A_645 = arith.index_cast %select_n3A_578 : i32 to index
        %get3A_646 = arith.constant 96 : index
        %get3A_647 = tpu.vector_load %arg19[%get3A_645, %get3A_646] {strides = array<i32>} : memref<328x256xf32, #tpu.memory_space<vmem>>, vector<1x16xf32>,
        %get3A_648 = vector.shape_cast %get3A_647 : vector<1x16xf32> to vector<16xf32>
        %mul3A_649 = arith.mulf %get3A_336, %exp3A : vector<16xf32>
        %add3A_650 = arith.addf %get3A_648, %mul3A_649 : vector<16xf32>
        %swap3A_651 = arith.index_cast %select_n3A_578 : i32 to index
        %swap3A_652 = arith.constant 96 : index
        %swap3A_653 = tpu.vector_load %arg19[%swap3A_651, %swap3A_652] {strides = array<i32>} : memref<328x256xf32, #tpu.memory_space<vmem>>, vector<1x16xf32>,
        %swap3A_654 = vector.shape_cast %swap3A_653 : vector<1x16xf32> to vector<16xf32>
        %swap3A_655 = vector.shape_cast %add3A_650 : vector<16xf32> to vector<1x16xf32>
        tpu.vector_store %arg19[%swap3A_651, %swap3A_652], %swap3A_655 {strides = array<i32>} : memref<328x256xf32, #tpu.memory_space<vmem>>, vector<1x16xf32>,
        %get3A_656 = arith.index_cast %select_n3A_578 : i32 to index
        %get3A_657 = arith.constant 112 : index
        %get3A_658 = tpu.vector_load %arg19[%get3A_656, %get3A_657] {strides = array<i32>} : memref<328x256xf32, #tpu.memory_space<vmem>>, vector<1x16xf32>,
        %get3A_659 = vector.shape_cast %get3A_658 : vector<1x16xf32> to vector<16xf32>
        %mul3A_660 = arith.mulf %get3A_354, %exp3A : vector<16xf32>
        %add3A_661 = arith.addf %get3A_659, %mul3A_660 : vector<16xf32>
        %swap3A_662 = arith.index_cast %select_n3A_578 : i32 to index
        %swap3A_663 = arith.constant 112 : index
        %swap3A_664 = tpu.vector_load %arg19[%swap3A_662, %swap3A_663] {strides = array<i32>} : memref<328x256xf32, #tpu.memory_space<vmem>>, vector<1x16xf32>,
        %swap3A_665 = vector.shape_cast %swap3A_664 : vector<1x16xf32> to vector<16xf32>
        %swap3A_666 = vector.shape_cast %add3A_661 : vector<16xf32> to vector<1x16xf32>
        tpu.vector_store %arg19[%swap3A_662, %swap3A_663], %swap3A_666 {strides = array<i32>} : memref<328x256xf32, #tpu.memory_space<vmem>>, vector<1x16xf32>,
        %get3A_667 = arith.index_cast %select_n3A_578 : i32 to index
        %get3A_668 = arith.constant 128 : index
        %get3A_669 = tpu.vector_load %arg19[%get3A_667, %get3A_668] {strides = array<i32>} : memref<328x256xf32, #tpu.memory_space<vmem>>, vector<1x16xf32>,
        %get3A_670 = vector.shape_cast %get3A_669 : vector<1x16xf32> to vector<16xf32>
        %mul3A_671 = arith.mulf %get3A_372, %exp3A : vector<16xf32>
        %add3A_672 = arith.addf %get3A_670, %mul3A_671 : vector<16xf32>
        %swap3A_673 = arith.index_cast %select_n3A_578 : i32 to index
        %swap3A_674 = arith.constant 128 : index
        %swap3A_675 = tpu.vector_load %arg19[%swap3A_673, %swap3A_674] {strides = array<i32>} : memref<328x256xf32, #tpu.memory_space<vmem>>, vector<1x16xf32>,
        %swap3A_676 = vector.shape_cast %swap3A_675 : vector<1x16xf32> to vector<16xf32>
        %swap3A_677 = vector.shape_cast %add3A_672 : vector<16xf32> to vector<1x16xf32>
        tpu.vector_store %arg19[%swap3A_673, %swap3A_674], %swap3A_677 {strides = array<i32>} : memref<328x256xf32, #tpu.memory_space<vmem>>, vector<1x16xf32>,
        %get3A_678 = arith.index_cast %select_n3A_578 : i32 to index
        %get3A_679 = arith.constant 144 : index
        %get3A_680 = tpu.vector_load %arg19[%get3A_678, %get3A_679] {strides = array<i32>} : memref<328x256xf32, #tpu.memory_space<vmem>>, vector<1x16xf32>,
        %get3A_681 = vector.shape_cast %get3A_680 : vector<1x16xf32> to vector<16xf32>
        %mul3A_682 = arith.mulf %get3A_390, %exp3A : vector<16xf32>
        %add3A_683 = arith.addf %get3A_681, %mul3A_682 : vector<16xf32>
        %swap3A_684 = arith.index_cast %select_n3A_578 : i32 to index
        %swap3A_685 = arith.constant 144 : index
        %swap3A_686 = tpu.vector_load %arg19[%swap3A_684, %swap3A_685] {strides = array<i32>} : memref<328x256xf32, #tpu.memory_space<vmem>>, vector<1x16xf32>,
        %swap3A_687 = vector.shape_cast %swap3A_686 : vector<1x16xf32> to vector<16xf32>
        %swap3A_688 = vector.shape_cast %add3A_683 : vector<16xf32> to vector<1x16xf32>
        tpu.vector_store %arg19[%swap3A_684, %swap3A_685], %swap3A_688 {strides = array<i32>} : memref<328x256xf32, #tpu.memory_space<vmem>>, vector<1x16xf32>,
        %get3A_689 = arith.index_cast %select_n3A_578 : i32 to index
        %get3A_690 = arith.constant 160 : index
        %get3A_691 = tpu.vector_load %arg19[%get3A_689, %get3A_690] {strides = array<i32>} : memref<328x256xf32, #tpu.memory_space<vmem>>, vector<1x16xf32>,
        %get3A_692 = vector.shape_cast %get3A_691 : vector<1x16xf32> to vector<16xf32>
        %mul3A_693 = arith.mulf %get3A_408, %exp3A : vector<16xf32>
        %add3A_694 = arith.addf %get3A_692, %mul3A_693 : vector<16xf32>
        %swap3A_695 = arith.index_cast %select_n3A_578 : i32 to index
        %swap3A_696 = arith.constant 160 : index
        %swap3A_697 = tpu.vector_load %arg19[%swap3A_695, %swap3A_696] {strides = array<i32>} : memref<328x256xf32, #tpu.memory_space<vmem>>, vector<1x16xf32>,
        %swap3A_698 = vector.shape_cast %swap3A_697 : vector<1x16xf32> to vector<16xf32>
        %swap3A_699 = vector.shape_cast %add3A_694 : vector<16xf32> to vector<1x16xf32>
        tpu.vector_store %arg19[%swap3A_695, %swap3A_696], %swap3A_699 {strides = array<i32>} : memref<328x256xf32, #tpu.memory_space<vmem>>, vector<1x16xf32>,
        %get3A_700 = arith.index_cast %select_n3A_578 : i32 to index
        %get3A_701 = arith.constant 176 : index
        %get3A_702 = tpu.vector_load %arg19[%get3A_700, %get3A_701] {strides = array<i32>} : memref<328x256xf32, #tpu.memory_space<vmem>>, vector<1x16xf32>,
        %get3A_703 = vector.shape_cast %get3A_702 : vector<1x16xf32> to vector<16xf32>
        %mul3A_704 = arith.mulf %get3A_426, %exp3A : vector<16xf32>
        %add3A_705 = arith.addf %get3A_703, %mul3A_704 : vector<16xf32>
        %swap3A_706 = arith.index_cast %select_n3A_578 : i32 to index
        %swap3A_707 = arith.constant 176 : index
        %swap3A_708 = tpu.vector_load %arg19[%swap3A_706, %swap3A_707] {strides = array<i32>} : memref<328x256xf32, #tpu.memory_space<vmem>>, vector<1x16xf32>,
        %swap3A_709 = vector.shape_cast %swap3A_708 : vector<1x16xf32> to vector<16xf32>
        %swap3A_710 = vector.shape_cast %add3A_705 : vector<16xf32> to vector<1x16xf32>
        tpu.vector_store %arg19[%swap3A_706, %swap3A_707], %swap3A_710 {strides = array<i32>} : memref<328x256xf32, #tpu.memory_space<vmem>>, vector<1x16xf32>,
        %get3A_711 = arith.index_cast %select_n3A_578 : i32 to index
        %get3A_712 = arith.constant 192 : index
        %get3A_713 = tpu.vector_load %arg19[%get3A_711, %get3A_712] {strides = array<i32>} : memref<328x256xf32, #tpu.memory_space<vmem>>, vector<1x16xf32>,
        %get3A_714 = vector.shape_cast %get3A_713 : vector<1x16xf32> to vector<16xf32>
        %mul3A_715 = arith.mulf %get3A_444, %exp3A : vector<16xf32>
        %add3A_716 = arith.addf %get3A_714, %mul3A_715 : vector<16xf32>
        %swap3A_717 = arith.index_cast %select_n3A_578 : i32 to index
        %swap3A_718 = arith.constant 192 : index
        %swap3A_719 = tpu.vector_load %arg19[%swap3A_717, %swap3A_718] {strides = array<i32>} : memref<328x256xf32, #tpu.memory_space<vmem>>, vector<1x16xf32>,
        %swap3A_720 = vector.shape_cast %swap3A_719 : vector<1x16xf32> to vector<16xf32>
        %swap3A_721 = vector.shape_cast %add3A_716 : vector<16xf32> to vector<1x16xf32>
        tpu.vector_store %arg19[%swap3A_717, %swap3A_718], %swap3A_721 {strides = array<i32>} : memref<328x256xf32, #tpu.memory_space<vmem>>, vector<1x16xf32>,
        %get3A_722 = arith.index_cast %select_n3A_578 : i32 to index
        %get3A_723 = arith.constant 208 : index
        %get3A_724 = tpu.vector_load %arg19[%get3A_722, %get3A_723] {strides = array<i32>} : memref<328x256xf32, #tpu.memory_space<vmem>>, vector<1x16xf32>,
        %get3A_725 = vector.shape_cast %get3A_724 : vector<1x16xf32> to vector<16xf32>
        %mul3A_726 = arith.mulf %get3A_462, %exp3A : vector<16xf32>
        %add3A_727 = arith.addf %get3A_725, %mul3A_726 : vector<16xf32>
        %swap3A_728 = arith.index_cast %select_n3A_578 : i32 to index
        %swap3A_729 = arith.constant 208 : index
        %swap3A_730 = tpu.vector_load %arg19[%swap3A_728, %swap3A_729] {strides = array<i32>} : memref<328x256xf32, #tpu.memory_space<vmem>>, vector<1x16xf32>,
        %swap3A_731 = vector.shape_cast %swap3A_730 : vector<1x16xf32> to vector<16xf32>
        %swap3A_732 = vector.shape_cast %add3A_727 : vector<16xf32> to vector<1x16xf32>
        tpu.vector_store %arg19[%swap3A_728, %swap3A_729], %swap3A_732 {strides = array<i32>} : memref<328x256xf32, #tpu.memory_space<vmem>>, vector<1x16xf32>,
        %get3A_733 = arith.index_cast %select_n3A_578 : i32 to index
        %get3A_734 = arith.constant 224 : index
        %get3A_735 = tpu.vector_load %arg19[%get3A_733, %get3A_734] {strides = array<i32>} : memref<328x256xf32, #tpu.memory_space<vmem>>, vector<1x16xf32>,
        %get3A_736 = vector.shape_cast %get3A_735 : vector<1x16xf32> to vector<16xf32>
        %mul3A_737 = arith.mulf %get3A_480, %exp3A : vector<16xf32>
        %add3A_738 = arith.addf %get3A_736, %mul3A_737 : vector<16xf32>
        %swap3A_739 = arith.index_cast %select_n3A_578 : i32 to index
        %swap3A_740 = arith.constant 224 : index
        %swap3A_741 = tpu.vector_load %arg19[%swap3A_739, %swap3A_740] {strides = array<i32>} : memref<328x256xf32, #tpu.memory_space<vmem>>, vector<1x16xf32>,
        %swap3A_742 = vector.shape_cast %swap3A_741 : vector<1x16xf32> to vector<16xf32>
        %swap3A_743 = vector.shape_cast %add3A_738 : vector<16xf32> to vector<1x16xf32>
        tpu.vector_store %arg19[%swap3A_739, %swap3A_740], %swap3A_743 {strides = array<i32>} : memref<328x256xf32, #tpu.memory_space<vmem>>, vector<1x16xf32>,
        %get3A_744 = arith.index_cast %select_n3A_578 : i32 to index
        %get3A_745 = arith.constant 240 : index
        %get3A_746 = tpu.vector_load %arg19[%get3A_744, %get3A_745] {strides = array<i32>} : memref<328x256xf32, #tpu.memory_space<vmem>>, vector<1x16xf32>,
        %get3A_747 = vector.shape_cast %get3A_746 : vector<1x16xf32> to vector<16xf32>
        %mul3A_748 = arith.mulf %get3A_498, %exp3A : vector<16xf32>
        %add3A_749 = arith.addf %get3A_747, %mul3A_748 : vector<16xf32>
        %swap3A_750 = arith.index_cast %select_n3A_578 : i32 to index
        %swap3A_751 = arith.constant 240 : index
        %swap3A_752 = tpu.vector_load %arg19[%swap3A_750, %swap3A_751] {strides = array<i32>} : memref<328x256xf32, #tpu.memory_space<vmem>>, vector<1x16xf32>,
        %swap3A_753 = vector.shape_cast %swap3A_752 : vector<1x16xf32> to vector<16xf32>
        %swap3A_754 = vector.shape_cast %add3A_749 : vector<16xf32> to vector<1x16xf32>
        tpu.vector_store %arg19[%swap3A_750, %swap3A_751], %swap3A_754 {strides = array<i32>} : memref<328x256xf32, #tpu.memory_space<vmem>>, vector<1x16xf32>,
        %get3A_755 = arith.index_cast %select_n3A_578 : i32 to index
        %get3A_756 = tpu.vector_load %arg20[%get3A_755] {strides = array<i32>} : memref<352xf32, #tpu.memory_space<vmem>>, vector<16xf32>,
        %get3A_757 = vector.shape_cast %get3A_756 : vector<16xf32> to vector<16xf32>
        %jit3A_758 = arith.constant 0.000000e+00 : f32
        %broadcast_in_dim3A_759 = vector.broadcast %jit3A_758 : f32 to vector<16xf32>
        %select_n3A_760 = arith.select %eq3A_185, %exp3A, %broadcast_in_dim3A_759 : vector<16xi1>, vector<16xf32>
        %add3A_761 = arith.addf %get3A_757, %select_n3A_760 : vector<16xf32>
        %swap3A_762 = arith.index_cast %select_n3A_578 : i32 to index
        %swap3A_763 = tpu.vector_load %arg20[%swap3A_762] {strides = array<i32>} : memref<352xf32, #tpu.memory_space<vmem>>, vector<16xf32>,
        %swap3A_764 = vector.shape_cast %swap3A_763 : vector<16xf32> to vector<16xf32>
        %swap3A_765 = vector.shape_cast %add3A_761 : vector<16xf32> to vector<16xf32>
        tpu.vector_store %arg20[%swap3A_762], %swap3A_765 {strides = array<i32>} : memref<352xf32, #tpu.memory_space<vmem>>, vector<16xf32>,
      }
      %scan3A_222 = arith.constant 64 : i32
    }
    %lt3A = arith.constant 31 : i32
    %lt3A_196 = arith.cmpi slt, %add3A, %lt3A : i32
    %convert_element_type3A = arith.extui %lt3A_196 : i1 to i32
    %cond3A = arith.constant 0 : i32
    %cond3A_197 = arith.cmpi ne, %convert_element_type3A, %cond3A : i32
    scf.if %cond3A_197 {
      %multiple_of3A_203 = tpu.assume_multiple %mul3A_2, 8 : i32
      "tpu.region"() ({
        %run_scoped3A = tpu.sem_alloc : memref<!tpu.dma_semaphore, #tpu.memory_space<semaphore_mem>>
        %dma_start3A = arith.constant 0 : i32
        %dma_start3A_204 = arith.constant 0 : i32
        %dma_start3A_205 = tpu.memref_slice %arg19[%dma_start3A, %dma_start3A_204] : memref<328x256xf32, #tpu.memory_space<vmem>> -> memref<320x256xf32, #tpu.memory_space<vmem>>
        %dma_start3A_206 = arith.constant 0 : i32
        %dma_start3A_207 = tpu.memref_slice %arg10[%multiple_of3A_203, %dma_start3A_206] : memref<10000x256xf32, #tpu.memory_space<hbm>> -> memref<320x256xf32, #tpu.memory_space<hbm>>
        %dma_start3A_208 = arith.constant 0 : i32
        %dma_start3A_209 = tpu.memref_slice %arg10[%multiple_of3A_203, %dma_start3A_208] : memref<10000x256xf32, #tpu.memory_space<hbm>> -> memref<320x256xf32, #tpu.memory_space<hbm>>
        %dma_start3A_210 = arith.constant 0 : i32
        %dma_start3A_211 = arith.constant 0 : i32
        %dma_start3A_212 = tpu.memref_slice %arg19[%dma_start3A_210, %dma_start3A_211] : memref<328x256xf32, #tpu.memory_space<vmem>> -> memref<320x256xf32, #tpu.memory_space<vmem>>
        tpu.enqueue_dma source(%dma_start3A_212 : memref<320x256xf32, #tpu.memory_space<vmem>>) target(%dma_start3A_209 : memref<320x256xf32, #tpu.memory_space<hbm>>) target_semaphore(%run_scoped3A : memref<!tpu.dma_semaphore, #tpu.memory_space<semaphore_mem>>)
        %dma_wait3A = arith.constant 0 : i32
        %dma_wait3A_213 = arith.constant 0 : i32
        %dma_wait3A_214 = tpu.memref_slice %arg19[%dma_wait3A, %dma_wait3A_213] : memref<328x256xf32, #tpu.memory_space<vmem>> -> memref<320x256xf32, #tpu.memory_space<vmem>>
        %dma_wait3A_215 = arith.constant 0 : i32
        %dma_wait3A_216 = tpu.memref_slice %arg10[%multiple_of3A_203, %dma_wait3A_215] : memref<10000x256xf32, #tpu.memory_space<hbm>> -> memref<320x256xf32, #tpu.memory_space<hbm>>
        %dma_wait3A_217 = arith.constant 0 : i32
        %dma_wait3A_218 = tpu.memref_slice %arg10[%multiple_of3A_203, %dma_wait3A_217] : memref<10000x256xf32, #tpu.memory_space<hbm>> -> memref<320x256xf32, #tpu.memory_space<hbm>>
        %dma_wait3A_219 = arith.constant 0 : i32
        %dma_wait3A_220 = arith.constant 0 : i32
        %dma_wait3A_221 = tpu.memref_slice %arg19[%dma_wait3A_219, %dma_wait3A_220] : memref<328x256xf32, #tpu.memory_space<vmem>> -> memref<320x256xf32, #tpu.memory_space<vmem>>
        tpu.wait_dma2 semaphore(%run_scoped3A : memref<!tpu.dma_semaphore, #tpu.memory_space<semaphore_mem>>) src(%dma_wait3A_221 : memref<320x256xf32, #tpu.memory_space<vmem>>) dst(%dma_wait3A_218 : memref<320x256xf32, #tpu.memory_space<hbm>>)
        tpu.yield
      }) : () -> ()
      "tpu.region"() ({
        %run_scoped3A = tpu.sem_alloc : memref<!tpu.dma_semaphore, #tpu.memory_space<semaphore_mem>>
        %dma_start3A = arith.constant 0 : i32
        %dma_start3A_204 = tpu.memref_slice %arg20[%dma_start3A] : memref<352xf32, #tpu.memory_space<vmem>> -> memref<320xf32, #tpu.memory_space<vmem>>
        %dma_start3A_205 = tpu.memref_slice %arg11[%multiple_of3A_203] : memref<10000xf32, #tpu.memory_space<hbm>> -> memref<320xf32, #tpu.memory_space<hbm>>
        %dma_start3A_206 = tpu.memref_slice %arg11[%multiple_of3A_203] : memref<10000xf32, #tpu.memory_space<hbm>> -> memref<320xf32, #tpu.memory_space<hbm>>
        %dma_start3A_207 = arith.constant 0 : i32
        %dma_start3A_208 = tpu.memref_slice %arg20[%dma_start3A_207] : memref<352xf32, #tpu.memory_space<vmem>> -> memref<320xf32, #tpu.memory_space<vmem>>
        tpu.enqueue_dma source(%dma_start3A_208 : memref<320xf32, #tpu.memory_space<vmem>>) target(%dma_start3A_206 : memref<320xf32, #tpu.memory_space<hbm>>) target_semaphore(%run_scoped3A : memref<!tpu.dma_semaphore, #tpu.memory_space<semaphore_mem>>)
        %dma_wait3A = arith.constant 0 : i32
        %dma_wait3A_209 = tpu.memref_slice %arg20[%dma_wait3A] : memref<352xf32, #tpu.memory_space<vmem>> -> memref<320xf32, #tpu.memory_space<vmem>>
        %dma_wait3A_210 = tpu.memref_slice %arg11[%multiple_of3A_203] : memref<10000xf32, #tpu.memory_space<hbm>> -> memref<320xf32, #tpu.memory_space<hbm>>
        %dma_wait3A_211 = tpu.memref_slice %arg11[%multiple_of3A_203] : memref<10000xf32, #tpu.memory_space<hbm>> -> memref<320xf32, #tpu.memory_space<hbm>>
        %dma_wait3A_212 = arith.constant 0 : i32
        %dma_wait3A_213 = tpu.memref_slice %arg20[%dma_wait3A_212] : memref<352xf32, #tpu.memory_space<vmem>> -> memref<320xf32, #tpu.memory_space<vmem>>
        tpu.wait_dma2 semaphore(%run_scoped3A : memref<!tpu.dma_semaphore, #tpu.memory_space<semaphore_mem>>) src(%dma_wait3A_213 : memref<320xf32, #tpu.memory_space<vmem>>) dst(%dma_wait3A_211 : memref<320xf32, #tpu.memory_space<hbm>>)
        tpu.yield
      }) : () -> ()
    } else {
    }
    %eq3A_198 = arith.constant 31 : i32
    %eq3A_199 = arith.cmpi eq, %add3A, %eq3A_198 : i32
    %convert_element_type3A_200 = arith.extui %eq3A_199 : i1 to i32
    %cond3A_201 = arith.constant 0 : i32
    %cond3A_202 = arith.cmpi ne, %convert_element_type3A_200, %cond3A_201 : i32
    scf.if %cond3A_202 {
      "tpu.region"() ({
        %run_scoped3A = tpu.sem_alloc : memref<!tpu.dma_semaphore, #tpu.memory_space<semaphore_mem>>
        %dma_start3A = arith.constant 0 : i32
        %dma_start3A_203 = arith.constant 0 : i32
        %dma_start3A_204 = tpu.memref_slice %arg19[%dma_start3A, %dma_start3A_203] : memref<328x256xf32, #tpu.memory_space<vmem>> -> memref<80x256xf32, #tpu.memory_space<vmem>>
        %dma_start3A_205 = arith.constant 9920 : i32
        %dma_start3A_206 = arith.constant 0 : i32
        %dma_start3A_207 = tpu.memref_slice %arg10[%dma_start3A_205, %dma_start3A_206] : memref<10000x256xf32, #tpu.memory_space<hbm>> -> memref<80x256xf32, #tpu.memory_space<hbm>>
        %dma_start3A_208 = arith.constant 9920 : i32
        %dma_start3A_209 = arith.constant 0 : i32
        %dma_start3A_210 = tpu.memref_slice %arg10[%dma_start3A_208, %dma_start3A_209] : memref<10000x256xf32, #tpu.memory_space<hbm>> -> memref<80x256xf32, #tpu.memory_space<hbm>>
        %dma_start3A_211 = arith.constant 0 : i32
        %dma_start3A_212 = arith.constant 0 : i32
        %dma_start3A_213 = tpu.memref_slice %arg19[%dma_start3A_211, %dma_start3A_212] : memref<328x256xf32, #tpu.memory_space<vmem>> -> memref<80x256xf32, #tpu.memory_space<vmem>>
        tpu.enqueue_dma source(%dma_start3A_213 : memref<80x256xf32, #tpu.memory_space<vmem>>) target(%dma_start3A_210 : memref<80x256xf32, #tpu.memory_space<hbm>>) target_semaphore(%run_scoped3A : memref<!tpu.dma_semaphore, #tpu.memory_space<semaphore_mem>>)
        %dma_wait3A = arith.constant 0 : i32
        %dma_wait3A_214 = arith.constant 0 : i32
        %dma_wait3A_215 = tpu.memref_slice %arg19[%dma_wait3A, %dma_wait3A_214] : memref<328x256xf32, #tpu.memory_space<vmem>> -> memref<80x256xf32, #tpu.memory_space<vmem>>
        %dma_wait3A_216 = arith.constant 9920 : i32
        %dma_wait3A_217 = arith.constant 0 : i32
        %dma_wait3A_218 = tpu.memref_slice %arg10[%dma_wait3A_216, %dma_wait3A_217] : memref<10000x256xf32, #tpu.memory_space<hbm>> -> memref<80x256xf32, #tpu.memory_space<hbm>>
        %dma_wait3A_219 = arith.constant 9920 : i32
        %dma_wait3A_220 = arith.constant 0 : i32
        %dma_wait3A_221 = tpu.memref_slice %arg10[%dma_wait3A_219, %dma_wait3A_220] : memref<10000x256xf32, #tpu.memory_space<hbm>> -> memref<80x256xf32, #tpu.memory_space<hbm>>
        %dma_wait3A_222 = arith.constant 0 : i32
        %dma_wait3A_223 = arith.constant 0 : i32
        %dma_wait3A_224 = tpu.memref_slice %arg19[%dma_wait3A_222, %dma_wait3A_223] : memref<328x256xf32, #tpu.memory_space<vmem>> -> memref<80x256xf32, #tpu.memory_space<vmem>>
        tpu.wait_dma2 semaphore(%run_scoped3A : memref<!tpu.dma_semaphore, #tpu.memory_space<semaphore_mem>>) src(%dma_wait3A_224 : memref<80x256xf32, #tpu.memory_space<vmem>>) dst(%dma_wait3A_221 : memref<80x256xf32, #tpu.memory_space<hbm>>)
        tpu.yield
      }) : () -> ()
      "tpu.region"() ({
        %run_scoped3A = tpu.sem_alloc : memref<!tpu.dma_semaphore, #tpu.memory_space<semaphore_mem>>
        %dma_start3A = arith.constant 0 : i32
        %dma_start3A_203 = tpu.memref_slice %arg20[%dma_start3A] : memref<352xf32, #tpu.memory_space<vmem>> -> memref<80xf32, #tpu.memory_space<vmem>>
        %dma_start3A_204 = arith.constant 9920 : i32
        %dma_start3A_205 = tpu.memref_slice %arg11[%dma_start3A_204] : memref<10000xf32, #tpu.memory_space<hbm>> -> memref<80xf32, #tpu.memory_space<hbm>>
        %dma_start3A_206 = arith.constant 9920 : i32
        %dma_start3A_207 = tpu.memref_slice %arg11[%dma_start3A_206] : memref<10000xf32, #tpu.memory_space<hbm>> -> memref<80xf32, #tpu.memory_space<hbm>>
        %dma_start3A_208 = arith.constant 0 : i32
        %dma_start3A_209 = tpu.memref_slice %arg20[%dma_start3A_208] : memref<352xf32, #tpu.memory_space<vmem>> -> memref<80xf32, #tpu.memory_space<vmem>>
        tpu.enqueue_dma source(%dma_start3A_209 : memref<80xf32, #tpu.memory_space<vmem>>) target(%dma_start3A_207 : memref<80xf32, #tpu.memory_space<hbm>>) target_semaphore(%run_scoped3A : memref<!tpu.dma_semaphore, #tpu.memory_space<semaphore_mem>>)
        %dma_wait3A = arith.constant 0 : i32
        %dma_wait3A_210 = tpu.memref_slice %arg20[%dma_wait3A] : memref<352xf32, #tpu.memory_space<vmem>> -> memref<80xf32, #tpu.memory_space<vmem>>
        %dma_wait3A_211 = arith.constant 9920 : i32
        %dma_wait3A_212 = tpu.memref_slice %arg11[%dma_wait3A_211] : memref<10000xf32, #tpu.memory_space<hbm>> -> memref<80xf32, #tpu.memory_space<hbm>>
        %dma_wait3A_213 = arith.constant 9920 : i32
        %dma_wait3A_214 = tpu.memref_slice %arg11[%dma_wait3A_213] : memref<10000xf32, #tpu.memory_space<hbm>> -> memref<80xf32, #tpu.memory_space<hbm>>
        %dma_wait3A_215 = arith.constant 0 : i32
        %dma_wait3A_216 = tpu.memref_slice %arg20[%dma_wait3A_215] : memref<352xf32, #tpu.memory_space<vmem>> -> memref<80xf32, #tpu.memory_space<vmem>>
        tpu.wait_dma2 semaphore(%run_scoped3A : memref<!tpu.dma_semaphore, #tpu.memory_space<semaphore_mem>>) src(%dma_wait3A_216 : memref<80xf32, #tpu.memory_space<vmem>>) dst(%dma_wait3A_214 : memref<80xf32, #tpu.memory_space<hbm>>)
        tpu.yield
      }) : () -> ()
    } else {
    }
    return
  }
}

#map = affine_map<(d0, d1) -> (0, 0)>
#map1 = affine_map<(d0, d1) -> (0)>
module attributes {stable_mosaic.version = 14 : i64} {
  func.func @_gat_edge_body(%arg0: i32, %arg1: i32, %arg2: memref<10000x256xf32, #tpu.memory_space<hbm>>, %arg3: memref<10000x256xf32, #tpu.memory_space<hbm>>, %arg4: memref<256xf32, #tpu.memory_space<hbm>>, %arg5: memref<170048xi32, #tpu.memory_space<hbm>>, %arg6: memref<170048xi32, #tpu.memory_space<hbm>>, %arg7: memref<170048xi32, #tpu.memory_space<hbm>>, %arg8: memref<48xi32, #tpu.memory_space<hbm>>, %arg9: memref<328x256xf32, #tpu.memory_space<hbm>>, %arg10: memref<10000x256xf32, #tpu.memory_space<hbm>>, %arg11: memref<10000xf32, #tpu.memory_space<hbm>>, %arg12: memref<256xf32, #tpu.memory_space<vmem>>, %arg13: memref<48xi32, #tpu.memory_space<vmem>>, %arg14: memref<64xi32, #tpu.memory_space<vmem>>, %arg15: memref<64xi32, #tpu.memory_space<vmem>>, %arg16: memref<80xi32, #tpu.memory_space<vmem>>, %arg17: memref<64x256xf32, #tpu.memory_space<vmem>>, %arg18: memref<64x256xf32, #tpu.memory_space<vmem>>, %arg19: memref<328x256xf32, #tpu.memory_space<vmem>>, %arg20: memref<352xf32, #tpu.memory_space<vmem>>, %arg21: memref<!tpu.dma_semaphore, #tpu.memory_space<semaphore_mem>>, %arg22: memref<!tpu.dma_semaphore, #tpu.memory_space<semaphore_mem>>) attributes {dimension_semantics = [#tpu.dimension_semantics<core_parallel>, #tpu.dimension_semantics<subcore_parallel>], iteration_bounds = array<i64: 2, 16>, scalar_prefetch = 0 : i64, scratch_operands = 11 : i64, tpu.core_type = #tpu.core_type<sc_vector_subcore>, window_params = [{transform_indices = #map}, {transform_indices = #map}, {transform_indices = #map1}, {transform_indices = #map1}, {transform_indices = #map1}, {transform_indices = #map1}, {transform_indices = #map1}, {transform_indices = #map}, {transform_indices = #map}, {transform_indices = #map1}]} {
    %mul3A = arith.constant 16 : i32
    %mul3A_0 = arith.muli %arg0, %mul3A : i32
    %add3A = arith.addi %mul3A_0, %arg1 : i32
    %mul3A_1 = arith.constant 320 : i32
    %mul3A_2 = arith.muli %add3A, %mul3A_1 : i32
    "tpu.region"() ({
      %run_scoped3A = tpu.sem_alloc : memref<!tpu.dma_semaphore, #tpu.memory_space<semaphore_mem>>
      tpu.enqueue_dma source(%arg4 : memref<256xf32, #tpu.memory_space<hbm>>) target(%arg12 : memref<256xf32, #tpu.memory_space<vmem>>) target_semaphore(%run_scoped3A : memref<!tpu.dma_semaphore, #tpu.memory_space<semaphore_mem>>)
      tpu.wait_dma2 semaphore(%run_scoped3A : memref<!tpu.dma_semaphore, #tpu.memory_space<semaphore_mem>>) src(%arg4 : memref<256xf32, #tpu.memory_space<hbm>>) dst(%arg12 : memref<256xf32, #tpu.memory_space<vmem>>)
      tpu.yield
    }) : () -> ()
    "tpu.region"() ({
      %run_scoped3A = tpu.sem_alloc : memref<!tpu.dma_semaphore, #tpu.memory_space<semaphore_mem>>
      tpu.enqueue_dma source(%arg8 : memref<48xi32, #tpu.memory_space<hbm>>) target(%arg13 : memref<48xi32, #tpu.memory_space<vmem>>) target_semaphore(%run_scoped3A : memref<!tpu.dma_semaphore, #tpu.memory_space<semaphore_mem>>)
      tpu.wait_dma2 semaphore(%run_scoped3A : memref<!tpu.dma_semaphore, #tpu.memory_space<semaphore_mem>>) src(%arg8 : memref<48xi32, #tpu.memory_space<hbm>>) dst(%arg13 : memref<48xi32, #tpu.memory_space<vmem>>)
      tpu.yield
    }) : () -> ()
    "tpu.region"() ({
      %run_scoped3A = tpu.sem_alloc : memref<!tpu.dma_semaphore, #tpu.memory_space<semaphore_mem>>
      tpu.enqueue_dma source(%arg9 : memref<328x256xf32, #tpu.memory_space<hbm>>) target(%arg19 : memref<328x256xf32, #tpu.memory_space<vmem>>) target_semaphore(%run_scoped3A : memref<!tpu.dma_semaphore, #tpu.memory_space<semaphore_mem>>)
      tpu.wait_dma2 semaphore(%run_scoped3A : memref<!tpu.dma_semaphore, #tpu.memory_space<semaphore_mem>>) src(%arg9 : memref<328x256xf32, #tpu.memory_space<hbm>>) dst(%arg19 : memref<328x256xf32, #tpu.memory_space<vmem>>)
      tpu.yield
    }) : () -> ()
    %broadcast_in_dim3A = arith.constant 0.000000e+00 : f32
    %broadcast_in_dim3A_3 = vector.broadcast %broadcast_in_dim3A : f32 to vector<16xf32>
    %swap3A = arith.constant 0 : index
    %swap3A_4 = tpu.vector_load %arg20[%swap3A] {strides = array<i32>} : memref<352xf32, #tpu.memory_space<vmem>>, vector<16xf32>,
    %swap3A_5 = vector.shape_cast %swap3A_4 : vector<16xf32> to vector<16xf32>
    %swap3A_6 = vector.shape_cast %broadcast_in_dim3A_3 : vector<16xf32> to vector<16xf32>
    tpu.vector_store %arg20[%swap3A], %swap3A_6 {strides = array<i32>} : memref<352xf32, #tpu.memory_space<vmem>>, vector<16xf32>,
    %broadcast_in_dim3A_7 = arith.constant 0.000000e+00 : f32
    %broadcast_in_dim3A_8 = vector.broadcast %broadcast_in_dim3A_7 : f32 to vector<16xf32>
    %swap3A_9 = arith.constant 16 : index
    %swap3A_10 = tpu.vector_load %arg20[%swap3A_9] {strides = array<i32>} : memref<352xf32, #tpu.memory_space<vmem>>, vector<16xf32>,
    %swap3A_11 = vector.shape_cast %swap3A_10 : vector<16xf32> to vector<16xf32>
    %swap3A_12 = vector.shape_cast %broadcast_in_dim3A_8 : vector<16xf32> to vector<16xf32>
    tpu.vector_store %arg20[%swap3A_9], %swap3A_12 {strides = array<i32>} : memref<352xf32, #tpu.memory_space<vmem>>, vector<16xf32>,
    %broadcast_in_dim3A_13 = arith.constant 0.000000e+00 : f32
    %broadcast_in_dim3A_14 = vector.broadcast %broadcast_in_dim3A_13 : f32 to vector<16xf32>
    %swap3A_15 = arith.constant 32 : index
    %swap3A_16 = tpu.vector_load %arg20[%swap3A_15] {strides = array<i32>} : memref<352xf32, #tpu.memory_space<vmem>>, vector<16xf32>,
    %swap3A_17 = vector.shape_cast %swap3A_16 : vector<16xf32> to vector<16xf32>
    %swap3A_18 = vector.shape_cast %broadcast_in_dim3A_14 : vector<16xf32> to vector<16xf32>
    tpu.vector_store %arg20[%swap3A_15], %swap3A_18 {strides = array<i32>} : memref<352xf32, #tpu.memory_space<vmem>>, vector<16xf32>,
    %broadcast_in_dim3A_19 = arith.constant 0.000000e+00 : f32
    %broadcast_in_dim3A_20 = vector.broadcast %broadcast_in_dim3A_19 : f32 to vector<16xf32>
    %swap3A_21 = arith.constant 48 : index
    %swap3A_22 = tpu.vector_load %arg20[%swap3A_21] {strides = array<i32>} : memref<352xf32, #tpu.memory_space<vmem>>, vector<16xf32>,
    %swap3A_23 = vector.shape_cast %swap3A_22 : vector<16xf32> to vector<16xf32>
    %swap3A_24 = vector.shape_cast %broadcast_in_dim3A_20 : vector<16xf32> to vector<16xf32>
    tpu.vector_store %arg20[%swap3A_21], %swap3A_24 {strides = array<i32>} : memref<352xf32, #tpu.memory_space<vmem>>, vector<16xf32>,
    %broadcast_in_dim3A_25 = arith.constant 0.000000e+00 : f32
    %broadcast_in_dim3A_26 = vector.broadcast %broadcast_in_dim3A_25 : f32 to vector<16xf32>
    %swap3A_27 = arith.constant 64 : index
    %swap3A_28 = tpu.vector_load %arg20[%swap3A_27] {strides = array<i32>} : memref<352xf32, #tpu.memory_space<vmem>>, vector<16xf32>,
    %swap3A_29 = vector.shape_cast %swap3A_28 : vector<16xf32> to vector<16xf32>
    %swap3A_30 = vector.shape_cast %broadcast_in_dim3A_26 : vector<16xf32> to vector<16xf32>
    tpu.vector_store %arg20[%swap3A_27], %swap3A_30 {strides = array<i32>} : memref<352xf32, #tpu.memory_space<vmem>>, vector<16xf32>,
    %broadcast_in_dim3A_31 = arith.constant 0.000000e+00 : f32
    %broadcast_in_dim3A_32 = vector.broadcast %broadcast_in_dim3A_31 : f32 to vector<16xf32>
    %swap3A_33 = arith.constant 80 : index
    %swap3A_34 = tpu.vector_load %arg20[%swap3A_33] {strides = array<i32>} : memref<352xf32, #tpu.memory_space<vmem>>, vector<16xf32>,
    %swap3A_35 = vector.shape_cast %swap3A_34 : vector<16xf32> to vector<16xf32>
    %swap3A_36 = vector.shape_cast %broadcast_in_dim3A_32 : vector<16xf32> to vector<16xf32>
    tpu.vector_store %arg20[%swap3A_33], %swap3A_36 {strides = array<i32>} : memref<352xf32, #tpu.memory_space<vmem>>, vector<16xf32>,
    %broadcast_in_dim3A_37 = arith.constant 0.000000e+00 : f32
    %broadcast_in_dim3A_38 = vector.broadcast %broadcast_in_dim3A_37 : f32 to vector<16xf32>
    %swap3A_39 = arith.constant 96 : index
    %swap3A_40 = tpu.vector_load %arg20[%swap3A_39] {strides = array<i32>} : memref<352xf32, #tpu.memory_space<vmem>>, vector<16xf32>,
    %swap3A_41 = vector.shape_cast %swap3A_40 : vector<16xf32> to vector<16xf32>
    %swap3A_42 = vector.shape_cast %broadcast_in_dim3A_38 : vector<16xf32> to vector<16xf32>
    tpu.vector_store %arg20[%swap3A_39], %swap3A_42 {strides = array<i32>} : memref<352xf32, #tpu.memory_space<vmem>>, vector<16xf32>,
    %broadcast_in_dim3A_43 = arith.constant 0.000000e+00 : f32
    %broadcast_in_dim3A_44 = vector.broadcast %broadcast_in_dim3A_43 : f32 to vector<16xf32>
    %swap3A_45 = arith.constant 112 : index
    %swap3A_46 = tpu.vector_load %arg20[%swap3A_45] {strides = array<i32>} : memref<352xf32, #tpu.memory_space<vmem>>, vector<16xf32>,
    %swap3A_47 = vector.shape_cast %swap3A_46 : vector<16xf32> to vector<16xf32>
    %swap3A_48 = vector.shape_cast %broadcast_in_dim3A_44 : vector<16xf32> to vector<16xf32>
    tpu.vector_store %arg20[%swap3A_45], %swap3A_48 {strides = array<i32>} : memref<352xf32, #tpu.memory_space<vmem>>, vector<16xf32>,
    %broadcast_in_dim3A_49 = arith.constant 0.000000e+00 : f32
    %broadcast_in_dim3A_50 = vector.broadcast %broadcast_in_dim3A_49 : f32 to vector<16xf32>
    %swap3A_51 = arith.constant 128 : index
    %swap3A_52 = tpu.vector_load %arg20[%swap3A_51] {strides = array<i32>} : memref<352xf32, #tpu.memory_space<vmem>>, vector<16xf32>,
    %swap3A_53 = vector.shape_cast %swap3A_52 : vector<16xf32> to vector<16xf32>
    %swap3A_54 = vector.shape_cast %broadcast_in_dim3A_50 : vector<16xf32> to vector<16xf32>
    tpu.vector_store %arg20[%swap3A_51], %swap3A_54 {strides = array<i32>} : memref<352xf32, #tpu.memory_space<vmem>>, vector<16xf32>,
    %broadcast_in_dim3A_55 = arith.constant 0.000000e+00 : f32
    %broadcast_in_dim3A_56 = vector.broadcast %broadcast_in_dim3A_55 : f32 to vector<16xf32>
    %swap3A_57 = arith.constant 144 : index
    %swap3A_58 = tpu.vector_load %arg20[%swap3A_57] {strides = array<i32>} : memref<352xf32, #tpu.memory_space<vmem>>, vector<16xf32>,
    %swap3A_59 = vector.shape_cast %swap3A_58 : vector<16xf32> to vector<16xf32>
    %swap3A_60 = vector.shape_cast %broadcast_in_dim3A_56 : vector<16xf32> to vector<16xf32>
    tpu.vector_store %arg20[%swap3A_57], %swap3A_60 {strides = array<i32>} : memref<352xf32, #tpu.memory_space<vmem>>, vector<16xf32>,
    %broadcast_in_dim3A_61 = arith.constant 0.000000e+00 : f32
    %broadcast_in_dim3A_62 = vector.broadcast %broadcast_in_dim3A_61 : f32 to vector<16xf32>
    %swap3A_63 = arith.constant 160 : index
    %swap3A_64 = tpu.vector_load %arg20[%swap3A_63] {strides = array<i32>} : memref<352xf32, #tpu.memory_space<vmem>>, vector<16xf32>,
    %swap3A_65 = vector.shape_cast %swap3A_64 : vector<16xf32> to vector<16xf32>
    %swap3A_66 = vector.shape_cast %broadcast_in_dim3A_62 : vector<16xf32> to vector<16xf32>
    tpu.vector_store %arg20[%swap3A_63], %swap3A_66 {strides = array<i32>} : memref<352xf32, #tpu.memory_space<vmem>>, vector<16xf32>,
    %broadcast_in_dim3A_67 = arith.constant 0.000000e+00 : f32
    %broadcast_in_dim3A_68 = vector.broadcast %broadcast_in_dim3A_67 : f32 to vector<16xf32>
    %swap3A_69 = arith.constant 176 : index
    %swap3A_70 = tpu.vector_load %arg20[%swap3A_69] {strides = array<i32>} : memref<352xf32, #tpu.memory_space<vmem>>, vector<16xf32>,
    %swap3A_71 = vector.shape_cast %swap3A_70 : vector<16xf32> to vector<16xf32>
    %swap3A_72 = vector.shape_cast %broadcast_in_dim3A_68 : vector<16xf32> to vector<16xf32>
    tpu.vector_store %arg20[%swap3A_69], %swap3A_72 {strides = array<i32>} : memref<352xf32, #tpu.memory_space<vmem>>, vector<16xf32>,
    %broadcast_in_dim3A_73 = arith.constant 0.000000e+00 : f32
    %broadcast_in_dim3A_74 = vector.broadcast %broadcast_in_dim3A_73 : f32 to vector<16xf32>
    %swap3A_75 = arith.constant 192 : index
    %swap3A_76 = tpu.vector_load %arg20[%swap3A_75] {strides = array<i32>} : memref<352xf32, #tpu.memory_space<vmem>>, vector<16xf32>,
    %swap3A_77 = vector.shape_cast %swap3A_76 : vector<16xf32> to vector<16xf32>
    %swap3A_78 = vector.shape_cast %broadcast_in_dim3A_74 : vector<16xf32> to vector<16xf32>
    tpu.vector_store %arg20[%swap3A_75], %swap3A_78 {strides = array<i32>} : memref<352xf32, #tpu.memory_space<vmem>>, vector<16xf32>,
    %broadcast_in_dim3A_79 = arith.constant 0.000000e+00 : f32
    %broadcast_in_dim3A_80 = vector.broadcast %broadcast_in_dim3A_79 : f32 to vector<16xf32>
    %swap3A_81 = arith.constant 208 : index
    %swap3A_82 = tpu.vector_load %arg20[%swap3A_81] {strides = array<i32>} : memref<352xf32, #tpu.memory_space<vmem>>, vector<16xf32>,
    %swap3A_83 = vector.shape_cast %swap3A_82 : vector<16xf32> to vector<16xf32>
    %swap3A_84 = vector.shape_cast %broadcast_in_dim3A_80 : vector<16xf32> to vector<16xf32>
    tpu.vector_store %arg20[%swap3A_81], %swap3A_84 {strides = array<i32>} : memref<352xf32, #tpu.memory_space<vmem>>, vector<16xf32>,
    %broadcast_in_dim3A_85 = arith.constant 0.000000e+00 : f32
    %broadcast_in_dim3A_86 = vector.broadcast %broadcast_in_dim3A_85 : f32 to vector<16xf32>
    %swap3A_87 = arith.constant 224 : index
    %swap3A_88 = tpu.vector_load %arg20[%swap3A_87] {strides = array<i32>} : memref<352xf32, #tpu.memory_space<vmem>>, vector<16xf32>,
    %swap3A_89 = vector.shape_cast %swap3A_88 : vector<16xf32> to vector<16xf32>
    %swap3A_90 = vector.shape_cast %broadcast_in_dim3A_86 : vector<16xf32> to vector<16xf32>
    tpu.vector_store %arg20[%swap3A_87], %swap3A_90 {strides = array<i32>} : memref<352xf32, #tpu.memory_space<vmem>>, vector<16xf32>,
    %broadcast_in_dim3A_91 = arith.constant 0.000000e+00 : f32
    %broadcast_in_dim3A_92 = vector.broadcast %broadcast_in_dim3A_91 : f32 to vector<16xf32>
    %swap3A_93 = arith.constant 240 : index
    %swap3A_94 = tpu.vector_load %arg20[%swap3A_93] {strides = array<i32>} : memref<352xf32, #tpu.memory_space<vmem>>, vector<16xf32>,
    %swap3A_95 = vector.shape_cast %swap3A_94 : vector<16xf32> to vector<16xf32>
    %swap3A_96 = vector.shape_cast %broadcast_in_dim3A_92 : vector<16xf32> to vector<16xf32>
    tpu.vector_store %arg20[%swap3A_93], %swap3A_96 {strides = array<i32>} : memref<352xf32, #tpu.memory_space<vmem>>, vector<16xf32>,
    %broadcast_in_dim3A_97 = arith.constant 0.000000e+00 : f32
    %broadcast_in_dim3A_98 = vector.broadcast %broadcast_in_dim3A_97 : f32 to vector<16xf32>
    %swap3A_99 = arith.constant 256 : index
    %swap3A_100 = tpu.vector_load %arg20[%swap3A_99] {strides = array<i32>} : memref<352xf32, #tpu.memory_space<vmem>>, vector<16xf32>,
    %swap3A_101 = vector.shape_cast %swap3A_100 : vector<16xf32> to vector<16xf32>
    %swap3A_102 = vector.shape_cast %broadcast_in_dim3A_98 : vector<16xf32> to vector<16xf32>
    tpu.vector_store %arg20[%swap3A_99], %swap3A_102 {strides = array<i32>} : memref<352xf32, #tpu.memory_space<vmem>>, vector<16xf32>,
    %broadcast_in_dim3A_103 = arith.constant 0.000000e+00 : f32
    %broadcast_in_dim3A_104 = vector.broadcast %broadcast_in_dim3A_103 : f32 to vector<16xf32>
    %swap3A_105 = arith.constant 272 : index
    %swap3A_106 = tpu.vector_load %arg20[%swap3A_105] {strides = array<i32>} : memref<352xf32, #tpu.memory_space<vmem>>, vector<16xf32>,
    %swap3A_107 = vector.shape_cast %swap3A_106 : vector<16xf32> to vector<16xf32>
    %swap3A_108 = vector.shape_cast %broadcast_in_dim3A_104 : vector<16xf32> to vector<16xf32>
    tpu.vector_store %arg20[%swap3A_105], %swap3A_108 {strides = array<i32>} : memref<352xf32, #tpu.memory_space<vmem>>, vector<16xf32>,
    %broadcast_in_dim3A_109 = arith.constant 0.000000e+00 : f32
    %broadcast_in_dim3A_110 = vector.broadcast %broadcast_in_dim3A_109 : f32 to vector<16xf32>
    %swap3A_111 = arith.constant 288 : index
    %swap3A_112 = tpu.vector_load %arg20[%swap3A_111] {strides = array<i32>} : memref<352xf32, #tpu.memory_space<vmem>>, vector<16xf32>,
    %swap3A_113 = vector.shape_cast %swap3A_112 : vector<16xf32> to vector<16xf32>
    %swap3A_114 = vector.shape_cast %broadcast_in_dim3A_110 : vector<16xf32> to vector<16xf32>
    tpu.vector_store %arg20[%swap3A_111], %swap3A_114 {strides = array<i32>} : memref<352xf32, #tpu.memory_space<vmem>>, vector<16xf32>,
    %broadcast_in_dim3A_115 = arith.constant 0.000000e+00 : f32
    %broadcast_in_dim3A_116 = vector.broadcast %broadcast_in_dim3A_115 : f32 to vector<16xf32>
    %swap3A_117 = arith.constant 304 : index
    %swap3A_118 = tpu.vector_load %arg20[%swap3A_117] {strides = array<i32>} : memref<352xf32, #tpu.memory_space<vmem>>, vector<16xf32>,
    %swap3A_119 = vector.shape_cast %swap3A_118 : vector<16xf32> to vector<16xf32>
    %swap3A_120 = vector.shape_cast %broadcast_in_dim3A_116 : vector<16xf32> to vector<16xf32>
    tpu.vector_store %arg20[%swap3A_117], %swap3A_120 {strides = array<i32>} : memref<352xf32, #tpu.memory_space<vmem>>, vector<16xf32>,
    %broadcast_in_dim3A_121 = arith.constant 0.000000e+00 : f32
    %broadcast_in_dim3A_122 = vector.broadcast %broadcast_in_dim3A_121 : f32 to vector<16xf32>
    %swap3A_123 = arith.constant 320 : index
    %swap3A_124 = tpu.vector_load %arg20[%swap3A_123] {strides = array<i32>} : memref<352xf32, #tpu.memory_space<vmem>>, vector<16xf32>,
    %swap3A_125 = vector.shape_cast %swap3A_124 : vector<16xf32> to vector<16xf32>
    %swap3A_126 = vector.shape_cast %broadcast_in_dim3A_122 : vector<16xf32> to vector<16xf32>
    tpu.vector_store %arg20[%swap3A_123], %swap3A_126 {strides = array<i32>} : memref<352xf32, #tpu.memory_space<vmem>>, vector<16xf32>,
    %broadcast_in_dim3A_127 = arith.constant 0.000000e+00 : f32
    %broadcast_in_dim3A_128 = vector.broadcast %broadcast_in_dim3A_127 : f32 to vector<16xf32>
    %swap3A_129 = arith.constant 336 : index
    %swap3A_130 = tpu.vector_load %arg20[%swap3A_129] {strides = array<i32>} : memref<352xf32, #tpu.memory_space<vmem>>, vector<16xf32>,
    %swap3A_131 = vector.shape_cast %swap3A_130 : vector<16xf32> to vector<16xf32>
    %swap3A_132 = vector.shape_cast %broadcast_in_dim3A_128 : vector<16xf32> to vector<16xf32>
    tpu.vector_store %arg20[%swap3A_129], %swap3A_132 {strides = array<i32>} : memref<352xf32, #tpu.memory_space<vmem>>, vector<16xf32>,
    %get3A = arith.index_cast %add3A : i32 to index
    %get3A_133 = tpu.vector_load %arg13[%get3A] {strides = array<i32>} : memref<48xi32, #tpu.memory_space<vmem>>, vector<16xi32>,
    %get3A_134 = vector.shape_cast %get3A_133 : vector<16xi32> to vector<16xi32>
    %slice3A = vector.extract_strided_slice %get3A_134 {offsets = [0], sizes = [1], strides = [1]} : vector<16xi32> to vector<1xi32>
    %squeeze3A = vector.extract %slice3A[0] : i32 from vector<1xi32>
    %slice3A_135 = vector.extract_strided_slice %get3A_134 {offsets = [1], sizes = [1], strides = [1]} : vector<16xi32> to vector<1xi32>
    %squeeze3A_136 = vector.extract %slice3A_135[0] : i32 from vector<1xi32>
    %jit3A = arith.constant 64 : i32
    %div3A = arith.divsi %squeeze3A, %jit3A : i32
    %sign3A = arith.constant 0 : i32
    %sign3A_137 = arith.cmpi sgt, %squeeze3A, %sign3A : i32
    %sign3A_138 = arith.extui %sign3A_137 : i1 to i32
    %sign3A_139 = arith.constant 0 : i32
    %sign3A_140 = arith.cmpi slt, %squeeze3A, %sign3A_139 : i32
    %sign3A_141 = arith.extui %sign3A_140 : i1 to i32
    %sign3A_142 = arith.subi %sign3A_138, %sign3A_141 : i32
    %sign3A_143 = arith.constant 0 : i32
    %sign3A_144 = arith.cmpi sgt, %jit3A, %sign3A_143 : i32
    %sign3A_145 = arith.extui %sign3A_144 : i1 to i32
    %sign3A_146 = arith.constant 0 : i32
    %sign3A_147 = arith.cmpi slt, %jit3A, %sign3A_146 : i32
    %sign3A_148 = arith.extui %sign3A_147 : i1 to i32
    %sign3A_149 = arith.subi %sign3A_145, %sign3A_148 : i32
    %ne3A = arith.cmpi ne, %sign3A_142, %sign3A_149 : i32
    %rem3A = arith.remsi %squeeze3A, %jit3A : i32
    %ne3A_150 = arith.constant 0 : i32
    %ne3A_151 = arith.cmpi ne, %rem3A, %ne3A_150 : i32
    %and3A = arith.andi %ne3A, %ne3A_151 : i1
    %sub3A = arith.constant 1 : i32
    %sub3A_152 = arith.subi %div3A, %sub3A : i32
    %select_n3A = arith.select %and3A, %sub3A_152, %div3A : i32
    %mul3A_153 = arith.constant 64 : i32
    %mul3A_154 = arith.muli %select_n3A, %mul3A_153 : i32
    %multiple_of3A = tpu.assume_multiple %mul3A_154, 64 : i32
    %sub3A_155 = arith.subi %squeeze3A_136, %multiple_of3A : i32
    %add3A_156 = arith.constant 64 : i32
    %add3A_157 = arith.addi %sub3A_155, %add3A_156 : i32
    %sub3A_158 = arith.constant 1 : i32
    %sub3A_159 = arith.subi %add3A_157, %sub3A_158 : i32
    %jit3A_160 = arith.constant 64 : i32
    %div3A_161 = arith.divsi %sub3A_159, %jit3A_160 : i32
    %sign3A_162 = arith.constant 0 : i32
    %sign3A_163 = arith.cmpi sgt, %sub3A_159, %sign3A_162 : i32
    %sign3A_164 = arith.extui %sign3A_163 : i1 to i32
    %sign3A_165 = arith.constant 0 : i32
    %sign3A_166 = arith.cmpi slt, %sub3A_159, %sign3A_165 : i32
    %sign3A_167 = arith.extui %sign3A_166 : i1 to i32
    %sign3A_168 = arith.subi %sign3A_164, %sign3A_167 : i32
    %sign3A_169 = arith.constant 0 : i32
    %sign3A_170 = arith.cmpi sgt, %jit3A_160, %sign3A_169 : i32
    %sign3A_171 = arith.extui %sign3A_170 : i1 to i32
    %sign3A_172 = arith.constant 0 : i32
    %sign3A_173 = arith.cmpi slt, %jit3A_160, %sign3A_172 : i32
    %sign3A_174 = arith.extui %sign3A_173 : i1 to i32
    %sign3A_175 = arith.subi %sign3A_171, %sign3A_174 : i32
    %ne3A_176 = arith.cmpi ne, %sign3A_168, %sign3A_175 : i32
    %rem3A_177 = arith.remsi %sub3A_159, %jit3A_160 : i32
    %ne3A_178 = arith.constant 0 : i32
    %ne3A_179 = arith.cmpi ne, %rem3A_177, %ne3A_178 : i32
    %and3A_180 = arith.andi %ne3A_176, %ne3A_179 : i1
    %sub3A_181 = arith.constant 1 : i32
    %sub3A_182 = arith.subi %div3A_161, %sub3A_181 : i32
    %select_n3A_183 = arith.select %and3A_180, %sub3A_182, %div3A_161 : i32
    %iota3A = tpu.iota {dimensions = array<i32: 0>} : vector<16xi32>
    %eq3A = arith.constant 0 : i32
    %eq3A_184 = vector.broadcast %eq3A : i32 to vector<16xi32>
    %eq3A_185 = arith.cmpi eq, %iota3A, %eq3A_184 : vector<16xi32>
    %iota3A_186 = tpu.iota {dimensions = array<i32: 0>} : vector<16xi32>
    %while3A = arith.constant 0 : i32
    %while3A_187 = arith.constant 0 : i32
    %while3A_188 = arith.subi %select_n3A_183, %while3A_187 : i32
    %while3A_189 = arith.addi %while3A_187, %while3A_188 : i32
    %while3A_190 = arith.constant 1 : i32
    %while3A_191 = arith.divsi %while3A_188, %while3A_190 : i32
    %while3A_192 = arith.muli %while3A_191, %while3A_190 : i32
    %while3A_193 = arith.addi %while3A_187, %while3A_192 : i32
    %while3A_194 = arith.constant 1 : i32
    scf.for %while3A_203 = %while3A_187 to %while3A_193 step %while3A_194  : i32 {
      %mul3A_204 = arith.constant 64 : i32
      %mul3A_205 = arith.muli %while3A_203, %mul3A_204 : i32
      %add3A_206 = arith.addi %multiple_of3A, %mul3A_205 : i32
      %multiple_of3A_207 = tpu.assume_multiple %add3A_206, 64 : i32
      "tpu.region"() ({
        %run_scoped3A = tpu.sem_alloc : memref<!tpu.dma_semaphore, #tpu.memory_space<semaphore_mem>>
        %dma_start3A_223 = tpu.memref_slice %arg5[%multiple_of3A_207] : memref<170048xi32, #tpu.memory_space<hbm>> -> memref<64xi32, #tpu.memory_space<hbm>>
        %dma_start3A_224 = tpu.memref_slice %arg5[%multiple_of3A_207] : memref<170048xi32, #tpu.memory_space<hbm>> -> memref<64xi32, #tpu.memory_space<hbm>>
        tpu.enqueue_dma source(%dma_start3A_224 : memref<64xi32, #tpu.memory_space<hbm>>) target(%arg14 : memref<64xi32, #tpu.memory_space<vmem>>) target_semaphore(%run_scoped3A : memref<!tpu.dma_semaphore, #tpu.memory_space<semaphore_mem>>)
        %dma_wait3A_225 = tpu.memref_slice %arg5[%multiple_of3A_207] : memref<170048xi32, #tpu.memory_space<hbm>> -> memref<64xi32, #tpu.memory_space<hbm>>
        %dma_wait3A_226 = tpu.memref_slice %arg5[%multiple_of3A_207] : memref<170048xi32, #tpu.memory_space<hbm>> -> memref<64xi32, #tpu.memory_space<hbm>>
        tpu.wait_dma2 semaphore(%run_scoped3A : memref<!tpu.dma_semaphore, #tpu.memory_space<semaphore_mem>>) src(%dma_wait3A_226 : memref<64xi32, #tpu.memory_space<hbm>>) dst(%arg14 : memref<64xi32, #tpu.memory_space<vmem>>)
        tpu.yield
      }) : () -> ()
      "tpu.region"() ({
        %run_scoped3A = tpu.sem_alloc : memref<!tpu.dma_semaphore, #tpu.memory_space<semaphore_mem>>
        %dma_start3A_223 = tpu.memref_slice %arg6[%multiple_of3A_207] : memref<170048xi32, #tpu.memory_space<hbm>> -> memref<64xi32, #tpu.memory_space<hbm>>
        %dma_start3A_224 = tpu.memref_slice %arg6[%multiple_of3A_207] : memref<170048xi32, #tpu.memory_space<hbm>> -> memref<64xi32, #tpu.memory_space<hbm>>
        tpu.enqueue_dma source(%dma_start3A_224 : memref<64xi32, #tpu.memory_space<hbm>>) target(%arg15 : memref<64xi32, #tpu.memory_space<vmem>>) target_semaphore(%run_scoped3A : memref<!tpu.dma_semaphore, #tpu.memory_space<semaphore_mem>>)
        %dma_wait3A_225 = tpu.memref_slice %arg6[%multiple_of3A_207] : memref<170048xi32, #tpu.memory_space<hbm>> -> memref<64xi32, #tpu.memory_space<hbm>>
        %dma_wait3A_226 = tpu.memref_slice %arg6[%multiple_of3A_207] : memref<170048xi32, #tpu.memory_space<hbm>> -> memref<64xi32, #tpu.memory_space<hbm>>
        tpu.wait_dma2 semaphore(%run_scoped3A : memref<!tpu.dma_semaphore, #tpu.memory_space<semaphore_mem>>) src(%dma_wait3A_226 : memref<64xi32, #tpu.memory_space<hbm>>) dst(%arg15 : memref<64xi32, #tpu.memory_space<vmem>>)
        tpu.yield
      }) : () -> ()
      "tpu.region"() ({
        %run_scoped3A = tpu.sem_alloc : memref<!tpu.dma_semaphore, #tpu.memory_space<semaphore_mem>>
        %dma_start3A_223 = arith.constant 0 : i32
        %dma_start3A_224 = tpu.memref_slice %arg16[%dma_start3A_223] : memref<80xi32, #tpu.memory_space<vmem>> -> memref<64xi32, #tpu.memory_space<vmem>>
        %dma_start3A_225 = tpu.memref_slice %arg7[%multiple_of3A_207] : memref<170048xi32, #tpu.memory_space<hbm>> -> memref<64xi32, #tpu.memory_space<hbm>>
        %dma_start3A_226 = arith.constant 0 : i32
        %dma_start3A_227 = tpu.memref_slice %arg16[%dma_start3A_226] : memref<80xi32, #tpu.memory_space<vmem>> -> memref<64xi32, #tpu.memory_space<vmem>>
        %dma_start3A_228 = tpu.memref_slice %arg7[%multiple_of3A_207] : memref<170048xi32, #tpu.memory_space<hbm>> -> memref<64xi32, #tpu.memory_space<hbm>>
        tpu.enqueue_dma source(%dma_start3A_228 : memref<64xi32, #tpu.memory_space<hbm>>) target(%dma_start3A_227 : memref<64xi32, #tpu.memory_space<vmem>>) target_semaphore(%run_scoped3A : memref<!tpu.dma_semaphore, #tpu.memory_space<semaphore_mem>>)
        %dma_wait3A_229 = arith.constant 0 : i32
        %dma_wait3A_230 = tpu.memref_slice %arg16[%dma_wait3A_229] : memref<80xi32, #tpu.memory_space<vmem>> -> memref<64xi32, #tpu.memory_space<vmem>>
        %dma_wait3A_231 = tpu.memref_slice %arg7[%multiple_of3A_207] : memref<170048xi32, #tpu.memory_space<hbm>> -> memref<64xi32, #tpu.memory_space<hbm>>
        %dma_wait3A_232 = arith.constant 0 : i32
        %dma_wait3A_233 = tpu.memref_slice %arg16[%dma_wait3A_232] : memref<80xi32, #tpu.memory_space<vmem>> -> memref<64xi32, #tpu.memory_space<vmem>>
        %dma_wait3A_234 = tpu.memref_slice %arg7[%multiple_of3A_207] : memref<170048xi32, #tpu.memory_space<hbm>> -> memref<64xi32, #tpu.memory_space<hbm>>
        tpu.wait_dma2 semaphore(%run_scoped3A : memref<!tpu.dma_semaphore, #tpu.memory_space<semaphore_mem>>) src(%dma_wait3A_234 : memref<64xi32, #tpu.memory_space<hbm>>) dst(%dma_wait3A_233 : memref<64xi32, #tpu.memory_space<vmem>>)
        tpu.yield
      }) : () -> ()
      %dma_start3A = arith.constant 0 : i32
      %dma_start3A_208 = arith.constant 0 : i32
      %dma_start3A_209 = tpu.memref_slice %arg2[%dma_start3A, %dma_start3A_208] : memref<10000x256xf32, #tpu.memory_space<hbm>> -> memref<10000x256xf32, #tpu.memory_space<hbm>>
      tpu.enqueue_indirect_dma source(%dma_start3A_209 : memref<10000x256xf32, #tpu.memory_space<hbm>>) target(%arg17 : memref<64x256xf32, #tpu.memory_space<vmem>>) offsets(%arg14 : memref<64xi32, #tpu.memory_space<vmem>>) semaphore(%arg21 : memref<!tpu.dma_semaphore, #tpu.memory_space<semaphore_mem>>)
      %dma_start3A_210 = arith.constant 0 : i32
      %dma_start3A_211 = arith.constant 0 : i32
      %dma_start3A_212 = tpu.memref_slice %arg3[%dma_start3A_210, %dma_start3A_211] : memref<10000x256xf32, #tpu.memory_space<hbm>> -> memref<10000x256xf32, #tpu.memory_space<hbm>>
      tpu.enqueue_indirect_dma source(%dma_start3A_212 : memref<10000x256xf32, #tpu.memory_space<hbm>>) target(%arg18 : memref<64x256xf32, #tpu.memory_space<vmem>>) offsets(%arg15 : memref<64xi32, #tpu.memory_space<vmem>>) semaphore(%arg22 : memref<!tpu.dma_semaphore, #tpu.memory_space<semaphore_mem>>)
      %dma_wait3A = arith.constant 0 : i32
      %dma_wait3A_213 = arith.constant 0 : i32
      %dma_wait3A_214 = tpu.memref_slice %arg2[%dma_wait3A, %dma_wait3A_213] : memref<10000x256xf32, #tpu.memory_space<hbm>> -> memref<10000x256xf32, #tpu.memory_space<hbm>>
      tpu.wait_indirect_dma semaphore(%arg21 : memref<!tpu.dma_semaphore, #tpu.memory_space<semaphore_mem>>) src(%dma_wait3A_214 : memref<10000x256xf32, #tpu.memory_space<hbm>>) dst(%arg17 : memref<64x256xf32, #tpu.memory_space<vmem>>)
      %dma_wait3A_215 = arith.constant 0 : i32
      %dma_wait3A_216 = arith.constant 0 : i32
      %dma_wait3A_217 = tpu.memref_slice %arg3[%dma_wait3A_215, %dma_wait3A_216] : memref<10000x256xf32, #tpu.memory_space<hbm>> -> memref<10000x256xf32, #tpu.memory_space<hbm>>
      tpu.wait_indirect_dma semaphore(%arg22 : memref<!tpu.dma_semaphore, #tpu.memory_space<semaphore_mem>>) src(%dma_wait3A_217 : memref<10000x256xf32, #tpu.memory_space<hbm>>) dst(%arg18 : memref<64x256xf32, #tpu.memory_space<vmem>>)
      %scan3A = arith.constant 0 : i32
      %scan3A_218 = arith.constant 0 : i32
      %scan3A_219 = arith.constant 64 : i32
      %scan3A_220 = arith.addi %scan3A_218, %scan3A_219 : i32
      %scan3A_221 = arith.constant 1 : i32
      scf.for %scan3A_223 = %scan3A_218 to %scan3A_220 step %scan3A_221  : i32 {
        %broadcast_in_dim3A_224 = arith.constant 0.000000e+00 : f32
        %broadcast_in_dim3A_225 = vector.broadcast %broadcast_in_dim3A_224 : f32 to vector<16xf32>
        %get3A_226 = arith.index_cast %scan3A_223 : i32 to index
        %get3A_227 = arith.constant 0 : index
        %get3A_228 = tpu.vector_load %arg17[%get3A_226, %get3A_227] {strides = array<i32>} : memref<64x256xf32, #tpu.memory_space<vmem>>, vector<1x16xf32>,
        %get3A_229 = vector.shape_cast %get3A_228 : vector<1x16xf32> to vector<16xf32>
        %get3A_230 = arith.index_cast %scan3A_223 : i32 to index
        %get3A_231 = arith.constant 0 : index
        %get3A_232 = tpu.vector_load %arg18[%get3A_230, %get3A_231] {strides = array<i32>} : memref<64x256xf32, #tpu.memory_space<vmem>>, vector<1x16xf32>,
        %get3A_233 = vector.shape_cast %get3A_232 : vector<1x16xf32> to vector<16xf32>
        %add3A_234 = arith.addf %get3A_229, %get3A_233 : vector<16xf32>
        %mul3A_235 = arith.constant 2.000000e-01 : f32
        %mul3A_236 = vector.broadcast %mul3A_235 : f32 to vector<16xf32>
        %mul3A_237 = arith.mulf %mul3A_236, %add3A_234 : vector<16xf32>
        %max3A = arith.maximumf %add3A_234, %mul3A_237 : vector<16xf32>
        %get3A_238 = arith.constant 0 : index
        %get3A_239 = tpu.vector_load %arg12[%get3A_238] {strides = array<i32>} : memref<256xf32, #tpu.memory_space<vmem>>, vector<16xf32>,
        %get3A_240 = vector.shape_cast %get3A_239 : vector<16xf32> to vector<16xf32>
        %mul3A_241 = arith.mulf %max3A, %get3A_240 : vector<16xf32>
        %add3A_242 = arith.addf %broadcast_in_dim3A_225, %mul3A_241 : vector<16xf32>
        %get3A_243 = arith.index_cast %scan3A_223 : i32 to index
        %get3A_244 = arith.constant 16 : index
        %get3A_245 = tpu.vector_load %arg17[%get3A_243, %get3A_244] {strides = array<i32>} : memref<64x256xf32, #tpu.memory_space<vmem>>, vector<1x16xf32>,
        %get3A_246 = vector.shape_cast %get3A_245 : vector<1x16xf32> to vector<16xf32>
        %get3A_247 = arith.index_cast %scan3A_223 : i32 to index
        %get3A_248 = arith.constant 16 : index
        %get3A_249 = tpu.vector_load %arg18[%get3A_247, %get3A_248] {strides = array<i32>} : memref<64x256xf32, #tpu.memory_space<vmem>>, vector<1x16xf32>,
        %get3A_250 = vector.shape_cast %get3A_249 : vector<1x16xf32> to vector<16xf32>
        %add3A_251 = arith.addf %get3A_246, %get3A_250 : vector<16xf32>
        %mul3A_252 = arith.constant 2.000000e-01 : f32
        %mul3A_253 = vector.broadcast %mul3A_252 : f32 to vector<16xf32>
        %mul3A_254 = arith.mulf %mul3A_253, %add3A_251 : vector<16xf32>
        %max3A_255 = arith.maximumf %add3A_251, %mul3A_254 : vector<16xf32>
        %get3A_256 = arith.constant 16 : index
        %get3A_257 = tpu.vector_load %arg12[%get3A_256] {strides = array<i32>} : memref<256xf32, #tpu.memory_space<vmem>>, vector<16xf32>,
        %get3A_258 = vector.shape_cast %get3A_257 : vector<16xf32> to vector<16xf32>
        %mul3A_259 = arith.mulf %max3A_255, %get3A_258 : vector<16xf32>
        %add3A_260 = arith.addf %add3A_242, %mul3A_259 : vector<16xf32>
        %get3A_261 = arith.index_cast %scan3A_223 : i32 to index
        %get3A_262 = arith.constant 32 : index
        %get3A_263 = tpu.vector_load %arg17[%get3A_261, %get3A_262] {strides = array<i32>} : memref<64x256xf32, #tpu.memory_space<vmem>>, vector<1x16xf32>,
        %get3A_264 = vector.shape_cast %get3A_263 : vector<1x16xf32> to vector<16xf32>
        %get3A_265 = arith.index_cast %scan3A_223 : i32 to index
        %get3A_266 = arith.constant 32 : index
        %get3A_267 = tpu.vector_load %arg18[%get3A_265, %get3A_266] {strides = array<i32>} : memref<64x256xf32, #tpu.memory_space<vmem>>, vector<1x16xf32>,
        %get3A_268 = vector.shape_cast %get3A_267 : vector<1x16xf32> to vector<16xf32>
        %add3A_269 = arith.addf %get3A_264, %get3A_268 : vector<16xf32>
        %mul3A_270 = arith.constant 2.000000e-01 : f32
        %mul3A_271 = vector.broadcast %mul3A_270 : f32 to vector<16xf32>
        %mul3A_272 = arith.mulf %mul3A_271, %add3A_269 : vector<16xf32>
        %max3A_273 = arith.maximumf %add3A_269, %mul3A_272 : vector<16xf32>
        %get3A_274 = arith.constant 32 : index
        %get3A_275 = tpu.vector_load %arg12[%get3A_274] {strides = array<i32>} : memref<256xf32, #tpu.memory_space<vmem>>, vector<16xf32>,
        %get3A_276 = vector.shape_cast %get3A_275 : vector<16xf32> to vector<16xf32>
        %mul3A_277 = arith.mulf %max3A_273, %get3A_276 : vector<16xf32>
        %add3A_278 = arith.addf %add3A_260, %mul3A_277 : vector<16xf32>
        %get3A_279 = arith.index_cast %scan3A_223 : i32 to index
        %get3A_280 = arith.constant 48 : index
        %get3A_281 = tpu.vector_load %arg17[%get3A_279, %get3A_280] {strides = array<i32>} : memref<64x256xf32, #tpu.memory_space<vmem>>, vector<1x16xf32>,
        %get3A_282 = vector.shape_cast %get3A_281 : vector<1x16xf32> to vector<16xf32>
        %get3A_283 = arith.index_cast %scan3A_223 : i32 to index
        %get3A_284 = arith.constant 48 : index
        %get3A_285 = tpu.vector_load %arg18[%get3A_283, %get3A_284] {strides = array<i32>} : memref<64x256xf32, #tpu.memory_space<vmem>>, vector<1x16xf32>,
        %get3A_286 = vector.shape_cast %get3A_285 : vector<1x16xf32> to vector<16xf32>
        %add3A_287 = arith.addf %get3A_282, %get3A_286 : vector<16xf32>
        %mul3A_288 = arith.constant 2.000000e-01 : f32
        %mul3A_289 = vector.broadcast %mul3A_288 : f32 to vector<16xf32>
        %mul3A_290 = arith.mulf %mul3A_289, %add3A_287 : vector<16xf32>
        %max3A_291 = arith.maximumf %add3A_287, %mul3A_290 : vector<16xf32>
        %get3A_292 = arith.constant 48 : index
        %get3A_293 = tpu.vector_load %arg12[%get3A_292] {strides = array<i32>} : memref<256xf32, #tpu.memory_space<vmem>>, vector<16xf32>,
        %get3A_294 = vector.shape_cast %get3A_293 : vector<16xf32> to vector<16xf32>
        %mul3A_295 = arith.mulf %max3A_291, %get3A_294 : vector<16xf32>
        %add3A_296 = arith.addf %add3A_278, %mul3A_295 : vector<16xf32>
        %get3A_297 = arith.index_cast %scan3A_223 : i32 to index
        %get3A_298 = arith.constant 64 : index
        %get3A_299 = tpu.vector_load %arg17[%get3A_297, %get3A_298] {strides = array<i32>} : memref<64x256xf32, #tpu.memory_space<vmem>>, vector<1x16xf32>,
        %get3A_300 = vector.shape_cast %get3A_299 : vector<1x16xf32> to vector<16xf32>
        %get3A_301 = arith.index_cast %scan3A_223 : i32 to index
        %get3A_302 = arith.constant 64 : index
        %get3A_303 = tpu.vector_load %arg18[%get3A_301, %get3A_302] {strides = array<i32>} : memref<64x256xf32, #tpu.memory_space<vmem>>, vector<1x16xf32>,
        %get3A_304 = vector.shape_cast %get3A_303 : vector<1x16xf32> to vector<16xf32>
        %add3A_305 = arith.addf %get3A_300, %get3A_304 : vector<16xf32>
        %mul3A_306 = arith.constant 2.000000e-01 : f32
        %mul3A_307 = vector.broadcast %mul3A_306 : f32 to vector<16xf32>
        %mul3A_308 = arith.mulf %mul3A_307, %add3A_305 : vector<16xf32>
        %max3A_309 = arith.maximumf %add3A_305, %mul3A_308 : vector<16xf32>
        %get3A_310 = arith.constant 64 : index
        %get3A_311 = tpu.vector_load %arg12[%get3A_310] {strides = array<i32>} : memref<256xf32, #tpu.memory_space<vmem>>, vector<16xf32>,
        %get3A_312 = vector.shape_cast %get3A_311 : vector<16xf32> to vector<16xf32>
        %mul3A_313 = arith.mulf %max3A_309, %get3A_312 : vector<16xf32>
        %add3A_314 = arith.addf %add3A_296, %mul3A_313 : vector<16xf32>
        %get3A_315 = arith.index_cast %scan3A_223 : i32 to index
        %get3A_316 = arith.constant 80 : index
        %get3A_317 = tpu.vector_load %arg17[%get3A_315, %get3A_316] {strides = array<i32>} : memref<64x256xf32, #tpu.memory_space<vmem>>, vector<1x16xf32>,
        %get3A_318 = vector.shape_cast %get3A_317 : vector<1x16xf32> to vector<16xf32>
        %get3A_319 = arith.index_cast %scan3A_223 : i32 to index
        %get3A_320 = arith.constant 80 : index
        %get3A_321 = tpu.vector_load %arg18[%get3A_319, %get3A_320] {strides = array<i32>} : memref<64x256xf32, #tpu.memory_space<vmem>>, vector<1x16xf32>,
        %get3A_322 = vector.shape_cast %get3A_321 : vector<1x16xf32> to vector<16xf32>
        %add3A_323 = arith.addf %get3A_318, %get3A_322 : vector<16xf32>
        %mul3A_324 = arith.constant 2.000000e-01 : f32
        %mul3A_325 = vector.broadcast %mul3A_324 : f32 to vector<16xf32>
        %mul3A_326 = arith.mulf %mul3A_325, %add3A_323 : vector<16xf32>
        %max3A_327 = arith.maximumf %add3A_323, %mul3A_326 : vector<16xf32>
        %get3A_328 = arith.constant 80 : index
        %get3A_329 = tpu.vector_load %arg12[%get3A_328] {strides = array<i32>} : memref<256xf32, #tpu.memory_space<vmem>>, vector<16xf32>,
        %get3A_330 = vector.shape_cast %get3A_329 : vector<16xf32> to vector<16xf32>
        %mul3A_331 = arith.mulf %max3A_327, %get3A_330 : vector<16xf32>
        %add3A_332 = arith.addf %add3A_314, %mul3A_331 : vector<16xf32>
        %get3A_333 = arith.index_cast %scan3A_223 : i32 to index
        %get3A_334 = arith.constant 96 : index
        %get3A_335 = tpu.vector_load %arg17[%get3A_333, %get3A_334] {strides = array<i32>} : memref<64x256xf32, #tpu.memory_space<vmem>>, vector<1x16xf32>,
        %get3A_336 = vector.shape_cast %get3A_335 : vector<1x16xf32> to vector<16xf32>
        %get3A_337 = arith.index_cast %scan3A_223 : i32 to index
        %get3A_338 = arith.constant 96 : index
        %get3A_339 = tpu.vector_load %arg18[%get3A_337, %get3A_338] {strides = array<i32>} : memref<64x256xf32, #tpu.memory_space<vmem>>, vector<1x16xf32>,
        %get3A_340 = vector.shape_cast %get3A_339 : vector<1x16xf32> to vector<16xf32>
        %add3A_341 = arith.addf %get3A_336, %get3A_340 : vector<16xf32>
        %mul3A_342 = arith.constant 2.000000e-01 : f32
        %mul3A_343 = vector.broadcast %mul3A_342 : f32 to vector<16xf32>
        %mul3A_344 = arith.mulf %mul3A_343, %add3A_341 : vector<16xf32>
        %max3A_345 = arith.maximumf %add3A_341, %mul3A_344 : vector<16xf32>
        %get3A_346 = arith.constant 96 : index
        %get3A_347 = tpu.vector_load %arg12[%get3A_346] {strides = array<i32>} : memref<256xf32, #tpu.memory_space<vmem>>, vector<16xf32>,
        %get3A_348 = vector.shape_cast %get3A_347 : vector<16xf32> to vector<16xf32>
        %mul3A_349 = arith.mulf %max3A_345, %get3A_348 : vector<16xf32>
        %add3A_350 = arith.addf %add3A_332, %mul3A_349 : vector<16xf32>
        %get3A_351 = arith.index_cast %scan3A_223 : i32 to index
        %get3A_352 = arith.constant 112 : index
        %get3A_353 = tpu.vector_load %arg17[%get3A_351, %get3A_352] {strides = array<i32>} : memref<64x256xf32, #tpu.memory_space<vmem>>, vector<1x16xf32>,
        %get3A_354 = vector.shape_cast %get3A_353 : vector<1x16xf32> to vector<16xf32>
        %get3A_355 = arith.index_cast %scan3A_223 : i32 to index
        %get3A_356 = arith.constant 112 : index
        %get3A_357 = tpu.vector_load %arg18[%get3A_355, %get3A_356] {strides = array<i32>} : memref<64x256xf32, #tpu.memory_space<vmem>>, vector<1x16xf32>,
        %get3A_358 = vector.shape_cast %get3A_357 : vector<1x16xf32> to vector<16xf32>
        %add3A_359 = arith.addf %get3A_354, %get3A_358 : vector<16xf32>
        %mul3A_360 = arith.constant 2.000000e-01 : f32
        %mul3A_361 = vector.broadcast %mul3A_360 : f32 to vector<16xf32>
        %mul3A_362 = arith.mulf %mul3A_361, %add3A_359 : vector<16xf32>
        %max3A_363 = arith.maximumf %add3A_359, %mul3A_362 : vector<16xf32>
        %get3A_364 = arith.constant 112 : index
        %get3A_365 = tpu.vector_load %arg12[%get3A_364] {strides = array<i32>} : memref<256xf32, #tpu.memory_space<vmem>>, vector<16xf32>,
        %get3A_366 = vector.shape_cast %get3A_365 : vector<16xf32> to vector<16xf32>
        %mul3A_367 = arith.mulf %max3A_363, %get3A_366 : vector<16xf32>
        %add3A_368 = arith.addf %add3A_350, %mul3A_367 : vector<16xf32>
        %get3A_369 = arith.index_cast %scan3A_223 : i32 to index
        %get3A_370 = arith.constant 128 : index
        %get3A_371 = tpu.vector_load %arg17[%get3A_369, %get3A_370] {strides = array<i32>} : memref<64x256xf32, #tpu.memory_space<vmem>>, vector<1x16xf32>,
        %get3A_372 = vector.shape_cast %get3A_371 : vector<1x16xf32> to vector<16xf32>
        %get3A_373 = arith.index_cast %scan3A_223 : i32 to index
        %get3A_374 = arith.constant 128 : index
        %get3A_375 = tpu.vector_load %arg18[%get3A_373, %get3A_374] {strides = array<i32>} : memref<64x256xf32, #tpu.memory_space<vmem>>, vector<1x16xf32>,
        %get3A_376 = vector.shape_cast %get3A_375 : vector<1x16xf32> to vector<16xf32>
        %add3A_377 = arith.addf %get3A_372, %get3A_376 : vector<16xf32>
        %mul3A_378 = arith.constant 2.000000e-01 : f32
        %mul3A_379 = vector.broadcast %mul3A_378 : f32 to vector<16xf32>
        %mul3A_380 = arith.mulf %mul3A_379, %add3A_377 : vector<16xf32>
        %max3A_381 = arith.maximumf %add3A_377, %mul3A_380 : vector<16xf32>
        %get3A_382 = arith.constant 128 : index
        %get3A_383 = tpu.vector_load %arg12[%get3A_382] {strides = array<i32>} : memref<256xf32, #tpu.memory_space<vmem>>, vector<16xf32>,
        %get3A_384 = vector.shape_cast %get3A_383 : vector<16xf32> to vector<16xf32>
        %mul3A_385 = arith.mulf %max3A_381, %get3A_384 : vector<16xf32>
        %add3A_386 = arith.addf %add3A_368, %mul3A_385 : vector<16xf32>
        %get3A_387 = arith.index_cast %scan3A_223 : i32 to index
        %get3A_388 = arith.constant 144 : index
        %get3A_389 = tpu.vector_load %arg17[%get3A_387, %get3A_388] {strides = array<i32>} : memref<64x256xf32, #tpu.memory_space<vmem>>, vector<1x16xf32>,
        %get3A_390 = vector.shape_cast %get3A_389 : vector<1x16xf32> to vector<16xf32>
        %get3A_391 = arith.index_cast %scan3A_223 : i32 to index
        %get3A_392 = arith.constant 144 : index
        %get3A_393 = tpu.vector_load %arg18[%get3A_391, %get3A_392] {strides = array<i32>} : memref<64x256xf32, #tpu.memory_space<vmem>>, vector<1x16xf32>,
        %get3A_394 = vector.shape_cast %get3A_393 : vector<1x16xf32> to vector<16xf32>
        %add3A_395 = arith.addf %get3A_390, %get3A_394 : vector<16xf32>
        %mul3A_396 = arith.constant 2.000000e-01 : f32
        %mul3A_397 = vector.broadcast %mul3A_396 : f32 to vector<16xf32>
        %mul3A_398 = arith.mulf %mul3A_397, %add3A_395 : vector<16xf32>
        %max3A_399 = arith.maximumf %add3A_395, %mul3A_398 : vector<16xf32>
        %get3A_400 = arith.constant 144 : index
        %get3A_401 = tpu.vector_load %arg12[%get3A_400] {strides = array<i32>} : memref<256xf32, #tpu.memory_space<vmem>>, vector<16xf32>,
        %get3A_402 = vector.shape_cast %get3A_401 : vector<16xf32> to vector<16xf32>
        %mul3A_403 = arith.mulf %max3A_399, %get3A_402 : vector<16xf32>
        %add3A_404 = arith.addf %add3A_386, %mul3A_403 : vector<16xf32>
        %get3A_405 = arith.index_cast %scan3A_223 : i32 to index
        %get3A_406 = arith.constant 160 : index
        %get3A_407 = tpu.vector_load %arg17[%get3A_405, %get3A_406] {strides = array<i32>} : memref<64x256xf32, #tpu.memory_space<vmem>>, vector<1x16xf32>,
        %get3A_408 = vector.shape_cast %get3A_407 : vector<1x16xf32> to vector<16xf32>
        %get3A_409 = arith.index_cast %scan3A_223 : i32 to index
        %get3A_410 = arith.constant 160 : index
        %get3A_411 = tpu.vector_load %arg18[%get3A_409, %get3A_410] {strides = array<i32>} : memref<64x256xf32, #tpu.memory_space<vmem>>, vector<1x16xf32>,
        %get3A_412 = vector.shape_cast %get3A_411 : vector<1x16xf32> to vector<16xf32>
        %add3A_413 = arith.addf %get3A_408, %get3A_412 : vector<16xf32>
        %mul3A_414 = arith.constant 2.000000e-01 : f32
        %mul3A_415 = vector.broadcast %mul3A_414 : f32 to vector<16xf32>
        %mul3A_416 = arith.mulf %mul3A_415, %add3A_413 : vector<16xf32>
        %max3A_417 = arith.maximumf %add3A_413, %mul3A_416 : vector<16xf32>
        %get3A_418 = arith.constant 160 : index
        %get3A_419 = tpu.vector_load %arg12[%get3A_418] {strides = array<i32>} : memref<256xf32, #tpu.memory_space<vmem>>, vector<16xf32>,
        %get3A_420 = vector.shape_cast %get3A_419 : vector<16xf32> to vector<16xf32>
        %mul3A_421 = arith.mulf %max3A_417, %get3A_420 : vector<16xf32>
        %add3A_422 = arith.addf %add3A_404, %mul3A_421 : vector<16xf32>
        %get3A_423 = arith.index_cast %scan3A_223 : i32 to index
        %get3A_424 = arith.constant 176 : index
        %get3A_425 = tpu.vector_load %arg17[%get3A_423, %get3A_424] {strides = array<i32>} : memref<64x256xf32, #tpu.memory_space<vmem>>, vector<1x16xf32>,
        %get3A_426 = vector.shape_cast %get3A_425 : vector<1x16xf32> to vector<16xf32>
        %get3A_427 = arith.index_cast %scan3A_223 : i32 to index
        %get3A_428 = arith.constant 176 : index
        %get3A_429 = tpu.vector_load %arg18[%get3A_427, %get3A_428] {strides = array<i32>} : memref<64x256xf32, #tpu.memory_space<vmem>>, vector<1x16xf32>,
        %get3A_430 = vector.shape_cast %get3A_429 : vector<1x16xf32> to vector<16xf32>
        %add3A_431 = arith.addf %get3A_426, %get3A_430 : vector<16xf32>
        %mul3A_432 = arith.constant 2.000000e-01 : f32
        %mul3A_433 = vector.broadcast %mul3A_432 : f32 to vector<16xf32>
        %mul3A_434 = arith.mulf %mul3A_433, %add3A_431 : vector<16xf32>
        %max3A_435 = arith.maximumf %add3A_431, %mul3A_434 : vector<16xf32>
        %get3A_436 = arith.constant 176 : index
        %get3A_437 = tpu.vector_load %arg12[%get3A_436] {strides = array<i32>} : memref<256xf32, #tpu.memory_space<vmem>>, vector<16xf32>,
        %get3A_438 = vector.shape_cast %get3A_437 : vector<16xf32> to vector<16xf32>
        %mul3A_439 = arith.mulf %max3A_435, %get3A_438 : vector<16xf32>
        %add3A_440 = arith.addf %add3A_422, %mul3A_439 : vector<16xf32>
        %get3A_441 = arith.index_cast %scan3A_223 : i32 to index
        %get3A_442 = arith.constant 192 : index
        %get3A_443 = tpu.vector_load %arg17[%get3A_441, %get3A_442] {strides = array<i32>} : memref<64x256xf32, #tpu.memory_space<vmem>>, vector<1x16xf32>,
        %get3A_444 = vector.shape_cast %get3A_443 : vector<1x16xf32> to vector<16xf32>
        %get3A_445 = arith.index_cast %scan3A_223 : i32 to index
        %get3A_446 = arith.constant 192 : index
        %get3A_447 = tpu.vector_load %arg18[%get3A_445, %get3A_446] {strides = array<i32>} : memref<64x256xf32, #tpu.memory_space<vmem>>, vector<1x16xf32>,
        %get3A_448 = vector.shape_cast %get3A_447 : vector<1x16xf32> to vector<16xf32>
        %add3A_449 = arith.addf %get3A_444, %get3A_448 : vector<16xf32>
        %mul3A_450 = arith.constant 2.000000e-01 : f32
        %mul3A_451 = vector.broadcast %mul3A_450 : f32 to vector<16xf32>
        %mul3A_452 = arith.mulf %mul3A_451, %add3A_449 : vector<16xf32>
        %max3A_453 = arith.maximumf %add3A_449, %mul3A_452 : vector<16xf32>
        %get3A_454 = arith.constant 192 : index
        %get3A_455 = tpu.vector_load %arg12[%get3A_454] {strides = array<i32>} : memref<256xf32, #tpu.memory_space<vmem>>, vector<16xf32>,
        %get3A_456 = vector.shape_cast %get3A_455 : vector<16xf32> to vector<16xf32>
        %mul3A_457 = arith.mulf %max3A_453, %get3A_456 : vector<16xf32>
        %add3A_458 = arith.addf %add3A_440, %mul3A_457 : vector<16xf32>
        %get3A_459 = arith.index_cast %scan3A_223 : i32 to index
        %get3A_460 = arith.constant 208 : index
        %get3A_461 = tpu.vector_load %arg17[%get3A_459, %get3A_460] {strides = array<i32>} : memref<64x256xf32, #tpu.memory_space<vmem>>, vector<1x16xf32>,
        %get3A_462 = vector.shape_cast %get3A_461 : vector<1x16xf32> to vector<16xf32>
        %get3A_463 = arith.index_cast %scan3A_223 : i32 to index
        %get3A_464 = arith.constant 208 : index
        %get3A_465 = tpu.vector_load %arg18[%get3A_463, %get3A_464] {strides = array<i32>} : memref<64x256xf32, #tpu.memory_space<vmem>>, vector<1x16xf32>,
        %get3A_466 = vector.shape_cast %get3A_465 : vector<1x16xf32> to vector<16xf32>
        %add3A_467 = arith.addf %get3A_462, %get3A_466 : vector<16xf32>
        %mul3A_468 = arith.constant 2.000000e-01 : f32
        %mul3A_469 = vector.broadcast %mul3A_468 : f32 to vector<16xf32>
        %mul3A_470 = arith.mulf %mul3A_469, %add3A_467 : vector<16xf32>
        %max3A_471 = arith.maximumf %add3A_467, %mul3A_470 : vector<16xf32>
        %get3A_472 = arith.constant 208 : index
        %get3A_473 = tpu.vector_load %arg12[%get3A_472] {strides = array<i32>} : memref<256xf32, #tpu.memory_space<vmem>>, vector<16xf32>,
        %get3A_474 = vector.shape_cast %get3A_473 : vector<16xf32> to vector<16xf32>
        %mul3A_475 = arith.mulf %max3A_471, %get3A_474 : vector<16xf32>
        %add3A_476 = arith.addf %add3A_458, %mul3A_475 : vector<16xf32>
        %get3A_477 = arith.index_cast %scan3A_223 : i32 to index
        %get3A_478 = arith.constant 224 : index
        %get3A_479 = tpu.vector_load %arg17[%get3A_477, %get3A_478] {strides = array<i32>} : memref<64x256xf32, #tpu.memory_space<vmem>>, vector<1x16xf32>,
        %get3A_480 = vector.shape_cast %get3A_479 : vector<1x16xf32> to vector<16xf32>
        %get3A_481 = arith.index_cast %scan3A_223 : i32 to index
        %get3A_482 = arith.constant 224 : index
        %get3A_483 = tpu.vector_load %arg18[%get3A_481, %get3A_482] {strides = array<i32>} : memref<64x256xf32, #tpu.memory_space<vmem>>, vector<1x16xf32>,
        %get3A_484 = vector.shape_cast %get3A_483 : vector<1x16xf32> to vector<16xf32>
        %add3A_485 = arith.addf %get3A_480, %get3A_484 : vector<16xf32>
        %mul3A_486 = arith.constant 2.000000e-01 : f32
        %mul3A_487 = vector.broadcast %mul3A_486 : f32 to vector<16xf32>
        %mul3A_488 = arith.mulf %mul3A_487, %add3A_485 : vector<16xf32>
        %max3A_489 = arith.maximumf %add3A_485, %mul3A_488 : vector<16xf32>
        %get3A_490 = arith.constant 224 : index
        %get3A_491 = tpu.vector_load %arg12[%get3A_490] {strides = array<i32>} : memref<256xf32, #tpu.memory_space<vmem>>, vector<16xf32>,
        %get3A_492 = vector.shape_cast %get3A_491 : vector<16xf32> to vector<16xf32>
        %mul3A_493 = arith.mulf %max3A_489, %get3A_492 : vector<16xf32>
        %add3A_494 = arith.addf %add3A_476, %mul3A_493 : vector<16xf32>
        %get3A_495 = arith.index_cast %scan3A_223 : i32 to index
        %get3A_496 = arith.constant 240 : index
        %get3A_497 = tpu.vector_load %arg17[%get3A_495, %get3A_496] {strides = array<i32>} : memref<64x256xf32, #tpu.memory_space<vmem>>, vector<1x16xf32>,
        %get3A_498 = vector.shape_cast %get3A_497 : vector<1x16xf32> to vector<16xf32>
        %get3A_499 = arith.index_cast %scan3A_223 : i32 to index
        %get3A_500 = arith.constant 240 : index
        %get3A_501 = tpu.vector_load %arg18[%get3A_499, %get3A_500] {strides = array<i32>} : memref<64x256xf32, #tpu.memory_space<vmem>>, vector<1x16xf32>,
        %get3A_502 = vector.shape_cast %get3A_501 : vector<1x16xf32> to vector<16xf32>
        %add3A_503 = arith.addf %get3A_498, %get3A_502 : vector<16xf32>
        %mul3A_504 = arith.constant 2.000000e-01 : f32
        %mul3A_505 = vector.broadcast %mul3A_504 : f32 to vector<16xf32>
        %mul3A_506 = arith.mulf %mul3A_505, %add3A_503 : vector<16xf32>
        %max3A_507 = arith.maximumf %add3A_503, %mul3A_506 : vector<16xf32>
        %get3A_508 = arith.constant 240 : index
        %get3A_509 = tpu.vector_load %arg12[%get3A_508] {strides = array<i32>} : memref<256xf32, #tpu.memory_space<vmem>>, vector<16xf32>,
        %get3A_510 = vector.shape_cast %get3A_509 : vector<16xf32> to vector<16xf32>
        %mul3A_511 = arith.mulf %max3A_507, %get3A_510 : vector<16xf32>
        %add3A_512 = arith.addf %add3A_494, %mul3A_511 : vector<16xf32>
        %xor3A = arith.constant 1 : i32
        %xor3A_513 = vector.broadcast %xor3A : i32 to vector<16xi32>
        %xor3A_514 = arith.xori %iota3A_186, %xor3A_513 : vector<16xi32>
        %lt3A_515 = arith.constant 0 : i32
        %lt3A_516 = vector.broadcast %lt3A_515 : i32 to vector<16xi32>
        %lt3A_517 = arith.cmpi slt, %xor3A_514, %lt3A_516 : vector<16xi32>
        %add3A_518 = arith.constant 16 : i32
        %add3A_519 = vector.broadcast %add3A_518 : i32 to vector<16xi32>
        %add3A_520 = arith.addi %xor3A_514, %add3A_519 : vector<16xi32>
        %select_n3A_521 = arith.select %lt3A_517, %add3A_520, %xor3A_514 : vector<16xi1>, vector<16xi32>
        %broadcast_in_dim3A_522 = vector.shape_cast %select_n3A_521 : vector<16xi32> to vector<16x1xi32>
        %gather3A = vector.shape_cast %broadcast_in_dim3A_522 : vector<16x1xi32> to vector<16xi32>
        %gather3A_523 = tpu.dynamic_gather %add3A_512[%gather3A] in [0] : vector<16xf32>, vector<16xi32> -> vector<16xf32>
        %add3A_524 = arith.addf %add3A_512, %gather3A_523 : vector<16xf32>
        %xor3A_525 = arith.constant 2 : i32
        %xor3A_526 = vector.broadcast %xor3A_525 : i32 to vector<16xi32>
        %xor3A_527 = arith.xori %iota3A_186, %xor3A_526 : vector<16xi32>
        %lt3A_528 = arith.constant 0 : i32
        %lt3A_529 = vector.broadcast %lt3A_528 : i32 to vector<16xi32>
        %lt3A_530 = arith.cmpi slt, %xor3A_527, %lt3A_529 : vector<16xi32>
        %add3A_531 = arith.constant 16 : i32
        %add3A_532 = vector.broadcast %add3A_531 : i32 to vector<16xi32>
        %add3A_533 = arith.addi %xor3A_527, %add3A_532 : vector<16xi32>
        %select_n3A_534 = arith.select %lt3A_530, %add3A_533, %xor3A_527 : vector<16xi1>, vector<16xi32>
        %broadcast_in_dim3A_535 = vector.shape_cast %select_n3A_534 : vector<16xi32> to vector<16x1xi32>
        %gather3A_536 = vector.shape_cast %broadcast_in_dim3A_535 : vector<16x1xi32> to vector<16xi32>
        %gather3A_537 = tpu.dynamic_gather %add3A_524[%gather3A_536] in [0] : vector<16xf32>, vector<16xi32> -> vector<16xf32>
        %add3A_538 = arith.addf %add3A_524, %gather3A_537 : vector<16xf32>
        %xor3A_539 = arith.constant 4 : i32
        %xor3A_540 = vector.broadcast %xor3A_539 : i32 to vector<16xi32>
        %xor3A_541 = arith.xori %iota3A_186, %xor3A_540 : vector<16xi32>
        %lt3A_542 = arith.constant 0 : i32
        %lt3A_543 = vector.broadcast %lt3A_542 : i32 to vector<16xi32>
        %lt3A_544 = arith.cmpi slt, %xor3A_541, %lt3A_543 : vector<16xi32>
        %add3A_545 = arith.constant 16 : i32
        %add3A_546 = vector.broadcast %add3A_545 : i32 to vector<16xi32>
        %add3A_547 = arith.addi %xor3A_541, %add3A_546 : vector<16xi32>
        %select_n3A_548 = arith.select %lt3A_544, %add3A_547, %xor3A_541 : vector<16xi1>, vector<16xi32>
        %broadcast_in_dim3A_549 = vector.shape_cast %select_n3A_548 : vector<16xi32> to vector<16x1xi32>
        %gather3A_550 = vector.shape_cast %broadcast_in_dim3A_549 : vector<16x1xi32> to vector<16xi32>
        %gather3A_551 = tpu.dynamic_gather %add3A_538[%gather3A_550] in [0] : vector<16xf32>, vector<16xi32> -> vector<16xf32>
        %add3A_552 = arith.addf %add3A_538, %gather3A_551 : vector<16xf32>
        %xor3A_553 = arith.constant 8 : i32
        %xor3A_554 = vector.broadcast %xor3A_553 : i32 to vector<16xi32>
        %xor3A_555 = arith.xori %iota3A_186, %xor3A_554 : vector<16xi32>
        %lt3A_556 = arith.constant 0 : i32
        %lt3A_557 = vector.broadcast %lt3A_556 : i32 to vector<16xi32>
        %lt3A_558 = arith.cmpi slt, %xor3A_555, %lt3A_557 : vector<16xi32>
        %add3A_559 = arith.constant 16 : i32
        %add3A_560 = vector.broadcast %add3A_559 : i32 to vector<16xi32>
        %add3A_561 = arith.addi %xor3A_555, %add3A_560 : vector<16xi32>
        %select_n3A_562 = arith.select %lt3A_558, %add3A_561, %xor3A_555 : vector<16xi1>, vector<16xi32>
        %broadcast_in_dim3A_563 = vector.shape_cast %select_n3A_562 : vector<16xi32> to vector<16x1xi32>
        %gather3A_564 = vector.shape_cast %broadcast_in_dim3A_563 : vector<16x1xi32> to vector<16xi32>
        %gather3A_565 = tpu.dynamic_gather %add3A_552[%gather3A_564] in [0] : vector<16xf32>, vector<16xi32> -> vector<16xf32>
        %add3A_566 = arith.addf %add3A_552, %gather3A_565 : vector<16xf32>
        %exp3A = math.exp %add3A_566 : vector<16xf32>
        %get3A_567 = arith.index_cast %scan3A_223 : i32 to index
        %get3A_568 = tpu.vector_load %arg16[%get3A_567] {strides = array<i32>} : memref<80xi32, #tpu.memory_space<vmem>>, vector<16xi32>,
        %get3A_569 = vector.shape_cast %get3A_568 : vector<16xi32> to vector<16xi32>
        %slice3A_570 = vector.extract_strided_slice %get3A_569 {offsets = [0], sizes = [1], strides = [1]} : vector<16xi32> to vector<1xi32>
        %squeeze3A_571 = vector.extract %slice3A_570[0] : i32 from vector<1xi32>
        %sub3A_572 = arith.subi %squeeze3A_571, %mul3A_2 : i32
        %ge3A = arith.constant 0 : i32
        %ge3A_573 = arith.cmpi sge, %sub3A_572, %ge3A : i32
        %lt3A_574 = arith.constant 320 : i32
        %lt3A_575 = arith.cmpi slt, %sub3A_572, %lt3A_574 : i32
        %and3A_576 = arith.andi %ge3A_573, %lt3A_575 : i1
        %jit3A_577 = arith.constant 320 : i32
        %select_n3A_578 = arith.select %and3A_576, %sub3A_572, %jit3A_577 : i32
        %get3A_579 = arith.index_cast %select_n3A_578 : i32 to index
        %get3A_580 = arith.constant 0 : index
        %get3A_581 = tpu.vector_load %arg19[%get3A_579, %get3A_580] {strides = array<i32>} : memref<328x256xf32, #tpu.memory_space<vmem>>, vector<1x16xf32>,
        %get3A_582 = vector.shape_cast %get3A_581 : vector<1x16xf32> to vector<16xf32>
        %mul3A_583 = arith.mulf %get3A_229, %exp3A : vector<16xf32>
        %add3A_584 = arith.addf %get3A_582, %mul3A_583 : vector<16xf32>
        %swap3A_585 = arith.index_cast %select_n3A_578 : i32 to index
        %swap3A_586 = arith.constant 0 : index
        %swap3A_587 = tpu.vector_load %arg19[%swap3A_585, %swap3A_586] {strides = array<i32>} : memref<328x256xf32, #tpu.memory_space<vmem>>, vector<1x16xf32>,
        %swap3A_588 = vector.shape_cast %swap3A_587 : vector<1x16xf32> to vector<16xf32>
        %swap3A_589 = vector.shape_cast %add3A_584 : vector<16xf32> to vector<1x16xf32>
        tpu.vector_store %arg19[%swap3A_585, %swap3A_586], %swap3A_589 {strides = array<i32>} : memref<328x256xf32, #tpu.memory_space<vmem>>, vector<1x16xf32>,
        %get3A_590 = arith.index_cast %select_n3A_578 : i32 to index
        %get3A_591 = arith.constant 16 : index
        %get3A_592 = tpu.vector_load %arg19[%get3A_590, %get3A_591] {strides = array<i32>} : memref<328x256xf32, #tpu.memory_space<vmem>>, vector<1x16xf32>,
        %get3A_593 = vector.shape_cast %get3A_592 : vector<1x16xf32> to vector<16xf32>
        %mul3A_594 = arith.mulf %get3A_246, %exp3A : vector<16xf32>
        %add3A_595 = arith.addf %get3A_593, %mul3A_594 : vector<16xf32>
        %swap3A_596 = arith.index_cast %select_n3A_578 : i32 to index
        %swap3A_597 = arith.constant 16 : index
        %swap3A_598 = tpu.vector_load %arg19[%swap3A_596, %swap3A_597] {strides = array<i32>} : memref<328x256xf32, #tpu.memory_space<vmem>>, vector<1x16xf32>,
        %swap3A_599 = vector.shape_cast %swap3A_598 : vector<1x16xf32> to vector<16xf32>
        %swap3A_600 = vector.shape_cast %add3A_595 : vector<16xf32> to vector<1x16xf32>
        tpu.vector_store %arg19[%swap3A_596, %swap3A_597], %swap3A_600 {strides = array<i32>} : memref<328x256xf32, #tpu.memory_space<vmem>>, vector<1x16xf32>,
        %get3A_601 = arith.index_cast %select_n3A_578 : i32 to index
        %get3A_602 = arith.constant 32 : index
        %get3A_603 = tpu.vector_load %arg19[%get3A_601, %get3A_602] {strides = array<i32>} : memref<328x256xf32, #tpu.memory_space<vmem>>, vector<1x16xf32>,
        %get3A_604 = vector.shape_cast %get3A_603 : vector<1x16xf32> to vector<16xf32>
        %mul3A_605 = arith.mulf %get3A_264, %exp3A : vector<16xf32>
        %add3A_606 = arith.addf %get3A_604, %mul3A_605 : vector<16xf32>
        %swap3A_607 = arith.index_cast %select_n3A_578 : i32 to index
        %swap3A_608 = arith.constant 32 : index
        %swap3A_609 = tpu.vector_load %arg19[%swap3A_607, %swap3A_608] {strides = array<i32>} : memref<328x256xf32, #tpu.memory_space<vmem>>, vector<1x16xf32>,
        %swap3A_610 = vector.shape_cast %swap3A_609 : vector<1x16xf32> to vector<16xf32>
        %swap3A_611 = vector.shape_cast %add3A_606 : vector<16xf32> to vector<1x16xf32>
        tpu.vector_store %arg19[%swap3A_607, %swap3A_608], %swap3A_611 {strides = array<i32>} : memref<328x256xf32, #tpu.memory_space<vmem>>, vector<1x16xf32>,
        %get3A_612 = arith.index_cast %select_n3A_578 : i32 to index
        %get3A_613 = arith.constant 48 : index
        %get3A_614 = tpu.vector_load %arg19[%get3A_612, %get3A_613] {strides = array<i32>} : memref<328x256xf32, #tpu.memory_space<vmem>>, vector<1x16xf32>,
        %get3A_615 = vector.shape_cast %get3A_614 : vector<1x16xf32> to vector<16xf32>
        %mul3A_616 = arith.mulf %get3A_282, %exp3A : vector<16xf32>
        %add3A_617 = arith.addf %get3A_615, %mul3A_616 : vector<16xf32>
        %swap3A_618 = arith.index_cast %select_n3A_578 : i32 to index
        %swap3A_619 = arith.constant 48 : index
        %swap3A_620 = tpu.vector_load %arg19[%swap3A_618, %swap3A_619] {strides = array<i32>} : memref<328x256xf32, #tpu.memory_space<vmem>>, vector<1x16xf32>,
        %swap3A_621 = vector.shape_cast %swap3A_620 : vector<1x16xf32> to vector<16xf32>
        %swap3A_622 = vector.shape_cast %add3A_617 : vector<16xf32> to vector<1x16xf32>
        tpu.vector_store %arg19[%swap3A_618, %swap3A_619], %swap3A_622 {strides = array<i32>} : memref<328x256xf32, #tpu.memory_space<vmem>>, vector<1x16xf32>,
        %get3A_623 = arith.index_cast %select_n3A_578 : i32 to index
        %get3A_624 = arith.constant 64 : index
        %get3A_625 = tpu.vector_load %arg19[%get3A_623, %get3A_624] {strides = array<i32>} : memref<328x256xf32, #tpu.memory_space<vmem>>, vector<1x16xf32>,
        %get3A_626 = vector.shape_cast %get3A_625 : vector<1x16xf32> to vector<16xf32>
        %mul3A_627 = arith.mulf %get3A_300, %exp3A : vector<16xf32>
        %add3A_628 = arith.addf %get3A_626, %mul3A_627 : vector<16xf32>
        %swap3A_629 = arith.index_cast %select_n3A_578 : i32 to index
        %swap3A_630 = arith.constant 64 : index
        %swap3A_631 = tpu.vector_load %arg19[%swap3A_629, %swap3A_630] {strides = array<i32>} : memref<328x256xf32, #tpu.memory_space<vmem>>, vector<1x16xf32>,
        %swap3A_632 = vector.shape_cast %swap3A_631 : vector<1x16xf32> to vector<16xf32>
        %swap3A_633 = vector.shape_cast %add3A_628 : vector<16xf32> to vector<1x16xf32>
        tpu.vector_store %arg19[%swap3A_629, %swap3A_630], %swap3A_633 {strides = array<i32>} : memref<328x256xf32, #tpu.memory_space<vmem>>, vector<1x16xf32>,
        %get3A_634 = arith.index_cast %select_n3A_578 : i32 to index
        %get3A_635 = arith.constant 80 : index
        %get3A_636 = tpu.vector_load %arg19[%get3A_634, %get3A_635] {strides = array<i32>} : memref<328x256xf32, #tpu.memory_space<vmem>>, vector<1x16xf32>,
        %get3A_637 = vector.shape_cast %get3A_636 : vector<1x16xf32> to vector<16xf32>
        %mul3A_638 = arith.mulf %get3A_318, %exp3A : vector<16xf32>
        %add3A_639 = arith.addf %get3A_637, %mul3A_638 : vector<16xf32>
        %swap3A_640 = arith.index_cast %select_n3A_578 : i32 to index
        %swap3A_641 = arith.constant 80 : index
        %swap3A_642 = tpu.vector_load %arg19[%swap3A_640, %swap3A_641] {strides = array<i32>} : memref<328x256xf32, #tpu.memory_space<vmem>>, vector<1x16xf32>,
        %swap3A_643 = vector.shape_cast %swap3A_642 : vector<1x16xf32> to vector<16xf32>
        %swap3A_644 = vector.shape_cast %add3A_639 : vector<16xf32> to vector<1x16xf32>
        tpu.vector_store %arg19[%swap3A_640, %swap3A_641], %swap3A_644 {strides = array<i32>} : memref<328x256xf32, #tpu.memory_space<vmem>>, vector<1x16xf32>,
        %get3A_645 = arith.index_cast %select_n3A_578 : i32 to index
        %get3A_646 = arith.constant 96 : index
        %get3A_647 = tpu.vector_load %arg19[%get3A_645, %get3A_646] {strides = array<i32>} : memref<328x256xf32, #tpu.memory_space<vmem>>, vector<1x16xf32>,
        %get3A_648 = vector.shape_cast %get3A_647 : vector<1x16xf32> to vector<16xf32>
        %mul3A_649 = arith.mulf %get3A_336, %exp3A : vector<16xf32>
        %add3A_650 = arith.addf %get3A_648, %mul3A_649 : vector<16xf32>
        %swap3A_651 = arith.index_cast %select_n3A_578 : i32 to index
        %swap3A_652 = arith.constant 96 : index
        %swap3A_653 = tpu.vector_load %arg19[%swap3A_651, %swap3A_652] {strides = array<i32>} : memref<328x256xf32, #tpu.memory_space<vmem>>, vector<1x16xf32>,
        %swap3A_654 = vector.shape_cast %swap3A_653 : vector<1x16xf32> to vector<16xf32>
        %swap3A_655 = vector.shape_cast %add3A_650 : vector<16xf32> to vector<1x16xf32>
        tpu.vector_store %arg19[%swap3A_651, %swap3A_652], %swap3A_655 {strides = array<i32>} : memref<328x256xf32, #tpu.memory_space<vmem>>, vector<1x16xf32>,
        %get3A_656 = arith.index_cast %select_n3A_578 : i32 to index
        %get3A_657 = arith.constant 112 : index
        %get3A_658 = tpu.vector_load %arg19[%get3A_656, %get3A_657] {strides = array<i32>} : memref<328x256xf32, #tpu.memory_space<vmem>>, vector<1x16xf32>,
        %get3A_659 = vector.shape_cast %get3A_658 : vector<1x16xf32> to vector<16xf32>
        %mul3A_660 = arith.mulf %get3A_354, %exp3A : vector<16xf32>
        %add3A_661 = arith.addf %get3A_659, %mul3A_660 : vector<16xf32>
        %swap3A_662 = arith.index_cast %select_n3A_578 : i32 to index
        %swap3A_663 = arith.constant 112 : index
        %swap3A_664 = tpu.vector_load %arg19[%swap3A_662, %swap3A_663] {strides = array<i32>} : memref<328x256xf32, #tpu.memory_space<vmem>>, vector<1x16xf32>,
        %swap3A_665 = vector.shape_cast %swap3A_664 : vector<1x16xf32> to vector<16xf32>
        %swap3A_666 = vector.shape_cast %add3A_661 : vector<16xf32> to vector<1x16xf32>
        tpu.vector_store %arg19[%swap3A_662, %swap3A_663], %swap3A_666 {strides = array<i32>} : memref<328x256xf32, #tpu.memory_space<vmem>>, vector<1x16xf32>,
        %get3A_667 = arith.index_cast %select_n3A_578 : i32 to index
        %get3A_668 = arith.constant 128 : index
        %get3A_669 = tpu.vector_load %arg19[%get3A_667, %get3A_668] {strides = array<i32>} : memref<328x256xf32, #tpu.memory_space<vmem>>, vector<1x16xf32>,
        %get3A_670 = vector.shape_cast %get3A_669 : vector<1x16xf32> to vector<16xf32>
        %mul3A_671 = arith.mulf %get3A_372, %exp3A : vector<16xf32>
        %add3A_672 = arith.addf %get3A_670, %mul3A_671 : vector<16xf32>
        %swap3A_673 = arith.index_cast %select_n3A_578 : i32 to index
        %swap3A_674 = arith.constant 128 : index
        %swap3A_675 = tpu.vector_load %arg19[%swap3A_673, %swap3A_674] {strides = array<i32>} : memref<328x256xf32, #tpu.memory_space<vmem>>, vector<1x16xf32>,
        %swap3A_676 = vector.shape_cast %swap3A_675 : vector<1x16xf32> to vector<16xf32>
        %swap3A_677 = vector.shape_cast %add3A_672 : vector<16xf32> to vector<1x16xf32>
        tpu.vector_store %arg19[%swap3A_673, %swap3A_674], %swap3A_677 {strides = array<i32>} : memref<328x256xf32, #tpu.memory_space<vmem>>, vector<1x16xf32>,
        %get3A_678 = arith.index_cast %select_n3A_578 : i32 to index
        %get3A_679 = arith.constant 144 : index
        %get3A_680 = tpu.vector_load %arg19[%get3A_678, %get3A_679] {strides = array<i32>} : memref<328x256xf32, #tpu.memory_space<vmem>>, vector<1x16xf32>,
        %get3A_681 = vector.shape_cast %get3A_680 : vector<1x16xf32> to vector<16xf32>
        %mul3A_682 = arith.mulf %get3A_390, %exp3A : vector<16xf32>
        %add3A_683 = arith.addf %get3A_681, %mul3A_682 : vector<16xf32>
        %swap3A_684 = arith.index_cast %select_n3A_578 : i32 to index
        %swap3A_685 = arith.constant 144 : index
        %swap3A_686 = tpu.vector_load %arg19[%swap3A_684, %swap3A_685] {strides = array<i32>} : memref<328x256xf32, #tpu.memory_space<vmem>>, vector<1x16xf32>,
        %swap3A_687 = vector.shape_cast %swap3A_686 : vector<1x16xf32> to vector<16xf32>
        %swap3A_688 = vector.shape_cast %add3A_683 : vector<16xf32> to vector<1x16xf32>
        tpu.vector_store %arg19[%swap3A_684, %swap3A_685], %swap3A_688 {strides = array<i32>} : memref<328x256xf32, #tpu.memory_space<vmem>>, vector<1x16xf32>,
        %get3A_689 = arith.index_cast %select_n3A_578 : i32 to index
        %get3A_690 = arith.constant 160 : index
        %get3A_691 = tpu.vector_load %arg19[%get3A_689, %get3A_690] {strides = array<i32>} : memref<328x256xf32, #tpu.memory_space<vmem>>, vector<1x16xf32>,
        %get3A_692 = vector.shape_cast %get3A_691 : vector<1x16xf32> to vector<16xf32>
        %mul3A_693 = arith.mulf %get3A_408, %exp3A : vector<16xf32>
        %add3A_694 = arith.addf %get3A_692, %mul3A_693 : vector<16xf32>
        %swap3A_695 = arith.index_cast %select_n3A_578 : i32 to index
        %swap3A_696 = arith.constant 160 : index
        %swap3A_697 = tpu.vector_load %arg19[%swap3A_695, %swap3A_696] {strides = array<i32>} : memref<328x256xf32, #tpu.memory_space<vmem>>, vector<1x16xf32>,
        %swap3A_698 = vector.shape_cast %swap3A_697 : vector<1x16xf32> to vector<16xf32>
        %swap3A_699 = vector.shape_cast %add3A_694 : vector<16xf32> to vector<1x16xf32>
        tpu.vector_store %arg19[%swap3A_695, %swap3A_696], %swap3A_699 {strides = array<i32>} : memref<328x256xf32, #tpu.memory_space<vmem>>, vector<1x16xf32>,
        %get3A_700 = arith.index_cast %select_n3A_578 : i32 to index
        %get3A_701 = arith.constant 176 : index
        %get3A_702 = tpu.vector_load %arg19[%get3A_700, %get3A_701] {strides = array<i32>} : memref<328x256xf32, #tpu.memory_space<vmem>>, vector<1x16xf32>,
        %get3A_703 = vector.shape_cast %get3A_702 : vector<1x16xf32> to vector<16xf32>
        %mul3A_704 = arith.mulf %get3A_426, %exp3A : vector<16xf32>
        %add3A_705 = arith.addf %get3A_703, %mul3A_704 : vector<16xf32>
        %swap3A_706 = arith.index_cast %select_n3A_578 : i32 to index
        %swap3A_707 = arith.constant 176 : index
        %swap3A_708 = tpu.vector_load %arg19[%swap3A_706, %swap3A_707] {strides = array<i32>} : memref<328x256xf32, #tpu.memory_space<vmem>>, vector<1x16xf32>,
        %swap3A_709 = vector.shape_cast %swap3A_708 : vector<1x16xf32> to vector<16xf32>
        %swap3A_710 = vector.shape_cast %add3A_705 : vector<16xf32> to vector<1x16xf32>
        tpu.vector_store %arg19[%swap3A_706, %swap3A_707], %swap3A_710 {strides = array<i32>} : memref<328x256xf32, #tpu.memory_space<vmem>>, vector<1x16xf32>,
        %get3A_711 = arith.index_cast %select_n3A_578 : i32 to index
        %get3A_712 = arith.constant 192 : index
        %get3A_713 = tpu.vector_load %arg19[%get3A_711, %get3A_712] {strides = array<i32>} : memref<328x256xf32, #tpu.memory_space<vmem>>, vector<1x16xf32>,
        %get3A_714 = vector.shape_cast %get3A_713 : vector<1x16xf32> to vector<16xf32>
        %mul3A_715 = arith.mulf %get3A_444, %exp3A : vector<16xf32>
        %add3A_716 = arith.addf %get3A_714, %mul3A_715 : vector<16xf32>
        %swap3A_717 = arith.index_cast %select_n3A_578 : i32 to index
        %swap3A_718 = arith.constant 192 : index
        %swap3A_719 = tpu.vector_load %arg19[%swap3A_717, %swap3A_718] {strides = array<i32>} : memref<328x256xf32, #tpu.memory_space<vmem>>, vector<1x16xf32>,
        %swap3A_720 = vector.shape_cast %swap3A_719 : vector<1x16xf32> to vector<16xf32>
        %swap3A_721 = vector.shape_cast %add3A_716 : vector<16xf32> to vector<1x16xf32>
        tpu.vector_store %arg19[%swap3A_717, %swap3A_718], %swap3A_721 {strides = array<i32>} : memref<328x256xf32, #tpu.memory_space<vmem>>, vector<1x16xf32>,
        %get3A_722 = arith.index_cast %select_n3A_578 : i32 to index
        %get3A_723 = arith.constant 208 : index
        %get3A_724 = tpu.vector_load %arg19[%get3A_722, %get3A_723] {strides = array<i32>} : memref<328x256xf32, #tpu.memory_space<vmem>>, vector<1x16xf32>,
        %get3A_725 = vector.shape_cast %get3A_724 : vector<1x16xf32> to vector<16xf32>
        %mul3A_726 = arith.mulf %get3A_462, %exp3A : vector<16xf32>
        %add3A_727 = arith.addf %get3A_725, %mul3A_726 : vector<16xf32>
        %swap3A_728 = arith.index_cast %select_n3A_578 : i32 to index
        %swap3A_729 = arith.constant 208 : index
        %swap3A_730 = tpu.vector_load %arg19[%swap3A_728, %swap3A_729] {strides = array<i32>} : memref<328x256xf32, #tpu.memory_space<vmem>>, vector<1x16xf32>,
        %swap3A_731 = vector.shape_cast %swap3A_730 : vector<1x16xf32> to vector<16xf32>
        %swap3A_732 = vector.shape_cast %add3A_727 : vector<16xf32> to vector<1x16xf32>
        tpu.vector_store %arg19[%swap3A_728, %swap3A_729], %swap3A_732 {strides = array<i32>} : memref<328x256xf32, #tpu.memory_space<vmem>>, vector<1x16xf32>,
        %get3A_733 = arith.index_cast %select_n3A_578 : i32 to index
        %get3A_734 = arith.constant 224 : index
        %get3A_735 = tpu.vector_load %arg19[%get3A_733, %get3A_734] {strides = array<i32>} : memref<328x256xf32, #tpu.memory_space<vmem>>, vector<1x16xf32>,
        %get3A_736 = vector.shape_cast %get3A_735 : vector<1x16xf32> to vector<16xf32>
        %mul3A_737 = arith.mulf %get3A_480, %exp3A : vector<16xf32>
        %add3A_738 = arith.addf %get3A_736, %mul3A_737 : vector<16xf32>
        %swap3A_739 = arith.index_cast %select_n3A_578 : i32 to index
        %swap3A_740 = arith.constant 224 : index
        %swap3A_741 = tpu.vector_load %arg19[%swap3A_739, %swap3A_740] {strides = array<i32>} : memref<328x256xf32, #tpu.memory_space<vmem>>, vector<1x16xf32>,
        %swap3A_742 = vector.shape_cast %swap3A_741 : vector<1x16xf32> to vector<16xf32>
        %swap3A_743 = vector.shape_cast %add3A_738 : vector<16xf32> to vector<1x16xf32>
        tpu.vector_store %arg19[%swap3A_739, %swap3A_740], %swap3A_743 {strides = array<i32>} : memref<328x256xf32, #tpu.memory_space<vmem>>, vector<1x16xf32>,
        %get3A_744 = arith.index_cast %select_n3A_578 : i32 to index
        %get3A_745 = arith.constant 240 : index
        %get3A_746 = tpu.vector_load %arg19[%get3A_744, %get3A_745] {strides = array<i32>} : memref<328x256xf32, #tpu.memory_space<vmem>>, vector<1x16xf32>,
        %get3A_747 = vector.shape_cast %get3A_746 : vector<1x16xf32> to vector<16xf32>
        %mul3A_748 = arith.mulf %get3A_498, %exp3A : vector<16xf32>
        %add3A_749 = arith.addf %get3A_747, %mul3A_748 : vector<16xf32>
        %swap3A_750 = arith.index_cast %select_n3A_578 : i32 to index
        %swap3A_751 = arith.constant 240 : index
        %swap3A_752 = tpu.vector_load %arg19[%swap3A_750, %swap3A_751] {strides = array<i32>} : memref<328x256xf32, #tpu.memory_space<vmem>>, vector<1x16xf32>,
        %swap3A_753 = vector.shape_cast %swap3A_752 : vector<1x16xf32> to vector<16xf32>
        %swap3A_754 = vector.shape_cast %add3A_749 : vector<16xf32> to vector<1x16xf32>
        tpu.vector_store %arg19[%swap3A_750, %swap3A_751], %swap3A_754 {strides = array<i32>} : memref<328x256xf32, #tpu.memory_space<vmem>>, vector<1x16xf32>,
        %get3A_755 = arith.index_cast %select_n3A_578 : i32 to index
        %get3A_756 = tpu.vector_load %arg20[%get3A_755] {strides = array<i32>} : memref<352xf32, #tpu.memory_space<vmem>>, vector<16xf32>,
        %get3A_757 = vector.shape_cast %get3A_756 : vector<16xf32> to vector<16xf32>
        %jit3A_758 = arith.constant 0.000000e+00 : f32
        %broadcast_in_dim3A_759 = vector.broadcast %jit3A_758 : f32 to vector<16xf32>
        %select_n3A_760 = arith.select %eq3A_185, %exp3A, %broadcast_in_dim3A_759 : vector<16xi1>, vector<16xf32>
        %add3A_761 = arith.addf %get3A_757, %select_n3A_760 : vector<16xf32>
        %swap3A_762 = arith.index_cast %select_n3A_578 : i32 to index
        %swap3A_763 = tpu.vector_load %arg20[%swap3A_762] {strides = array<i32>} : memref<352xf32, #tpu.memory_space<vmem>>, vector<16xf32>,
        %swap3A_764 = vector.shape_cast %swap3A_763 : vector<16xf32> to vector<16xf32>
        %swap3A_765 = vector.shape_cast %add3A_761 : vector<16xf32> to vector<16xf32>
        tpu.vector_store %arg20[%swap3A_762], %swap3A_765 {strides = array<i32>} : memref<352xf32, #tpu.memory_space<vmem>>, vector<16xf32>,
      }
      %scan3A_222 = arith.constant 64 : i32
    }
    %while3A_195 = arith.constant 1 : i32
    scf.for %while3A_203 = %while3A_193 to %while3A_189 step %while3A_195  : i32 {
      %mul3A_204 = arith.constant 64 : i32
      %mul3A_205 = arith.muli %while3A_203, %mul3A_204 : i32
      %add3A_206 = arith.addi %multiple_of3A, %mul3A_205 : i32
      %multiple_of3A_207 = tpu.assume_multiple %add3A_206, 64 : i32
      "tpu.region"() ({
        %run_scoped3A = tpu.sem_alloc : memref<!tpu.dma_semaphore, #tpu.memory_space<semaphore_mem>>
        %dma_start3A_223 = tpu.memref_slice %arg5[%multiple_of3A_207] : memref<170048xi32, #tpu.memory_space<hbm>> -> memref<64xi32, #tpu.memory_space<hbm>>
        %dma_start3A_224 = tpu.memref_slice %arg5[%multiple_of3A_207] : memref<170048xi32, #tpu.memory_space<hbm>> -> memref<64xi32, #tpu.memory_space<hbm>>
        tpu.enqueue_dma source(%dma_start3A_224 : memref<64xi32, #tpu.memory_space<hbm>>) target(%arg14 : memref<64xi32, #tpu.memory_space<vmem>>) target_semaphore(%run_scoped3A : memref<!tpu.dma_semaphore, #tpu.memory_space<semaphore_mem>>)
        %dma_wait3A_225 = tpu.memref_slice %arg5[%multiple_of3A_207] : memref<170048xi32, #tpu.memory_space<hbm>> -> memref<64xi32, #tpu.memory_space<hbm>>
        %dma_wait3A_226 = tpu.memref_slice %arg5[%multiple_of3A_207] : memref<170048xi32, #tpu.memory_space<hbm>> -> memref<64xi32, #tpu.memory_space<hbm>>
        tpu.wait_dma2 semaphore(%run_scoped3A : memref<!tpu.dma_semaphore, #tpu.memory_space<semaphore_mem>>) src(%dma_wait3A_226 : memref<64xi32, #tpu.memory_space<hbm>>) dst(%arg14 : memref<64xi32, #tpu.memory_space<vmem>>)
        tpu.yield
      }) : () -> ()
      "tpu.region"() ({
        %run_scoped3A = tpu.sem_alloc : memref<!tpu.dma_semaphore, #tpu.memory_space<semaphore_mem>>
        %dma_start3A_223 = tpu.memref_slice %arg6[%multiple_of3A_207] : memref<170048xi32, #tpu.memory_space<hbm>> -> memref<64xi32, #tpu.memory_space<hbm>>
        %dma_start3A_224 = tpu.memref_slice %arg6[%multiple_of3A_207] : memref<170048xi32, #tpu.memory_space<hbm>> -> memref<64xi32, #tpu.memory_space<hbm>>
        tpu.enqueue_dma source(%dma_start3A_224 : memref<64xi32, #tpu.memory_space<hbm>>) target(%arg15 : memref<64xi32, #tpu.memory_space<vmem>>) target_semaphore(%run_scoped3A : memref<!tpu.dma_semaphore, #tpu.memory_space<semaphore_mem>>)
        %dma_wait3A_225 = tpu.memref_slice %arg6[%multiple_of3A_207] : memref<170048xi32, #tpu.memory_space<hbm>> -> memref<64xi32, #tpu.memory_space<hbm>>
        %dma_wait3A_226 = tpu.memref_slice %arg6[%multiple_of3A_207] : memref<170048xi32, #tpu.memory_space<hbm>> -> memref<64xi32, #tpu.memory_space<hbm>>
        tpu.wait_dma2 semaphore(%run_scoped3A : memref<!tpu.dma_semaphore, #tpu.memory_space<semaphore_mem>>) src(%dma_wait3A_226 : memref<64xi32, #tpu.memory_space<hbm>>) dst(%arg15 : memref<64xi32, #tpu.memory_space<vmem>>)
        tpu.yield
      }) : () -> ()
      "tpu.region"() ({
        %run_scoped3A = tpu.sem_alloc : memref<!tpu.dma_semaphore, #tpu.memory_space<semaphore_mem>>
        %dma_start3A_223 = arith.constant 0 : i32
        %dma_start3A_224 = tpu.memref_slice %arg16[%dma_start3A_223] : memref<80xi32, #tpu.memory_space<vmem>> -> memref<64xi32, #tpu.memory_space<vmem>>
        %dma_start3A_225 = tpu.memref_slice %arg7[%multiple_of3A_207] : memref<170048xi32, #tpu.memory_space<hbm>> -> memref<64xi32, #tpu.memory_space<hbm>>
        %dma_start3A_226 = arith.constant 0 : i32
        %dma_start3A_227 = tpu.memref_slice %arg16[%dma_start3A_226] : memref<80xi32, #tpu.memory_space<vmem>> -> memref<64xi32, #tpu.memory_space<vmem>>
        %dma_start3A_228 = tpu.memref_slice %arg7[%multiple_of3A_207] : memref<170048xi32, #tpu.memory_space<hbm>> -> memref<64xi32, #tpu.memory_space<hbm>>
        tpu.enqueue_dma source(%dma_start3A_228 : memref<64xi32, #tpu.memory_space<hbm>>) target(%dma_start3A_227 : memref<64xi32, #tpu.memory_space<vmem>>) target_semaphore(%run_scoped3A : memref<!tpu.dma_semaphore, #tpu.memory_space<semaphore_mem>>)
        %dma_wait3A_229 = arith.constant 0 : i32
        %dma_wait3A_230 = tpu.memref_slice %arg16[%dma_wait3A_229] : memref<80xi32, #tpu.memory_space<vmem>> -> memref<64xi32, #tpu.memory_space<vmem>>
        %dma_wait3A_231 = tpu.memref_slice %arg7[%multiple_of3A_207] : memref<170048xi32, #tpu.memory_space<hbm>> -> memref<64xi32, #tpu.memory_space<hbm>>
        %dma_wait3A_232 = arith.constant 0 : i32
        %dma_wait3A_233 = tpu.memref_slice %arg16[%dma_wait3A_232] : memref<80xi32, #tpu.memory_space<vmem>> -> memref<64xi32, #tpu.memory_space<vmem>>
        %dma_wait3A_234 = tpu.memref_slice %arg7[%multiple_of3A_207] : memref<170048xi32, #tpu.memory_space<hbm>> -> memref<64xi32, #tpu.memory_space<hbm>>
        tpu.wait_dma2 semaphore(%run_scoped3A : memref<!tpu.dma_semaphore, #tpu.memory_space<semaphore_mem>>) src(%dma_wait3A_234 : memref<64xi32, #tpu.memory_space<hbm>>) dst(%dma_wait3A_233 : memref<64xi32, #tpu.memory_space<vmem>>)
        tpu.yield
      }) : () -> ()
      %dma_start3A = arith.constant 0 : i32
      %dma_start3A_208 = arith.constant 0 : i32
      %dma_start3A_209 = tpu.memref_slice %arg2[%dma_start3A, %dma_start3A_208] : memref<10000x256xf32, #tpu.memory_space<hbm>> -> memref<10000x256xf32, #tpu.memory_space<hbm>>
      tpu.enqueue_indirect_dma source(%dma_start3A_209 : memref<10000x256xf32, #tpu.memory_space<hbm>>) target(%arg17 : memref<64x256xf32, #tpu.memory_space<vmem>>) offsets(%arg14 : memref<64xi32, #tpu.memory_space<vmem>>) semaphore(%arg21 : memref<!tpu.dma_semaphore, #tpu.memory_space<semaphore_mem>>)
      %dma_start3A_210 = arith.constant 0 : i32
      %dma_start3A_211 = arith.constant 0 : i32
      %dma_start3A_212 = tpu.memref_slice %arg3[%dma_start3A_210, %dma_start3A_211] : memref<10000x256xf32, #tpu.memory_space<hbm>> -> memref<10000x256xf32, #tpu.memory_space<hbm>>
      tpu.enqueue_indirect_dma source(%dma_start3A_212 : memref<10000x256xf32, #tpu.memory_space<hbm>>) target(%arg18 : memref<64x256xf32, #tpu.memory_space<vmem>>) offsets(%arg15 : memref<64xi32, #tpu.memory_space<vmem>>) semaphore(%arg22 : memref<!tpu.dma_semaphore, #tpu.memory_space<semaphore_mem>>)
      %dma_wait3A = arith.constant 0 : i32
      %dma_wait3A_213 = arith.constant 0 : i32
      %dma_wait3A_214 = tpu.memref_slice %arg2[%dma_wait3A, %dma_wait3A_213] : memref<10000x256xf32, #tpu.memory_space<hbm>> -> memref<10000x256xf32, #tpu.memory_space<hbm>>
      tpu.wait_indirect_dma semaphore(%arg21 : memref<!tpu.dma_semaphore, #tpu.memory_space<semaphore_mem>>) src(%dma_wait3A_214 : memref<10000x256xf32, #tpu.memory_space<hbm>>) dst(%arg17 : memref<64x256xf32, #tpu.memory_space<vmem>>)
      %dma_wait3A_215 = arith.constant 0 : i32
      %dma_wait3A_216 = arith.constant 0 : i32
      %dma_wait3A_217 = tpu.memref_slice %arg3[%dma_wait3A_215, %dma_wait3A_216] : memref<10000x256xf32, #tpu.memory_space<hbm>> -> memref<10000x256xf32, #tpu.memory_space<hbm>>
      tpu.wait_indirect_dma semaphore(%arg22 : memref<!tpu.dma_semaphore, #tpu.memory_space<semaphore_mem>>) src(%dma_wait3A_217 : memref<10000x256xf32, #tpu.memory_space<hbm>>) dst(%arg18 : memref<64x256xf32, #tpu.memory_space<vmem>>)
      %scan3A = arith.constant 0 : i32
      %scan3A_218 = arith.constant 0 : i32
      %scan3A_219 = arith.constant 64 : i32
      %scan3A_220 = arith.addi %scan3A_218, %scan3A_219 : i32
      %scan3A_221 = arith.constant 1 : i32
      scf.for %scan3A_223 = %scan3A_218 to %scan3A_220 step %scan3A_221  : i32 {
        %broadcast_in_dim3A_224 = arith.constant 0.000000e+00 : f32
        %broadcast_in_dim3A_225 = vector.broadcast %broadcast_in_dim3A_224 : f32 to vector<16xf32>
        %get3A_226 = arith.index_cast %scan3A_223 : i32 to index
        %get3A_227 = arith.constant 0 : index
        %get3A_228 = tpu.vector_load %arg17[%get3A_226, %get3A_227] {strides = array<i32>} : memref<64x256xf32, #tpu.memory_space<vmem>>, vector<1x16xf32>,
        %get3A_229 = vector.shape_cast %get3A_228 : vector<1x16xf32> to vector<16xf32>
        %get3A_230 = arith.index_cast %scan3A_223 : i32 to index
        %get3A_231 = arith.constant 0 : index
        %get3A_232 = tpu.vector_load %arg18[%get3A_230, %get3A_231] {strides = array<i32>} : memref<64x256xf32, #tpu.memory_space<vmem>>, vector<1x16xf32>,
        %get3A_233 = vector.shape_cast %get3A_232 : vector<1x16xf32> to vector<16xf32>
        %add3A_234 = arith.addf %get3A_229, %get3A_233 : vector<16xf32>
        %mul3A_235 = arith.constant 2.000000e-01 : f32
        %mul3A_236 = vector.broadcast %mul3A_235 : f32 to vector<16xf32>
        %mul3A_237 = arith.mulf %mul3A_236, %add3A_234 : vector<16xf32>
        %max3A = arith.maximumf %add3A_234, %mul3A_237 : vector<16xf32>
        %get3A_238 = arith.constant 0 : index
        %get3A_239 = tpu.vector_load %arg12[%get3A_238] {strides = array<i32>} : memref<256xf32, #tpu.memory_space<vmem>>, vector<16xf32>,
        %get3A_240 = vector.shape_cast %get3A_239 : vector<16xf32> to vector<16xf32>
        %mul3A_241 = arith.mulf %max3A, %get3A_240 : vector<16xf32>
        %add3A_242 = arith.addf %broadcast_in_dim3A_225, %mul3A_241 : vector<16xf32>
        %get3A_243 = arith.index_cast %scan3A_223 : i32 to index
        %get3A_244 = arith.constant 16 : index
        %get3A_245 = tpu.vector_load %arg17[%get3A_243, %get3A_244] {strides = array<i32>} : memref<64x256xf32, #tpu.memory_space<vmem>>, vector<1x16xf32>,
        %get3A_246 = vector.shape_cast %get3A_245 : vector<1x16xf32> to vector<16xf32>
        %get3A_247 = arith.index_cast %scan3A_223 : i32 to index
        %get3A_248 = arith.constant 16 : index
        %get3A_249 = tpu.vector_load %arg18[%get3A_247, %get3A_248] {strides = array<i32>} : memref<64x256xf32, #tpu.memory_space<vmem>>, vector<1x16xf32>,
        %get3A_250 = vector.shape_cast %get3A_249 : vector<1x16xf32> to vector<16xf32>
        %add3A_251 = arith.addf %get3A_246, %get3A_250 : vector<16xf32>
        %mul3A_252 = arith.constant 2.000000e-01 : f32
        %mul3A_253 = vector.broadcast %mul3A_252 : f32 to vector<16xf32>
        %mul3A_254 = arith.mulf %mul3A_253, %add3A_251 : vector<16xf32>
        %max3A_255 = arith.maximumf %add3A_251, %mul3A_254 : vector<16xf32>
        %get3A_256 = arith.constant 16 : index
        %get3A_257 = tpu.vector_load %arg12[%get3A_256] {strides = array<i32>} : memref<256xf32, #tpu.memory_space<vmem>>, vector<16xf32>,
        %get3A_258 = vector.shape_cast %get3A_257 : vector<16xf32> to vector<16xf32>
        %mul3A_259 = arith.mulf %max3A_255, %get3A_258 : vector<16xf32>
        %add3A_260 = arith.addf %add3A_242, %mul3A_259 : vector<16xf32>
        %get3A_261 = arith.index_cast %scan3A_223 : i32 to index
        %get3A_262 = arith.constant 32 : index
        %get3A_263 = tpu.vector_load %arg17[%get3A_261, %get3A_262] {strides = array<i32>} : memref<64x256xf32, #tpu.memory_space<vmem>>, vector<1x16xf32>,
        %get3A_264 = vector.shape_cast %get3A_263 : vector<1x16xf32> to vector<16xf32>
        %get3A_265 = arith.index_cast %scan3A_223 : i32 to index
        %get3A_266 = arith.constant 32 : index
        %get3A_267 = tpu.vector_load %arg18[%get3A_265, %get3A_266] {strides = array<i32>} : memref<64x256xf32, #tpu.memory_space<vmem>>, vector<1x16xf32>,
        %get3A_268 = vector.shape_cast %get3A_267 : vector<1x16xf32> to vector<16xf32>
        %add3A_269 = arith.addf %get3A_264, %get3A_268 : vector<16xf32>
        %mul3A_270 = arith.constant 2.000000e-01 : f32
        %mul3A_271 = vector.broadcast %mul3A_270 : f32 to vector<16xf32>
        %mul3A_272 = arith.mulf %mul3A_271, %add3A_269 : vector<16xf32>
        %max3A_273 = arith.maximumf %add3A_269, %mul3A_272 : vector<16xf32>
        %get3A_274 = arith.constant 32 : index
        %get3A_275 = tpu.vector_load %arg12[%get3A_274] {strides = array<i32>} : memref<256xf32, #tpu.memory_space<vmem>>, vector<16xf32>,
        %get3A_276 = vector.shape_cast %get3A_275 : vector<16xf32> to vector<16xf32>
        %mul3A_277 = arith.mulf %max3A_273, %get3A_276 : vector<16xf32>
        %add3A_278 = arith.addf %add3A_260, %mul3A_277 : vector<16xf32>
        %get3A_279 = arith.index_cast %scan3A_223 : i32 to index
        %get3A_280 = arith.constant 48 : index
        %get3A_281 = tpu.vector_load %arg17[%get3A_279, %get3A_280] {strides = array<i32>} : memref<64x256xf32, #tpu.memory_space<vmem>>, vector<1x16xf32>,
        %get3A_282 = vector.shape_cast %get3A_281 : vector<1x16xf32> to vector<16xf32>
        %get3A_283 = arith.index_cast %scan3A_223 : i32 to index
        %get3A_284 = arith.constant 48 : index
        %get3A_285 = tpu.vector_load %arg18[%get3A_283, %get3A_284] {strides = array<i32>} : memref<64x256xf32, #tpu.memory_space<vmem>>, vector<1x16xf32>,
        %get3A_286 = vector.shape_cast %get3A_285 : vector<1x16xf32> to vector<16xf32>
        %add3A_287 = arith.addf %get3A_282, %get3A_286 : vector<16xf32>
        %mul3A_288 = arith.constant 2.000000e-01 : f32
        %mul3A_289 = vector.broadcast %mul3A_288 : f32 to vector<16xf32>
        %mul3A_290 = arith.mulf %mul3A_289, %add3A_287 : vector<16xf32>
        %max3A_291 = arith.maximumf %add3A_287, %mul3A_290 : vector<16xf32>
        %get3A_292 = arith.constant 48 : index
        %get3A_293 = tpu.vector_load %arg12[%get3A_292] {strides = array<i32>} : memref<256xf32, #tpu.memory_space<vmem>>, vector<16xf32>,
        %get3A_294 = vector.shape_cast %get3A_293 : vector<16xf32> to vector<16xf32>
        %mul3A_295 = arith.mulf %max3A_291, %get3A_294 : vector<16xf32>
        %add3A_296 = arith.addf %add3A_278, %mul3A_295 : vector<16xf32>
        %get3A_297 = arith.index_cast %scan3A_223 : i32 to index
        %get3A_298 = arith.constant 64 : index
        %get3A_299 = tpu.vector_load %arg17[%get3A_297, %get3A_298] {strides = array<i32>} : memref<64x256xf32, #tpu.memory_space<vmem>>, vector<1x16xf32>,
        %get3A_300 = vector.shape_cast %get3A_299 : vector<1x16xf32> to vector<16xf32>
        %get3A_301 = arith.index_cast %scan3A_223 : i32 to index
        %get3A_302 = arith.constant 64 : index
        %get3A_303 = tpu.vector_load %arg18[%get3A_301, %get3A_302] {strides = array<i32>} : memref<64x256xf32, #tpu.memory_space<vmem>>, vector<1x16xf32>,
        %get3A_304 = vector.shape_cast %get3A_303 : vector<1x16xf32> to vector<16xf32>
        %add3A_305 = arith.addf %get3A_300, %get3A_304 : vector<16xf32>
        %mul3A_306 = arith.constant 2.000000e-01 : f32
        %mul3A_307 = vector.broadcast %mul3A_306 : f32 to vector<16xf32>
        %mul3A_308 = arith.mulf %mul3A_307, %add3A_305 : vector<16xf32>
        %max3A_309 = arith.maximumf %add3A_305, %mul3A_308 : vector<16xf32>
        %get3A_310 = arith.constant 64 : index
        %get3A_311 = tpu.vector_load %arg12[%get3A_310] {strides = array<i32>} : memref<256xf32, #tpu.memory_space<vmem>>, vector<16xf32>,
        %get3A_312 = vector.shape_cast %get3A_311 : vector<16xf32> to vector<16xf32>
        %mul3A_313 = arith.mulf %max3A_309, %get3A_312 : vector<16xf32>
        %add3A_314 = arith.addf %add3A_296, %mul3A_313 : vector<16xf32>
        %get3A_315 = arith.index_cast %scan3A_223 : i32 to index
        %get3A_316 = arith.constant 80 : index
        %get3A_317 = tpu.vector_load %arg17[%get3A_315, %get3A_316] {strides = array<i32>} : memref<64x256xf32, #tpu.memory_space<vmem>>, vector<1x16xf32>,
        %get3A_318 = vector.shape_cast %get3A_317 : vector<1x16xf32> to vector<16xf32>
        %get3A_319 = arith.index_cast %scan3A_223 : i32 to index
        %get3A_320 = arith.constant 80 : index
        %get3A_321 = tpu.vector_load %arg18[%get3A_319, %get3A_320] {strides = array<i32>} : memref<64x256xf32, #tpu.memory_space<vmem>>, vector<1x16xf32>,
        %get3A_322 = vector.shape_cast %get3A_321 : vector<1x16xf32> to vector<16xf32>
        %add3A_323 = arith.addf %get3A_318, %get3A_322 : vector<16xf32>
        %mul3A_324 = arith.constant 2.000000e-01 : f32
        %mul3A_325 = vector.broadcast %mul3A_324 : f32 to vector<16xf32>
        %mul3A_326 = arith.mulf %mul3A_325, %add3A_323 : vector<16xf32>
        %max3A_327 = arith.maximumf %add3A_323, %mul3A_326 : vector<16xf32>
        %get3A_328 = arith.constant 80 : index
        %get3A_329 = tpu.vector_load %arg12[%get3A_328] {strides = array<i32>} : memref<256xf32, #tpu.memory_space<vmem>>, vector<16xf32>,
        %get3A_330 = vector.shape_cast %get3A_329 : vector<16xf32> to vector<16xf32>
        %mul3A_331 = arith.mulf %max3A_327, %get3A_330 : vector<16xf32>
        %add3A_332 = arith.addf %add3A_314, %mul3A_331 : vector<16xf32>
        %get3A_333 = arith.index_cast %scan3A_223 : i32 to index
        %get3A_334 = arith.constant 96 : index
        %get3A_335 = tpu.vector_load %arg17[%get3A_333, %get3A_334] {strides = array<i32>} : memref<64x256xf32, #tpu.memory_space<vmem>>, vector<1x16xf32>,
        %get3A_336 = vector.shape_cast %get3A_335 : vector<1x16xf32> to vector<16xf32>
        %get3A_337 = arith.index_cast %scan3A_223 : i32 to index
        %get3A_338 = arith.constant 96 : index
        %get3A_339 = tpu.vector_load %arg18[%get3A_337, %get3A_338] {strides = array<i32>} : memref<64x256xf32, #tpu.memory_space<vmem>>, vector<1x16xf32>,
        %get3A_340 = vector.shape_cast %get3A_339 : vector<1x16xf32> to vector<16xf32>
        %add3A_341 = arith.addf %get3A_336, %get3A_340 : vector<16xf32>
        %mul3A_342 = arith.constant 2.000000e-01 : f32
        %mul3A_343 = vector.broadcast %mul3A_342 : f32 to vector<16xf32>
        %mul3A_344 = arith.mulf %mul3A_343, %add3A_341 : vector<16xf32>
        %max3A_345 = arith.maximumf %add3A_341, %mul3A_344 : vector<16xf32>
        %get3A_346 = arith.constant 96 : index
        %get3A_347 = tpu.vector_load %arg12[%get3A_346] {strides = array<i32>} : memref<256xf32, #tpu.memory_space<vmem>>, vector<16xf32>,
        %get3A_348 = vector.shape_cast %get3A_347 : vector<16xf32> to vector<16xf32>
        %mul3A_349 = arith.mulf %max3A_345, %get3A_348 : vector<16xf32>
        %add3A_350 = arith.addf %add3A_332, %mul3A_349 : vector<16xf32>
        %get3A_351 = arith.index_cast %scan3A_223 : i32 to index
        %get3A_352 = arith.constant 112 : index
        %get3A_353 = tpu.vector_load %arg17[%get3A_351, %get3A_352] {strides = array<i32>} : memref<64x256xf32, #tpu.memory_space<vmem>>, vector<1x16xf32>,
        %get3A_354 = vector.shape_cast %get3A_353 : vector<1x16xf32> to vector<16xf32>
        %get3A_355 = arith.index_cast %scan3A_223 : i32 to index
        %get3A_356 = arith.constant 112 : index
        %get3A_357 = tpu.vector_load %arg18[%get3A_355, %get3A_356] {strides = array<i32>} : memref<64x256xf32, #tpu.memory_space<vmem>>, vector<1x16xf32>,
        %get3A_358 = vector.shape_cast %get3A_357 : vector<1x16xf32> to vector<16xf32>
        %add3A_359 = arith.addf %get3A_354, %get3A_358 : vector<16xf32>
        %mul3A_360 = arith.constant 2.000000e-01 : f32
        %mul3A_361 = vector.broadcast %mul3A_360 : f32 to vector<16xf32>
        %mul3A_362 = arith.mulf %mul3A_361, %add3A_359 : vector<16xf32>
        %max3A_363 = arith.maximumf %add3A_359, %mul3A_362 : vector<16xf32>
        %get3A_364 = arith.constant 112 : index
        %get3A_365 = tpu.vector_load %arg12[%get3A_364] {strides = array<i32>} : memref<256xf32, #tpu.memory_space<vmem>>, vector<16xf32>,
        %get3A_366 = vector.shape_cast %get3A_365 : vector<16xf32> to vector<16xf32>
        %mul3A_367 = arith.mulf %max3A_363, %get3A_366 : vector<16xf32>
        %add3A_368 = arith.addf %add3A_350, %mul3A_367 : vector<16xf32>
        %get3A_369 = arith.index_cast %scan3A_223 : i32 to index
        %get3A_370 = arith.constant 128 : index
        %get3A_371 = tpu.vector_load %arg17[%get3A_369, %get3A_370] {strides = array<i32>} : memref<64x256xf32, #tpu.memory_space<vmem>>, vector<1x16xf32>,
        %get3A_372 = vector.shape_cast %get3A_371 : vector<1x16xf32> to vector<16xf32>
        %get3A_373 = arith.index_cast %scan3A_223 : i32 to index
        %get3A_374 = arith.constant 128 : index
        %get3A_375 = tpu.vector_load %arg18[%get3A_373, %get3A_374] {strides = array<i32>} : memref<64x256xf32, #tpu.memory_space<vmem>>, vector<1x16xf32>,
        %get3A_376 = vector.shape_cast %get3A_375 : vector<1x16xf32> to vector<16xf32>
        %add3A_377 = arith.addf %get3A_372, %get3A_376 : vector<16xf32>
        %mul3A_378 = arith.constant 2.000000e-01 : f32
        %mul3A_379 = vector.broadcast %mul3A_378 : f32 to vector<16xf32>
        %mul3A_380 = arith.mulf %mul3A_379, %add3A_377 : vector<16xf32>
        %max3A_381 = arith.maximumf %add3A_377, %mul3A_380 : vector<16xf32>
        %get3A_382 = arith.constant 128 : index
        %get3A_383 = tpu.vector_load %arg12[%get3A_382] {strides = array<i32>} : memref<256xf32, #tpu.memory_space<vmem>>, vector<16xf32>,
        %get3A_384 = vector.shape_cast %get3A_383 : vector<16xf32> to vector<16xf32>
        %mul3A_385 = arith.mulf %max3A_381, %get3A_384 : vector<16xf32>
        %add3A_386 = arith.addf %add3A_368, %mul3A_385 : vector<16xf32>
        %get3A_387 = arith.index_cast %scan3A_223 : i32 to index
        %get3A_388 = arith.constant 144 : index
        %get3A_389 = tpu.vector_load %arg17[%get3A_387, %get3A_388] {strides = array<i32>} : memref<64x256xf32, #tpu.memory_space<vmem>>, vector<1x16xf32>,
        %get3A_390 = vector.shape_cast %get3A_389 : vector<1x16xf32> to vector<16xf32>
        %get3A_391 = arith.index_cast %scan3A_223 : i32 to index
        %get3A_392 = arith.constant 144 : index
        %get3A_393 = tpu.vector_load %arg18[%get3A_391, %get3A_392] {strides = array<i32>} : memref<64x256xf32, #tpu.memory_space<vmem>>, vector<1x16xf32>,
        %get3A_394 = vector.shape_cast %get3A_393 : vector<1x16xf32> to vector<16xf32>
        %add3A_395 = arith.addf %get3A_390, %get3A_394 : vector<16xf32>
        %mul3A_396 = arith.constant 2.000000e-01 : f32
        %mul3A_397 = vector.broadcast %mul3A_396 : f32 to vector<16xf32>
        %mul3A_398 = arith.mulf %mul3A_397, %add3A_395 : vector<16xf32>
        %max3A_399 = arith.maximumf %add3A_395, %mul3A_398 : vector<16xf32>
        %get3A_400 = arith.constant 144 : index
        %get3A_401 = tpu.vector_load %arg12[%get3A_400] {strides = array<i32>} : memref<256xf32, #tpu.memory_space<vmem>>, vector<16xf32>,
        %get3A_402 = vector.shape_cast %get3A_401 : vector<16xf32> to vector<16xf32>
        %mul3A_403 = arith.mulf %max3A_399, %get3A_402 : vector<16xf32>
        %add3A_404 = arith.addf %add3A_386, %mul3A_403 : vector<16xf32>
        %get3A_405 = arith.index_cast %scan3A_223 : i32 to index
        %get3A_406 = arith.constant 160 : index
        %get3A_407 = tpu.vector_load %arg17[%get3A_405, %get3A_406] {strides = array<i32>} : memref<64x256xf32, #tpu.memory_space<vmem>>, vector<1x16xf32>,
        %get3A_408 = vector.shape_cast %get3A_407 : vector<1x16xf32> to vector<16xf32>
        %get3A_409 = arith.index_cast %scan3A_223 : i32 to index
        %get3A_410 = arith.constant 160 : index
        %get3A_411 = tpu.vector_load %arg18[%get3A_409, %get3A_410] {strides = array<i32>} : memref<64x256xf32, #tpu.memory_space<vmem>>, vector<1x16xf32>,
        %get3A_412 = vector.shape_cast %get3A_411 : vector<1x16xf32> to vector<16xf32>
        %add3A_413 = arith.addf %get3A_408, %get3A_412 : vector<16xf32>
        %mul3A_414 = arith.constant 2.000000e-01 : f32
        %mul3A_415 = vector.broadcast %mul3A_414 : f32 to vector<16xf32>
        %mul3A_416 = arith.mulf %mul3A_415, %add3A_413 : vector<16xf32>
        %max3A_417 = arith.maximumf %add3A_413, %mul3A_416 : vector<16xf32>
        %get3A_418 = arith.constant 160 : index
        %get3A_419 = tpu.vector_load %arg12[%get3A_418] {strides = array<i32>} : memref<256xf32, #tpu.memory_space<vmem>>, vector<16xf32>,
        %get3A_420 = vector.shape_cast %get3A_419 : vector<16xf32> to vector<16xf32>
        %mul3A_421 = arith.mulf %max3A_417, %get3A_420 : vector<16xf32>
        %add3A_422 = arith.addf %add3A_404, %mul3A_421 : vector<16xf32>
        %get3A_423 = arith.index_cast %scan3A_223 : i32 to index
        %get3A_424 = arith.constant 176 : index
        %get3A_425 = tpu.vector_load %arg17[%get3A_423, %get3A_424] {strides = array<i32>} : memref<64x256xf32, #tpu.memory_space<vmem>>, vector<1x16xf32>,
        %get3A_426 = vector.shape_cast %get3A_425 : vector<1x16xf32> to vector<16xf32>
        %get3A_427 = arith.index_cast %scan3A_223 : i32 to index
        %get3A_428 = arith.constant 176 : index
        %get3A_429 = tpu.vector_load %arg18[%get3A_427, %get3A_428] {strides = array<i32>} : memref<64x256xf32, #tpu.memory_space<vmem>>, vector<1x16xf32>,
        %get3A_430 = vector.shape_cast %get3A_429 : vector<1x16xf32> to vector<16xf32>
        %add3A_431 = arith.addf %get3A_426, %get3A_430 : vector<16xf32>
        %mul3A_432 = arith.constant 2.000000e-01 : f32
        %mul3A_433 = vector.broadcast %mul3A_432 : f32 to vector<16xf32>
        %mul3A_434 = arith.mulf %mul3A_433, %add3A_431 : vector<16xf32>
        %max3A_435 = arith.maximumf %add3A_431, %mul3A_434 : vector<16xf32>
        %get3A_436 = arith.constant 176 : index
        %get3A_437 = tpu.vector_load %arg12[%get3A_436] {strides = array<i32>} : memref<256xf32, #tpu.memory_space<vmem>>, vector<16xf32>,
        %get3A_438 = vector.shape_cast %get3A_437 : vector<16xf32> to vector<16xf32>
        %mul3A_439 = arith.mulf %max3A_435, %get3A_438 : vector<16xf32>
        %add3A_440 = arith.addf %add3A_422, %mul3A_439 : vector<16xf32>
        %get3A_441 = arith.index_cast %scan3A_223 : i32 to index
        %get3A_442 = arith.constant 192 : index
        %get3A_443 = tpu.vector_load %arg17[%get3A_441, %get3A_442] {strides = array<i32>} : memref<64x256xf32, #tpu.memory_space<vmem>>, vector<1x16xf32>,
        %get3A_444 = vector.shape_cast %get3A_443 : vector<1x16xf32> to vector<16xf32>
        %get3A_445 = arith.index_cast %scan3A_223 : i32 to index
        %get3A_446 = arith.constant 192 : index
        %get3A_447 = tpu.vector_load %arg18[%get3A_445, %get3A_446] {strides = array<i32>} : memref<64x256xf32, #tpu.memory_space<vmem>>, vector<1x16xf32>,
        %get3A_448 = vector.shape_cast %get3A_447 : vector<1x16xf32> to vector<16xf32>
        %add3A_449 = arith.addf %get3A_444, %get3A_448 : vector<16xf32>
        %mul3A_450 = arith.constant 2.000000e-01 : f32
        %mul3A_451 = vector.broadcast %mul3A_450 : f32 to vector<16xf32>
        %mul3A_452 = arith.mulf %mul3A_451, %add3A_449 : vector<16xf32>
        %max3A_453 = arith.maximumf %add3A_449, %mul3A_452 : vector<16xf32>
        %get3A_454 = arith.constant 192 : index
        %get3A_455 = tpu.vector_load %arg12[%get3A_454] {strides = array<i32>} : memref<256xf32, #tpu.memory_space<vmem>>, vector<16xf32>,
        %get3A_456 = vector.shape_cast %get3A_455 : vector<16xf32> to vector<16xf32>
        %mul3A_457 = arith.mulf %max3A_453, %get3A_456 : vector<16xf32>
        %add3A_458 = arith.addf %add3A_440, %mul3A_457 : vector<16xf32>
        %get3A_459 = arith.index_cast %scan3A_223 : i32 to index
        %get3A_460 = arith.constant 208 : index
        %get3A_461 = tpu.vector_load %arg17[%get3A_459, %get3A_460] {strides = array<i32>} : memref<64x256xf32, #tpu.memory_space<vmem>>, vector<1x16xf32>,
        %get3A_462 = vector.shape_cast %get3A_461 : vector<1x16xf32> to vector<16xf32>
        %get3A_463 = arith.index_cast %scan3A_223 : i32 to index
        %get3A_464 = arith.constant 208 : index
        %get3A_465 = tpu.vector_load %arg18[%get3A_463, %get3A_464] {strides = array<i32>} : memref<64x256xf32, #tpu.memory_space<vmem>>, vector<1x16xf32>,
        %get3A_466 = vector.shape_cast %get3A_465 : vector<1x16xf32> to vector<16xf32>
        %add3A_467 = arith.addf %get3A_462, %get3A_466 : vector<16xf32>
        %mul3A_468 = arith.constant 2.000000e-01 : f32
        %mul3A_469 = vector.broadcast %mul3A_468 : f32 to vector<16xf32>
        %mul3A_470 = arith.mulf %mul3A_469, %add3A_467 : vector<16xf32>
        %max3A_471 = arith.maximumf %add3A_467, %mul3A_470 : vector<16xf32>
        %get3A_472 = arith.constant 208 : index
        %get3A_473 = tpu.vector_load %arg12[%get3A_472] {strides = array<i32>} : memref<256xf32, #tpu.memory_space<vmem>>, vector<16xf32>,
        %get3A_474 = vector.shape_cast %get3A_473 : vector<16xf32> to vector<16xf32>
        %mul3A_475 = arith.mulf %max3A_471, %get3A_474 : vector<16xf32>
        %add3A_476 = arith.addf %add3A_458, %mul3A_475 : vector<16xf32>
        %get3A_477 = arith.index_cast %scan3A_223 : i32 to index
        %get3A_478 = arith.constant 224 : index
        %get3A_479 = tpu.vector_load %arg17[%get3A_477, %get3A_478] {strides = array<i32>} : memref<64x256xf32, #tpu.memory_space<vmem>>, vector<1x16xf32>,
        %get3A_480 = vector.shape_cast %get3A_479 : vector<1x16xf32> to vector<16xf32>
        %get3A_481 = arith.index_cast %scan3A_223 : i32 to index
        %get3A_482 = arith.constant 224 : index
        %get3A_483 = tpu.vector_load %arg18[%get3A_481, %get3A_482] {strides = array<i32>} : memref<64x256xf32, #tpu.memory_space<vmem>>, vector<1x16xf32>,
        %get3A_484 = vector.shape_cast %get3A_483 : vector<1x16xf32> to vector<16xf32>
        %add3A_485 = arith.addf %get3A_480, %get3A_484 : vector<16xf32>
        %mul3A_486 = arith.constant 2.000000e-01 : f32
        %mul3A_487 = vector.broadcast %mul3A_486 : f32 to vector<16xf32>
        %mul3A_488 = arith.mulf %mul3A_487, %add3A_485 : vector<16xf32>
        %max3A_489 = arith.maximumf %add3A_485, %mul3A_488 : vector<16xf32>
        %get3A_490 = arith.constant 224 : index
        %get3A_491 = tpu.vector_load %arg12[%get3A_490] {strides = array<i32>} : memref<256xf32, #tpu.memory_space<vmem>>, vector<16xf32>,
        %get3A_492 = vector.shape_cast %get3A_491 : vector<16xf32> to vector<16xf32>
        %mul3A_493 = arith.mulf %max3A_489, %get3A_492 : vector<16xf32>
        %add3A_494 = arith.addf %add3A_476, %mul3A_493 : vector<16xf32>
        %get3A_495 = arith.index_cast %scan3A_223 : i32 to index
        %get3A_496 = arith.constant 240 : index
        %get3A_497 = tpu.vector_load %arg17[%get3A_495, %get3A_496] {strides = array<i32>} : memref<64x256xf32, #tpu.memory_space<vmem>>, vector<1x16xf32>,
        %get3A_498 = vector.shape_cast %get3A_497 : vector<1x16xf32> to vector<16xf32>
        %get3A_499 = arith.index_cast %scan3A_223 : i32 to index
        %get3A_500 = arith.constant 240 : index
        %get3A_501 = tpu.vector_load %arg18[%get3A_499, %get3A_500] {strides = array<i32>} : memref<64x256xf32, #tpu.memory_space<vmem>>, vector<1x16xf32>,
        %get3A_502 = vector.shape_cast %get3A_501 : vector<1x16xf32> to vector<16xf32>
        %add3A_503 = arith.addf %get3A_498, %get3A_502 : vector<16xf32>
        %mul3A_504 = arith.constant 2.000000e-01 : f32
        %mul3A_505 = vector.broadcast %mul3A_504 : f32 to vector<16xf32>
        %mul3A_506 = arith.mulf %mul3A_505, %add3A_503 : vector<16xf32>
        %max3A_507 = arith.maximumf %add3A_503, %mul3A_506 : vector<16xf32>
        %get3A_508 = arith.constant 240 : index
        %get3A_509 = tpu.vector_load %arg12[%get3A_508] {strides = array<i32>} : memref<256xf32, #tpu.memory_space<vmem>>, vector<16xf32>,
        %get3A_510 = vector.shape_cast %get3A_509 : vector<16xf32> to vector<16xf32>
        %mul3A_511 = arith.mulf %max3A_507, %get3A_510 : vector<16xf32>
        %add3A_512 = arith.addf %add3A_494, %mul3A_511 : vector<16xf32>
        %xor3A = arith.constant 1 : i32
        %xor3A_513 = vector.broadcast %xor3A : i32 to vector<16xi32>
        %xor3A_514 = arith.xori %iota3A_186, %xor3A_513 : vector<16xi32>
        %lt3A_515 = arith.constant 0 : i32
        %lt3A_516 = vector.broadcast %lt3A_515 : i32 to vector<16xi32>
        %lt3A_517 = arith.cmpi slt, %xor3A_514, %lt3A_516 : vector<16xi32>
        %add3A_518 = arith.constant 16 : i32
        %add3A_519 = vector.broadcast %add3A_518 : i32 to vector<16xi32>
        %add3A_520 = arith.addi %xor3A_514, %add3A_519 : vector<16xi32>
        %select_n3A_521 = arith.select %lt3A_517, %add3A_520, %xor3A_514 : vector<16xi1>, vector<16xi32>
        %broadcast_in_dim3A_522 = vector.shape_cast %select_n3A_521 : vector<16xi32> to vector<16x1xi32>
        %gather3A = vector.shape_cast %broadcast_in_dim3A_522 : vector<16x1xi32> to vector<16xi32>
        %gather3A_523 = tpu.dynamic_gather %add3A_512[%gather3A] in [0] : vector<16xf32>, vector<16xi32> -> vector<16xf32>
        %add3A_524 = arith.addf %add3A_512, %gather3A_523 : vector<16xf32>
        %xor3A_525 = arith.constant 2 : i32
        %xor3A_526 = vector.broadcast %xor3A_525 : i32 to vector<16xi32>
        %xor3A_527 = arith.xori %iota3A_186, %xor3A_526 : vector<16xi32>
        %lt3A_528 = arith.constant 0 : i32
        %lt3A_529 = vector.broadcast %lt3A_528 : i32 to vector<16xi32>
        %lt3A_530 = arith.cmpi slt, %xor3A_527, %lt3A_529 : vector<16xi32>
        %add3A_531 = arith.constant 16 : i32
        %add3A_532 = vector.broadcast %add3A_531 : i32 to vector<16xi32>
        %add3A_533 = arith.addi %xor3A_527, %add3A_532 : vector<16xi32>
        %select_n3A_534 = arith.select %lt3A_530, %add3A_533, %xor3A_527 : vector<16xi1>, vector<16xi32>
        %broadcast_in_dim3A_535 = vector.shape_cast %select_n3A_534 : vector<16xi32> to vector<16x1xi32>
        %gather3A_536 = vector.shape_cast %broadcast_in_dim3A_535 : vector<16x1xi32> to vector<16xi32>
        %gather3A_537 = tpu.dynamic_gather %add3A_524[%gather3A_536] in [0] : vector<16xf32>, vector<16xi32> -> vector<16xf32>
        %add3A_538 = arith.addf %add3A_524, %gather3A_537 : vector<16xf32>
        %xor3A_539 = arith.constant 4 : i32
        %xor3A_540 = vector.broadcast %xor3A_539 : i32 to vector<16xi32>
        %xor3A_541 = arith.xori %iota3A_186, %xor3A_540 : vector<16xi32>
        %lt3A_542 = arith.constant 0 : i32
        %lt3A_543 = vector.broadcast %lt3A_542 : i32 to vector<16xi32>
        %lt3A_544 = arith.cmpi slt, %xor3A_541, %lt3A_543 : vector<16xi32>
        %add3A_545 = arith.constant 16 : i32
        %add3A_546 = vector.broadcast %add3A_545 : i32 to vector<16xi32>
        %add3A_547 = arith.addi %xor3A_541, %add3A_546 : vector<16xi32>
        %select_n3A_548 = arith.select %lt3A_544, %add3A_547, %xor3A_541 : vector<16xi1>, vector<16xi32>
        %broadcast_in_dim3A_549 = vector.shape_cast %select_n3A_548 : vector<16xi32> to vector<16x1xi32>
        %gather3A_550 = vector.shape_cast %broadcast_in_dim3A_549 : vector<16x1xi32> to vector<16xi32>
        %gather3A_551 = tpu.dynamic_gather %add3A_538[%gather3A_550] in [0] : vector<16xf32>, vector<16xi32> -> vector<16xf32>
        %add3A_552 = arith.addf %add3A_538, %gather3A_551 : vector<16xf32>
        %xor3A_553 = arith.constant 8 : i32
        %xor3A_554 = vector.broadcast %xor3A_553 : i32 to vector<16xi32>
        %xor3A_555 = arith.xori %iota3A_186, %xor3A_554 : vector<16xi32>
        %lt3A_556 = arith.constant 0 : i32
        %lt3A_557 = vector.broadcast %lt3A_556 : i32 to vector<16xi32>
        %lt3A_558 = arith.cmpi slt, %xor3A_555, %lt3A_557 : vector<16xi32>
        %add3A_559 = arith.constant 16 : i32
        %add3A_560 = vector.broadcast %add3A_559 : i32 to vector<16xi32>
        %add3A_561 = arith.addi %xor3A_555, %add3A_560 : vector<16xi32>
        %select_n3A_562 = arith.select %lt3A_558, %add3A_561, %xor3A_555 : vector<16xi1>, vector<16xi32>
        %broadcast_in_dim3A_563 = vector.shape_cast %select_n3A_562 : vector<16xi32> to vector<16x1xi32>
        %gather3A_564 = vector.shape_cast %broadcast_in_dim3A_563 : vector<16x1xi32> to vector<16xi32>
        %gather3A_565 = tpu.dynamic_gather %add3A_552[%gather3A_564] in [0] : vector<16xf32>, vector<16xi32> -> vector<16xf32>
        %add3A_566 = arith.addf %add3A_552, %gather3A_565 : vector<16xf32>
        %exp3A = math.exp %add3A_566 : vector<16xf32>
        %get3A_567 = arith.index_cast %scan3A_223 : i32 to index
        %get3A_568 = tpu.vector_load %arg16[%get3A_567] {strides = array<i32>} : memref<80xi32, #tpu.memory_space<vmem>>, vector<16xi32>,
        %get3A_569 = vector.shape_cast %get3A_568 : vector<16xi32> to vector<16xi32>
        %slice3A_570 = vector.extract_strided_slice %get3A_569 {offsets = [0], sizes = [1], strides = [1]} : vector<16xi32> to vector<1xi32>
        %squeeze3A_571 = vector.extract %slice3A_570[0] : i32 from vector<1xi32>
        %sub3A_572 = arith.subi %squeeze3A_571, %mul3A_2 : i32
        %ge3A = arith.constant 0 : i32
        %ge3A_573 = arith.cmpi sge, %sub3A_572, %ge3A : i32
        %lt3A_574 = arith.constant 320 : i32
        %lt3A_575 = arith.cmpi slt, %sub3A_572, %lt3A_574 : i32
        %and3A_576 = arith.andi %ge3A_573, %lt3A_575 : i1
        %jit3A_577 = arith.constant 320 : i32
        %select_n3A_578 = arith.select %and3A_576, %sub3A_572, %jit3A_577 : i32
        %get3A_579 = arith.index_cast %select_n3A_578 : i32 to index
        %get3A_580 = arith.constant 0 : index
        %get3A_581 = tpu.vector_load %arg19[%get3A_579, %get3A_580] {strides = array<i32>} : memref<328x256xf32, #tpu.memory_space<vmem>>, vector<1x16xf32>,
        %get3A_582 = vector.shape_cast %get3A_581 : vector<1x16xf32> to vector<16xf32>
        %mul3A_583 = arith.mulf %get3A_229, %exp3A : vector<16xf32>
        %add3A_584 = arith.addf %get3A_582, %mul3A_583 : vector<16xf32>
        %swap3A_585 = arith.index_cast %select_n3A_578 : i32 to index
        %swap3A_586 = arith.constant 0 : index
        %swap3A_587 = tpu.vector_load %arg19[%swap3A_585, %swap3A_586] {strides = array<i32>} : memref<328x256xf32, #tpu.memory_space<vmem>>, vector<1x16xf32>,
        %swap3A_588 = vector.shape_cast %swap3A_587 : vector<1x16xf32> to vector<16xf32>
        %swap3A_589 = vector.shape_cast %add3A_584 : vector<16xf32> to vector<1x16xf32>
        tpu.vector_store %arg19[%swap3A_585, %swap3A_586], %swap3A_589 {strides = array<i32>} : memref<328x256xf32, #tpu.memory_space<vmem>>, vector<1x16xf32>,
        %get3A_590 = arith.index_cast %select_n3A_578 : i32 to index
        %get3A_591 = arith.constant 16 : index
        %get3A_592 = tpu.vector_load %arg19[%get3A_590, %get3A_591] {strides = array<i32>} : memref<328x256xf32, #tpu.memory_space<vmem>>, vector<1x16xf32>,
        %get3A_593 = vector.shape_cast %get3A_592 : vector<1x16xf32> to vector<16xf32>
        %mul3A_594 = arith.mulf %get3A_246, %exp3A : vector<16xf32>
        %add3A_595 = arith.addf %get3A_593, %mul3A_594 : vector<16xf32>
        %swap3A_596 = arith.index_cast %select_n3A_578 : i32 to index
        %swap3A_597 = arith.constant 16 : index
        %swap3A_598 = tpu.vector_load %arg19[%swap3A_596, %swap3A_597] {strides = array<i32>} : memref<328x256xf32, #tpu.memory_space<vmem>>, vector<1x16xf32>,
        %swap3A_599 = vector.shape_cast %swap3A_598 : vector<1x16xf32> to vector<16xf32>
        %swap3A_600 = vector.shape_cast %add3A_595 : vector<16xf32> to vector<1x16xf32>
        tpu.vector_store %arg19[%swap3A_596, %swap3A_597], %swap3A_600 {strides = array<i32>} : memref<328x256xf32, #tpu.memory_space<vmem>>, vector<1x16xf32>,
        %get3A_601 = arith.index_cast %select_n3A_578 : i32 to index
        %get3A_602 = arith.constant 32 : index
        %get3A_603 = tpu.vector_load %arg19[%get3A_601, %get3A_602] {strides = array<i32>} : memref<328x256xf32, #tpu.memory_space<vmem>>, vector<1x16xf32>,
        %get3A_604 = vector.shape_cast %get3A_603 : vector<1x16xf32> to vector<16xf32>
        %mul3A_605 = arith.mulf %get3A_264, %exp3A : vector<16xf32>
        %add3A_606 = arith.addf %get3A_604, %mul3A_605 : vector<16xf32>
        %swap3A_607 = arith.index_cast %select_n3A_578 : i32 to index
        %swap3A_608 = arith.constant 32 : index
        %swap3A_609 = tpu.vector_load %arg19[%swap3A_607, %swap3A_608] {strides = array<i32>} : memref<328x256xf32, #tpu.memory_space<vmem>>, vector<1x16xf32>,
        %swap3A_610 = vector.shape_cast %swap3A_609 : vector<1x16xf32> to vector<16xf32>
        %swap3A_611 = vector.shape_cast %add3A_606 : vector<16xf32> to vector<1x16xf32>
        tpu.vector_store %arg19[%swap3A_607, %swap3A_608], %swap3A_611 {strides = array<i32>} : memref<328x256xf32, #tpu.memory_space<vmem>>, vector<1x16xf32>,
        %get3A_612 = arith.index_cast %select_n3A_578 : i32 to index
        %get3A_613 = arith.constant 48 : index
        %get3A_614 = tpu.vector_load %arg19[%get3A_612, %get3A_613] {strides = array<i32>} : memref<328x256xf32, #tpu.memory_space<vmem>>, vector<1x16xf32>,
        %get3A_615 = vector.shape_cast %get3A_614 : vector<1x16xf32> to vector<16xf32>
        %mul3A_616 = arith.mulf %get3A_282, %exp3A : vector<16xf32>
        %add3A_617 = arith.addf %get3A_615, %mul3A_616 : vector<16xf32>
        %swap3A_618 = arith.index_cast %select_n3A_578 : i32 to index
        %swap3A_619 = arith.constant 48 : index
        %swap3A_620 = tpu.vector_load %arg19[%swap3A_618, %swap3A_619] {strides = array<i32>} : memref<328x256xf32, #tpu.memory_space<vmem>>, vector<1x16xf32>,
        %swap3A_621 = vector.shape_cast %swap3A_620 : vector<1x16xf32> to vector<16xf32>
        %swap3A_622 = vector.shape_cast %add3A_617 : vector<16xf32> to vector<1x16xf32>
        tpu.vector_store %arg19[%swap3A_618, %swap3A_619], %swap3A_622 {strides = array<i32>} : memref<328x256xf32, #tpu.memory_space<vmem>>, vector<1x16xf32>,
        %get3A_623 = arith.index_cast %select_n3A_578 : i32 to index
        %get3A_624 = arith.constant 64 : index
        %get3A_625 = tpu.vector_load %arg19[%get3A_623, %get3A_624] {strides = array<i32>} : memref<328x256xf32, #tpu.memory_space<vmem>>, vector<1x16xf32>,
        %get3A_626 = vector.shape_cast %get3A_625 : vector<1x16xf32> to vector<16xf32>
        %mul3A_627 = arith.mulf %get3A_300, %exp3A : vector<16xf32>
        %add3A_628 = arith.addf %get3A_626, %mul3A_627 : vector<16xf32>
        %swap3A_629 = arith.index_cast %select_n3A_578 : i32 to index
        %swap3A_630 = arith.constant 64 : index
        %swap3A_631 = tpu.vector_load %arg19[%swap3A_629, %swap3A_630] {strides = array<i32>} : memref<328x256xf32, #tpu.memory_space<vmem>>, vector<1x16xf32>,
        %swap3A_632 = vector.shape_cast %swap3A_631 : vector<1x16xf32> to vector<16xf32>
        %swap3A_633 = vector.shape_cast %add3A_628 : vector<16xf32> to vector<1x16xf32>
        tpu.vector_store %arg19[%swap3A_629, %swap3A_630], %swap3A_633 {strides = array<i32>} : memref<328x256xf32, #tpu.memory_space<vmem>>, vector<1x16xf32>,
        %get3A_634 = arith.index_cast %select_n3A_578 : i32 to index
        %get3A_635 = arith.constant 80 : index
        %get3A_636 = tpu.vector_load %arg19[%get3A_634, %get3A_635] {strides = array<i32>} : memref<328x256xf32, #tpu.memory_space<vmem>>, vector<1x16xf32>,
        %get3A_637 = vector.shape_cast %get3A_636 : vector<1x16xf32> to vector<16xf32>
        %mul3A_638 = arith.mulf %get3A_318, %exp3A : vector<16xf32>
        %add3A_639 = arith.addf %get3A_637, %mul3A_638 : vector<16xf32>
        %swap3A_640 = arith.index_cast %select_n3A_578 : i32 to index
        %swap3A_641 = arith.constant 80 : index
        %swap3A_642 = tpu.vector_load %arg19[%swap3A_640, %swap3A_641] {strides = array<i32>} : memref<328x256xf32, #tpu.memory_space<vmem>>, vector<1x16xf32>,
        %swap3A_643 = vector.shape_cast %swap3A_642 : vector<1x16xf32> to vector<16xf32>
        %swap3A_644 = vector.shape_cast %add3A_639 : vector<16xf32> to vector<1x16xf32>
        tpu.vector_store %arg19[%swap3A_640, %swap3A_641], %swap3A_644 {strides = array<i32>} : memref<328x256xf32, #tpu.memory_space<vmem>>, vector<1x16xf32>,
        %get3A_645 = arith.index_cast %select_n3A_578 : i32 to index
        %get3A_646 = arith.constant 96 : index
        %get3A_647 = tpu.vector_load %arg19[%get3A_645, %get3A_646] {strides = array<i32>} : memref<328x256xf32, #tpu.memory_space<vmem>>, vector<1x16xf32>,
        %get3A_648 = vector.shape_cast %get3A_647 : vector<1x16xf32> to vector<16xf32>
        %mul3A_649 = arith.mulf %get3A_336, %exp3A : vector<16xf32>
        %add3A_650 = arith.addf %get3A_648, %mul3A_649 : vector<16xf32>
        %swap3A_651 = arith.index_cast %select_n3A_578 : i32 to index
        %swap3A_652 = arith.constant 96 : index
        %swap3A_653 = tpu.vector_load %arg19[%swap3A_651, %swap3A_652] {strides = array<i32>} : memref<328x256xf32, #tpu.memory_space<vmem>>, vector<1x16xf32>,
        %swap3A_654 = vector.shape_cast %swap3A_653 : vector<1x16xf32> to vector<16xf32>
        %swap3A_655 = vector.shape_cast %add3A_650 : vector<16xf32> to vector<1x16xf32>
        tpu.vector_store %arg19[%swap3A_651, %swap3A_652], %swap3A_655 {strides = array<i32>} : memref<328x256xf32, #tpu.memory_space<vmem>>, vector<1x16xf32>,
        %get3A_656 = arith.index_cast %select_n3A_578 : i32 to index
        %get3A_657 = arith.constant 112 : index
        %get3A_658 = tpu.vector_load %arg19[%get3A_656, %get3A_657] {strides = array<i32>} : memref<328x256xf32, #tpu.memory_space<vmem>>, vector<1x16xf32>,
        %get3A_659 = vector.shape_cast %get3A_658 : vector<1x16xf32> to vector<16xf32>
        %mul3A_660 = arith.mulf %get3A_354, %exp3A : vector<16xf32>
        %add3A_661 = arith.addf %get3A_659, %mul3A_660 : vector<16xf32>
        %swap3A_662 = arith.index_cast %select_n3A_578 : i32 to index
        %swap3A_663 = arith.constant 112 : index
        %swap3A_664 = tpu.vector_load %arg19[%swap3A_662, %swap3A_663] {strides = array<i32>} : memref<328x256xf32, #tpu.memory_space<vmem>>, vector<1x16xf32>,
        %swap3A_665 = vector.shape_cast %swap3A_664 : vector<1x16xf32> to vector<16xf32>
        %swap3A_666 = vector.shape_cast %add3A_661 : vector<16xf32> to vector<1x16xf32>
        tpu.vector_store %arg19[%swap3A_662, %swap3A_663], %swap3A_666 {strides = array<i32>} : memref<328x256xf32, #tpu.memory_space<vmem>>, vector<1x16xf32>,
        %get3A_667 = arith.index_cast %select_n3A_578 : i32 to index
        %get3A_668 = arith.constant 128 : index
        %get3A_669 = tpu.vector_load %arg19[%get3A_667, %get3A_668] {strides = array<i32>} : memref<328x256xf32, #tpu.memory_space<vmem>>, vector<1x16xf32>,
        %get3A_670 = vector.shape_cast %get3A_669 : vector<1x16xf32> to vector<16xf32>
        %mul3A_671 = arith.mulf %get3A_372, %exp3A : vector<16xf32>
        %add3A_672 = arith.addf %get3A_670, %mul3A_671 : vector<16xf32>
        %swap3A_673 = arith.index_cast %select_n3A_578 : i32 to index
        %swap3A_674 = arith.constant 128 : index
        %swap3A_675 = tpu.vector_load %arg19[%swap3A_673, %swap3A_674] {strides = array<i32>} : memref<328x256xf32, #tpu.memory_space<vmem>>, vector<1x16xf32>,
        %swap3A_676 = vector.shape_cast %swap3A_675 : vector<1x16xf32> to vector<16xf32>
        %swap3A_677 = vector.shape_cast %add3A_672 : vector<16xf32> to vector<1x16xf32>
        tpu.vector_store %arg19[%swap3A_673, %swap3A_674], %swap3A_677 {strides = array<i32>} : memref<328x256xf32, #tpu.memory_space<vmem>>, vector<1x16xf32>,
        %get3A_678 = arith.index_cast %select_n3A_578 : i32 to index
        %get3A_679 = arith.constant 144 : index
        %get3A_680 = tpu.vector_load %arg19[%get3A_678, %get3A_679] {strides = array<i32>} : memref<328x256xf32, #tpu.memory_space<vmem>>, vector<1x16xf32>,
        %get3A_681 = vector.shape_cast %get3A_680 : vector<1x16xf32> to vector<16xf32>
        %mul3A_682 = arith.mulf %get3A_390, %exp3A : vector<16xf32>
        %add3A_683 = arith.addf %get3A_681, %mul3A_682 : vector<16xf32>
        %swap3A_684 = arith.index_cast %select_n3A_578 : i32 to index
        %swap3A_685 = arith.constant 144 : index
        %swap3A_686 = tpu.vector_load %arg19[%swap3A_684, %swap3A_685] {strides = array<i32>} : memref<328x256xf32, #tpu.memory_space<vmem>>, vector<1x16xf32>,
        %swap3A_687 = vector.shape_cast %swap3A_686 : vector<1x16xf32> to vector<16xf32>
        %swap3A_688 = vector.shape_cast %add3A_683 : vector<16xf32> to vector<1x16xf32>
        tpu.vector_store %arg19[%swap3A_684, %swap3A_685], %swap3A_688 {strides = array<i32>} : memref<328x256xf32, #tpu.memory_space<vmem>>, vector<1x16xf32>,
        %get3A_689 = arith.index_cast %select_n3A_578 : i32 to index
        %get3A_690 = arith.constant 160 : index
        %get3A_691 = tpu.vector_load %arg19[%get3A_689, %get3A_690] {strides = array<i32>} : memref<328x256xf32, #tpu.memory_space<vmem>>, vector<1x16xf32>,
        %get3A_692 = vector.shape_cast %get3A_691 : vector<1x16xf32> to vector<16xf32>
        %mul3A_693 = arith.mulf %get3A_408, %exp3A : vector<16xf32>
        %add3A_694 = arith.addf %get3A_692, %mul3A_693 : vector<16xf32>
        %swap3A_695 = arith.index_cast %select_n3A_578 : i32 to index
        %swap3A_696 = arith.constant 160 : index
        %swap3A_697 = tpu.vector_load %arg19[%swap3A_695, %swap3A_696] {strides = array<i32>} : memref<328x256xf32, #tpu.memory_space<vmem>>, vector<1x16xf32>,
        %swap3A_698 = vector.shape_cast %swap3A_697 : vector<1x16xf32> to vector<16xf32>
        %swap3A_699 = vector.shape_cast %add3A_694 : vector<16xf32> to vector<1x16xf32>
        tpu.vector_store %arg19[%swap3A_695, %swap3A_696], %swap3A_699 {strides = array<i32>} : memref<328x256xf32, #tpu.memory_space<vmem>>, vector<1x16xf32>,
        %get3A_700 = arith.index_cast %select_n3A_578 : i32 to index
        %get3A_701 = arith.constant 176 : index
        %get3A_702 = tpu.vector_load %arg19[%get3A_700, %get3A_701] {strides = array<i32>} : memref<328x256xf32, #tpu.memory_space<vmem>>, vector<1x16xf32>,
        %get3A_703 = vector.shape_cast %get3A_702 : vector<1x16xf32> to vector<16xf32>
        %mul3A_704 = arith.mulf %get3A_426, %exp3A : vector<16xf32>
        %add3A_705 = arith.addf %get3A_703, %mul3A_704 : vector<16xf32>
        %swap3A_706 = arith.index_cast %select_n3A_578 : i32 to index
        %swap3A_707 = arith.constant 176 : index
        %swap3A_708 = tpu.vector_load %arg19[%swap3A_706, %swap3A_707] {strides = array<i32>} : memref<328x256xf32, #tpu.memory_space<vmem>>, vector<1x16xf32>,
        %swap3A_709 = vector.shape_cast %swap3A_708 : vector<1x16xf32> to vector<16xf32>
        %swap3A_710 = vector.shape_cast %add3A_705 : vector<16xf32> to vector<1x16xf32>
        tpu.vector_store %arg19[%swap3A_706, %swap3A_707], %swap3A_710 {strides = array<i32>} : memref<328x256xf32, #tpu.memory_space<vmem>>, vector<1x16xf32>,
        %get3A_711 = arith.index_cast %select_n3A_578 : i32 to index
        %get3A_712 = arith.constant 192 : index
        %get3A_713 = tpu.vector_load %arg19[%get3A_711, %get3A_712] {strides = array<i32>} : memref<328x256xf32, #tpu.memory_space<vmem>>, vector<1x16xf32>,
        %get3A_714 = vector.shape_cast %get3A_713 : vector<1x16xf32> to vector<16xf32>
        %mul3A_715 = arith.mulf %get3A_444, %exp3A : vector<16xf32>
        %add3A_716 = arith.addf %get3A_714, %mul3A_715 : vector<16xf32>
        %swap3A_717 = arith.index_cast %select_n3A_578 : i32 to index
        %swap3A_718 = arith.constant 192 : index
        %swap3A_719 = tpu.vector_load %arg19[%swap3A_717, %swap3A_718] {strides = array<i32>} : memref<328x256xf32, #tpu.memory_space<vmem>>, vector<1x16xf32>,
        %swap3A_720 = vector.shape_cast %swap3A_719 : vector<1x16xf32> to vector<16xf32>
        %swap3A_721 = vector.shape_cast %add3A_716 : vector<16xf32> to vector<1x16xf32>
        tpu.vector_store %arg19[%swap3A_717, %swap3A_718], %swap3A_721 {strides = array<i32>} : memref<328x256xf32, #tpu.memory_space<vmem>>, vector<1x16xf32>,
        %get3A_722 = arith.index_cast %select_n3A_578 : i32 to index
        %get3A_723 = arith.constant 208 : index
        %get3A_724 = tpu.vector_load %arg19[%get3A_722, %get3A_723] {strides = array<i32>} : memref<328x256xf32, #tpu.memory_space<vmem>>, vector<1x16xf32>,
        %get3A_725 = vector.shape_cast %get3A_724 : vector<1x16xf32> to vector<16xf32>
        %mul3A_726 = arith.mulf %get3A_462, %exp3A : vector<16xf32>
        %add3A_727 = arith.addf %get3A_725, %mul3A_726 : vector<16xf32>
        %swap3A_728 = arith.index_cast %select_n3A_578 : i32 to index
        %swap3A_729 = arith.constant 208 : index
        %swap3A_730 = tpu.vector_load %arg19[%swap3A_728, %swap3A_729] {strides = array<i32>} : memref<328x256xf32, #tpu.memory_space<vmem>>, vector<1x16xf32>,
        %swap3A_731 = vector.shape_cast %swap3A_730 : vector<1x16xf32> to vector<16xf32>
        %swap3A_732 = vector.shape_cast %add3A_727 : vector<16xf32> to vector<1x16xf32>
        tpu.vector_store %arg19[%swap3A_728, %swap3A_729], %swap3A_732 {strides = array<i32>} : memref<328x256xf32, #tpu.memory_space<vmem>>, vector<1x16xf32>,
        %get3A_733 = arith.index_cast %select_n3A_578 : i32 to index
        %get3A_734 = arith.constant 224 : index
        %get3A_735 = tpu.vector_load %arg19[%get3A_733, %get3A_734] {strides = array<i32>} : memref<328x256xf32, #tpu.memory_space<vmem>>, vector<1x16xf32>,
        %get3A_736 = vector.shape_cast %get3A_735 : vector<1x16xf32> to vector<16xf32>
        %mul3A_737 = arith.mulf %get3A_480, %exp3A : vector<16xf32>
        %add3A_738 = arith.addf %get3A_736, %mul3A_737 : vector<16xf32>
        %swap3A_739 = arith.index_cast %select_n3A_578 : i32 to index
        %swap3A_740 = arith.constant 224 : index
        %swap3A_741 = tpu.vector_load %arg19[%swap3A_739, %swap3A_740] {strides = array<i32>} : memref<328x256xf32, #tpu.memory_space<vmem>>, vector<1x16xf32>,
        %swap3A_742 = vector.shape_cast %swap3A_741 : vector<1x16xf32> to vector<16xf32>
        %swap3A_743 = vector.shape_cast %add3A_738 : vector<16xf32> to vector<1x16xf32>
        tpu.vector_store %arg19[%swap3A_739, %swap3A_740], %swap3A_743 {strides = array<i32>} : memref<328x256xf32, #tpu.memory_space<vmem>>, vector<1x16xf32>,
        %get3A_744 = arith.index_cast %select_n3A_578 : i32 to index
        %get3A_745 = arith.constant 240 : index
        %get3A_746 = tpu.vector_load %arg19[%get3A_744, %get3A_745] {strides = array<i32>} : memref<328x256xf32, #tpu.memory_space<vmem>>, vector<1x16xf32>,
        %get3A_747 = vector.shape_cast %get3A_746 : vector<1x16xf32> to vector<16xf32>
        %mul3A_748 = arith.mulf %get3A_498, %exp3A : vector<16xf32>
        %add3A_749 = arith.addf %get3A_747, %mul3A_748 : vector<16xf32>
        %swap3A_750 = arith.index_cast %select_n3A_578 : i32 to index
        %swap3A_751 = arith.constant 240 : index
        %swap3A_752 = tpu.vector_load %arg19[%swap3A_750, %swap3A_751] {strides = array<i32>} : memref<328x256xf32, #tpu.memory_space<vmem>>, vector<1x16xf32>,
        %swap3A_753 = vector.shape_cast %swap3A_752 : vector<1x16xf32> to vector<16xf32>
        %swap3A_754 = vector.shape_cast %add3A_749 : vector<16xf32> to vector<1x16xf32>
        tpu.vector_store %arg19[%swap3A_750, %swap3A_751], %swap3A_754 {strides = array<i32>} : memref<328x256xf32, #tpu.memory_space<vmem>>, vector<1x16xf32>,
        %get3A_755 = arith.index_cast %select_n3A_578 : i32 to index
        %get3A_756 = tpu.vector_load %arg20[%get3A_755] {strides = array<i32>} : memref<352xf32, #tpu.memory_space<vmem>>, vector<16xf32>,
        %get3A_757 = vector.shape_cast %get3A_756 : vector<16xf32> to vector<16xf32>
        %jit3A_758 = arith.constant 0.000000e+00 : f32
        %broadcast_in_dim3A_759 = vector.broadcast %jit3A_758 : f32 to vector<16xf32>
        %select_n3A_760 = arith.select %eq3A_185, %exp3A, %broadcast_in_dim3A_759 : vector<16xi1>, vector<16xf32>
        %add3A_761 = arith.addf %get3A_757, %select_n3A_760 : vector<16xf32>
        %swap3A_762 = arith.index_cast %select_n3A_578 : i32 to index
        %swap3A_763 = tpu.vector_load %arg20[%swap3A_762] {strides = array<i32>} : memref<352xf32, #tpu.memory_space<vmem>>, vector<16xf32>,
        %swap3A_764 = vector.shape_cast %swap3A_763 : vector<16xf32> to vector<16xf32>
        %swap3A_765 = vector.shape_cast %add3A_761 : vector<16xf32> to vector<16xf32>
        tpu.vector_store %arg20[%swap3A_762], %swap3A_765 {strides = array<i32>} : memref<352xf32, #tpu.memory_space<vmem>>, vector<16xf32>,
      }
      %scan3A_222 = arith.constant 64 : i32
    }
    %lt3A = arith.constant 31 : i32
    %lt3A_196 = arith.cmpi slt, %add3A, %lt3A : i32
    %convert_element_type3A = arith.extui %lt3A_196 : i1 to i32
    %cond3A = arith.constant 0 : i32
    %cond3A_197 = arith.cmpi ne, %convert_element_type3A, %cond3A : i32
    scf.if %cond3A_197 {
      %multiple_of3A_203 = tpu.assume_multiple %mul3A_2, 8 : i32
      "tpu.region"() ({
        %run_scoped3A = tpu.sem_alloc : memref<!tpu.dma_semaphore, #tpu.memory_space<semaphore_mem>>
        %dma_start3A = arith.constant 0 : i32
        %dma_start3A_204 = arith.constant 0 : i32
        %dma_start3A_205 = tpu.memref_slice %arg19[%dma_start3A, %dma_start3A_204] : memref<328x256xf32, #tpu.memory_space<vmem>> -> memref<320x256xf32, #tpu.memory_space<vmem>>
        %dma_start3A_206 = arith.constant 0 : i32
        %dma_start3A_207 = tpu.memref_slice %arg10[%multiple_of3A_203, %dma_start3A_206] : memref<10000x256xf32, #tpu.memory_space<hbm>> -> memref<320x256xf32, #tpu.memory_space<hbm>>
        %dma_start3A_208 = arith.constant 0 : i32
        %dma_start3A_209 = tpu.memref_slice %arg10[%multiple_of3A_203, %dma_start3A_208] : memref<10000x256xf32, #tpu.memory_space<hbm>> -> memref<320x256xf32, #tpu.memory_space<hbm>>
        %dma_start3A_210 = arith.constant 0 : i32
        %dma_start3A_211 = arith.constant 0 : i32
        %dma_start3A_212 = tpu.memref_slice %arg19[%dma_start3A_210, %dma_start3A_211] : memref<328x256xf32, #tpu.memory_space<vmem>> -> memref<320x256xf32, #tpu.memory_space<vmem>>
        tpu.enqueue_dma source(%dma_start3A_212 : memref<320x256xf32, #tpu.memory_space<vmem>>) target(%dma_start3A_209 : memref<320x256xf32, #tpu.memory_space<hbm>>) target_semaphore(%run_scoped3A : memref<!tpu.dma_semaphore, #tpu.memory_space<semaphore_mem>>)
        %dma_wait3A = arith.constant 0 : i32
        %dma_wait3A_213 = arith.constant 0 : i32
        %dma_wait3A_214 = tpu.memref_slice %arg19[%dma_wait3A, %dma_wait3A_213] : memref<328x256xf32, #tpu.memory_space<vmem>> -> memref<320x256xf32, #tpu.memory_space<vmem>>
        %dma_wait3A_215 = arith.constant 0 : i32
        %dma_wait3A_216 = tpu.memref_slice %arg10[%multiple_of3A_203, %dma_wait3A_215] : memref<10000x256xf32, #tpu.memory_space<hbm>> -> memref<320x256xf32, #tpu.memory_space<hbm>>
        %dma_wait3A_217 = arith.constant 0 : i32
        %dma_wait3A_218 = tpu.memref_slice %arg10[%multiple_of3A_203, %dma_wait3A_217] : memref<10000x256xf32, #tpu.memory_space<hbm>> -> memref<320x256xf32, #tpu.memory_space<hbm>>
        %dma_wait3A_219 = arith.constant 0 : i32
        %dma_wait3A_220 = arith.constant 0 : i32
        %dma_wait3A_221 = tpu.memref_slice %arg19[%dma_wait3A_219, %dma_wait3A_220] : memref<328x256xf32, #tpu.memory_space<vmem>> -> memref<320x256xf32, #tpu.memory_space<vmem>>
        tpu.wait_dma2 semaphore(%run_scoped3A : memref<!tpu.dma_semaphore, #tpu.memory_space<semaphore_mem>>) src(%dma_wait3A_221 : memref<320x256xf32, #tpu.memory_space<vmem>>) dst(%dma_wait3A_218 : memref<320x256xf32, #tpu.memory_space<hbm>>)
        tpu.yield
      }) : () -> ()
      "tpu.region"() ({
        %run_scoped3A = tpu.sem_alloc : memref<!tpu.dma_semaphore, #tpu.memory_space<semaphore_mem>>
        %dma_start3A = arith.constant 0 : i32
        %dma_start3A_204 = tpu.memref_slice %arg20[%dma_start3A] : memref<352xf32, #tpu.memory_space<vmem>> -> memref<320xf32, #tpu.memory_space<vmem>>
        %dma_start3A_205 = tpu.memref_slice %arg11[%multiple_of3A_203] : memref<10000xf32, #tpu.memory_space<hbm>> -> memref<320xf32, #tpu.memory_space<hbm>>
        %dma_start3A_206 = tpu.memref_slice %arg11[%multiple_of3A_203] : memref<10000xf32, #tpu.memory_space<hbm>> -> memref<320xf32, #tpu.memory_space<hbm>>
        %dma_start3A_207 = arith.constant 0 : i32
        %dma_start3A_208 = tpu.memref_slice %arg20[%dma_start3A_207] : memref<352xf32, #tpu.memory_space<vmem>> -> memref<320xf32, #tpu.memory_space<vmem>>
        tpu.enqueue_dma source(%dma_start3A_208 : memref<320xf32, #tpu.memory_space<vmem>>) target(%dma_start3A_206 : memref<320xf32, #tpu.memory_space<hbm>>) target_semaphore(%run_scoped3A : memref<!tpu.dma_semaphore, #tpu.memory_space<semaphore_mem>>)
        %dma_wait3A = arith.constant 0 : i32
        %dma_wait3A_209 = tpu.memref_slice %arg20[%dma_wait3A] : memref<352xf32, #tpu.memory_space<vmem>> -> memref<320xf32, #tpu.memory_space<vmem>>
        %dma_wait3A_210 = tpu.memref_slice %arg11[%multiple_of3A_203] : memref<10000xf32, #tpu.memory_space<hbm>> -> memref<320xf32, #tpu.memory_space<hbm>>
        %dma_wait3A_211 = tpu.memref_slice %arg11[%multiple_of3A_203] : memref<10000xf32, #tpu.memory_space<hbm>> -> memref<320xf32, #tpu.memory_space<hbm>>
        %dma_wait3A_212 = arith.constant 0 : i32
        %dma_wait3A_213 = tpu.memref_slice %arg20[%dma_wait3A_212] : memref<352xf32, #tpu.memory_space<vmem>> -> memref<320xf32, #tpu.memory_space<vmem>>
        tpu.wait_dma2 semaphore(%run_scoped3A : memref<!tpu.dma_semaphore, #tpu.memory_space<semaphore_mem>>) src(%dma_wait3A_213 : memref<320xf32, #tpu.memory_space<vmem>>) dst(%dma_wait3A_211 : memref<320xf32, #tpu.memory_space<hbm>>)
        tpu.yield
      }) : () -> ()
    } else {
    }
    %eq3A_198 = arith.constant 31 : i32
    %eq3A_199 = arith.cmpi eq, %add3A, %eq3A_198 : i32
    %convert_element_type3A_200 = arith.extui %eq3A_199 : i1 to i32
    %cond3A_201 = arith.constant 0 : i32
    %cond3A_202 = arith.cmpi ne, %convert_element_type3A_200, %cond3A_201 : i32
    scf.if %cond3A_202 {
      "tpu.region"() ({
        %run_scoped3A = tpu.sem_alloc : memref<!tpu.dma_semaphore, #tpu.memory_space<semaphore_mem>>
        %dma_start3A = arith.constant 0 : i32
        %dma_start3A_203 = arith.constant 0 : i32
        %dma_start3A_204 = tpu.memref_slice %arg19[%dma_start3A, %dma_start3A_203] : memref<328x256xf32, #tpu.memory_space<vmem>> -> memref<80x256xf32, #tpu.memory_space<vmem>>
        %dma_start3A_205 = arith.constant 9920 : i32
        %dma_start3A_206 = arith.constant 0 : i32
        %dma_start3A_207 = tpu.memref_slice %arg10[%dma_start3A_205, %dma_start3A_206] : memref<10000x256xf32, #tpu.memory_space<hbm>> -> memref<80x256xf32, #tpu.memory_space<hbm>>
        %dma_start3A_208 = arith.constant 9920 : i32
        %dma_start3A_209 = arith.constant 0 : i32
        %dma_start3A_210 = tpu.memref_slice %arg10[%dma_start3A_208, %dma_start3A_209] : memref<10000x256xf32, #tpu.memory_space<hbm>> -> memref<80x256xf32, #tpu.memory_space<hbm>>
        %dma_start3A_211 = arith.constant 0 : i32
        %dma_start3A_212 = arith.constant 0 : i32
        %dma_start3A_213 = tpu.memref_slice %arg19[%dma_start3A_211, %dma_start3A_212] : memref<328x256xf32, #tpu.memory_space<vmem>> -> memref<80x256xf32, #tpu.memory_space<vmem>>
        tpu.enqueue_dma source(%dma_start3A_213 : memref<80x256xf32, #tpu.memory_space<vmem>>) target(%dma_start3A_210 : memref<80x256xf32, #tpu.memory_space<hbm>>) target_semaphore(%run_scoped3A : memref<!tpu.dma_semaphore, #tpu.memory_space<semaphore_mem>>)
        %dma_wait3A = arith.constant 0 : i32
        %dma_wait3A_214 = arith.constant 0 : i32
        %dma_wait3A_215 = tpu.memref_slice %arg19[%dma_wait3A, %dma_wait3A_214] : memref<328x256xf32, #tpu.memory_space<vmem>> -> memref<80x256xf32, #tpu.memory_space<vmem>>
        %dma_wait3A_216 = arith.constant 9920 : i32
        %dma_wait3A_217 = arith.constant 0 : i32
        %dma_wait3A_218 = tpu.memref_slice %arg10[%dma_wait3A_216, %dma_wait3A_217] : memref<10000x256xf32, #tpu.memory_space<hbm>> -> memref<80x256xf32, #tpu.memory_space<hbm>>
        %dma_wait3A_219 = arith.constant 9920 : i32
        %dma_wait3A_220 = arith.constant 0 : i32
        %dma_wait3A_221 = tpu.memref_slice %arg10[%dma_wait3A_219, %dma_wait3A_220] : memref<10000x256xf32, #tpu.memory_space<hbm>> -> memref<80x256xf32, #tpu.memory_space<hbm>>
        %dma_wait3A_222 = arith.constant 0 : i32
        %dma_wait3A_223 = arith.constant 0 : i32
        %dma_wait3A_224 = tpu.memref_slice %arg19[%dma_wait3A_222, %dma_wait3A_223] : memref<328x256xf32, #tpu.memory_space<vmem>> -> memref<80x256xf32, #tpu.memory_space<vmem>>
        tpu.wait_dma2 semaphore(%run_scoped3A : memref<!tpu.dma_semaphore, #tpu.memory_space<semaphore_mem>>) src(%dma_wait3A_224 : memref<80x256xf32, #tpu.memory_space<vmem>>) dst(%dma_wait3A_221 : memref<80x256xf32, #tpu.memory_space<hbm>>)
        tpu.yield
      }) : () -> ()
      "tpu.region"() ({
        %run_scoped3A = tpu.sem_alloc : memref<!tpu.dma_semaphore, #tpu.memory_space<semaphore_mem>>
        %dma_start3A = arith.constant 0 : i32
        %dma_start3A_203 = tpu.memref_slice %arg20[%dma_start3A] : memref<352xf32, #tpu.memory_space<vmem>> -> memref<80xf32, #tpu.memory_space<vmem>>
        %dma_start3A_204 = arith.constant 9920 : i32
        %dma_start3A_205 = tpu.memref_slice %arg11[%dma_start3A_204] : memref<10000xf32, #tpu.memory_space<hbm>> -> memref<80xf32, #tpu.memory_space<hbm>>
        %dma_start3A_206 = arith.constant 9920 : i32
        %dma_start3A_207 = tpu.memref_slice %arg11[%dma_start3A_206] : memref<10000xf32, #tpu.memory_space<hbm>> -> memref<80xf32, #tpu.memory_space<hbm>>
        %dma_start3A_208 = arith.constant 0 : i32
        %dma_start3A_209 = tpu.memref_slice %arg20[%dma_start3A_208] : memref<352xf32, #tpu.memory_space<vmem>> -> memref<80xf32, #tpu.memory_space<vmem>>
        tpu.enqueue_dma source(%dma_start3A_209 : memref<80xf32, #tpu.memory_space<vmem>>) target(%dma_start3A_207 : memref<80xf32, #tpu.memory_space<hbm>>) target_semaphore(%run_scoped3A : memref<!tpu.dma_semaphore, #tpu.memory_space<semaphore_mem>>)
        %dma_wait3A = arith.constant 0 : i32
        %dma_wait3A_210 = tpu.memref_slice %arg20[%dma_wait3A] : memref<352xf32, #tpu.memory_space<vmem>> -> memref<80xf32, #tpu.memory_space<vmem>>
        %dma_wait3A_211 = arith.constant 9920 : i32
        %dma_wait3A_212 = tpu.memref_slice %arg11[%dma_wait3A_211] : memref<10000xf32, #tpu.memory_space<hbm>> -> memref<80xf32, #tpu.memory_space<hbm>>
        %dma_wait3A_213 = arith.constant 9920 : i32
        %dma_wait3A_214 = tpu.memref_slice %arg11[%dma_wait3A_213] : memref<10000xf32, #tpu.memory_space<hbm>> -> memref<80xf32, #tpu.memory_space<hbm>>
        %dma_wait3A_215 = arith.constant 0 : i32
        %dma_wait3A_216 = tpu.memref_slice %arg20[%dma_wait3A_215] : memref<352xf32, #tpu.memory_space<vmem>> -> memref<80xf32, #tpu.memory_space<vmem>>
        tpu.wait_dma2 semaphore(%run_scoped3A : memref<!tpu.dma_semaphore, #tpu.memory_space<semaphore_mem>>) src(%dma_wait3A_216 : memref<80xf32, #tpu.memory_space<vmem>>) dst(%dma_wait3A_214 : memref<80xf32, #tpu.memory_space<hbm>>)
        tpu.yield
      }) : () -> ()
    } else {
    }
    return
  }
}

module attributes {stable_mosaic.version = 14 : i64} {
  func.func @_proj0_body(%arg0: i32, %arg1: memref<1000x1xf32, #tpu.memory_space<vmem>>, %arg2: memref<1x256xf32, #tpu.memory_space<vmem>>, %arg3: memref<1x256xf32, #tpu.memory_space<vmem>>, %arg4: memref<1x256xf32, #tpu.memory_space<vmem>>, %arg5: memref<1x256xf32, #tpu.memory_space<vmem>>, %arg6: memref<1000x256xf32, #tpu.memory_space<vmem>>, %arg7: memref<1000x256xf32, #tpu.memory_space<vmem>>) attributes {dimension_semantics = [#tpu.dimension_semantics<arbitrary>], iteration_bounds = array<i64: 10>, scalar_prefetch = 0 : i64, scratch_operands = 0 : i64, tpu.core_type = #tpu.core_type<tc>, window_params = [{transform_indices = @transform_0, window_bounds = array<i64: 1000, 1>}, {pipeline_mode = #tpu.pipeline_mode<synchronous>, transform_indices = @transform_1, window_bounds = array<i64: 1, 256>}, {pipeline_mode = #tpu.pipeline_mode<synchronous>, transform_indices = @transform_2, window_bounds = array<i64: 1, 256>}, {pipeline_mode = #tpu.pipeline_mode<synchronous>, transform_indices = @transform_3, window_bounds = array<i64: 1, 256>}, {pipeline_mode = #tpu.pipeline_mode<synchronous>, transform_indices = @transform_4, window_bounds = array<i64: 1, 256>}, {transform_indices = @transform_5, window_bounds = array<i64: 1000, 256>}, {transform_indices = @transform_6, window_bounds = array<i64: 1000, 256>}]} {
    %get3A = arith.constant 0 : index
    %get3A_0 = arith.constant 0 : index
    %get3A_1 = vector.load %arg1[%get3A, %get3A_0] : memref<1000x1xf32, #tpu.memory_space<vmem>>, vector<1000x1xf32>
    %get3A_2 = arith.constant 0 : index
    %get3A_3 = arith.constant 0 : index
    %get3A_4 = vector.load %arg2[%get3A_2, %get3A_3] : memref<1x256xf32, #tpu.memory_space<vmem>>, vector<1x256xf32>
    %mul3A = vector.broadcast %get3A_1 : vector<1000x1xf32> to vector<1000x256xf32>
    %mul3A_5 = vector.broadcast %get3A_4 : vector<1x256xf32> to vector<1000x256xf32>
    %mul3A_6 = arith.mulf %mul3A, %mul3A_5 : vector<1000x256xf32>
    %get3A_7 = arith.constant 0 : index
    %get3A_8 = arith.constant 0 : index
    %get3A_9 = vector.load %arg3[%get3A_7, %get3A_8] : memref<1x256xf32, #tpu.memory_space<vmem>>, vector<1x256xf32>
    %add3A = vector.broadcast %get3A_9 : vector<1x256xf32> to vector<1000x256xf32>
    %add3A_10 = arith.addf %mul3A_6, %add3A : vector<1000x256xf32>
    %swap3A = arith.constant 0 : index
    %swap3A_11 = arith.constant 0 : index
    %swap3A_12 = vector.load %arg6[%swap3A, %swap3A_11] : memref<1000x256xf32, #tpu.memory_space<vmem>>, vector<1000x256xf32>
    tpu.vector_store %arg6[%swap3A, %swap3A_11], %add3A_10 {strides = array<i32>} : memref<1000x256xf32, #tpu.memory_space<vmem>>, vector<1000x256xf32>,
    %get3A_13 = arith.constant 0 : index
    %get3A_14 = arith.constant 0 : index
    %get3A_15 = vector.load %arg4[%get3A_13, %get3A_14] : memref<1x256xf32, #tpu.memory_space<vmem>>, vector<1x256xf32>
    %mul3A_16 = vector.broadcast %get3A_1 : vector<1000x1xf32> to vector<1000x256xf32>
    %mul3A_17 = vector.broadcast %get3A_15 : vector<1x256xf32> to vector<1000x256xf32>
    %mul3A_18 = arith.mulf %mul3A_16, %mul3A_17 : vector<1000x256xf32>
    %get3A_19 = arith.constant 0 : index
    %get3A_20 = arith.constant 0 : index
    %get3A_21 = vector.load %arg5[%get3A_19, %get3A_20] : memref<1x256xf32, #tpu.memory_space<vmem>>, vector<1x256xf32>
    %add3A_22 = vector.broadcast %get3A_21 : vector<1x256xf32> to vector<1000x256xf32>
    %add3A_23 = arith.addf %mul3A_18, %add3A_22 : vector<1000x256xf32>
    %swap3A_24 = arith.constant 0 : index
    %swap3A_25 = arith.constant 0 : index
    %swap3A_26 = vector.load %arg7[%swap3A_24, %swap3A_25] : memref<1000x256xf32, #tpu.memory_space<vmem>>, vector<1000x256xf32>
    tpu.vector_store %arg7[%swap3A_24, %swap3A_25], %add3A_23 {strides = array<i32>} : memref<1000x256xf32, #tpu.memory_space<vmem>>, vector<1000x256xf32>,
    return
  }
  func.func @transform_0(%arg0: i32) -> (i32, i32) {
    %c0_i32 = arith.constant 0 : i32
    %c0_i32_0 = arith.constant 0 : i32
    return %arg0, %c0_i32 : i32, i32
  }
  func.func @transform_1(%arg0: i32) -> (i32, i32) {
    %c0_i32 = arith.constant 0 : i32
    %c0_i32_0 = arith.constant 0 : i32
    %c0_i32_1 = arith.constant 0 : i32
    return %c0_i32, %c0_i32_0 : i32, i32
  }
  func.func @transform_2(%arg0: i32) -> (i32, i32) {
    %c0_i32 = arith.constant 0 : i32
    %c0_i32_0 = arith.constant 0 : i32
    %c0_i32_1 = arith.constant 0 : i32
    return %c0_i32, %c0_i32_0 : i32, i32
  }
  func.func @transform_3(%arg0: i32) -> (i32, i32) {
    %c0_i32 = arith.constant 0 : i32
    %c0_i32_0 = arith.constant 0 : i32
    %c0_i32_1 = arith.constant 0 : i32
    return %c0_i32, %c0_i32_0 : i32, i32
  }
  func.func @transform_4(%arg0: i32) -> (i32, i32) {
    %c0_i32 = arith.constant 0 : i32
    %c0_i32_0 = arith.constant 0 : i32
    %c0_i32_1 = arith.constant 0 : i32
    return %c0_i32, %c0_i32_0 : i32, i32
  }
  func.func @transform_5(%arg0: i32) -> (i32, i32) {
    %c0_i32 = arith.constant 0 : i32
    %c0_i32_0 = arith.constant 0 : i32
    return %arg0, %c0_i32 : i32, i32
  }
  func.func @transform_6(%arg0: i32) -> (i32, i32) {
    %c0_i32 = arith.constant 0 : i32
    %c0_i32_0 = arith.constant 0 : i32
    return %arg0, %c0_i32 : i32, i32
  }
}

module attributes {stable_mosaic.version = 14 : i64} {
  func.func @_proj1_body(%arg0: i32, %arg1: memref<1000x256xf32, #tpu.memory_space<vmem>>, %arg2: memref<1000x1xf32, #tpu.memory_space<vmem>>, %arg3: memref<1x256xf32, #tpu.memory_space<vmem>>, %arg4: memref<256x256xf32, #tpu.memory_space<vmem>>, %arg5: memref<1x256xf32, #tpu.memory_space<vmem>>, %arg6: memref<256x256xf32, #tpu.memory_space<vmem>>, %arg7: memref<1x256xf32, #tpu.memory_space<vmem>>, %arg8: memref<1000x256xf32, #tpu.memory_space<vmem>>, %arg9: memref<1000x256xf32, #tpu.memory_space<vmem>>) attributes {dimension_semantics = [#tpu.dimension_semantics<arbitrary>], iteration_bounds = array<i64: 10>, scalar_prefetch = 0 : i64, scratch_operands = 0 : i64, tpu.core_type = #tpu.core_type<tc>, window_params = [{transform_indices = @transform_0, window_bounds = array<i64: 1000, 256>}, {transform_indices = @transform_1, window_bounds = array<i64: 1000, 1>}, {pipeline_mode = #tpu.pipeline_mode<synchronous>, transform_indices = @transform_2, window_bounds = array<i64: 1, 256>}, {pipeline_mode = #tpu.pipeline_mode<synchronous>, transform_indices = @transform_3, window_bounds = array<i64: 256, 256>}, {pipeline_mode = #tpu.pipeline_mode<synchronous>, transform_indices = @transform_4, window_bounds = array<i64: 1, 256>}, {pipeline_mode = #tpu.pipeline_mode<synchronous>, transform_indices = @transform_5, window_bounds = array<i64: 256, 256>}, {pipeline_mode = #tpu.pipeline_mode<synchronous>, transform_indices = @transform_6, window_bounds = array<i64: 1, 256>}, {transform_indices = @transform_7, window_bounds = array<i64: 1000, 256>}, {transform_indices = @transform_8, window_bounds = array<i64: 1000, 256>}]} {
    %get3A = arith.constant 0 : index
    %get3A_0 = arith.constant 0 : index
    %get3A_1 = vector.load %arg1[%get3A, %get3A_0] : memref<1000x256xf32, #tpu.memory_space<vmem>>, vector<1000x256xf32>
    %get3A_2 = arith.constant 0 : index
    %get3A_3 = arith.constant 0 : index
    %get3A_4 = vector.load %arg2[%get3A_2, %get3A_3] : memref<1000x1xf32, #tpu.memory_space<vmem>>, vector<1000x1xf32>
    %add3A = arith.constant 1.000000e-16 : f32
    %add3A_5 = vector.broadcast %add3A : f32 to vector<1000x1xf32>
    %add3A_6 = arith.addf %get3A_4, %add3A_5 : vector<1000x1xf32>
    %div3A = vector.broadcast %add3A_6 : vector<1000x1xf32> to vector<1000x256xf32>
    %div3A_7 = arith.divf %get3A_1, %div3A : vector<1000x256xf32>
    %get3A_8 = arith.constant 0 : index
    %get3A_9 = arith.constant 0 : index
    %get3A_10 = vector.load %arg3[%get3A_8, %get3A_9] : memref<1x256xf32, #tpu.memory_space<vmem>>, vector<1x256xf32>
    %add3A_11 = vector.broadcast %get3A_10 : vector<1x256xf32> to vector<1000x256xf32>
    %add3A_12 = arith.addf %div3A_7, %add3A_11 : vector<1000x256xf32>
    %get3A_13 = arith.constant 0 : index
    %get3A_14 = arith.constant 0 : index
    %get3A_15 = vector.load %arg4[%get3A_13, %get3A_14] : memref<256x256xf32, #tpu.memory_space<vmem>>, vector<256x256xf32>
    %dot_general3A = arith.constant dense<0.000000e+00> : vector<1000x256xf32>
    %dot_general3A_16 = tpu.matmul %add3A_12, %get3A_15, %dot_general3A {dimension_numbers = #tpu.dot_dimension_numbers<[1], [0], [0], [1], [0, 0, 1, 1], [], []>, transpose_lhs_hint = false} : vector<1000x256xf32>, vector<256x256xf32>, vector<1000x256xf32> -> vector<1000x256xf32>
    %get3A_17 = arith.constant 0 : index
    %get3A_18 = arith.constant 0 : index
    %get3A_19 = vector.load %arg5[%get3A_17, %get3A_18] : memref<1x256xf32, #tpu.memory_space<vmem>>, vector<1x256xf32>
    %add3A_20 = vector.broadcast %get3A_19 : vector<1x256xf32> to vector<1000x256xf32>
    %add3A_21 = arith.addf %dot_general3A_16, %add3A_20 : vector<1000x256xf32>
    %swap3A = arith.constant 0 : index
    %swap3A_22 = arith.constant 0 : index
    %swap3A_23 = vector.load %arg8[%swap3A, %swap3A_22] : memref<1000x256xf32, #tpu.memory_space<vmem>>, vector<1000x256xf32>
    tpu.vector_store %arg8[%swap3A, %swap3A_22], %add3A_21 {strides = array<i32>} : memref<1000x256xf32, #tpu.memory_space<vmem>>, vector<1000x256xf32>,
    %get3A_24 = arith.constant 0 : index
    %get3A_25 = arith.constant 0 : index
    %get3A_26 = vector.load %arg6[%get3A_24, %get3A_25] : memref<256x256xf32, #tpu.memory_space<vmem>>, vector<256x256xf32>
    %dot_general3A_27 = arith.constant dense<0.000000e+00> : vector<1000x256xf32>
    %dot_general3A_28 = tpu.matmul %add3A_12, %get3A_26, %dot_general3A_27 {dimension_numbers = #tpu.dot_dimension_numbers<[1], [0], [0], [1], [0, 0, 1, 1], [], []>, transpose_lhs_hint = false} : vector<1000x256xf32>, vector<256x256xf32>, vector<1000x256xf32> -> vector<1000x256xf32>
    %get3A_29 = arith.constant 0 : index
    %get3A_30 = arith.constant 0 : index
    %get3A_31 = vector.load %arg7[%get3A_29, %get3A_30] : memref<1x256xf32, #tpu.memory_space<vmem>>, vector<1x256xf32>
    %add3A_32 = vector.broadcast %get3A_31 : vector<1x256xf32> to vector<1000x256xf32>
    %add3A_33 = arith.addf %dot_general3A_28, %add3A_32 : vector<1000x256xf32>
    %swap3A_34 = arith.constant 0 : index
    %swap3A_35 = arith.constant 0 : index
    %swap3A_36 = vector.load %arg9[%swap3A_34, %swap3A_35] : memref<1000x256xf32, #tpu.memory_space<vmem>>, vector<1000x256xf32>
    tpu.vector_store %arg9[%swap3A_34, %swap3A_35], %add3A_33 {strides = array<i32>} : memref<1000x256xf32, #tpu.memory_space<vmem>>, vector<1000x256xf32>,
    return
  }
  func.func @transform_0(%arg0: i32) -> (i32, i32) {
    %c0_i32 = arith.constant 0 : i32
    %c0_i32_0 = arith.constant 0 : i32
    return %arg0, %c0_i32 : i32, i32
  }
  func.func @transform_1(%arg0: i32) -> (i32, i32) {
    %c0_i32 = arith.constant 0 : i32
    %c0_i32_0 = arith.constant 0 : i32
    return %arg0, %c0_i32 : i32, i32
  }
  func.func @transform_2(%arg0: i32) -> (i32, i32) {
    %c0_i32 = arith.constant 0 : i32
    %c0_i32_0 = arith.constant 0 : i32
    %c0_i32_1 = arith.constant 0 : i32
    return %c0_i32, %c0_i32_0 : i32, i32
  }
  func.func @transform_3(%arg0: i32) -> (i32, i32) {
    %c0_i32 = arith.constant 0 : i32
    %c0_i32_0 = arith.constant 0 : i32
    %c0_i32_1 = arith.constant 0 : i32
    return %c0_i32, %c0_i32_0 : i32, i32
  }
  func.func @transform_4(%arg0: i32) -> (i32, i32) {
    %c0_i32 = arith.constant 0 : i32
    %c0_i32_0 = arith.constant 0 : i32
    %c0_i32_1 = arith.constant 0 : i32
    return %c0_i32, %c0_i32_0 : i32, i32
  }
  func.func @transform_5(%arg0: i32) -> (i32, i32) {
    %c0_i32 = arith.constant 0 : i32
    %c0_i32_0 = arith.constant 0 : i32
    %c0_i32_1 = arith.constant 0 : i32
    return %c0_i32, %c0_i32_0 : i32, i32
  }
  func.func @transform_6(%arg0: i32) -> (i32, i32) {
    %c0_i32 = arith.constant 0 : i32
    %c0_i32_0 = arith.constant 0 : i32
    %c0_i32_1 = arith.constant 0 : i32
    return %c0_i32, %c0_i32_0 : i32, i32
  }
  func.func @transform_7(%arg0: i32) -> (i32, i32) {
    %c0_i32 = arith.constant 0 : i32
    %c0_i32_0 = arith.constant 0 : i32
    return %arg0, %c0_i32 : i32, i32
  }
  func.func @transform_8(%arg0: i32) -> (i32, i32) {
    %c0_i32 = arith.constant 0 : i32
    %c0_i32_0 = arith.constant 0 : i32
    return %arg0, %c0_i32 : i32, i32
  }
}

module attributes {stable_mosaic.version = 14 : i64} {
  func.func @_head_body(%arg0: i32, %arg1: memref<1000x256xf32, #tpu.memory_space<vmem>>, %arg2: memref<1000x1xf32, #tpu.memory_space<vmem>>, %arg3: memref<1x256xf32, #tpu.memory_space<vmem>>, %arg4: memref<256x256xf32, #tpu.memory_space<vmem>>, %arg5: memref<1x256xf32, #tpu.memory_space<vmem>>, %arg6: memref<1x256xf32, #tpu.memory_space<vmem>>, %arg7: memref<1x256xf32, #tpu.memory_space<vmem>>, %arg8: memref<256x256xf32, #tpu.memory_space<vmem>>, %arg9: memref<1x256xf32, #tpu.memory_space<vmem>>, %arg10: memref<1x256xf32, #tpu.memory_space<vmem>>, %arg11: memref<1x256xf32, #tpu.memory_space<vmem>>, %arg12: memref<256x1xf32, #tpu.memory_space<vmem>>, %arg13: memref<1x1xf32, #tpu.memory_space<vmem>>, %arg14: memref<1000x1xf32, #tpu.memory_space<vmem>>) attributes {dimension_semantics = [#tpu.dimension_semantics<arbitrary>], iteration_bounds = array<i64: 10>, scalar_prefetch = 0 : i64, scratch_operands = 0 : i64, tpu.core_type = #tpu.core_type<tc>, window_params = [{transform_indices = @transform_0, window_bounds = array<i64: 1000, 256>}, {transform_indices = @transform_1, window_bounds = array<i64: 1000, 1>}, {pipeline_mode = #tpu.pipeline_mode<synchronous>, transform_indices = @transform_2, window_bounds = array<i64: 1, 256>}, {pipeline_mode = #tpu.pipeline_mode<synchronous>, transform_indices = @transform_3, window_bounds = array<i64: 256, 256>}, {pipeline_mode = #tpu.pipeline_mode<synchronous>, transform_indices = @transform_4, window_bounds = array<i64: 1, 256>}, {pipeline_mode = #tpu.pipeline_mode<synchronous>, transform_indices = @transform_5, window_bounds = array<i64: 1, 256>}, {pipeline_mode = #tpu.pipeline_mode<synchronous>, transform_indices = @transform_6, window_bounds = array<i64: 1, 256>}, {pipeline_mode = #tpu.pipeline_mode<synchronous>, transform_indices = @transform_7, window_bounds = array<i64: 256, 256>}, {pipeline_mode = #tpu.pipeline_mode<synchronous>, transform_indices = @transform_8, window_bounds = array<i64: 1, 256>}, {pipeline_mode = #tpu.pipeline_mode<synchronous>, transform_indices = @transform_9, window_bounds = array<i64: 1, 256>}, {pipeline_mode = #tpu.pipeline_mode<synchronous>, transform_indices = @transform_10, window_bounds = array<i64: 1, 256>}, {pipeline_mode = #tpu.pipeline_mode<synchronous>, transform_indices = @transform_11, window_bounds = array<i64: 256, 1>}, {pipeline_mode = #tpu.pipeline_mode<synchronous>, transform_indices = @transform_12, window_bounds = array<i64: 1, 1>}, {transform_indices = @transform_13, window_bounds = array<i64: 1000, 1>}]} {
    %get3A = arith.constant 0 : index
    %get3A_0 = arith.constant 0 : index
    %get3A_1 = vector.load %arg1[%get3A, %get3A_0] : memref<1000x256xf32, #tpu.memory_space<vmem>>, vector<1000x256xf32>
    %get3A_2 = arith.constant 0 : index
    %get3A_3 = arith.constant 0 : index
    %get3A_4 = vector.load %arg2[%get3A_2, %get3A_3] : memref<1000x1xf32, #tpu.memory_space<vmem>>, vector<1000x1xf32>
    %add3A = arith.constant 1.000000e-16 : f32
    %add3A_5 = vector.broadcast %add3A : f32 to vector<1000x1xf32>
    %add3A_6 = arith.addf %get3A_4, %add3A_5 : vector<1000x1xf32>
    %div3A = vector.broadcast %add3A_6 : vector<1000x1xf32> to vector<1000x256xf32>
    %div3A_7 = arith.divf %get3A_1, %div3A : vector<1000x256xf32>
    %get3A_8 = arith.constant 0 : index
    %get3A_9 = arith.constant 0 : index
    %get3A_10 = vector.load %arg3[%get3A_8, %get3A_9] : memref<1x256xf32, #tpu.memory_space<vmem>>, vector<1x256xf32>
    %add3A_11 = vector.broadcast %get3A_10 : vector<1x256xf32> to vector<1000x256xf32>
    %add3A_12 = arith.addf %div3A_7, %add3A_11 : vector<1000x256xf32>
    %get3A_13 = arith.constant 0 : index
    %get3A_14 = arith.constant 0 : index
    %get3A_15 = vector.load %arg4[%get3A_13, %get3A_14] : memref<256x256xf32, #tpu.memory_space<vmem>>, vector<256x256xf32>
    %dot_general3A = arith.constant dense<0.000000e+00> : vector<1000x256xf32>
    %dot_general3A_16 = tpu.matmul %add3A_12, %get3A_15, %dot_general3A {dimension_numbers = #tpu.dot_dimension_numbers<[1], [0], [0], [1], [0, 0, 1, 1], [], []>, transpose_lhs_hint = false} : vector<1000x256xf32>, vector<256x256xf32>, vector<1000x256xf32> -> vector<1000x256xf32>
    %get3A_17 = arith.constant 0 : index
    %get3A_18 = arith.constant 0 : index
    %get3A_19 = vector.load %arg5[%get3A_17, %get3A_18] : memref<1x256xf32, #tpu.memory_space<vmem>>, vector<1x256xf32>
    %add3A_20 = vector.broadcast %get3A_19 : vector<1x256xf32> to vector<1000x256xf32>
    %add3A_21 = arith.addf %dot_general3A_16, %add3A_20 : vector<1000x256xf32>
    %get3A_22 = arith.constant 0 : index
    %get3A_23 = arith.constant 0 : index
    %get3A_24 = vector.load %arg6[%get3A_22, %get3A_23] : memref<1x256xf32, #tpu.memory_space<vmem>>, vector<1x256xf32>
    %get3A_25 = arith.constant 0 : index
    %get3A_26 = arith.constant 0 : index
    %get3A_27 = vector.load %arg7[%get3A_25, %get3A_26] : memref<1x256xf32, #tpu.memory_space<vmem>>, vector<1x256xf32>
    %reduce_sum3A = arith.constant dense<0.000000e+00> : vector<1000xf32>
    %reduce_sum3A_28 = vector.multi_reduction <add>, %add3A_21, %reduce_sum3A [1] : vector<1000x256xf32> to vector<1000xf32>
    %broadcast_in_dim3A = vector.shape_cast %reduce_sum3A_28 : vector<1000xf32> to vector<1000x1xf32>
    %div3A_29 = arith.constant 2.560000e+02 : f32
    %div3A_30 = vector.broadcast %div3A_29 : f32 to vector<1000x1xf32>
    %div3A_31 = arith.divf %broadcast_in_dim3A, %div3A_30 : vector<1000x1xf32>
    %sub3A = vector.broadcast %div3A_31 : vector<1000x1xf32> to vector<1000x256xf32>
    %sub3A_32 = arith.subf %add3A_21, %sub3A : vector<1000x256xf32>
    %integer_pow3A = arith.mulf %sub3A_32, %sub3A_32 : vector<1000x256xf32>
    %reduce_sum3A_33 = arith.constant dense<0.000000e+00> : vector<1000xf32>
    %reduce_sum3A_34 = vector.multi_reduction <add>, %integer_pow3A, %reduce_sum3A_33 [1] : vector<1000x256xf32> to vector<1000xf32>
    %broadcast_in_dim3A_35 = vector.shape_cast %reduce_sum3A_34 : vector<1000xf32> to vector<1000x1xf32>
    %div3A_36 = arith.constant 2.560000e+02 : f32
    %div3A_37 = vector.broadcast %div3A_36 : f32 to vector<1000x1xf32>
    %div3A_38 = arith.divf %broadcast_in_dim3A_35, %div3A_37 : vector<1000x1xf32>
    %sub3A_39 = vector.broadcast %div3A_31 : vector<1000x1xf32> to vector<1000x256xf32>
    %sub3A_40 = arith.subf %add3A_21, %sub3A_39 : vector<1000x256xf32>
    %add3A_41 = arith.constant 9.99999974E-6 : f32
    %add3A_42 = vector.broadcast %add3A_41 : f32 to vector<1000x1xf32>
    %add3A_43 = arith.addf %div3A_38, %add3A_42 : vector<1000x1xf32>
    %sqrt3A = math.sqrt %add3A_43 : vector<1000x1xf32>
    %div3A_44 = vector.broadcast %sqrt3A : vector<1000x1xf32> to vector<1000x256xf32>
    %div3A_45 = arith.divf %sub3A_40, %div3A_44 : vector<1000x256xf32>
    %mul3A = vector.broadcast %get3A_24 : vector<1x256xf32> to vector<1000x256xf32>
    %mul3A_46 = arith.mulf %div3A_45, %mul3A : vector<1000x256xf32>
    %add3A_47 = vector.broadcast %get3A_27 : vector<1x256xf32> to vector<1000x256xf32>
    %add3A_48 = arith.addf %mul3A_46, %add3A_47 : vector<1000x256xf32>
    %mul3A_49 = arith.constant 5.000000e-01 : f32
    %mul3A_50 = vector.broadcast %mul3A_49 : f32 to vector<1000x256xf32>
    %mul3A_51 = arith.mulf %mul3A_50, %add3A_48 : vector<1000x256xf32>
    %div3A_52 = arith.constant 1.41421354 : f32
    %div3A_53 = vector.broadcast %div3A_52 : f32 to vector<1000x256xf32>
    %div3A_54 = arith.divf %add3A_48, %div3A_53 : vector<1000x256xf32>
    %erf3A = math.erf %div3A_54 : vector<1000x256xf32>
    %add3A_55 = arith.constant 1.000000e+00 : f32
    %add3A_56 = vector.broadcast %add3A_55 : f32 to vector<1000x256xf32>
    %add3A_57 = arith.addf %add3A_56, %erf3A : vector<1000x256xf32>
    %mul3A_58 = arith.mulf %mul3A_51, %add3A_57 : vector<1000x256xf32>
    %get3A_59 = arith.constant 0 : index
    %get3A_60 = arith.constant 0 : index
    %get3A_61 = vector.load %arg8[%get3A_59, %get3A_60] : memref<256x256xf32, #tpu.memory_space<vmem>>, vector<256x256xf32>
    %dot_general3A_62 = arith.constant dense<0.000000e+00> : vector<1000x256xf32>
    %dot_general3A_63 = tpu.matmul %mul3A_58, %get3A_61, %dot_general3A_62 {dimension_numbers = #tpu.dot_dimension_numbers<[1], [0], [0], [1], [0, 0, 1, 1], [], []>, transpose_lhs_hint = false} : vector<1000x256xf32>, vector<256x256xf32>, vector<1000x256xf32> -> vector<1000x256xf32>
    %get3A_64 = arith.constant 0 : index
    %get3A_65 = arith.constant 0 : index
    %get3A_66 = vector.load %arg9[%get3A_64, %get3A_65] : memref<1x256xf32, #tpu.memory_space<vmem>>, vector<1x256xf32>
    %add3A_67 = vector.broadcast %get3A_66 : vector<1x256xf32> to vector<1000x256xf32>
    %add3A_68 = arith.addf %dot_general3A_63, %add3A_67 : vector<1000x256xf32>
    %get3A_69 = arith.constant 0 : index
    %get3A_70 = arith.constant 0 : index
    %get3A_71 = vector.load %arg10[%get3A_69, %get3A_70] : memref<1x256xf32, #tpu.memory_space<vmem>>, vector<1x256xf32>
    %get3A_72 = arith.constant 0 : index
    %get3A_73 = arith.constant 0 : index
    %get3A_74 = vector.load %arg11[%get3A_72, %get3A_73] : memref<1x256xf32, #tpu.memory_space<vmem>>, vector<1x256xf32>
    %reduce_sum3A_75 = arith.constant dense<0.000000e+00> : vector<1000xf32>
    %reduce_sum3A_76 = vector.multi_reduction <add>, %add3A_68, %reduce_sum3A_75 [1] : vector<1000x256xf32> to vector<1000xf32>
    %broadcast_in_dim3A_77 = vector.shape_cast %reduce_sum3A_76 : vector<1000xf32> to vector<1000x1xf32>
    %div3A_78 = arith.constant 2.560000e+02 : f32
    %div3A_79 = vector.broadcast %div3A_78 : f32 to vector<1000x1xf32>
    %div3A_80 = arith.divf %broadcast_in_dim3A_77, %div3A_79 : vector<1000x1xf32>
    %sub3A_81 = vector.broadcast %div3A_80 : vector<1000x1xf32> to vector<1000x256xf32>
    %sub3A_82 = arith.subf %add3A_68, %sub3A_81 : vector<1000x256xf32>
    %integer_pow3A_83 = arith.mulf %sub3A_82, %sub3A_82 : vector<1000x256xf32>
    %reduce_sum3A_84 = arith.constant dense<0.000000e+00> : vector<1000xf32>
    %reduce_sum3A_85 = vector.multi_reduction <add>, %integer_pow3A_83, %reduce_sum3A_84 [1] : vector<1000x256xf32> to vector<1000xf32>
    %broadcast_in_dim3A_86 = vector.shape_cast %reduce_sum3A_85 : vector<1000xf32> to vector<1000x1xf32>
    %div3A_87 = arith.constant 2.560000e+02 : f32
    %div3A_88 = vector.broadcast %div3A_87 : f32 to vector<1000x1xf32>
    %div3A_89 = arith.divf %broadcast_in_dim3A_86, %div3A_88 : vector<1000x1xf32>
    %sub3A_90 = vector.broadcast %div3A_80 : vector<1000x1xf32> to vector<1000x256xf32>
    %sub3A_91 = arith.subf %add3A_68, %sub3A_90 : vector<1000x256xf32>
    %add3A_92 = arith.constant 9.99999974E-6 : f32
    %add3A_93 = vector.broadcast %add3A_92 : f32 to vector<1000x1xf32>
    %add3A_94 = arith.addf %div3A_89, %add3A_93 : vector<1000x1xf32>
    %sqrt3A_95 = math.sqrt %add3A_94 : vector<1000x1xf32>
    %div3A_96 = vector.broadcast %sqrt3A_95 : vector<1000x1xf32> to vector<1000x256xf32>
    %div3A_97 = arith.divf %sub3A_91, %div3A_96 : vector<1000x256xf32>
    %mul3A_98 = vector.broadcast %get3A_71 : vector<1x256xf32> to vector<1000x256xf32>
    %mul3A_99 = arith.mulf %div3A_97, %mul3A_98 : vector<1000x256xf32>
    %add3A_100 = vector.broadcast %get3A_74 : vector<1x256xf32> to vector<1000x256xf32>
    %add3A_101 = arith.addf %mul3A_99, %add3A_100 : vector<1000x256xf32>
    %mul3A_102 = arith.constant 5.000000e-01 : f32
    %mul3A_103 = vector.broadcast %mul3A_102 : f32 to vector<1000x256xf32>
    %mul3A_104 = arith.mulf %mul3A_103, %add3A_101 : vector<1000x256xf32>
    %div3A_105 = arith.constant 1.41421354 : f32
    %div3A_106 = vector.broadcast %div3A_105 : f32 to vector<1000x256xf32>
    %div3A_107 = arith.divf %add3A_101, %div3A_106 : vector<1000x256xf32>
    %erf3A_108 = math.erf %div3A_107 : vector<1000x256xf32>
    %add3A_109 = arith.constant 1.000000e+00 : f32
    %add3A_110 = vector.broadcast %add3A_109 : f32 to vector<1000x256xf32>
    %add3A_111 = arith.addf %add3A_110, %erf3A_108 : vector<1000x256xf32>
    %mul3A_112 = arith.mulf %mul3A_104, %add3A_111 : vector<1000x256xf32>
    %get3A_113 = arith.constant 0 : index
    %get3A_114 = arith.constant 0 : index
    %get3A_115 = vector.load %arg12[%get3A_113, %get3A_114] : memref<256x1xf32, #tpu.memory_space<vmem>>, vector<256x1xf32>
    %dot_general3A_116 = arith.constant dense<0.000000e+00> : vector<1000x1xf32>
    %dot_general3A_117 = tpu.matmul %mul3A_112, %get3A_115, %dot_general3A_116 {dimension_numbers = #tpu.dot_dimension_numbers<[1], [0], [0], [1], [0, 0, 1, 1], [], []>, transpose_lhs_hint = false} : vector<1000x256xf32>, vector<256x1xf32>, vector<1000x1xf32> -> vector<1000x1xf32>
    %get3A_118 = arith.constant 0 : index
    %get3A_119 = arith.constant 0 : index
    %get3A_120 = vector.load %arg13[%get3A_118, %get3A_119] : memref<1x1xf32, #tpu.memory_space<vmem>>, vector<1x1xf32>
    %add3A_121 = vector.broadcast %get3A_120 : vector<1x1xf32> to vector<1000x1xf32>
    %add3A_122 = arith.addf %dot_general3A_117, %add3A_121 : vector<1000x1xf32>
    %logistic3A = arith.negf %add3A_122 : vector<1000x1xf32>
    %logistic3A_123 = math.exp %logistic3A : vector<1000x1xf32>
    %logistic3A_124 = arith.constant 1.000000e+00 : f32
    %logistic3A_125 = vector.broadcast %logistic3A_124 : f32 to vector<1000x1xf32>
    %logistic3A_126 = arith.addf %logistic3A_125, %logistic3A_123 : vector<1000x1xf32>
    %logistic3A_127 = arith.divf %logistic3A_125, %logistic3A_126 : vector<1000x1xf32>
    %swap3A = arith.constant 0 : index
    %swap3A_128 = arith.constant 0 : index
    %swap3A_129 = vector.load %arg14[%swap3A, %swap3A_128] : memref<1000x1xf32, #tpu.memory_space<vmem>>, vector<1000x1xf32>
    tpu.vector_store %arg14[%swap3A, %swap3A_128], %logistic3A_127 {strides = array<i32>} : memref<1000x1xf32, #tpu.memory_space<vmem>>, vector<1000x1xf32>,
    return
  }
  func.func @transform_0(%arg0: i32) -> (i32, i32) {
    %c0_i32 = arith.constant 0 : i32
    %c0_i32_0 = arith.constant 0 : i32
    return %arg0, %c0_i32 : i32, i32
  }
  func.func @transform_1(%arg0: i32) -> (i32, i32) {
    %c0_i32 = arith.constant 0 : i32
    %c0_i32_0 = arith.constant 0 : i32
    return %arg0, %c0_i32 : i32, i32
  }
  func.func @transform_2(%arg0: i32) -> (i32, i32) {
    %c0_i32 = arith.constant 0 : i32
    %c0_i32_0 = arith.constant 0 : i32
    %c0_i32_1 = arith.constant 0 : i32
    return %c0_i32, %c0_i32_0 : i32, i32
  }
  func.func @transform_3(%arg0: i32) -> (i32, i32) {
    %c0_i32 = arith.constant 0 : i32
    %c0_i32_0 = arith.constant 0 : i32
    %c0_i32_1 = arith.constant 0 : i32
    return %c0_i32, %c0_i32_0 : i32, i32
  }
  func.func @transform_4(%arg0: i32) -> (i32, i32) {
    %c0_i32 = arith.constant 0 : i32
    %c0_i32_0 = arith.constant 0 : i32
    %c0_i32_1 = arith.constant 0 : i32
    return %c0_i32, %c0_i32_0 : i32, i32
  }
  func.func @transform_5(%arg0: i32) -> (i32, i32) {
    %c0_i32 = arith.constant 0 : i32
    %c0_i32_0 = arith.constant 0 : i32
    %c0_i32_1 = arith.constant 0 : i32
    return %c0_i32, %c0_i32_0 : i32, i32
  }
  func.func @transform_6(%arg0: i32) -> (i32, i32) {
    %c0_i32 = arith.constant 0 : i32
    %c0_i32_0 = arith.constant 0 : i32
    %c0_i32_1 = arith.constant 0 : i32
    return %c0_i32, %c0_i32_0 : i32, i32
  }
  func.func @transform_7(%arg0: i32) -> (i32, i32) {
    %c0_i32 = arith.constant 0 : i32
    %c0_i32_0 = arith.constant 0 : i32
    %c0_i32_1 = arith.constant 0 : i32
    return %c0_i32, %c0_i32_0 : i32, i32
  }
  func.func @transform_8(%arg0: i32) -> (i32, i32) {
    %c0_i32 = arith.constant 0 : i32
    %c0_i32_0 = arith.constant 0 : i32
    %c0_i32_1 = arith.constant 0 : i32
    return %c0_i32, %c0_i32_0 : i32, i32
  }
  func.func @transform_9(%arg0: i32) -> (i32, i32) {
    %c0_i32 = arith.constant 0 : i32
    %c0_i32_0 = arith.constant 0 : i32
    %c0_i32_1 = arith.constant 0 : i32
    return %c0_i32, %c0_i32_0 : i32, i32
  }
  func.func @transform_10(%arg0: i32) -> (i32, i32) {
    %c0_i32 = arith.constant 0 : i32
    %c0_i32_0 = arith.constant 0 : i32
    %c0_i32_1 = arith.constant 0 : i32
    return %c0_i32, %c0_i32_0 : i32, i32
  }
  func.func @transform_11(%arg0: i32) -> (i32, i32) {
    %c0_i32 = arith.constant 0 : i32
    %c0_i32_0 = arith.constant 0 : i32
    %c0_i32_1 = arith.constant 0 : i32
    return %c0_i32, %c0_i32_0 : i32, i32
  }
  func.func @transform_12(%arg0: i32) -> (i32, i32) {
    %c0_i32 = arith.constant 0 : i32
    %c0_i32_0 = arith.constant 0 : i32
    %c0_i32_1 = arith.constant 0 : i32
    return %c0_i32, %c0_i32_0 : i32, i32
  }
  func.func @transform_13(%arg0: i32) -> (i32, i32) {
    %c0_i32 = arith.constant 0 : i32
    %c0_i32_0 = arith.constant 0 : i32
    return %arg0, %c0_i32 : i32, i32
  }
}

</mosaic_0001>

<sc_bundles>
// kernel: gather_offload_async_start.1
scs
__scs_entry_jumppad:
0x0: {  	(pc) =	sbr.rel $0x88, $3  }
0x1: {  	(tag) =	ssettag $0x0;
	lr =	simm.s32 $0x1  }
0x2: {  	[smem:$0x3F89] =	sst lr;
	_ =	strace $0xD0000000  }
0x3: {  	_ = 	snop  }
0x4: {  	_ = 	snop  }
0x5: {  	_ = 	snop  }
0x6: {  	_ = 	snop  }
0x7: {  	_ = 	snop  }
__scs_overlays_trampoline_lowered:
0x8: {  	[smem:$0x3F98] =	sst s0  }
0x9: {  	[smem:$0x3F99] =	sst s1  }
0xa: {  	[smem:$0x3F9A] =	sst s2  }
0xb: {  	[smem:$0x3F9B] =	sst s3  }
0xc: {  	[smem:$0x3F9C] =	sst s4  }
0xd: {  	[smem:$0x3F9D] =	sst s5  }
0xe: {  	[smem:$0x3F9E] =	sst s6  }
0xf: {  	[smem:$0x3F9F] =	sst s7  }
0x10: {  	[smem:$0x3FA0] =	sst s8  }
0x11: {  	[smem:$0x3FA1] =	sst s9;
	s0 =	simm.s32 @!p0 $0x0  }
0x12: {  	s1 =	sld [smem:$0x3F87];
	s0 =	simm.s32 @p0 $0x1  }
0x13: {  	[smem:$0x3FA2] =	sst s0;
	s0 =	simm.s32 @!p1 $0x0  }
0x14: {  	s2 =	sld [smem:$0x3F86];
	s0 =	simm.s32 @p1 $0x1  }
0x15: {  	[smem:$0x3FA3] =	sst s0;
	s0 =	simm.s32 @!p2 $0x0  }
0x16: {  	s3 =	sld [smem:$0x3FDB];
	s0 =	simm.s32 @p2 $0x1  }
0x17: {  	s4 =	simm.s32 $0x1BF5;
	[smem:$0x3FA5] =	sst s0  }
0x18: {  	s0 =	sld [smem:$0x3F88];
	_ =	swait.ge [sflag:s4], $0x0  }
0x19: {  	s7 =	sld [smem:$0x3F89]  }
0x1a: {  	s8 =	sadd.s32 $0xFFFFE003, lr  }
0x1b: {  	s9 =	sadd.s32 $0xFFFFFEF7, lr;
	s5 =	simm.s32 $0xFFFFFFFF;
	p2 =	slt.u32 s8, $0xFFFFF086  }
0x1c: {  	p1 =	slt.u32 s9, $0xF7A;
	s5 =	simm.s32 @!p2 $0x0  }
0x1d: {  	s5 =	simm.s32 @p1 $0x1;
	p0 =	seq.s32 s7, s2  }
0x1e: {  	s7 =	smul.u32 @!p0 $0xF7A, s2;
	p2 =	seq.s32 @!p0 s5, $0x0  }
0x1f: {  	s9 =	smul.u32 $0xF7A, s1;
	s8 =	simm.s32 @!p0 $0x1BF5;
	p2 =	por !p2, p0  }
0x20: {  	[sflag:s8] =	ssyncset.s32 @!p0 $0xFFFFF086;
	s6 =	sadd.s32 @!p0 s3, s7;
	s7 =	simm.s32 @!p0 $0x108  }
0x21: {  	s3 =	sadd.s32 s3, s9;
	s6 =	sadd.s32 @!p0 $0x88, s6;
	s7 =	simm.s32 @p2 $0x1082  }
0x22: {  	[simem:s7], [sflag:s8] =	dma.local @!p0 [hbm:s6], $0xF7A  }
0x23: {  	s9 =	sor.u32 $0xD0000000, s2;
	s6 =	simm.s32 $0x108;
	_ =	swait.ge @!p0 [sflag:s8], $0x0  }
0x24: {  	s3 =	sadd.s32 $0x88, s3;
	s6 =	simm.s32 @!p1 $0x1082;
	[sflag:s4] =	ssyncset.s32 $0xFFFFF086  }
0x25: {  	[simem:s6], [sflag:s4] =	dma.local [hbm:s3], $0xF7A  }
0x26: {  	[smem:$0x3F89] =	sst s1;
	(tag) =	ssettag s2;
	_ =	strace s9  }
0x27: {  	s1 =	sld [smem:$0x3F99]  }
0x28: {  	s2 =	sld [smem:$0x3F9A]  }
0x29: {  	s4 =	sld [smem:$0x3F9C]  }
0x2a: {  	p0 =	seq.s32 s5, $0x0;
	s5 =	sld [smem:$0x3F9D]  }
0x2b: {  	s6 =	sld [smem:$0x3F9E]  }
0x2c: {  	s7 =	sld [smem:$0x3F9F]  }
0x2d: {  	s3 =	simm.s32 $0x108;
	s8 =	sld [smem:$0x3FA0]  }
0x2e: {  	s3 =	simm.s32 @!p0 $0x1082;
	s9 =	sld [smem:$0x3FA1]  }
0x2f: {  	lr =	sadd.s32 s0, s3;
	s0 =	sld [smem:$0x3F98]  }
0x30: {  	s3 =	sld [smem:$0x3F9B]  }
0x31: {  	[smem:$0x3FA4] =	sst s10  }
0x32: {  	s10 =	sld [smem:$0x3FA2];
	_ =	sdelay $0x3  }
0x33: {  	p0 =	seq.s32 s10, $0x1;
	s10 =	sld [smem:$0x3FA4];
	_ =	sdelay $0x3  }
0x34: {  	[smem:$0x3FA4] =	sst s10  }
0x35: {  	s10 =	sld [smem:$0x3FA3];
	_ =	sdelay $0x3  }
0x36: {  	p1 =	seq.s32 s10, $0x1;
	s10 =	sld [smem:$0x3FA4];
	_ =	sdelay $0x3  }
0x37: {  	[smem:$0x3FA4] =	sst s10  }
0x38: {  	s10 =	sld [smem:$0x3FA5]  }
0x39: {  	_ = 	snop;
	(pc) =	sbr.ind lr, $3  }
0x3a: {  	_ = 	snop  }
0x3b: {  	_ = 	snop  }
0x3c: {  	p2 =	seq.s32 s10, $0x1;
	s10 =	sld [smem:$0x3FA4]  }
0x3d: {  	_ =	shalt  }
0x3e: {  	_ =	shalt  }
0x3f: {  	_ =	shalt  }
0x40: {  	_ =	shalt  }
0x41: {  	_ =	shalt  }
0x42: {  	_ =	shalt  }
0x43: {  	_ =	shalt  }
0x44: {  	_ =	shalt  }
0x45: {  	_ =	shalt  }
0x46: {  	_ =	shalt  }
0x47: {  	_ =	shalt  }
0x48: {  	_ =	shalt  }
0x49: {  	_ =	shalt  }
0x4a: {  	_ =	shalt  }
0x4b: {  	_ =	shalt  }
0x4c: {  	_ =	shalt  }
0x4d: {  	_ =	shalt  }
0x4e: {  	_ =	shalt  }
0x4f: {  	_ =	shalt  }
0x50: {  	_ =	shalt  }
0x51: {  	_ =	shalt  }
0x52: {  	_ =	shalt  }
0x53: {  	_ =	shalt  }
0x54: {  	_ =	shalt  }
0x55: {  	_ =	shalt  }
0x56: {  	_ =	shalt  }
0x57: {  	_ =	shalt  }
0x58: {  	_ =	shalt  }
0x59: {  	_ =	shalt  }
0x5a: {  	_ =	shalt  }
0x5b: {  	_ =	shalt  }
0x5c: {  	_ =	shalt  }
0x5d: {  	_ =	shalt  }
0x5e: {  	_ =	shalt  }
0x5f: {  	_ =	shalt  }
0x60: {  	_ =	shalt  }
0x61: {  	_ =	shalt  }
0x62: {  	_ =	shalt  }
0x63: {  	_ =	shalt  }
0x64: {  	_ =	shalt  }
0x65: {  	_ =	shalt  }
0x66: {  	_ =	shalt  }
0x67: {  	_ =	shalt  }
0x68: {  	_ =	shalt  }
0x69: {  	_ =	shalt  }
0x6a: {  	_ =	shalt  }
0x6b: {  	_ =	shalt  }
0x6c: {  	_ =	shalt  }
0x6d: {  	_ =	shalt  }
0x6e: {  	_ =	shalt  }
0x6f: {  	_ =	shalt  }
0x70: {  	_ =	shalt  }
0x71: {  	_ =	shalt  }
0x72: {  	_ =	shalt  }
0x73: {  	_ =	shalt  }
0x74: {  	_ =	shalt  }
0x75: {  	_ =	shalt  }
0x76: {  	_ =	shalt  }
0x77: {  	_ =	shalt  }
0x78: {  	_ =	shalt  }
0x79: {  	_ =	shalt  }
0x7a: {  	_ =	shalt  }
0x7b: {  	_ =	shalt  }
0x7c: {  	_ =	shalt  }
0x7d: {  	_ =	shalt  }
0x7e: {  	_ =	shalt  }
0x7f: {  	_ =	shalt  }
0x80: {  	_ =	shalt  }
0x81: {  	_ =	shalt  }
0x82: {  	_ =	shalt  }
0x83: {  	_ =	shalt  }
0x84: {  	_ =	shalt  }
0x85: {  	_ =	shalt  }
0x86: {  	_ =	shalt  }
0x87: {  	_ =	shalt  }
.Lfunc_end0:
.L_simem_size_0:
called_computation.1_lowered:
.L_overlay_start_0:
0x88: {  	s0 =	sld [smem:$0x3FD9]  }
0x89: {  	s1 =	sld [smem:$0x3FFE];
	_ =	sdelay $0x3  }
0x8a: {  	s0 =	sadd.s32 s1, s0  }
0x8b: {  	[smem:$0x3FB0] =	sst s0  }
0x8c: {  	_ = 	snop  }
0x8d: {  	(tm) =	ssettm $0x1  }
0x8e: {  	s15 =	sld [smem:$0x3FFB];
	_ =	sdelay $0x3  }
0x8f: {  	_ =	strace s15  }
0x90: {  	s0 =	sld [smem:$0x3FFC];
	_ =	sdelay $0x3  }
0x91: {  	_ =	strace s0  }
0x92: {  	s0 =	sld [smem:$0x3FFD];
	_ =	sdelay $0x3  }
0x93: {  	_ =	strace s0  }
0x94: {  	_ =	strace $0x8FFFFFFF  }
0x95: {  	s16 =	sld [smem:$0x3FDB];
	_ =	sdelay $0x1  }
0x96: {  	s17 =	simm.s32 $_scs_section_size  }
0x97: {  	s2 =	simm.s32 $_size__tile_overlayer_lowered;
	s3 =	simm.s32 $_tile_overlayer_lowered  }
0x98: {  	s20 =	simm.s32 $0x1BFF;
	s19 =	sshll.u32 s3, $0x1;
	s0 =	sadd.s32 s17, s16  }
0x99: {  	s4 =	simm.s32 $0x0;
	s18 =	sshll.u32 s2, $0x1;
	s2 =	sadd.s32 s19, s0  }
0x9a: {  	[timem:s4], [sflag:s20] =	dma.local [hbm:s2], s18  }
0x9b: {  	_ =	swait.ge [sflag:s20], s18  }
0x9c: {  	s1 =	ssub.s32 $0x0, s18;
	[sflag:s20] =	ssyncset.done $0x0  }
0x9d: {  	[sflag:s20] =	ssyncadd.s32 s1;
	_ =	sdelay $0x1  }
0x9e: {  	s21 =	simm.s32 $0x1B8B  }
0x9f: {  	_ =	swait.ge [sflag:s21], $0x1  }
0xa0: {  	[sflag:s21] =	ssyncset.done $0x0  }
0xa1: {  	s23 =	simm.s32 $0x1B8E;
	s22 =	sld [smem:$0x3FFE];
	[sflag:s21] =	ssyncadd.s32 $0xFFFFFFFF  }
0xa2: {  	s24 =	simm.s32 $execute0_lowered;
	[smem:$0x3FD2] =	sst s23  }
0xa3: {  	s2 =	sshll.u32 s24, $0x1;
	_ =	strace $0x80000046;
	[dreg:$0x1] =	wrdreg $0xFFFFFFFF  }
0xa4: {  	s25 =	simm.s32 $_size_execute0_lowered;
	s0 =	sadd.s32 s0, s2;
	[dreg:$0x0] =	wrdreg $0x0  }
0xa5: {  	s2 =	sshll.u32 s25, $0x1;
	[dreg:$0x2] =	wrdreg s0  }
0xa6: {  	[dreg:$0x3] =	wrdreg s2  }
0xa7: {  	[dreg:$0x4] =	wrdreg $0xC0  }
0xa8: {  	_ =	task [dreg:s4], $0x5FFFF  }
0xa9: {  	[dreg:$0x1] =	wrdreg $0xFFFFFFFF  }
0xaa: {  	[dreg:$0x0] =	wrdreg $0x60  }
0xab: {  	[dreg:$0x2] =	wrdreg s22  }
0xac: {  	[dreg:$0x3] =	wrdreg $0xA  }
0xad: {  	_ =	task.clear_ibuf [dreg:s4], $0x4FFFF;
	_ =	strace $0x90000046  }
0xae: {  	s26 =	simm.s32 $0xA;
	_ =	strace $0x80000048  }
0xaf: {  	_ =	swait.ge [sflag:s26], $0x1  }
0xb0: {  	[sflag:s26] =	ssyncadd.s32 $0xFFFFFFFF  }
0xb1: {  	_ =	strace $0x90000048  }
0xb2: {  	_ =	sfence  }
0xb3: {  	s28 =	sld [smem:$0x0];
	_ =	sdelay $0x1  }
0xb4: {  	s29 =	srdreg.scid  }
0xb5: {  	s30 =	sshll.u32 s29, $0xD;
	s31 =	sshrl.u32 s29, $0x2  }
0xb6: {  	s1 =	sand.u32 $0x1, s29;
	s2 =	sand.u32 $0x4000, s30;
	s0 =	sadd.s32 s31, s28  }
0xb7: {  	s1 =	sor.u32 s2, s1;
	s0 =	sshll.u32 s0, $0x11  }
0xb8: {  	s0 =	sor.u32 s0, s1  }
0xb9: {  	s0 =	sadd.s32 $0x8F2B, s0  }
0xba: {  	[sflag:s0] =	ssyncadd.remote.s32 $0x1  }
0xbb: {  	_ =	sfence.sel $0xFFFF  }
0xbc: {  	[dreg:$0x0] =	wrdreg $0xFFFFFFFF;
	(pc) =	sbr.abs _section_cstart, $3  }
0xbd: {  	[dreg:$0x1] =	wrdreg $0xFFFFFFFF  }
0xbe: {  	_ =	task.clear_ibuf [dreg:s4], $0x2FFFF;
	_ =	strace $0x9FFFFFFF  }
0xbf: {  	(tm) =	ssettm $0x7FFFFFFF  }
tec
execute0_lowered:
.L_overlay_start_1:
0x0: {  	(tag) =	ssettag $0x1  }
0x1: {  	s8 =	rddreg [dreg:$0x0]  }
0x2: {  	s0 =	rddreg [dreg:$0x1];
	_ =	strace $0x80000047  }
0x3: {  	s1 =	stileid.u32;
	s5 =	simm.s32 $0x1;
	s6 =	simm.s32 $0x27100  }
0x4: {  	s9 =	simm.s32 $0x1;
	s10 =	simm.s32 $0x3;
	s13 =	simm.s32 $0x0  }
0x5: {  	s12 =	simm.s32 $0x0;
	s2 =	sadd.s32 $0x9C00, s8;
	s4 =	smul.u32 $0x2710, s1  }
0x6: {  	s3 =	sadd.s32 $0x14400, s8;
	p0 =	slt.u32 s1, $0x2;
	[sflag:s5] =	ssyncpa.u1 $0x0  }
.Ltmp0:
0x7: {  	s6 =	simm.s32 @!p0 $0x0;
	s7 =	ssub.s32 $0x29810, s4;
	(pc) =	sbr.rel .LBB2_1-.Ltmp0, $4  }
0x8: {  	s9 =	simm.s32 @!p0 $0x0;
	p0 =	sne.s32 s7, s6;
	s7 =	simm.s32 $0x1  }
0x9: {  	s8 =	sadd.s32 $0xB5C00, s8;
	s6 =	simm.s32 $0x2;
	s7 =	simm.s32 @!p0 $0x0  }
0xa: {  	s11 =	smov.u32 s4;
	[sflag:s6] =	ssyncpa.u1 $0x0;
	s7 =	sadd.s32 s9, s7  }
0xb: {  	vm0 =	vmmov $0xffff;
	[sflag:s10] =	ssyncpa.u1 $0x0;
	s10 =	simm.s32 $0x0;
	s9 =	sadd.s32 $0x1, s7  }
.LBB2_4:
0xc: {  	v2 =	vnsel vm1, $0x0, v2  }
0xd: {  	vm1 =	vgt.s32 v0, $0x0;
	v2 =	vmin.u32 v2, $0x2980F  }
0xe: {  	v0 =	vnsel vm1, $0x0, v0  }
0xf: {  	v0 =	vmin.u32 v0, $0x2980F  }
0x10: {  	[tilespmem:s18], [sflag:$0x1] =	stream.indirect_vreg.gather [hbm4b:s2+s10], $0x1, v1, vm0, $0x4038;
	[tilespmem:$0x9C40] =	vst v63  }
0x11: {  	(ifvalue) =	ssetifvalue $0x7FFFFFFF  }
0x12: {  	[tilespmem:s15], [sflag:$0x1] =	stream.indirect_vreg.gather [hbm4b:s2+s10], $0x1, v2, vm0, $0x4038;
	[tilespmem:$0x9C40] =	vst v63  }
0x13: {  	s29 =	sadd.s32 $0x10, s15;
	(ifvalue) =	ssetifvalue $0x7FFFFFFF  }
0x14: {  	[tilespmem:s29], [sflag:$0x1] =	stream.indirect_vreg.gather [hbm4b:s2+s10], $0x1, v0, vm0, $0x4038;
	[tilespmem:$0x9C40] =	vst v63  }
0x15: {  	_ =	swait.ge [sflag:s5], $0x2710  }
0x16: {  	s30 =	sshrl.u32 s13, $0x3;
	[sflag:s5] =	ssyncset.done $0x0  }
0x17: {  	s31 =	sand.u32 $0x7, s13;
	s15 =	sadd.s32 s8, s30;
	[sflag:s5] =	ssyncadd.s32 $0xFFFFD8F0  }
0x18: {  	[hbm4b:s15+s31] =	stream.linear.scatter [tilespmem:s14], [sflag:$0x3], $0x2710, $0x38;
	[tilespmem:$0x9C40] =	vst v63  }
.LBB2_5:
0x19: {  	s15 =	sadd.s32 $0x27100, s11  }
0x1a: {  	p1 =	sgt.s32 s15, $0x2980F  }
0x1b: {  	s15 =	smov.u32 @p1 s4;
	p1 =	sne.s32 s12, s9  }
.Ltmp1:
0x1c: {  	p0 =	slt.u32 s12, $0x2;
	(pc) =	sbr.rel @!p1 .LBB2_6-.Ltmp1, $4  }
0x1d: {  	s14 =	simm.s32 @!p0 $0x3  }
0x1e: {  	_ =	swait.ge @!p0 [sflag:s14], $0x2710  }
0x1f: {  	s16 =	sadd.s32 $0x1, s12;
	s13 =	smov.u32 s11;
	[sflag:s14] =	ssyncset.done @!p0 $0x0  }
0x20: {  	s12 =	smov.u32 s16;
	s11 =	smov.u32 s15;
	[sflag:s14] =	ssyncadd.s32 @!p0 $0xFFFFD8F0  }
.LBB2_1:
0x21: {  	p0 =	sge.u32 s12, s7  }
0x22: {  	s14 =	sxor.u32 @!p0 $0x1, s12  }
0x23: {  	s14 =	smul.u32 @!p0 $0x9C40, s14  }
0x24: {  	s31 =	sadd.s32 $0xFFFFFFFF, s12;
	s15 =	sshrl.u32 @!p0 s11, $0x3  }
0x25: {  	s16 =	sand.u32 @!p0 $0x7, s11;
	s15 =	sadd.s32 @!p0 s3, s15;
	s14 =	sshra.s32 @!p0 s14, $0x2  }
0x26: {  	[tilespmem:s14], [sflag:$0x2] =	stream.linear.gather @!p0 [hbm4b:s15+s16], $0x2710, $0x38;
	[tilespmem:$0x9C40] =	vst v63  }
0x27: {  	p0 =	sge.u32 s31, s7  }
.Ltmp2:
0x28: {  	_ = 	snop;
	(pc) =	sbr.rel @p0 .LBB2_5-.Ltmp2, $1  }
0x29: {  	_ =	sdelay $0x3  }
0x2a: {  	s14 =	sand.u32 $0x1, s12  }
0x2b: {  	_ =	swait.ge [sflag:s6], $0x2710;
	p0 =	seq.s32 s14, $0x1;
	s14 =	simm.s32 $0x2710  }
0x2c: {  	[sflag:s6] =	ssyncset.done $0x0;
	s14 =	simm.s32 @!p0 $0x0  }
0x2d: {  	[sflag:s6] =	ssyncadd.s32 $0xFFFFD8F0;
	(ifvalue) =	ssetifvalue $0x7FFFFFFF;
	v0 =	vld.msk [tilespmem:s14+$0x0 ss:$0x1], $0xffff;
	_ =	sdelay $0x4  }
0x2e: {  	s15 =	sadd.s32 $0x10, s14;
	vm1 =	vgt.s32 v0, $0x0  }
0x2f: {  	v2 =	vld.msk [tilespmem:s15+$0x0 ss:$0x1], $0xffff;
	v1 =	vnsel vm1, $0x0, v0  }
0x30: {  	v1 =	vmin.u32 v1, $0x2980F;
	_ =	sdelay $0x2  }
0x31: {  	s17 =	simm.s32 $0x20;
	s14 =	sadd.s32 $0x4E20, s14;
	s16 =	sadd.s32 $0x10, s15  }
0x32: {  	s15 =	sadd.s32 $0x10, s14;
	s18 =	smov.u32 s14;
	v0 =	vld.msk [tilespmem:s16+$0x0 ss:$0x1], $0xffff;
	vm1 =	vgt.s32 v2, $0x0;
	(ifvalue) =	ssetifvalue $0x7FFFFFFF  }
.LBB2_3:
0x33: {  	[tilespmem:s18], [sflag:$0x1] =	stream.indirect_vreg.gather [hbm4b:s2+s10], $0x1, v1, vm0, $0x4038;
	[tilespmem:$0x9C40] =	vst v63  }
0x34: {  	s17 =	sadd.s32 $0x10, s17  }
0x35: {  	v2 =	vnsel vm1, $0x0, v2;
	p0 =	slt.u32 s17, $0x2700  }
.Ltmp3:
0x36: {  	s18 =	smov.u32 s15;
	v1 =	vmin.u32 v2, $0x2980F;
	(pc) =	sbr.rel @p0 .LBB2_3-.Ltmp3, $3  }
0x37: {  	_ =	sdelay $0x1  }
0x38: {  	s16 =	sadd.s32 $0x10, s16  }
0x39: {  	vm1 =	vgt.s32 v0, $0x0;
	s15 =	sadd.s32 $0x10, s15;
	v2 =	vmov v0;
	(ifvalue) =	ssetifvalue $0x7FFFFFFF;
	v0 =	vld.msk [tilespmem:s16+$0x0 ss:$0x1], $0xffff  }
.Ltmp4:
0x3a: {  	_ = 	snop;
	(pc) =	sbr.rel .LBB2_4-.Ltmp4, $1  }
0x3b: {  	_ =	sdelay $0x3  }
.LBB2_6:
0x3c: {  	_ =	sfence.sel $0x180000  }
0x3d: {  	s2 =	simm.s32 $0x2;
	[bflag:$0x0] =	sbarrier.arrive $0xFFFF  }
0x3e: {  	s30 =	simm.s32 $0x3;
	[sflag:s2] =	ssyncpa.u1 $0x1  }
0x3f: {  	s31 =	simm.s32 $0x1;
	[sflag:s30] =	ssyncpa.u1 $0x1  }
0x40: {  	[sflag:s31] =	ssyncpa.u1 $0x1  }
0x41: {  	p0 =	sne.s32 s1, $0x0;
	_ =	strace $0x90000047  }
0x42: {  	s0 =	sadd.s32 @!p0 $0x100000, s0;
	[bflag:$0x2] =	sbarrier.arrive $0xFFFF  }
0x43: {  	[sflag:s0] =	ssyncadd.tile.s32 @!p0 $0x1;
	_ =	shalt  }
.Lfunc_end2:
_tile_overlayer_lowered:
.L_overlay_start_2:
0x44: {  	(tag) =	ssettag $0x2  }
0x45: {  	s0 =	rddreg [dreg:$0x0];
	s2 =	stileid.u32  }
0x46: {  	s1 =	rddreg [dreg:$0x1];
	p0 =	sne.s32 s2, $0x0  }
0x47: {  	s3 =	rddreg [dreg:$0x2];
	[bflag:$0x3] =	sbarrier.arrive $0xFFFF;
	s2 =	simm.s32 @!p0 $0x1C01  }
0x48: {  	[timem:s3], [sflag:s2] =	dma.local @!p0 [hbm:s0], s1  }
0x49: {  	s0 =	simm.s32 @!p0 $0x1  }
0x4a: {  	_ =	swait.ge @!p0 [sflag:s0], s1  }
0x4b: {  	s1 =	ssub.s32 @!p0 $0x0, s1;
	[sflag:s0] =	ssyncset.done @!p0 $0x0  }
0x4c: {  	[sflag:s0] =	ssyncadd.s32 @!p0 s1  }
0x4d: {  	[bflag:$0x3] =	sbarrier.arrive $0xFFFF  }
0x4e: {  	_ =	shalt  }

// kernel: gather_offload_async_start
scs
__scs_entry_jumppad:
0x0: {  	(pc) =	sbr.rel $0x88, $3  }
0x1: {  	(tag) =	ssettag $0x0;
	lr =	simm.s32 $0x1  }
0x2: {  	[smem:$0x3F89] =	sst lr;
	_ =	strace $0xD0000000  }
0x3: {  	_ = 	snop  }
0x4: {  	_ = 	snop  }
0x5: {  	_ = 	snop  }
0x6: {  	_ = 	snop  }
0x7: {  	_ = 	snop  }
__scs_overlays_trampoline_lowered:
0x8: {  	[smem:$0x3F98] =	sst s0  }
0x9: {  	[smem:$0x3F99] =	sst s1  }
0xa: {  	[smem:$0x3F9A] =	sst s2  }
0xb: {  	[smem:$0x3F9B] =	sst s3  }
0xc: {  	[smem:$0x3F9C] =	sst s4  }
0xd: {  	[smem:$0x3F9D] =	sst s5  }
0xe: {  	[smem:$0x3F9E] =	sst s6  }
0xf: {  	[smem:$0x3F9F] =	sst s7  }
0x10: {  	[smem:$0x3FA0] =	sst s8  }
0x11: {  	[smem:$0x3FA1] =	sst s9;
	s0 =	simm.s32 @!p0 $0x0  }
0x12: {  	s1 =	sld [smem:$0x3F87];
	s0 =	simm.s32 @p0 $0x1  }
0x13: {  	[smem:$0x3FA2] =	sst s0;
	s0 =	simm.s32 @!p1 $0x0  }
0x14: {  	s2 =	sld [smem:$0x3F86];
	s0 =	simm.s32 @p1 $0x1  }
0x15: {  	[smem:$0x3FA3] =	sst s0;
	s0 =	simm.s32 @!p2 $0x0  }
0x16: {  	s3 =	sld [smem:$0x3FDB];
	s0 =	simm.s32 @p2 $0x1  }
0x17: {  	s4 =	simm.s32 $0x1BF5;
	[smem:$0x3FA5] =	sst s0  }
0x18: {  	s0 =	sld [smem:$0x3F88];
	_ =	swait.ge [sflag:s4], $0x0  }
0x19: {  	s7 =	sld [smem:$0x3F89]  }
0x1a: {  	s8 =	sadd.s32 $0xFFFFE003, lr  }
0x1b: {  	s9 =	sadd.s32 $0xFFFFFEF7, lr;
	s5 =	simm.s32 $0xFFFFFFFF;
	p2 =	slt.u32 s8, $0xFFFFF086  }
0x1c: {  	p1 =	slt.u32 s9, $0xF7A;
	s5 =	simm.s32 @!p2 $0x0  }
0x1d: {  	s5 =	simm.s32 @p1 $0x1;
	p0 =	seq.s32 s7, s2  }
0x1e: {  	s7 =	smul.u32 @!p0 $0xF7A, s2;
	p2 =	seq.s32 @!p0 s5, $0x0  }
0x1f: {  	s9 =	smul.u32 $0xF7A, s1;
	s8 =	simm.s32 @!p0 $0x1BF5;
	p2 =	por !p2, p0  }
0x20: {  	[sflag:s8] =	ssyncset.s32 @!p0 $0xFFFFF086;
	s6 =	sadd.s32 @!p0 s3, s7;
	s7 =	simm.s32 @!p0 $0x108  }
0x21: {  	s3 =	sadd.s32 s3, s9;
	s6 =	sadd.s32 @!p0 $0x88, s6;
	s7 =	simm.s32 @p2 $0x1082  }
0x22: {  	[simem:s7], [sflag:s8] =	dma.local @!p0 [hbm:s6], $0xF7A  }
0x23: {  	s9 =	sor.u32 $0xD0000000, s2;
	s6 =	simm.s32 $0x108;
	_ =	swait.ge @!p0 [sflag:s8], $0x0  }
0x24: {  	s3 =	sadd.s32 $0x88, s3;
	s6 =	simm.s32 @!p1 $0x1082;
	[sflag:s4] =	ssyncset.s32 $0xFFFFF086  }
0x25: {  	[simem:s6], [sflag:s4] =	dma.local [hbm:s3], $0xF7A  }
0x26: {  	[smem:$0x3F89] =	sst s1;
	(tag) =	ssettag s2;
	_ =	strace s9  }
0x27: {  	s1 =	sld [smem:$0x3F99]  }
0x28: {  	s2 =	sld [smem:$0x3F9A]  }
0x29: {  	s4 =	sld [smem:$0x3F9C]  }
0x2a: {  	p0 =	seq.s32 s5, $0x0;
	s5 =	sld [smem:$0x3F9D]  }
0x2b: {  	s6 =	sld [smem:$0x3F9E]  }
0x2c: {  	s7 =	sld [smem:$0x3F9F]  }
0x2d: {  	s3 =	simm.s32 $0x108;
	s8 =	sld [smem:$0x3FA0]  }
0x2e: {  	s3 =	simm.s32 @!p0 $0x1082;
	s9 =	sld [smem:$0x3FA1]  }
0x2f: {  	lr =	sadd.s32 s0, s3;
	s0 =	sld [smem:$0x3F98]  }
0x30: {  	s3 =	sld [smem:$0x3F9B]  }
0x31: {  	[smem:$0x3FA4] =	sst s10  }
0x32: {  	s10 =	sld [smem:$0x3FA2];
	_ =	sdelay $0x3  }
0x33: {  	p0 =	seq.s32 s10, $0x1;
	s10 =	sld [smem:$0x3FA4];
	_ =	sdelay $0x3  }
0x34: {  	[smem:$0x3FA4] =	sst s10  }
0x35: {  	s10 =	sld [smem:$0x3FA3];
	_ =	sdelay $0x3  }
0x36: {  	p1 =	seq.s32 s10, $0x1;
	s10 =	sld [smem:$0x3FA4];
	_ =	sdelay $0x3  }
0x37: {  	[smem:$0x3FA4] =	sst s10  }
0x38: {  	s10 =	sld [smem:$0x3FA5]  }
0x39: {  	_ = 	snop;
	(pc) =	sbr.ind lr, $3  }
0x3a: {  	_ = 	snop  }
0x3b: {  	_ = 	snop  }
0x3c: {  	p2 =	seq.s32 s10, $0x1;
	s10 =	sld [smem:$0x3FA4]  }
0x3d: {  	_ =	shalt  }
0x3e: {  	_ =	shalt  }
0x3f: {  	_ =	shalt  }
0x40: {  	_ =	shalt  }
0x41: {  	_ =	shalt  }
0x42: {  	_ =	shalt  }
0x43: {  	_ =	shalt  }
0x44: {  	_ =	shalt  }
0x45: {  	_ =	shalt  }
0x46: {  	_ =	shalt  }
0x47: {  	_ =	shalt  }
0x48: {  	_ =	shalt  }
0x49: {  	_ =	shalt  }
0x4a: {  	_ =	shalt  }
0x4b: {  	_ =	shalt  }
0x4c: {  	_ =	shalt  }
0x4d: {  	_ =	shalt  }
0x4e: {  	_ =	shalt  }
0x4f: {  	_ =	shalt  }
0x50: {  	_ =	shalt  }
0x51: {  	_ =	shalt  }
0x52: {  	_ =	shalt  }
0x53: {  	_ =	shalt  }
0x54: {  	_ =	shalt  }
0x55: {  	_ =	shalt  }
0x56: {  	_ =	shalt  }
0x57: {  	_ =	shalt  }
0x58: {  	_ =	shalt  }
0x59: {  	_ =	shalt  }
0x5a: {  	_ =	shalt  }
0x5b: {  	_ =	shalt  }
0x5c: {  	_ =	shalt  }
0x5d: {  	_ =	shalt  }
0x5e: {  	_ =	shalt  }
0x5f: {  	_ =	shalt  }
0x60: {  	_ =	shalt  }
0x61: {  	_ =	shalt  }
0x62: {  	_ =	shalt  }
0x63: {  	_ =	shalt  }
0x64: {  	_ =	shalt  }
0x65: {  	_ =	shalt  }
0x66: {  	_ =	shalt  }
0x67: {  	_ =	shalt  }
0x68: {  	_ =	shalt  }
0x69: {  	_ =	shalt  }
0x6a: {  	_ =	shalt  }
0x6b: {  	_ =	shalt  }
0x6c: {  	_ =	shalt  }
0x6d: {  	_ =	shalt  }
0x6e: {  	_ =	shalt  }
0x6f: {  	_ =	shalt  }
0x70: {  	_ =	shalt  }
0x71: {  	_ =	shalt  }
0x72: {  	_ =	shalt  }
0x73: {  	_ =	shalt  }
0x74: {  	_ =	shalt  }
0x75: {  	_ =	shalt  }
0x76: {  	_ =	shalt  }
0x77: {  	_ =	shalt  }
0x78: {  	_ =	shalt  }
0x79: {  	_ =	shalt  }
0x7a: {  	_ =	shalt  }
0x7b: {  	_ =	shalt  }
0x7c: {  	_ =	shalt  }
0x7d: {  	_ =	shalt  }
0x7e: {  	_ =	shalt  }
0x7f: {  	_ =	shalt  }
0x80: {  	_ =	shalt  }
0x81: {  	_ =	shalt  }
0x82: {  	_ =	shalt  }
0x83: {  	_ =	shalt  }
0x84: {  	_ =	shalt  }
0x85: {  	_ =	shalt  }
0x86: {  	_ =	shalt  }
0x87: {  	_ =	shalt  }
.Lfunc_end0:
.L_simem_size_0:
called_computation_lowered:
.L_overlay_start_0:
0x88: {  	s0 =	sld [smem:$0x3FD9]  }
0x89: {  	s1 =	sld [smem:$0x3FFE];
	_ =	sdelay $0x3  }
0x8a: {  	s0 =	sadd.s32 s1, s0  }
0x8b: {  	[smem:$0x3FB0] =	sst s0  }
0x8c: {  	_ = 	snop  }
0x8d: {  	(tm) =	ssettm $0x1  }
0x8e: {  	s15 =	sld [smem:$0x3FFB];
	_ =	sdelay $0x3  }
0x8f: {  	_ =	strace s15  }
0x90: {  	s0 =	sld [smem:$0x3FFC];
	_ =	sdelay $0x3  }
0x91: {  	_ =	strace s0  }
0x92: {  	s0 =	sld [smem:$0x3FFD];
	_ =	sdelay $0x3  }
0x93: {  	_ =	strace s0  }
0x94: {  	_ =	strace $0x8FFFFFFF  }
0x95: {  	s16 =	sld [smem:$0x3FDB];
	_ =	sdelay $0x1  }
0x96: {  	s17 =	simm.s32 $_scs_section_size  }
0x97: {  	s2 =	simm.s32 $_size__tile_overlayer_lowered;
	s3 =	simm.s32 $_tile_overlayer_lowered  }
0x98: {  	s20 =	simm.s32 $0x1BFF;
	s19 =	sshll.u32 s3, $0x1;
	s0 =	sadd.s32 s17, s16  }
0x99: {  	s4 =	simm.s32 $0x0;
	s18 =	sshll.u32 s2, $0x1;
	s2 =	sadd.s32 s19, s0  }
0x9a: {  	[timem:s4], [sflag:s20] =	dma.local [hbm:s2], s18  }
0x9b: {  	_ =	swait.ge [sflag:s20], s18  }
0x9c: {  	s1 =	ssub.s32 $0x0, s18;
	[sflag:s20] =	ssyncset.done $0x0  }
0x9d: {  	[sflag:s20] =	ssyncadd.s32 s1;
	_ =	sdelay $0x1  }
0x9e: {  	s21 =	simm.s32 $0x1B8B  }
0x9f: {  	_ =	swait.ge [sflag:s21], $0x1  }
0xa0: {  	[sflag:s21] =	ssyncset.done $0x0  }
0xa1: {  	s23 =	simm.s32 $0x1B8E;
	s22 =	sld [smem:$0x3FFE];
	[sflag:s21] =	ssyncadd.s32 $0xFFFFFFFF  }
0xa2: {  	s24 =	simm.s32 $execute0_lowered;
	[smem:$0x3FD2] =	sst s23  }
0xa3: {  	s2 =	sshll.u32 s24, $0x1;
	_ =	strace $0x80000049;
	[dreg:$0x1] =	wrdreg $0xFFFFFFFF  }
0xa4: {  	s25 =	simm.s32 $_size_execute0_lowered;
	s0 =	sadd.s32 s0, s2;
	[dreg:$0x0] =	wrdreg $0x0  }
0xa5: {  	s2 =	sshll.u32 s25, $0x1;
	[dreg:$0x2] =	wrdreg s0  }
0xa6: {  	[dreg:$0x3] =	wrdreg s2  }
0xa7: {  	[dreg:$0x4] =	wrdreg $0xC0  }
0xa8: {  	_ =	task [dreg:s4], $0x5FFFF  }
0xa9: {  	[dreg:$0x1] =	wrdreg $0xFFFFFFFF  }
0xaa: {  	[dreg:$0x0] =	wrdreg $0x60  }
0xab: {  	[dreg:$0x2] =	wrdreg s22  }
0xac: {  	[dreg:$0x3] =	wrdreg $0x9  }
0xad: {  	_ =	task.clear_ibuf [dreg:s4], $0x4FFFF;
	_ =	strace $0x90000049  }
0xae: {  	s26 =	simm.s32 $0x9;
	_ =	strace $0x8000004B  }
0xaf: {  	_ =	swait.ge [sflag:s26], $0x1  }
0xb0: {  	[sflag:s26] =	ssyncadd.s32 $0xFFFFFFFF  }
0xb1: {  	_ =	strace $0x9000004B  }
0xb2: {  	_ =	sfence  }
0xb3: {  	s28 =	sld [smem:$0x0];
	_ =	sdelay $0x1  }
0xb4: {  	s29 =	srdreg.scid  }
0xb5: {  	s30 =	sshll.u32 s29, $0xD;
	s31 =	sshrl.u32 s29, $0x2  }
0xb6: {  	s1 =	sand.u32 $0x1, s29;
	s2 =	sand.u32 $0x4000, s30;
	s0 =	sadd.s32 s31, s28  }
0xb7: {  	s1 =	sor.u32 s2, s1;
	s0 =	sshll.u32 s0, $0x11  }
0xb8: {  	s0 =	sor.u32 s0, s1  }
0xb9: {  	s0 =	sadd.s32 $0x8F2B, s0  }
0xba: {  	[sflag:s0] =	ssyncadd.remote.s32 $0x1  }
0xbb: {  	_ =	sfence.sel $0xFFFF  }
0xbc: {  	[dreg:$0x0] =	wrdreg $0xFFFFFFFF;
	(pc) =	sbr.abs _section_cstart, $3  }
0xbd: {  	[dreg:$0x1] =	wrdreg $0xFFFFFFFF  }
0xbe: {  	_ =	task.clear_ibuf [dreg:s4], $0x2FFFF;
	_ =	strace $0x9FFFFFFF  }
0xbf: {  	(tm) =	ssettm $0x7FFFFFFF  }
tec
execute0_lowered:
.L_overlay_start_1:
0x0: {  	(tag) =	ssettag $0x1  }
0x1: {  	s8 =	rddreg [dreg:$0x0]  }
0x2: {  	s0 =	rddreg [dreg:$0x1];
	_ =	strace $0x8000004A  }
0x3: {  	s1 =	stileid.u32;
	s5 =	simm.s32 $0x1;
	s6 =	simm.s32 $0x27100  }
0x4: {  	s9 =	simm.s32 $0x1;
	s10 =	simm.s32 $0x3;
	s13 =	simm.s32 $0x0  }
0x5: {  	s12 =	simm.s32 $0x0;
	s2 =	sadd.s32 $0x4800, s8;
	s4 =	smul.u32 $0x2710, s1  }
0x6: {  	s3 =	sadd.s32 $0x14400, s8;
	p0 =	slt.u32 s1, $0x2;
	[sflag:s5] =	ssyncpa.u1 $0x0  }
.Ltmp0:
0x7: {  	s6 =	simm.s32 @!p0 $0x0;
	s7 =	ssub.s32 $0x29810, s4;
	(pc) =	sbr.rel .LBB2_1-.Ltmp0, $4  }
0x8: {  	s9 =	simm.s32 @!p0 $0x0;
	p0 =	sne.s32 s7, s6;
	s7 =	simm.s32 $0x1  }
0x9: {  	s8 =	sadd.s32 $0xBB000, s8;
	s6 =	simm.s32 $0x2;
	s7 =	simm.s32 @!p0 $0x0  }
0xa: {  	s11 =	smov.u32 s4;
	[sflag:s6] =	ssyncpa.u1 $0x0;
	s7 =	sadd.s32 s9, s7  }
0xb: {  	vm0 =	vmmov $0xffff;
	[sflag:s10] =	ssyncpa.u1 $0x0;
	s10 =	simm.s32 $0x0;
	s9 =	sadd.s32 $0x1, s7  }
.LBB2_4:
0xc: {  	v2 =	vnsel vm1, $0x0, v2  }
0xd: {  	vm1 =	vgt.s32 v0, $0x0;
	v2 =	vmin.u32 v2, $0x2980F  }
0xe: {  	v0 =	vnsel vm1, $0x0, v0  }
0xf: {  	v0 =	vmin.u32 v0, $0x2980F  }
0x10: {  	[tilespmem:s18], [sflag:$0x1] =	stream.indirect_vreg.gather [hbm4b:s2+s10], $0x1, v1, vm0, $0x4038;
	[tilespmem:$0x9C40] =	vst v63  }
0x11: {  	(ifvalue) =	ssetifvalue $0x7FFFFFFF  }
0x12: {  	[tilespmem:s15], [sflag:$0x1] =	stream.indirect_vreg.gather [hbm4b:s2+s10], $0x1, v2, vm0, $0x4038;
	[tilespmem:$0x9C40] =	vst v63  }
0x13: {  	s29 =	sadd.s32 $0x10, s15;
	(ifvalue) =	ssetifvalue $0x7FFFFFFF  }
0x14: {  	[tilespmem:s29], [sflag:$0x1] =	stream.indirect_vreg.gather [hbm4b:s2+s10], $0x1, v0, vm0, $0x4038;
	[tilespmem:$0x9C40] =	vst v63  }
0x15: {  	_ =	swait.ge [sflag:s5], $0x2710  }
0x16: {  	s30 =	sshrl.u32 s13, $0x3;
	[sflag:s5] =	ssyncset.done $0x0  }
0x17: {  	s31 =	sand.u32 $0x7, s13;
	s15 =	sadd.s32 s8, s30;
	[sflag:s5] =	ssyncadd.s32 $0xFFFFD8F0  }
0x18: {  	[hbm4b:s15+s31] =	stream.linear.scatter [tilespmem:s14], [sflag:$0x3], $0x2710, $0x38;
	[tilespmem:$0x9C40] =	vst v63  }
.LBB2_5:
0x19: {  	s15 =	sadd.s32 $0x27100, s11  }
0x1a: {  	p1 =	sgt.s32 s15, $0x2980F  }
0x1b: {  	s15 =	smov.u32 @p1 s4;
	p1 =	sne.s32 s12, s9  }
.Ltmp1:
0x1c: {  	p0 =	slt.u32 s12, $0x2;
	(pc) =	sbr.rel @!p1 .LBB2_6-.Ltmp1, $4  }
0x1d: {  	s14 =	simm.s32 @!p0 $0x3  }
0x1e: {  	_ =	swait.ge @!p0 [sflag:s14], $0x2710  }
0x1f: {  	s16 =	sadd.s32 $0x1, s12;
	s13 =	smov.u32 s11;
	[sflag:s14] =	ssyncset.done @!p0 $0x0  }
0x20: {  	s12 =	smov.u32 s16;
	s11 =	smov.u32 s15;
	[sflag:s14] =	ssyncadd.s32 @!p0 $0xFFFFD8F0  }
.LBB2_1:
0x21: {  	p0 =	sge.u32 s12, s7  }
0x22: {  	s14 =	sxor.u32 @!p0 $0x1, s12  }
0x23: {  	s14 =	smul.u32 @!p0 $0x9C40, s14  }
0x24: {  	s31 =	sadd.s32 $0xFFFFFFFF, s12;
	s15 =	sshrl.u32 @!p0 s11, $0x3  }
0x25: {  	s16 =	sand.u32 @!p0 $0x7, s11;
	s15 =	sadd.s32 @!p0 s3, s15;
	s14 =	sshra.s32 @!p0 s14, $0x2  }
0x26: {  	[tilespmem:s14], [sflag:$0x2] =	stream.linear.gather @!p0 [hbm4b:s15+s16], $0x2710, $0x38;
	[tilespmem:$0x9C40] =	vst v63  }
0x27: {  	p0 =	sge.u32 s31, s7  }
.Ltmp2:
0x28: {  	_ = 	snop;
	(pc) =	sbr.rel @p0 .LBB2_5-.Ltmp2, $1  }
0x29: {  	_ =	sdelay $0x3  }
0x2a: {  	s14 =	sand.u32 $0x1, s12  }
0x2b: {  	_ =	swait.ge [sflag:s6], $0x2710;
	p0 =	seq.s32 s14, $0x1;
	s14 =	simm.s32 $0x2710  }
0x2c: {  	[sflag:s6] =	ssyncset.done $0x0;
	s14 =	simm.s32 @!p0 $0x0  }
0x2d: {  	[sflag:s6] =	ssyncadd.s32 $0xFFFFD8F0;
	(ifvalue) =	ssetifvalue $0x7FFFFFFF;
	v0 =	vld.msk [tilespmem:s14+$0x0 ss:$0x1], $0xffff;
	_ =	sdelay $0x4  }
0x2e: {  	s15 =	sadd.s32 $0x10, s14;
	vm1 =	vgt.s32 v0, $0x0  }
0x2f: {  	v2 =	vld.msk [tilespmem:s15+$0x0 ss:$0x1], $0xffff;
	v1 =	vnsel vm1, $0x0, v0  }
0x30: {  	v1 =	vmin.u32 v1, $0x2980F;
	_ =	sdelay $0x2  }
0x31: {  	s17 =	simm.s32 $0x20;
	s14 =	sadd.s32 $0x4E20, s14;
	s16 =	sadd.s32 $0x10, s15  }
0x32: {  	s15 =	sadd.s32 $0x10, s14;
	s18 =	smov.u32 s14;
	v0 =	vld.msk [tilespmem:s16+$0x0 ss:$0x1], $0xffff;
	vm1 =	vgt.s32 v2, $0x0;
	(ifvalue) =	ssetifvalue $0x7FFFFFFF  }
.LBB2_3:
0x33: {  	[tilespmem:s18], [sflag:$0x1] =	stream.indirect_vreg.gather [hbm4b:s2+s10], $0x1, v1, vm0, $0x4038;
	[tilespmem:$0x9C40] =	vst v63  }
0x34: {  	s17 =	sadd.s32 $0x10, s17  }
0x35: {  	v2 =	vnsel vm1, $0x0, v2;
	p0 =	slt.u32 s17, $0x2700  }
.Ltmp3:
0x36: {  	s18 =	smov.u32 s15;
	v1 =	vmin.u32 v2, $0x2980F;
	(pc) =	sbr.rel @p0 .LBB2_3-.Ltmp3, $3  }
0x37: {  	_ =	sdelay $0x1  }
0x38: {  	s16 =	sadd.s32 $0x10, s16  }
0x39: {  	vm1 =	vgt.s32 v0, $0x0;
	s15 =	sadd.s32 $0x10, s15;
	v2 =	vmov v0;
	(ifvalue) =	ssetifvalue $0x7FFFFFFF;
	v0 =	vld.msk [tilespmem:s16+$0x0 ss:$0x1], $0xffff  }
.Ltmp4:
0x3a: {  	_ = 	snop;
	(pc) =	sbr.rel .LBB2_4-.Ltmp4, $1  }
0x3b: {  	_ =	sdelay $0x3  }
.LBB2_6:
0x3c: {  	_ =	sfence.sel $0x180000  }
0x3d: {  	s2 =	simm.s32 $0x2;
	[bflag:$0x0] =	sbarrier.arrive $0xFFFF  }
0x3e: {  	s30 =	simm.s32 $0x3;
	[sflag:s2] =	ssyncpa.u1 $0x1  }
0x3f: {  	s31 =	simm.s32 $0x1;
	[sflag:s30] =	ssyncpa.u1 $0x1  }
0x40: {  	[sflag:s31] =	ssyncpa.u1 $0x1  }
0x41: {  	p0 =	sne.s32 s1, $0x0;
	_ =	strace $0x9000004A  }
0x42: {  	s0 =	sadd.s32 @!p0 $0x100000, s0;
	[bflag:$0x2] =	sbarrier.arrive $0xFFFF  }
0x43: {  	[sflag:s0] =	ssyncadd.tile.s32 @!p0 $0x1;
	_ =	shalt  }
.Lfunc_end2:
_tile_overlayer_lowered:
.L_overlay_start_2:
0x44: {  	(tag) =	ssettag $0x2  }
0x45: {  	s0 =	rddreg [dreg:$0x0];
	s2 =	stileid.u32  }
0x46: {  	s1 =	rddreg [dreg:$0x1];
	p0 =	sne.s32 s2, $0x0  }
0x47: {  	s3 =	rddreg [dreg:$0x2];
	[bflag:$0x3] =	sbarrier.arrive $0xFFFF;
	s2 =	simm.s32 @!p0 $0x1C01  }
0x48: {  	[timem:s3], [sflag:s2] =	dma.local @!p0 [hbm:s0], s1  }
0x49: {  	s0 =	simm.s32 @!p0 $0x1  }
0x4a: {  	_ =	swait.ge @!p0 [sflag:s0], s1  }
0x4b: {  	s1 =	ssub.s32 @!p0 $0x0, s1;
	[sflag:s0] =	ssyncset.done @!p0 $0x0  }
0x4c: {  	[sflag:s0] =	ssyncadd.s32 @!p0 s1  }
0x4d: {  	[bflag:$0x3] =	sbarrier.arrive $0xFFFF  }
0x4e: {  	_ =	shalt  }

// kernel: kernel.10.cloned.1.call-start
scs
__scs_entry_jumppad:
0x0: {  	(pc) =	sbr.rel $0x88, $3  }
0x1: {  	(tag) =	ssettag $0x0;
	lr =	simm.s32 $0x1  }
0x2: {  	[smem:$0x3F89] =	sst lr;
	_ =	strace $0xD0000000  }
0x3: {  	_ = 	snop  }
0x4: {  	_ = 	snop  }
0x5: {  	_ = 	snop  }
0x6: {  	_ = 	snop  }
0x7: {  	_ = 	snop  }
__scs_overlays_trampoline_lowered:
0x8: {  	[smem:$0x3F98] =	sst s0  }
0x9: {  	[smem:$0x3F99] =	sst s1  }
0xa: {  	[smem:$0x3F9A] =	sst s2  }
0xb: {  	[smem:$0x3F9B] =	sst s3  }
0xc: {  	[smem:$0x3F9C] =	sst s4  }
0xd: {  	[smem:$0x3F9D] =	sst s5  }
0xe: {  	[smem:$0x3F9E] =	sst s6  }
0xf: {  	[smem:$0x3F9F] =	sst s7  }
0x10: {  	[smem:$0x3FA0] =	sst s8  }
0x11: {  	[smem:$0x3FA1] =	sst s9;
	s0 =	simm.s32 @!p0 $0x0  }
0x12: {  	s1 =	sld [smem:$0x3F87];
	s0 =	simm.s32 @p0 $0x1  }
0x13: {  	[smem:$0x3FA2] =	sst s0;
	s0 =	simm.s32 @!p1 $0x0  }
0x14: {  	s2 =	sld [smem:$0x3F86];
	s0 =	simm.s32 @p1 $0x1  }
0x15: {  	[smem:$0x3FA3] =	sst s0;
	s0 =	simm.s32 @!p2 $0x0  }
0x16: {  	s3 =	sld [smem:$0x3FDB];
	s0 =	simm.s32 @p2 $0x1  }
0x17: {  	s4 =	simm.s32 $0x1BF5;
	[smem:$0x3FA5] =	sst s0  }
0x18: {  	s0 =	sld [smem:$0x3F88];
	_ =	swait.ge [sflag:s4], $0x0  }
0x19: {  	s7 =	sld [smem:$0x3F89]  }
0x1a: {  	s8 =	sadd.s32 $0xFFFFE003, lr  }
0x1b: {  	s9 =	sadd.s32 $0xFFFFFEF7, lr;
	s5 =	simm.s32 $0xFFFFFFFF;
	p2 =	slt.u32 s8, $0xFFFFF086  }
0x1c: {  	p1 =	slt.u32 s9, $0xF7A;
	s5 =	simm.s32 @!p2 $0x0  }
0x1d: {  	s5 =	simm.s32 @p1 $0x1;
	p0 =	seq.s32 s7, s2  }
0x1e: {  	s7 =	smul.u32 @!p0 $0xF7A, s2;
	p2 =	seq.s32 @!p0 s5, $0x0  }
0x1f: {  	s9 =	smul.u32 $0xF7A, s1;
	s8 =	simm.s32 @!p0 $0x1BF5;
	p2 =	por !p2, p0  }
0x20: {  	[sflag:s8] =	ssyncset.s32 @!p0 $0xFFFFF086;
	s6 =	sadd.s32 @!p0 s3, s7;
	s7 =	simm.s32 @!p0 $0x108  }
0x21: {  	s3 =	sadd.s32 s3, s9;
	s6 =	sadd.s32 @!p0 $0x88, s6;
	s7 =	simm.s32 @p2 $0x1082  }
0x22: {  	[simem:s7], [sflag:s8] =	dma.local @!p0 [hbm:s6], $0xF7A  }
0x23: {  	s9 =	sor.u32 $0xD0000000, s2;
	s6 =	simm.s32 $0x108;
	_ =	swait.ge @!p0 [sflag:s8], $0x0  }
0x24: {  	s3 =	sadd.s32 $0x88, s3;
	s6 =	simm.s32 @!p1 $0x1082;
	[sflag:s4] =	ssyncset.s32 $0xFFFFF086  }
0x25: {  	[simem:s6], [sflag:s4] =	dma.local [hbm:s3], $0xF7A  }
0x26: {  	[smem:$0x3F89] =	sst s1;
	(tag) =	ssettag s2;
	_ =	strace s9  }
0x27: {  	s1 =	sld [smem:$0x3F99]  }
0x28: {  	s2 =	sld [smem:$0x3F9A]  }
0x29: {  	s4 =	sld [smem:$0x3F9C]  }
0x2a: {  	p0 =	seq.s32 s5, $0x0;
	s5 =	sld [smem:$0x3F9D]  }
0x2b: {  	s6 =	sld [smem:$0x3F9E]  }
0x2c: {  	s7 =	sld [smem:$0x3F9F]  }
0x2d: {  	s3 =	simm.s32 $0x108;
	s8 =	sld [smem:$0x3FA0]  }
0x2e: {  	s3 =	simm.s32 @!p0 $0x1082;
	s9 =	sld [smem:$0x3FA1]  }
0x2f: {  	lr =	sadd.s32 s0, s3;
	s0 =	sld [smem:$0x3F98]  }
0x30: {  	s3 =	sld [smem:$0x3F9B]  }
0x31: {  	[smem:$0x3FA4] =	sst s10  }
0x32: {  	s10 =	sld [smem:$0x3FA2];
	_ =	sdelay $0x3  }
0x33: {  	p0 =	seq.s32 s10, $0x1;
	s10 =	sld [smem:$0x3FA4];
	_ =	sdelay $0x3  }
0x34: {  	[smem:$0x3FA4] =	sst s10  }
0x35: {  	s10 =	sld [smem:$0x3FA3];
	_ =	sdelay $0x3  }
0x36: {  	p1 =	seq.s32 s10, $0x1;
	s10 =	sld [smem:$0x3FA4];
	_ =	sdelay $0x3  }
0x37: {  	[smem:$0x3FA4] =	sst s10  }
0x38: {  	s10 =	sld [smem:$0x3FA5]  }
0x39: {  	_ = 	snop;
	(pc) =	sbr.ind lr, $3  }
0x3a: {  	_ = 	snop  }
0x3b: {  	_ = 	snop  }
0x3c: {  	p2 =	seq.s32 s10, $0x1;
	s10 =	sld [smem:$0x3FA4]  }
0x3d: {  	_ =	shalt  }
0x3e: {  	_ =	shalt  }
0x3f: {  	_ =	shalt  }
0x40: {  	_ =	shalt  }
0x41: {  	_ =	shalt  }
0x42: {  	_ =	shalt  }
0x43: {  	_ =	shalt  }
0x44: {  	_ =	shalt  }
0x45: {  	_ =	shalt  }
0x46: {  	_ =	shalt  }
0x47: {  	_ =	shalt  }
0x48: {  	_ =	shalt  }
0x49: {  	_ =	shalt  }
0x4a: {  	_ =	shalt  }
0x4b: {  	_ =	shalt  }
0x4c: {  	_ =	shalt  }
0x4d: {  	_ =	shalt  }
0x4e: {  	_ =	shalt  }
0x4f: {  	_ =	shalt  }
0x50: {  	_ =	shalt  }
0x51: {  	_ =	shalt  }
0x52: {  	_ =	shalt  }
0x53: {  	_ =	shalt  }
0x54: {  	_ =	shalt  }
0x55: {  	_ =	shalt  }
0x56: {  	_ =	shalt  }
0x57: {  	_ =	shalt  }
0x58: {  	_ =	shalt  }
0x59: {  	_ =	shalt  }
0x5a: {  	_ =	shalt  }
0x5b: {  	_ =	shalt  }
0x5c: {  	_ =	shalt  }
0x5d: {  	_ =	shalt  }
0x5e: {  	_ =	shalt  }
0x5f: {  	_ =	shalt  }
0x60: {  	_ =	shalt  }
0x61: {  	_ =	shalt  }
0x62: {  	_ =	shalt  }
0x63: {  	_ =	shalt  }
0x64: {  	_ =	shalt  }
0x65: {  	_ =	shalt  }
0x66: {  	_ =	shalt  }
0x67: {  	_ =	shalt  }
0x68: {  	_ =	shalt  }
0x69: {  	_ =	shalt  }
0x6a: {  	_ =	shalt  }
0x6b: {  	_ =	shalt  }
0x6c: {  	_ =	shalt  }
0x6d: {  	_ =	shalt  }
0x6e: {  	_ =	shalt  }
0x6f: {  	_ =	shalt  }
0x70: {  	_ =	shalt  }
0x71: {  	_ =	shalt  }
0x72: {  	_ =	shalt  }
0x73: {  	_ =	shalt  }
0x74: {  	_ =	shalt  }
0x75: {  	_ =	shalt  }
0x76: {  	_ =	shalt  }
0x77: {  	_ =	shalt  }
0x78: {  	_ =	shalt  }
0x79: {  	_ =	shalt  }
0x7a: {  	_ =	shalt  }
0x7b: {  	_ =	shalt  }
0x7c: {  	_ =	shalt  }
0x7d: {  	_ =	shalt  }
0x7e: {  	_ =	shalt  }
0x7f: {  	_ =	shalt  }
0x80: {  	_ =	shalt  }
0x81: {  	_ =	shalt  }
0x82: {  	_ =	shalt  }
0x83: {  	_ =	shalt  }
0x84: {  	_ =	shalt  }
0x85: {  	_ =	shalt  }
0x86: {  	_ =	shalt  }
0x87: {  	_ =	shalt  }
.Lfunc_end0:
.L_simem_size_0:
called_computation.3_lowered:
.L_overlay_start_0:
0x88: {  	s2 =	sld [smem:$0x3FD9]  }
0x89: {  	s3 =	sld [smem:$0x3FFE];
	_ =	sdelay $0x1  }
0x8a: {  	s1 =	srdreg.scid  }
0x8b: {  	s0 =	sand.u32 $0x1, s1  }
0x8c: {  	s17 =	sshll.u32 s0, $0xA;
	s2 =	sadd.s32 s3, s2  }
0x8d: {  	s2 =	sadd.s32 s2, s17  }
0x8e: {  	[smem:$0x3FB0] =	sst s2  }
0x8f: {  	_ = 	snop  }
0x90: {  	s2 =	sld [smem:$0x3FBD]  }
0x91: {  	s18 =	sld [smem:$0x3FD0];
	(tm) =	ssettm $0x1  }
0x92: {  	s4 =	sld [smem:$0x3FFB];
	_ =	sdelay $0x3  }
0x93: {  	_ =	strace s4  }
0x94: {  	s4 =	sld [smem:$0x3FFC];
	_ =	sdelay $0x3  }
0x95: {  	_ =	strace s4  }
0x96: {  	s4 =	sld [smem:$0x3FFD];
	_ =	sdelay $0x3  }
0x97: {  	_ =	strace s4  }
0x98: {  	_ =	strace $0x8FFFFFFF  }
0x99: {  	s19 =	sld [smem:$0x3FDB];
	_ =	sdelay $0x1  }
0x9a: {  	s5 =	simm.s32 $_scs_section_size  }
0x9b: {  	s6 =	simm.s32 $_size__tile_overlayer_lowered;
	s7 =	simm.s32 $_tile_overlayer_lowered  }
0x9c: {  	s22 =	simm.s32 $0x1BFF;
	s21 =	sshll.u32 s7, $0x1;
	s4 =	sadd.s32 s5, s19  }
0x9d: {  	s8 =	simm.s32 $0x0;
	s20 =	sshll.u32 s6, $0x1;
	s6 =	sadd.s32 s21, s4  }
0x9e: {  	[timem:s8], [sflag:s22] =	dma.local [hbm:s6], s20  }
0x9f: {  	_ =	swait.ge [sflag:s22], s20  }
0xa0: {  	s5 =	ssub.s32 $0x0, s20;
	[sflag:s22] =	ssyncset.done $0x0  }
0xa1: {  	[sflag:s22] =	ssyncadd.s32 s5;
	_ =	sdelay $0x1  }
0xa2: {  	s23 =	simm.s32 $0x1B8B  }
0xa3: {  	_ =	swait.ge [sflag:s23], $0x1  }
0xa4: {  	[sflag:s23] =	ssyncset.done $0x0  }
0xa5: {  	s25 =	simm.s32 $0x1B8E;
	s24 =	sld [smem:$0x3FFE];
	[sflag:s23] =	ssyncadd.s32 $0xFFFFFFFF  }
0xa6: {  	s26 =	simm.s32 $execute0_lowered;
	[smem:$0x3FD2] =	sst s25  }
0xa7: {  	s6 =	sshll.u32 s26, $0x1;
	_ =	strace $0x8000004F;
	[dreg:$0x1] =	wrdreg $0xFFFFFFFF  }
0xa8: {  	s28 =	simm.s32 $_size_execute0_lowered;
	s4 =	sadd.s32 s4, s6;
	[dreg:$0x0] =	wrdreg $0x0  }
0xa9: {  	s6 =	sshll.u32 s28, $0x1;
	[dreg:$0x2] =	wrdreg s4  }
0xaa: {  	[dreg:$0x3] =	wrdreg s6  }
0xab: {  	[dreg:$0x4] =	wrdreg $0xC0  }
0xac: {  	_ =	task [dreg:s8], $0x5FFFF  }
0xad: {  	[dreg:$0x1] =	wrdreg $0xFFFFFFFF  }
0xae: {  	[dreg:$0x0] =	wrdreg $0x60  }
0xaf: {  	[dreg:$0x2] =	wrdreg s24  }
0xb0: {  	[dreg:$0x3] =	wrdreg s2  }
0xb1: {  	[dreg:$0x4] =	wrdreg s18  }
0xb2: {  	[dreg:$0x5] =	wrdreg $0x9  }
0xb3: {  	_ =	task.clear_ibuf [dreg:s8], $0x6FFFF;
	_ =	strace $0x9000004F  }
0xb4: {  	s29 =	simm.s32 $0x9;
	_ =	strace $0x80000051  }
0xb5: {  	_ =	swait.ge [sflag:s29], $0x1  }
0xb6: {  	[sflag:s29] =	ssyncadd.s32 $0xFFFFFFFF  }
0xb7: {  	_ =	strace $0x90000051  }
0xb8: {  	_ =	sfence  }
0xb9: {  	s30 =	sld [smem:$0x0];
	_ =	sdelay $0x2  }
0xba: {  	s31 =	sshll.u32 s1, $0xD;
	s1 =	sshrl.u32 s1, $0x2  }
0xbb: {  	s3 =	sand.u32 $0x4000, s31;
	s1 =	sadd.s32 s1, s30  }
0xbc: {  	s0 =	sor.u32 s3, s0;
	s1 =	sshll.u32 s1, $0x11  }
0xbd: {  	s0 =	sor.u32 s1, s0  }
0xbe: {  	s0 =	sadd.s32 $0x8F2B, s0  }
0xbf: {  	[sflag:s0] =	ssyncadd.remote.s32 $0x1  }
0xc0: {  	_ =	sfence.sel $0xFFFF  }
0xc1: {  	[dreg:$0x0] =	wrdreg $0xFFFFFFFF;
	(pc) =	sbr.abs _section_cstart, $3  }
0xc2: {  	[dreg:$0x1] =	wrdreg $0xFFFFFFFF  }
0xc3: {  	_ =	task.clear_ibuf [dreg:s8], $0x2FFFF;
	_ =	strace $0x9FFFFFFF  }
0xc4: {  	(tm) =	ssettm $0x7FFFFFFF  }
0xc5: {  	_ =	shalt  }
tec
execute0_lowered:
.L_overlay_start_1:
0x0: {  	(tag) =	ssettag $0x1  }
0x1: {  	s0 =	rddreg [dreg:$0x0];
	s1 =	simm.s32 $0x0;
	s21 =	srdreg.scid  }
0x2: {  	s3 =	stileid.u32;
	s18 =	simm.s32 $0x3;
	s28 =	simm.s32 $0x1B00  }
0x3: {  	s29 =	simm.s32 $0x2300;
	s30 =	simm.s32 $0x2B00;
	s31 =	simm.s32 $0x3300  }
0x4: {  	s19 =	simm.s32 $0x5B00;
	s20 =	simm.s32 $0x6300;
	s12 =	simm.s32 $0x6B00  }
0x5: {  	v0 =	vimm.s32 $0xEFCDAB89;
	v1 =	vimm.s32 $0x67452301;
	s13 =	simm.s32 $0x7300;
	s14 =	simm.s32 $0x7B00;
	s15 =	simm.s32 $0x2  }
0x6: {  	v2 =	vimm.s32 $0xDCFE98BA;
	v4 =	vimm.s32 $0xBA98FEDC;
	s16 =	simm.s32 $0x0;
	[smem:$0x7FF] =	sst s1;
	s1 =	sand.u32 $0x1, s21  }
0x7: {  	v5 =	vimm.s32 $0x32107654;
	s5 =	sadd.s32 $0x65000, s0;
	s6 =	sadd.s32 $0x16E00, s0;
	s7 =	sadd.s32 $0x4800, s0  }
0x8: {  	v6 =	vlaneseq.u32;
	v7 =	vimm.s32 $0xFEDCBA98;
	s9 =	sadd.s32 $0xF000, s0;
	s11 =	sadd.s32 $0x9C00, s0;
	s22 =	sadd.s32 $0x14400, s0  }
0x9: {  	v8 =	vimm.s32 $0x76543210;
	v0 =	vunpack.c.l.s4.s8 v0;
	v1 =	vunpack.c.l.s4.s8 v1;
	s25 =	sadd.s32 $0x101000, s0;
	s21 =	simm.s32 $0x1;
	s2 =	sshll.u32 s1, $0x4  }
0xa: {  	vm0 =	vmmov $0xffff;
	v2 =	vunpack.c.l.s4.s8 v2;
	v4 =	vunpack.c.l.s4.s8 v4;
	_ =	strace $0x80000050;
	s1 =	ssub.s32 $0x2, s1;
	s8 =	sor.u32 s3, s2  }
0xb: {  	v5 =	vunpack.c.l.s4.s8 v5;
	[dreg:$0x5] =	wrdreg s22;
	s4 =	sshrl.u32 s1, $0x1;
	v3 =	vunpack.c.0.s8.s32 v0;
	v1 =	vunpack.c.0.s8.s32 v1;
	s10 =	smul.u32 $0x140, s8  }
0xc: {  	v7 =	vunpack.c.l.s4.s8 v7;
	v8 =	vunpack.c.l.s4.s8 v8;
	[dreg:$0x8] =	wrdreg s25;
	v4 =	vunpack.c.0.s8.s32 v4;
	s2 =	smul.u32 $0x2800, s8;
	s1 =	ssub.s32 s1, s4  }
0xd: {  	v5 =	vunpack.c.0.s8.s32 v5;
	[dreg:$0x4] =	wrdreg s8;
	p0 =	seq.s32 s8, $0x1F;
	s4 =	simm.s32 $0x4300;
	v1 =	vcombine.low v1, v3;
	v3 =	vimm.s32 $0x54761032  }
.Ltmp0:
0xe: {  	vm1 =	vmmov $0x1;
	v7 =	vunpack.c.0.s8.s32 v7;
	s26 =	smax.u32 s1, $0x1;
	s2 =	sadd.s32 s2, s0;
	v3 =	vunpack.c.l.s4.s8 v3;
	(pc) =	sbr.rel .LBB2_1-.Ltmp0, $4  }
0xf: {  	v2 =	vunpack.c.0.s8.s32 v2;
	v8 =	vunpack.c.0.s8.s32 v8;
	v4 =	vcombine.low v5, v4;
	s23 =	sshrl.u32 s10, $0x3;
	[dreg:$0xa] =	wrdreg s26;
	s2 =	sadd.s32 $0xB3800, s2  }
0x10: {  	v5 =	vshrl.u32 v6, $0x3;
	v7 =	vand.u32 $0xF, v7;
	s3 =	sadd.s32 s23, s0;
	s0 =	sadd.s32 $0xB36D8, s0;
	[dreg:$0x6] =	wrdreg s2;
	v3 =	vunpack.c.0.s8.s32 v3  }
0x11: {  	v0 =	vimm.f32 $0.0e+00;
	s1 =	simm.s32 $0x4B00;
	v5 =	vmul.u32 $0x8, v5;
	v7 =	vcombine.low v7, v8;
	s24 =	sadd.s32 $0xB3200, s3;
	[dreg:$0x9] =	wrdreg s0  }
0x12: {  	s0 =	simm.s32 $0x3B00;
	s2 =	simm.s32 $0x5300;
	[dreg:$0x7] =	wrdreg s24;
	v2 =	vcombine.low v3, v2;
	v3 =	vand.u32 $0x7, v6;
	v6 =	vor.u32 $0x8, v6  }
.LBB2_5:
0x13: {  	s3 =	simm.s32 @p0 $0x0;
	s8 =	simm.s32 @p0 $0x8300;
	s16 =	rddreg [dreg:$0x8]  }
0x14: {  	[hbm4b:s16+s3] =	stream.linear.scatter @p0 [tilespmem:s8], [sflag:$0x3], $0x5000, $0x38;
	[tilespmem:$0x1CC80] =	vst v63  }
0x15: {  	s8 =	simm.s32 @p0 $0x3  }
0x16: {  	_ =	swait.ge @p0 [sflag:s8], $0x5000  }
0x17: {  	[sflag:s8] =	ssyncset.done @p0 $0x0  }
0x18: {  	s16 =	simm.s32 @p0 $0x1CB00;
	s17 =	rddreg [dreg:$0x9];
	[sflag:s8] =	ssyncadd.s32 @p0 $0xFFFFB000  }
0x19: {  	[hbm4b:s17+s3] =	stream.linear.scatter @p0 [tilespmem:s16], [sflag:$0x3], $0x50, $0x38;
	[tilespmem:$0x1CC80] =	vst v63  }
0x1a: {  	_ =	swait.ge @p0 [sflag:s8], $0x50  }
0x1b: {  	s3 =	simm.s32 @!p0 $0x0;
	[sflag:s8] =	ssyncset.done @p0 $0x0  }
0x1c: {  	s16 =	rddreg [dreg:$0x6];
	[sflag:s8] =	ssyncadd.s32 @p0 $0xFFFFFFB0;
	s8 =	simm.s32 @!p0 $0x8300  }
0x1d: {  	[hbm4b:s16+s3] =	stream.linear.scatter @!p0 [tilespmem:s8], [sflag:$0x3], $0x14000, $0x38;
	[tilespmem:$0x1CC80] =	vst v63  }
0x1e: {  	s8 =	simm.s32 @!p0 $0x3  }
0x1f: {  	_ =	swait.ge @!p0 [sflag:s8], $0x14000  }
0x20: {  	[sflag:s8] =	ssyncset.done @!p0 $0x0  }
0x21: {  	s16 =	simm.s32 @!p0 $0x1CB00;
	s17 =	rddreg [dreg:$0x7];
	[sflag:s8] =	ssyncadd.s32 @!p0 $0xFFFEC000  }
0x22: {  	[hbm4b:s17+s3] =	stream.linear.scatter @!p0 [tilespmem:s16], [sflag:$0x3], $0x140, $0x38;
	[tilespmem:$0x1CC80] =	vst v63  }
0x23: {  	_ =	swait.ge @!p0 [sflag:s8], $0x140  }
0x24: {  	s25 =	rddreg [dreg:$0xb]  }
0x25: {  	s26 =	rddreg [dreg:$0xa];
	s16 =	sadd.s32 $0x1, s25  }
0x26: {  	p1 =	sne.s32 s16, s26  }
.Ltmp1:
0x27: {  	_ = 	snop;
	(pc) =	sbr.rel @!p1 .LBB2_6-.Ltmp1, $3  }
0x28: {  	_ =	sdelay $0x1  }
0x29: {  	[sflag:s8] =	ssyncset.done @!p0 $0x0  }
0x2a: {  	[sflag:s8] =	ssyncadd.s32 @!p0 $0xFFFFFEC0  }
.LBB2_1:
0x2b: {  	[dreg:$0xb] =	wrdreg s16  }
0x2c: {  	s3 =	rddreg [dreg:$0x1];
	s8 =	simm.s32 $0x0  }
0x2d: {  	[tilespmem:s8], [sflag:$0x3] =	stream.linear.gather [hbm4b:s3+s8], $0x100, $0x38;
	[tilespmem:$0x1CC80] =	vst v63  }
0x2e: {  	_ =	swait.ge [sflag:s18], $0x100  }
0x2f: {  	[sflag:s18] =	ssyncset.done $0x0  }
0x30: {  	[sflag:s18] =	ssyncadd.s32 $0xFFFFFF00  }
0x31: {  	s22 =	simm.s32 $0x100;
	s17 =	rddreg [dreg:$0x2]  }
0x32: {  	[tilespmem:s22], [sflag:$0x3] =	stream.linear.gather [hbm4b:s17+s8], $0x80, $0x38;
	[tilespmem:$0x1CC80] =	vst v63  }
0x33: {  	_ =	swait.ge [sflag:s18], $0x80  }
0x34: {  	[sflag:s18] =	ssyncset.done $0x0  }
0x35: {  	s24 =	simm.s32 $0x8300;
	s23 =	rddreg [dreg:$0x5];
	[sflag:s18] =	ssyncadd.s32 $0xFFFFFF80  }
0x36: {  	[tilespmem:s24], [sflag:$0x3] =	stream.linear.gather [hbm4b:s23+s8], $0x14800, $0x38;
	[tilespmem:$0x1CC80] =	vst v63  }
0x37: {  	_ =	swait.ge [sflag:s18], $0x14800  }
0x38: {  	[sflag:s18] =	ssyncset.done $0x0  }
0x39: {  	[sflag:s18] =	ssyncadd.s32 $0xFFFEB800  }
0x3a: {  	[tilespmem:$0x1CB00] =	vst v0  }
0x3b: {  	[tilespmem:$0x1CB10] =	vst v0  }
0x3c: {  	[tilespmem:$0x1CB20] =	vst v0  }
0x3d: {  	[tilespmem:$0x1CB30] =	vst v0  }
0x3e: {  	[tilespmem:$0x1CB40] =	vst v0  }
0x3f: {  	[tilespmem:$0x1CB50] =	vst v0  }
0x40: {  	[tilespmem:$0x1CB60] =	vst v0  }
0x41: {  	[tilespmem:$0x1CB70] =	vst v0  }
0x42: {  	[tilespmem:$0x1CB80] =	vst v0  }
0x43: {  	[tilespmem:$0x1CB90] =	vst v0  }
0x44: {  	[tilespmem:$0x1CBA0] =	vst v0  }
0x45: {  	[tilespmem:$0x1CBB0] =	vst v0  }
0x46: {  	[tilespmem:$0x1CBC0] =	vst v0  }
0x47: {  	[tilespmem:$0x1CBD0] =	vst v0  }
0x48: {  	[tilespmem:$0x1CBE0] =	vst v0  }
0x49: {  	[tilespmem:$0x1CBF0] =	vst v0  }
0x4a: {  	[tilespmem:$0x1CC00] =	vst v0  }
0x4b: {  	[tilespmem:$0x1CC10] =	vst v0  }
0x4c: {  	[tilespmem:$0x1CC20] =	vst v0  }
0x4d: {  	[tilespmem:$0x1CC30] =	vst v0  }
0x4e: {  	[tilespmem:$0x1CC40] =	vst v0  }
0x4f: {  	s25 =	rddreg [dreg:$0x4];
	[tilespmem:$0x1CC50] =	vst v0  }
0x50: {  	v8 =	vld [tilespmem:s25+$0x100];
	_ =	sdelay $0x4  }
0x51: {  	(v2sf) =	vpush v8, $0x0;
	_ =	sdelay $0x6  }
0x52: {  	(v2sf) =	vpush v8, $0x1;
	_ =	sdelay $0x7  }
0x53: {  	s26 =	spop (v2sf)  }
0x54: {  	s17 =	sand.u32 $0x3F, s26  }
0x55: {  	s22 =	sshra.s32 s26, $0x1F;
	p1 =	slt.s32 s26, $0x1;
	p2 =	sne.s32 s17, $0x0  }
0x56: {  	s23 =	sshrl.u32 s22, $0x1A;
	p1 =	por !p1, !p2  }
0x57: {  	s8 =	simm.s32 $0x1;
	s3 =	sadd.s32 s23, s26;
	p1 =	por !p1, !p1  }
0x58: {  	s3 =	sshra.s32 s3, $0x6;
	s8 =	simm.s32 @!p1 $0x0  }
0x59: {  	s17 =	ssub.s32 s3, s8  }
0x5a: {  	s24 =	spop (v2sf);
	s8 =	sshll.u32 s17, $0x6  }
0x5b: {  	s3 =	ssub.s32 s24, s8  }
0x5c: {  	s3 =	sadd.s32 $0x3F, s3  }
0x5d: {  	s25 =	sand.u32 $0x3F, s3  }
0x5e: {  	s26 =	sshra.s32 s3, $0x1F;
	p6 =	slt.s32 s3, $0x1;
	p5 =	sne.s32 s25, $0x0  }
0x5f: {  	s8 =	sshrl.u32 s26, $0x1A;
	p1 =	por !p6, !p5  }
0x60: {  	s3 =	sadd.s32 s8, s3;
	s8 =	simm.s32 $0x1;
	p1 =	por !p1, !p1  }
0x61: {  	s3 =	sshra.s32 s3, $0x6;
	s8 =	simm.s32 @!p1 $0x0  }
0x62: {  	s8 =	ssub.s32 s3, s8  }
0x63: {  	p1 =	slt.s32 s8, $0x1  }
.Ltmp2:
0x64: {  	_ = 	snop;
	(pc) =	sbr.rel @p1 .LBB2_5-.Ltmp2, $2  }
0x65: {  	_ =	sdelay $0x2  }
0x66: {  	s3 =	simm.s32 $0x0  }
.LBB2_2:
0x67: {  	s16 =	sadd.s32 s17, s3  }
0x68: {  	s16 =	sshll.u32 s16, $0x3  }
0x69: {  	s22 =	sand.u32 $0x1FFFFFF8, s16  }
0x6a: {  	s24 =	simm.s32 $0x180;
	s16 =	simm.s32 $0x0;
	s23 =	sadd.s32 s7, s22  }
0x6b: {  	[tilespmem:s24], [sflag:$0x3] =	stream.linear.gather [hbm4b:s23+s16], $0x40, $0x38;
	[tilespmem:$0x1CC80] =	vst v63  }
0x6c: {  	_ =	swait.ge [sflag:s18], $0x40  }
0x6d: {  	[sflag:s18] =	ssyncset.done $0x0  }
0x6e: {  	s25 =	simm.s32 $0x200;
	s24 =	sadd.s32 s9, s22;
	[sflag:s18] =	ssyncadd.s32 $0xFFFFFFC0  }
0x6f: {  	[tilespmem:s25], [sflag:$0x3] =	stream.linear.gather [hbm4b:s24+s16], $0x40, $0x38;
	[tilespmem:$0x1CC80] =	vst v63  }
0x70: {  	_ =	swait.ge [sflag:s18], $0x40  }
0x71: {  	[sflag:s18] =	ssyncset.done $0x0  }
0x72: {  	s26 =	sadd.s32 s11, s22;
	s22 =	simm.s32 $0x280;
	[sflag:s18] =	ssyncadd.s32 $0xFFFFFFC0  }
0x73: {  	[tilespmem:s22], [sflag:$0x3] =	stream.linear.gather [hbm4b:s26+s16], $0x40, $0x38;
	[tilespmem:$0x1CC80] =	vst v63  }
0x74: {  	_ =	swait.ge [sflag:s18], $0x40  }
0x75: {  	[sflag:s18] =	ssyncset.done $0x0  }
0x76: {  	[sflag:s18] =	ssyncadd.s32 $0xFFFFFFC0  }
0x77: {  	v8 =	vld [tilespmem:$0x180];
	_ =	sdelay $0x4  }
0x78: {  	v9 =	vshll.u32 v8, $0x1  }
0x79: {  	v8 =	vand.u32 $0x7, v8;
	v9 =	vand.u32 $0xFFFFFFF0, v9  }
0x7a: {  	v8 =	vor.u32 v8, v9  }
0x7b: {  	v9 =	vperm.xlane v8, v3;
	_ =	sdelay $0x1  }
0x7c: {  	v8 =	vperm.xlane v8, v6;
	v9 =	vadd.s32 v5, v9;
	_ =	sdelay $0x1  }
0x7d: {  	v8 =	vadd.s32 v5, v8;
	_ =	sdelay $0x1  }
0x7e: {  	s24 =	simm.s32 $0x300  }
0x7f: {  	[tilespmem:s24], [sflag:$0x1] =	stream.indirect_vreg.gather [hbm4b:s5+s16], $0x80, v9, vm0, $0xb8;
	[tilespmem:$0x1CC80] =	vst v63  }
0x80: {  	s25 =	simm.s32 $0xB00  }
0x81: {  	[tilespmem:s25], [sflag:$0x1] =	stream.indirect_vreg.gather [hbm4b:s5+s16], $0x80, v8, vm0, $0xb8;
	[tilespmem:$0x1CC80] =	vst v63  }
0x82: {  	v8 =	vld [tilespmem:$0x190];
	_ =	sdelay $0x4  }
0x83: {  	v57 =	vshll.u32 v8, $0x1  }
0x84: {  	v8 =	vand.u32 $0x7, v8;
	v9 =	vand.u32 $0xFFFFFFF0, v57  }
0x85: {  	v8 =	vor.u32 v8, v9  }
0x86: {  	v9 =	vperm.xlane v8, v3;
	_ =	sdelay $0x1  }
0x87: {  	v8 =	vperm.xlane v8, v6;
	v9 =	vadd.s32 v5, v9;
	_ =	sdelay $0x1  }
0x88: {  	v8 =	vadd.s32 v5, v8;
	_ =	sdelay $0x1  }
0x89: {  	s26 =	simm.s32 $0x1300  }
0x8a: {  	[tilespmem:s26], [sflag:$0x1] =	stream.indirect_vreg.gather [hbm4b:s5+s16], $0x80, v9, vm0, $0xb8;
	[tilespmem:$0x1CC80] =	vst v63  }
0x8b: {  	_ = 	snop  }
0x8c: {  	[tilespmem:s28], [sflag:$0x1] =	stream.indirect_vreg.gather [hbm4b:s5+s16], $0x80, v8, vm0, $0xb8;
	[tilespmem:$0x1CC80] =	vst v63  }
0x8d: {  	v8 =	vld [tilespmem:$0x1A0];
	_ =	sdelay $0x4  }
0x8e: {  	v58 =	vshll.u32 v8, $0x1  }
0x8f: {  	v8 =	vand.u32 $0x7, v8;
	v9 =	vand.u32 $0xFFFFFFF0, v58  }
0x90: {  	v8 =	vor.u32 v8, v9  }
0x91: {  	v9 =	vperm.xlane v8, v3;
	_ =	sdelay $0x1  }
0x92: {  	v8 =	vperm.xlane v8, v6;
	v9 =	vadd.s32 v5, v9;
	_ =	sdelay $0x1  }
0x93: {  	v8 =	vadd.s32 v5, v8;
	_ =	sdelay $0x2  }
0x94: {  	[tilespmem:s29], [sflag:$0x1] =	stream.indirect_vreg.gather [hbm4b:s5+s16], $0x80, v9, vm0, $0xb8;
	[tilespmem:$0x1CC80] =	vst v63  }
0x95: {  	_ = 	snop  }
0x96: {  	[tilespmem:s30], [sflag:$0x1] =	stream.indirect_vreg.gather [hbm4b:s5+s16], $0x80, v8, vm0, $0xb8;
	[tilespmem:$0x1CC80] =	vst v63  }
0x97: {  	v8 =	vld [tilespmem:$0x1B0];
	_ =	sdelay $0x4  }
0x98: {  	v59 =	vshll.u32 v8, $0x1  }
0x99: {  	v8 =	vand.u32 $0x7, v8;
	v9 =	vand.u32 $0xFFFFFFF0, v59  }
0x9a: {  	v8 =	vor.u32 v8, v9  }
0x9b: {  	v9 =	vperm.xlane v8, v3;
	_ =	sdelay $0x1  }
0x9c: {  	v8 =	vperm.xlane v8, v6;
	v9 =	vadd.s32 v5, v9;
	_ =	sdelay $0x1  }
0x9d: {  	v8 =	vadd.s32 v5, v8;
	_ =	sdelay $0x2  }
0x9e: {  	[tilespmem:s31], [sflag:$0x1] =	stream.indirect_vreg.gather [hbm4b:s5+s16], $0x80, v9, vm0, $0xb8;
	[tilespmem:$0x1CC80] =	vst v63  }
0x9f: {  	_ = 	snop  }
0xa0: {  	[tilespmem:s0], [sflag:$0x1] =	stream.indirect_vreg.gather [hbm4b:s5+s16], $0x80, v8, vm0, $0xb8;
	[tilespmem:$0x1CC80] =	vst v63  }
0xa1: {  	v8 =	vld [tilespmem:$0x200];
	_ =	sdelay $0x4  }
0xa2: {  	v60 =	vshll.u32 v8, $0x1  }
0xa3: {  	v8 =	vand.u32 $0x7, v8;
	v9 =	vand.u32 $0xFFFFFFF0, v60  }
0xa4: {  	v8 =	vor.u32 v8, v9  }
0xa5: {  	v9 =	vperm.xlane v8, v3;
	_ =	sdelay $0x1  }
0xa6: {  	v8 =	vperm.xlane v8, v6;
	v9 =	vadd.s32 v5, v9;
	_ =	sdelay $0x1  }
0xa7: {  	v8 =	vadd.s32 v5, v8;
	_ =	sdelay $0x2  }
0xa8: {  	[tilespmem:s4], [sflag:$0x2] =	stream.indirect_vreg.gather [hbm4b:s6+s16], $0x80, v9, vm0, $0xb8;
	[tilespmem:$0x1CC80] =	vst v63  }
0xa9: {  	_ = 	snop  }
0xaa: {  	[tilespmem:s1], [sflag:$0x2] =	stream.indirect_vreg.gather [hbm4b:s6+s16], $0x80, v8, vm0, $0xb8;
	[tilespmem:$0x1CC80] =	vst v63  }
0xab: {  	v8 =	vld [tilespmem:$0x210];
	_ =	sdelay $0x4  }
0xac: {  	v61 =	vshll.u32 v8, $0x1  }
0xad: {  	v8 =	vand.u32 $0x7, v8;
	v9 =	vand.u32 $0xFFFFFFF0, v61  }
0xae: {  	v8 =	vor.u32 v8, v9  }
0xaf: {  	v9 =	vperm.xlane v8, v3;
	_ =	sdelay $0x1  }
0xb0: {  	v8 =	vperm.xlane v8, v6;
	v9 =	vadd.s32 v5, v9;
	_ =	sdelay $0x1  }
0xb1: {  	v8 =	vadd.s32 v5, v8;
	_ =	sdelay $0x2  }
0xb2: {  	[tilespmem:s2], [sflag:$0x2] =	stream.indirect_vreg.gather [hbm4b:s6+s16], $0x80, v9, vm0, $0xb8;
	[tilespmem:$0x1CC80] =	vst v63  }
0xb3: {  	_ = 	snop  }
0xb4: {  	[tilespmem:s19], [sflag:$0x2] =	stream.indirect_vreg.gather [hbm4b:s6+s16], $0x80, v8, vm0, $0xb8;
	[tilespmem:$0x1CC80] =	vst v63  }
0xb5: {  	v8 =	vld [tilespmem:$0x220];
	_ =	sdelay $0x4  }
0xb6: {  	v62 =	vshll.u32 v8, $0x1  }
0xb7: {  	v8 =	vand.u32 $0x7, v8;
	v9 =	vand.u32 $0xFFFFFFF0, v62  }
0xb8: {  	v8 =	vor.u32 v8, v9  }
0xb9: {  	v9 =	vperm.xlane v8, v3;
	_ =	sdelay $0x1  }
0xba: {  	v8 =	vperm.xlane v8, v6;
	v9 =	vadd.s32 v5, v9;
	_ =	sdelay $0x1  }
0xbb: {  	v8 =	vadd.s32 v5, v8;
	_ =	sdelay $0x2  }
0xbc: {  	[tilespmem:s20], [sflag:$0x2] =	stream.indirect_vreg.gather [hbm4b:s6+s16], $0x80, v9, vm0, $0xb8;
	[tilespmem:$0x1CC80] =	vst v63  }
0xbd: {  	_ = 	snop  }
0xbe: {  	[tilespmem:s12], [sflag:$0x2] =	stream.indirect_vreg.gather [hbm4b:s6+s16], $0x80, v8, vm0, $0xb8;
	[tilespmem:$0x1CC80] =	vst v63  }
0xbf: {  	v8 =	vld [tilespmem:$0x230];
	_ =	sdelay $0x4  }
0xc0: {  	v63 =	vshll.u32 v8, $0x1  }
0xc1: {  	v8 =	vand.u32 $0x7, v8;
	v9 =	vand.u32 $0xFFFFFFF0, v63  }
0xc2: {  	v8 =	vor.u32 v8, v9  }
0xc3: {  	v9 =	vperm.xlane v8, v3;
	_ =	sdelay $0x1  }
0xc4: {  	v8 =	vperm.xlane v8, v6;
	v9 =	vadd.s32 v5, v9;
	_ =	sdelay $0x1  }
0xc5: {  	v8 =	vadd.s32 v5, v8;
	_ =	sdelay $0x2  }
0xc6: {  	[tilespmem:s13], [sflag:$0x2] =	stream.indirect_vreg.gather [hbm4b:s6+s16], $0x80, v9, vm0, $0xb8;
	[tilespmem:$0x1CC80] =	vst v63  }
0xc7: {  	_ = 	snop  }
0xc8: {  	[tilespmem:s14], [sflag:$0x2] =	stream.indirect_vreg.gather [hbm4b:s6+s16], $0x80, v8, vm0, $0xb8;
	[tilespmem:$0x1CC80] =	vst v63  }
0xc9: {  	_ =	swait.ge [sflag:s21], $0x4000  }
0xca: {  	[sflag:s21] =	ssyncset.done $0x0  }
0xcb: {  	[sflag:s21] =	ssyncadd.s32 $0xFFFFC000  }
0xcc: {  	_ =	swait.ge [sflag:s15], $0x4000  }
0xcd: {  	[sflag:s15] =	ssyncset.done $0x0  }
0xce: {  	s23 =	simm.s32 $0x0;
	[sflag:s15] =	ssyncadd.s32 $0xFFFFC000  }
.LBB2_3:
0xcf: {  	v16 =	vld [tilespmem:$0x0]  }
0xd0: {  	v18 =	vld [tilespmem:$0x10]  }
0xd1: {  	v20 =	vld [tilespmem:$0x20]  }
0xd2: {  	v22 =	vld [tilespmem:$0x30]  }
0xd3: {  	v24 =	vld [tilespmem:$0x40]  }
0xd4: {  	v26 =	vld [tilespmem:$0x50]  }
0xd5: {  	v29 =	vld [tilespmem:$0x60]  }
0xd6: {  	v32 =	vld [tilespmem:$0x70]  }
0xd7: {  	v34 =	vld [tilespmem:$0x80]  }
0xd8: {  	v47 =	vld [tilespmem:$0x90]  }
0xd9: {  	v52 =	vld [tilespmem:$0xA0]  }
0xda: {  	s24 =	sand.u32 $0x3800, s23;
	s25 =	sand.u32 $0x380, s16;
	v58 =	vld [tilespmem:$0xB0]  }
0xdb: {  	v63 =	vld [tilespmem:$0xC0];
	s24 =	sor.u32 s25, s24  }
0xdc: {  	v10 =	vld [tilespmem:s24+$0x300]  }
0xdd: {  	v12 =	vld [tilespmem:s24+$0x4300]  }
0xde: {  	v13 =	vld [tilespmem:s24+$0x310]  }
0xdf: {  	v17 =	vld [tilespmem:s24+$0x4310]  }
0xe0: {  	v14 =	vld [tilespmem:s24+$0x320]  }
0xe1: {  	v19 =	vld [tilespmem:s24+$0x4320]  }
0xe2: {  	v15 =	vld [tilespmem:s24+$0x330];
	v27 =	vadd.f32 v12, v10  }
0xe3: {  	v21 =	vld [tilespmem:s24+$0x4330]  }
0xe4: {  	v11 =	vld [tilespmem:s24+$0x340];
	v17 =	vadd.f32 v17, v13;
	v30 =	vmul.f32 $2.000000030e-01, v27  }
0xe5: {  	v23 =	vld [tilespmem:s24+$0x4340]  }
0xe6: {  	v9 =	vld [tilespmem:s24+$0x350];
	v19 =	vadd.f32 v19, v14;
	v42 =	vmul.f32 $2.000000030e-01, v17;
	v27 =	vmax.f32 v27, v30  }
0xe7: {  	v25 =	vld [tilespmem:s24+$0x4350];
	v27 =	vmul.f32 v27, v16  }
0xe8: {  	v8 =	vld [tilespmem:s24+$0x360];
	v21 =	vadd.f32 v21, v15;
	v43 =	vmul.f32 $2.000000030e-01, v19;
	v17 =	vmax.f32 v17, v42  }
0xe9: {  	v28 =	vld [tilespmem:s24+$0x4360];
	v18 =	vmul.f32 v17, v18;
	v27 =	vadd.f32 $0.0e+00, v27  }
0xea: {  	v31 =	vld [tilespmem:s24+$0x4370];
	v23 =	vadd.f32 v23, v11;
	v44 =	vmul.f32 $2.000000030e-01, v21;
	v19 =	vmax.f32 v19, v43  }
0xeb: {  	v12 =	vld [tilespmem:s24+$0x370];
	v19 =	vmul.f32 v19, v20;
	v18 =	vadd.f32 v18, v27  }
0xec: {  	v33 =	vld [tilespmem:s24+$0x4700];
	v25 =	vadd.f32 v25, v9;
	v46 =	vmul.f32 $2.000000030e-01, v23;
	v21 =	vmax.f32 v21, v44  }
0xed: {  	v16 =	vld [tilespmem:s24+$0x700];
	v21 =	vmul.f32 v21, v22;
	v19 =	vadd.f32 v19, v18  }
0xee: {  	v45 =	vld [tilespmem:s24+$0x4710];
	v50 =	vadd.f32 v28, v8;
	v49 =	vmul.f32 $2.000000030e-01, v25;
	v48 =	vmax.f32 v23, v46  }
0xef: {  	v17 =	vld [tilespmem:s24+$0x710];
	v22 =	vmul.f32 v48, v24;
	v21 =	vadd.f32 v21, v19  }
0xf0: {  	v51 =	vld [tilespmem:s24+$0x4720];
	v53 =	vmul.f32 $2.000000030e-01, v50;
	v23 =	vmax.f32 v25, v49;
	v31 =	vadd.f32 v31, v12  }
0xf1: {  	v54 =	vmul.f32 v23, v26;
	v18 =	vld [tilespmem:s24+$0x720];
	v21 =	vadd.f32 v22, v21  }
0xf2: {  	v55 =	vld [tilespmem:s24+$0x4730];
	v25 =	vmax.f32 v50, v53;
	v56 =	vmul.f32 $2.000000030e-01, v31;
	v57 =	vadd.f32 v33, v16  }
0xf3: {  	v59 =	vmul.f32 v25, v29;
	v19 =	vld [tilespmem:s24+$0x730];
	v21 =	vadd.f32 v54, v21  }
0xf4: {  	v61 =	vld [tilespmem:s24+$0x4740];
	v26 =	vmax.f32 v31, v56;
	v20 =	vadd.f32 v45, v17;
	v60 =	vmul.f32 $2.000000030e-01, v57  }
0xf5: {  	v25 =	vld [tilespmem:s24+$0x740];
	v62 =	vmul.f32 v26, v32;
	v21 =	vadd.f32 v59, v21  }
0xf6: {  	v38 =	vld [tilespmem:s24+$0x4750];
	v36 =	vmul.f32 $2.000000030e-01, v20;
	v27 =	vmax.f32 v57, v60;
	v28 =	vadd.f32 v51, v18  }
0xf7: {  	v32 =	vld [tilespmem:s24+$0x750];
	v37 =	vmul.f32 v27, v34;
	v21 =	vadd.f32 v62, v21  }
0xf8: {  	v40 =	vld [tilespmem:s24+$0x4760];
	v20 =	vmax.f32 v20, v36;
	v39 =	vmul.f32 $2.000000030e-01, v28;
	v23 =	vadd.f32 v55, v19  }
0xf9: {  	v34 =	vld [tilespmem:s24+$0x760];
	v20 =	vmul.f32 v20, v47;
	v21 =	vadd.f32 v37, v21  }
0xfa: {  	v44 =	vld [tilespmem:s24+$0x4770];
	v42 =	vadd.f32 v61, v25;
	v28 =	vmax.f32 v28, v39;
	v41 =	vmul.f32 $2.000000030e-01, v23  }
0xfb: {  	v31 =	vld [tilespmem:s24+$0x770];
	v43 =	vmul.f32 v28, v52;
	v20 =	vadd.f32 v20, v21  }
0xfc: {  	v46 =	vld [tilespmem:$0xD0];
	v45 =	vmul.f32 $2.000000030e-01, v42;
	v27 =	vadd.f32 v38, v32;
	v23 =	vmax.f32 v23, v41  }
0xfd: {  	v47 =	vmul.f32 v23, v58;
	v20 =	vadd.f32 v43, v20  }
0xfe: {  	v50 =	vld [tilespmem:$0xE0];
	v48 =	vmax.f32 v42, v45;
	v49 =	vmul.f32 $2.000000030e-01, v27;
	v22 =	vadd.f32 v40, v34  }
0xff: {  	v51 =	vmul.f32 v48, v63;
	v20 =	vadd.f32 v47, v20  }
0x100: {  	v24 =	vadd.f32 v44, v31;
	v54 =	vld [tilespmem:$0xF0];
	v52 =	vmax.f32 v27, v49;
	v53 =	vmul.f32 $2.000000030e-01, v22  }
0x101: {  	v55 =	vmul.f32 v52, v46;
	v20 =	vadd.f32 v51, v20  }
0x102: {  	v56 =	vmul.f32 $2.000000030e-01, v24;
	v22 =	vmax.f32 v22, v53  }
0x103: {  	v57 =	vmul.f32 v22, v50;
	v20 =	vadd.f32 v55, v20  }
0x104: {  	v58 =	vmax.f32 v24, v56  }
0x105: {  	v59 =	vmul.f32 v58, v54;
	v20 =	vadd.f32 v57, v20;
	_ =	sdelay $0x1  }
0x106: {  	v20 =	vadd.f32 v59, v20  }
0x107: {  	v60 =	vld [tilespmem:s22+$0x0]  }
0x108: {  	v61 =	vperm.xlane v20, v1;
	_ =	sdelay $0x1  }
0x109: {  	v20 =	vadd.f32 v20, v61;
	_ =	sdelay $0x1  }
0x10a: {  	(v2sf) =	vpush v60, $0x0;
	v22 =	vperm.xlane v20, v2;
	_ =	sdelay $0x1  }
0x10b: {  	v20 =	vadd.f32 v20, v22;
	_ =	sdelay $0x1  }
0x10c: {  	v62 =	vperm.xlane v20, v4;
	_ =	sdelay $0x1  }
0x10d: {  	v20 =	vadd.f32 v20, v62;
	_ =	sdelay $0x1  }
0x10e: {  	v21 =	vperm.xlane v20, v7;
	_ =	sdelay $0x1  }
0x10f: {  	v20 =	vadd.f32 v20, v21;
	_ =	sdelay $0x1  }
0x110: {  	v20 =	vmul.f32 $1.442695020e+00, v20;
	_ =	sdelay $0x1  }
0x111: {  	(erf) = vpow2.f32 v20  }
0x112: {  	s26 =	spop (v2sf)  }
0x113: {  	s24 =	ssub.s32 s26, s10  }
0x114: {  	s24 =	smin.u32 s24, $0x140  }
0x115: {  	s25 =	sshll.u32 s24, $0x8;
	s26 =	sshll.u32 s24, $0x7  }
0x116: {  	s25 =	sand.u32 $0x1F800, s25;
	s26 =	sand.u32 $0x380, s26  }
0x117: {  	s25 =	sor.u32 s26, s25  }
0x118: {  	v63 =	vld [tilespmem:s25+$0x8300]  }
0x119: {  	v28 =	vld [tilespmem:s25+$0x8310]  }
0x11a: {  	v30 =	vld [tilespmem:s25+$0x8320];
	v29 =	vpop (erf)  }
0x11b: {  	v33 =	vld [tilespmem:s25+$0x8330];
	v10 =	vmul.f32 v29, v10  }
0x11c: {  	v35 =	vld [tilespmem:s25+$0x8340];
	v13 =	vmul.f32 v29, v13  }
0x11d: {  	v36 =	vld [tilespmem:s25+$0x8350];
	v14 =	vmul.f32 v29, v14;
	v10 =	vadd.f32 v10, v63  }
0x11e: {  	v37 =	vld [tilespmem:s25+$0x8360];
	v15 =	vmul.f32 v29, v15;
	v13 =	vadd.f32 v13, v28  }
0x11f: {  	v39 =	vld [tilespmem:s25+$0x8370];
	v11 =	vmul.f32 v29, v11;
	v38 =	vadd.f32 v14, v30;
	[tilespmem:s25+$0x8300] =	vst v10  }
0x120: {  	v43 =	vld [tilespmem:s25+$0x8710];
	v9 =	vmul.f32 v29, v9;
	v40 =	vadd.f32 v33, v15;
	[tilespmem:s25+$0x8310] =	vst v13  }
0x121: {  	v41 =	vld [tilespmem:s25+$0x8700];
	v8 =	vmul.f32 v29, v8;
	v42 =	vadd.f32 v35, v11;
	[tilespmem:s25+$0x8320] =	vst v38  }
0x122: {  	v46 =	vld [tilespmem:s25+$0x8730];
	v12 =	vmul.f32 v29, v12;
	v9 =	vadd.f32 v36, v9;
	[tilespmem:s25+$0x8330] =	vst v40  }
0x123: {  	v44 =	vld [tilespmem:s25+$0x8720];
	v48 =	vmul.f32 v29, v17;
	v8 =	vadd.f32 v37, v8;
	[tilespmem:s25+$0x8340] =	vst v42  }
0x124: {  	v51 =	vld [tilespmem:s25+$0x8750];
	v45 =	vmul.f32 v29, v16;
	v47 =	vadd.f32 v39, v12;
	[tilespmem:s25+$0x8350] =	vst v9  }
0x125: {  	v49 =	vld [tilespmem:s25+$0x8740];
	v53 =	vmul.f32 v29, v19;
	v52 =	vadd.f32 v43, v48;
	[tilespmem:s25+$0x8360] =	vst v8  }
0x126: {  	v56 =	vld [tilespmem:s25+$0x8770];
	v50 =	vmul.f32 v29, v18;
	v8 =	vadd.f32 v41, v45;
	[tilespmem:s25+$0x8370] =	vst v47  }
0x127: {  	v54 =	vld [tilespmem:s25+$0x8760];
	v58 =	vmul.f32 v29, v32;
	v57 =	vadd.f32 v46, v53;
	[tilespmem:s25+$0x8710] =	vst v52  }
0x128: {  	v55 =	vmul.f32 v29, v25;
	[tilespmem:s25+$0x8700] =	vst v8;
	v8 =	vadd.f32 v44, v50  }
0x129: {  	v61 =	vmul.f32 v29, v31;
	v60 =	vadd.f32 v51, v58;
	[tilespmem:s25+$0x8730] =	vst v57  }
0x12a: {  	v59 =	vmul.f32 v29, v34;
	[tilespmem:s25+$0x8720] =	vst v8;
	v8 =	vadd.f32 v49, v55  }
0x12b: {  	v62 =	vadd.f32 v56, v61;
	[tilespmem:s25+$0x8750] =	vst v60  }
0x12c: {  	[tilespmem:s25+$0x8740] =	vst v8;
	v8 =	vadd.f32 v54, v59  }
0x12d: {  	[tilespmem:s25+$0x8770] =	vst v62  }
0x12e: {  	[tilespmem:s25+$0x8760] =	vst v8  }
0x12f: {  	v8 =	vld [tilespmem:s24+$0x1CB00];
	_ =	sdelay $0x1  }
0x130: {  	p1 =	sne.s32 s23, $0x3F00  }
.Ltmp3:
0x131: {  	_ = 	snop;
	(pc) =	sbr.rel @p1 .LBB2_3-.Ltmp3, $3  }
0x132: {  	v63 =	vnsel vm1, $0x0, v29  }
0x133: {  	v8 =	vadd.f32 v8, v63;
	_ =	sdelay $0x1  }
0x134: {  	s16 =	sadd.s32 $0x80, s16;
	s23 =	sadd.s32 $0x100, s23;
	s22 =	sadd.s32 $0x1, s22;
	[tilespmem:s24+$0x1CB00] =	vst v8  }
0x135: {  	s3 =	sadd.s32 $0x1, s3  }
0x136: {  	p1 =	sne.s32 s3, s8  }
.Ltmp4:
0x137: {  	_ = 	snop;
	(pc) =	sbr.rel @p1 .LBB2_2-.Ltmp4, $4  }
.Ltmp5:
0x138: {  	_ = 	snop;
	(pc) =	sbr.rel @!p1 .LBB2_5-.Ltmp5, $4  }
0x139: {  	_ = 	snop  }
0x13a: {  	_ = 	snop  }
0x13b: {  	_ = 	snop  }
0x13c: {  	_ = 	snop  }
.LBB2_6:
0x13d: {  	_ =	sfence.sel $0x180000  }
0x13e: {  	[bflag:$0x0] =	sbarrier.arrive $0xFFFF  }
0x13f: {  	_ =	strace $0x90000050  }
0x140: {  	s0 =	stileid.u32;
	[bflag:$0x2] =	sbarrier.arrive $0xFFFF  }
0x141: {  	p0 =	sne.s32 s0, $0x0;
	s0 =	rddreg [dreg:$0x3]  }
0x142: {  	s0 =	sadd.s32 @!p0 $0x100000, s0  }
0x143: {  	[sflag:s0] =	ssyncadd.tile.s32 @!p0 $0x1;
	_ =	shalt  }
.Lfunc_end2:
_tile_overlayer_lowered:
.L_overlay_start_2:
0x144: {  	(tag) =	ssettag $0x2  }
0x145: {  	s0 =	rddreg [dreg:$0x0];
	s2 =	stileid.u32  }
0x146: {  	s1 =	rddreg [dreg:$0x1];
	p0 =	sne.s32 s2, $0x0  }
0x147: {  	s3 =	rddreg [dreg:$0x2];
	[bflag:$0x3] =	sbarrier.arrive $0xFFFF;
	s2 =	simm.s32 @!p0 $0x1C03  }
0x148: {  	[timem:s3], [sflag:s2] =	dma.local @!p0 [hbm:s0], s1  }
0x149: {  	s0 =	simm.s32 @!p0 $0x3  }
0x14a: {  	_ =	swait.ge @!p0 [sflag:s0], s1  }
0x14b: {  	s1 =	ssub.s32 @!p0 $0x0, s1;
	[sflag:s0] =	ssyncset.done @!p0 $0x0  }
0x14c: {  	[sflag:s0] =	ssyncadd.s32 @!p0 s1  }
0x14d: {  	[bflag:$0x3] =	sbarrier.arrive $0xFFFF  }
0x14e: {  	_ =	shalt  }

// kernel: kernel.7.cloned.1.call-start
scs
__scs_entry_jumppad:
0x0: {  	(pc) =	sbr.rel $0x88, $3  }
0x1: {  	(tag) =	ssettag $0x0;
	lr =	simm.s32 $0x1  }
0x2: {  	[smem:$0x3F89] =	sst lr;
	_ =	strace $0xD0000000  }
0x3: {  	_ = 	snop  }
0x4: {  	_ = 	snop  }
0x5: {  	_ = 	snop  }
0x6: {  	_ = 	snop  }
0x7: {  	_ = 	snop  }
__scs_overlays_trampoline_lowered:
0x8: {  	[smem:$0x3F98] =	sst s0  }
0x9: {  	[smem:$0x3F99] =	sst s1  }
0xa: {  	[smem:$0x3F9A] =	sst s2  }
0xb: {  	[smem:$0x3F9B] =	sst s3  }
0xc: {  	[smem:$0x3F9C] =	sst s4  }
0xd: {  	[smem:$0x3F9D] =	sst s5  }
0xe: {  	[smem:$0x3F9E] =	sst s6  }
0xf: {  	[smem:$0x3F9F] =	sst s7  }
0x10: {  	[smem:$0x3FA0] =	sst s8  }
0x11: {  	[smem:$0x3FA1] =	sst s9;
	s0 =	simm.s32 @!p0 $0x0  }
0x12: {  	s1 =	sld [smem:$0x3F87];
	s0 =	simm.s32 @p0 $0x1  }
0x13: {  	[smem:$0x3FA2] =	sst s0;
	s0 =	simm.s32 @!p1 $0x0  }
0x14: {  	s2 =	sld [smem:$0x3F86];
	s0 =	simm.s32 @p1 $0x1  }
0x15: {  	[smem:$0x3FA3] =	sst s0;
	s0 =	simm.s32 @!p2 $0x0  }
0x16: {  	s3 =	sld [smem:$0x3FDB];
	s0 =	simm.s32 @p2 $0x1  }
0x17: {  	s4 =	simm.s32 $0x1BF5;
	[smem:$0x3FA5] =	sst s0  }
0x18: {  	s0 =	sld [smem:$0x3F88];
	_ =	swait.ge [sflag:s4], $0x0  }
0x19: {  	s7 =	sld [smem:$0x3F89]  }
0x1a: {  	s8 =	sadd.s32 $0xFFFFE003, lr  }
0x1b: {  	s9 =	sadd.s32 $0xFFFFFEF7, lr;
	s5 =	simm.s32 $0xFFFFFFFF;
	p2 =	slt.u32 s8, $0xFFFFF086  }
0x1c: {  	p1 =	slt.u32 s9, $0xF7A;
	s5 =	simm.s32 @!p2 $0x0  }
0x1d: {  	s5 =	simm.s32 @p1 $0x1;
	p0 =	seq.s32 s7, s2  }
0x1e: {  	s7 =	smul.u32 @!p0 $0xF7A, s2;
	p2 =	seq.s32 @!p0 s5, $0x0  }
0x1f: {  	s9 =	smul.u32 $0xF7A, s1;
	s8 =	simm.s32 @!p0 $0x1BF5;
	p2 =	por !p2, p0  }
0x20: {  	[sflag:s8] =	ssyncset.s32 @!p0 $0xFFFFF086;
	s6 =	sadd.s32 @!p0 s3, s7;
	s7 =	simm.s32 @!p0 $0x108  }
0x21: {  	s3 =	sadd.s32 s3, s9;
	s6 =	sadd.s32 @!p0 $0x88, s6;
	s7 =	simm.s32 @p2 $0x1082  }
0x22: {  	[simem:s7], [sflag:s8] =	dma.local @!p0 [hbm:s6], $0xF7A  }
0x23: {  	s9 =	sor.u32 $0xD0000000, s2;
	s6 =	simm.s32 $0x108;
	_ =	swait.ge @!p0 [sflag:s8], $0x0  }
0x24: {  	s3 =	sadd.s32 $0x88, s3;
	s6 =	simm.s32 @!p1 $0x1082;
	[sflag:s4] =	ssyncset.s32 $0xFFFFF086  }
0x25: {  	[simem:s6], [sflag:s4] =	dma.local [hbm:s3], $0xF7A  }
0x26: {  	[smem:$0x3F89] =	sst s1;
	(tag) =	ssettag s2;
	_ =	strace s9  }
0x27: {  	s1 =	sld [smem:$0x3F99]  }
0x28: {  	s2 =	sld [smem:$0x3F9A]  }
0x29: {  	s4 =	sld [smem:$0x3F9C]  }
0x2a: {  	p0 =	seq.s32 s5, $0x0;
	s5 =	sld [smem:$0x3F9D]  }
0x2b: {  	s6 =	sld [smem:$0x3F9E]  }
0x2c: {  	s7 =	sld [smem:$0x3F9F]  }
0x2d: {  	s3 =	simm.s32 $0x108;
	s8 =	sld [smem:$0x3FA0]  }
0x2e: {  	s3 =	simm.s32 @!p0 $0x1082;
	s9 =	sld [smem:$0x3FA1]  }
0x2f: {  	lr =	sadd.s32 s0, s3;
	s0 =	sld [smem:$0x3F98]  }
0x30: {  	s3 =	sld [smem:$0x3F9B]  }
0x31: {  	[smem:$0x3FA4] =	sst s10  }
0x32: {  	s10 =	sld [smem:$0x3FA2];
	_ =	sdelay $0x3  }
0x33: {  	p0 =	seq.s32 s10, $0x1;
	s10 =	sld [smem:$0x3FA4];
	_ =	sdelay $0x3  }
0x34: {  	[smem:$0x3FA4] =	sst s10  }
0x35: {  	s10 =	sld [smem:$0x3FA3];
	_ =	sdelay $0x3  }
0x36: {  	p1 =	seq.s32 s10, $0x1;
	s10 =	sld [smem:$0x3FA4];
	_ =	sdelay $0x3  }
0x37: {  	[smem:$0x3FA4] =	sst s10  }
0x38: {  	s10 =	sld [smem:$0x3FA5]  }
0x39: {  	_ = 	snop;
	(pc) =	sbr.ind lr, $3  }
0x3a: {  	_ = 	snop  }
0x3b: {  	_ = 	snop  }
0x3c: {  	p2 =	seq.s32 s10, $0x1;
	s10 =	sld [smem:$0x3FA4]  }
0x3d: {  	_ =	shalt  }
0x3e: {  	_ =	shalt  }
0x3f: {  	_ =	shalt  }
0x40: {  	_ =	shalt  }
0x41: {  	_ =	shalt  }
0x42: {  	_ =	shalt  }
0x43: {  	_ =	shalt  }
0x44: {  	_ =	shalt  }
0x45: {  	_ =	shalt  }
0x46: {  	_ =	shalt  }
0x47: {  	_ =	shalt  }
0x48: {  	_ =	shalt  }
0x49: {  	_ =	shalt  }
0x4a: {  	_ =	shalt  }
0x4b: {  	_ =	shalt  }
0x4c: {  	_ =	shalt  }
0x4d: {  	_ =	shalt  }
0x4e: {  	_ =	shalt  }
0x4f: {  	_ =	shalt  }
0x50: {  	_ =	shalt  }
0x51: {  	_ =	shalt  }
0x52: {  	_ =	shalt  }
0x53: {  	_ =	shalt  }
0x54: {  	_ =	shalt  }
0x55: {  	_ =	shalt  }
0x56: {  	_ =	shalt  }
0x57: {  	_ =	shalt  }
0x58: {  	_ =	shalt  }
0x59: {  	_ =	shalt  }
0x5a: {  	_ =	shalt  }
0x5b: {  	_ =	shalt  }
0x5c: {  	_ =	shalt  }
0x5d: {  	_ =	shalt  }
0x5e: {  	_ =	shalt  }
0x5f: {  	_ =	shalt  }
0x60: {  	_ =	shalt  }
0x61: {  	_ =	shalt  }
0x62: {  	_ =	shalt  }
0x63: {  	_ =	shalt  }
0x64: {  	_ =	shalt  }
0x65: {  	_ =	shalt  }
0x66: {  	_ =	shalt  }
0x67: {  	_ =	shalt  }
0x68: {  	_ =	shalt  }
0x69: {  	_ =	shalt  }
0x6a: {  	_ =	shalt  }
0x6b: {  	_ =	shalt  }
0x6c: {  	_ =	shalt  }
0x6d: {  	_ =	shalt  }
0x6e: {  	_ =	shalt  }
0x6f: {  	_ =	shalt  }
0x70: {  	_ =	shalt  }
0x71: {  	_ =	shalt  }
0x72: {  	_ =	shalt  }
0x73: {  	_ =	shalt  }
0x74: {  	_ =	shalt  }
0x75: {  	_ =	shalt  }
0x76: {  	_ =	shalt  }
0x77: {  	_ =	shalt  }
0x78: {  	_ =	shalt  }
0x79: {  	_ =	shalt  }
0x7a: {  	_ =	shalt  }
0x7b: {  	_ =	shalt  }
0x7c: {  	_ =	shalt  }
0x7d: {  	_ =	shalt  }
0x7e: {  	_ =	shalt  }
0x7f: {  	_ =	shalt  }
0x80: {  	_ =	shalt  }
0x81: {  	_ =	shalt  }
0x82: {  	_ =	shalt  }
0x83: {  	_ =	shalt  }
0x84: {  	_ =	shalt  }
0x85: {  	_ =	shalt  }
0x86: {  	_ =	shalt  }
0x87: {  	_ =	shalt  }
.Lfunc_end0:
.L_simem_size_0:
called_computation.2_lowered:
.L_overlay_start_0:
0x88: {  	s2 =	sld [smem:$0x3FD9]  }
0x89: {  	s3 =	sld [smem:$0x3FFE];
	_ =	sdelay $0x1  }
0x8a: {  	s1 =	srdreg.scid  }
0x8b: {  	s0 =	sand.u32 $0x1, s1  }
0x8c: {  	s17 =	sshll.u32 s0, $0xA;
	s2 =	sadd.s32 s3, s2  }
0x8d: {  	s2 =	sadd.s32 s2, s17  }
0x8e: {  	[smem:$0x3FB0] =	sst s2  }
0x8f: {  	_ = 	snop  }
0x90: {  	s2 =	sld [smem:$0x3FC3]  }
0x91: {  	s18 =	sld [smem:$0x3FD0];
	(tm) =	ssettm $0x1  }
0x92: {  	s4 =	sld [smem:$0x3FFB];
	_ =	sdelay $0x3  }
0x93: {  	_ =	strace s4  }
0x94: {  	s4 =	sld [smem:$0x3FFC];
	_ =	sdelay $0x3  }
0x95: {  	_ =	strace s4  }
0x96: {  	s4 =	sld [smem:$0x3FFD];
	_ =	sdelay $0x3  }
0x97: {  	_ =	strace s4  }
0x98: {  	_ =	strace $0x8FFFFFFF  }
0x99: {  	s19 =	sld [smem:$0x3FDB];
	_ =	sdelay $0x1  }
0x9a: {  	s5 =	simm.s32 $_scs_section_size  }
0x9b: {  	s6 =	simm.s32 $_size__tile_overlayer_lowered;
	s7 =	simm.s32 $_tile_overlayer_lowered  }
0x9c: {  	s22 =	simm.s32 $0x1BFF;
	s21 =	sshll.u32 s7, $0x1;
	s4 =	sadd.s32 s5, s19  }
0x9d: {  	s8 =	simm.s32 $0x0;
	s20 =	sshll.u32 s6, $0x1;
	s6 =	sadd.s32 s21, s4  }
0x9e: {  	[timem:s8], [sflag:s22] =	dma.local [hbm:s6], s20  }
0x9f: {  	_ =	swait.ge [sflag:s22], s20  }
0xa0: {  	s5 =	ssub.s32 $0x0, s20;
	[sflag:s22] =	ssyncset.done $0x0  }
0xa1: {  	[sflag:s22] =	ssyncadd.s32 s5;
	_ =	sdelay $0x1  }
0xa2: {  	s23 =	simm.s32 $0x1B8B  }
0xa3: {  	_ =	swait.ge [sflag:s23], $0x1  }
0xa4: {  	[sflag:s23] =	ssyncset.done $0x0  }
0xa5: {  	s25 =	simm.s32 $0x1B8E;
	s24 =	sld [smem:$0x3FFE];
	[sflag:s23] =	ssyncadd.s32 $0xFFFFFFFF  }
0xa6: {  	s26 =	simm.s32 $execute0_lowered;
	[smem:$0x3FD2] =	sst s25  }
0xa7: {  	s6 =	sshll.u32 s26, $0x1;
	_ =	strace $0x8000004C;
	[dreg:$0x1] =	wrdreg $0xFFFFFFFF  }
0xa8: {  	s28 =	simm.s32 $_size_execute0_lowered;
	s4 =	sadd.s32 s4, s6;
	[dreg:$0x0] =	wrdreg $0x0  }
0xa9: {  	s6 =	sshll.u32 s28, $0x1;
	[dreg:$0x2] =	wrdreg s4  }
0xaa: {  	[dreg:$0x3] =	wrdreg s6  }
0xab: {  	[dreg:$0x4] =	wrdreg $0xC0  }
0xac: {  	_ =	task [dreg:s8], $0x5FFFF  }
0xad: {  	[dreg:$0x1] =	wrdreg $0xFFFFFFFF  }
0xae: {  	[dreg:$0x0] =	wrdreg $0x60  }
0xaf: {  	[dreg:$0x2] =	wrdreg s24  }
0xb0: {  	[dreg:$0x3] =	wrdreg s2  }
0xb1: {  	[dreg:$0x4] =	wrdreg s18  }
0xb2: {  	[dreg:$0x5] =	wrdreg $0x9  }
0xb3: {  	_ =	task.clear_ibuf [dreg:s8], $0x6FFFF;
	_ =	strace $0x9000004C  }
0xb4: {  	s29 =	simm.s32 $0x9;
	_ =	strace $0x8000004E  }
0xb5: {  	_ =	swait.ge [sflag:s29], $0x1  }
0xb6: {  	[sflag:s29] =	ssyncadd.s32 $0xFFFFFFFF  }
0xb7: {  	_ =	strace $0x9000004E  }
0xb8: {  	_ =	sfence  }
0xb9: {  	s30 =	sld [smem:$0x0];
	_ =	sdelay $0x2  }
0xba: {  	s31 =	sshll.u32 s1, $0xD;
	s1 =	sshrl.u32 s1, $0x2  }
0xbb: {  	s3 =	sand.u32 $0x4000, s31;
	s1 =	sadd.s32 s1, s30  }
0xbc: {  	s0 =	sor.u32 s3, s0;
	s1 =	sshll.u32 s1, $0x11  }
0xbd: {  	s0 =	sor.u32 s1, s0  }
0xbe: {  	s0 =	sadd.s32 $0x8F2B, s0  }
0xbf: {  	[sflag:s0] =	ssyncadd.remote.s32 $0x1  }
0xc0: {  	_ =	sfence.sel $0xFFFF  }
0xc1: {  	[dreg:$0x0] =	wrdreg $0xFFFFFFFF;
	(pc) =	sbr.abs _section_cstart, $3  }
0xc2: {  	[dreg:$0x1] =	wrdreg $0xFFFFFFFF  }
0xc3: {  	_ =	task.clear_ibuf [dreg:s8], $0x2FFFF;
	_ =	strace $0x9FFFFFFF  }
0xc4: {  	(tm) =	ssettm $0x7FFFFFFF  }
0xc5: {  	_ =	shalt  }
tec
execute0_lowered:
.L_overlay_start_1:
0x0: {  	(tag) =	ssettag $0x1  }
0x1: {  	s0 =	rddreg [dreg:$0x0];
	s1 =	simm.s32 $0x0;
	s21 =	srdreg.scid  }
0x2: {  	s3 =	stileid.u32;
	s18 =	simm.s32 $0x3;
	s28 =	simm.s32 $0x1B00  }
0x3: {  	s29 =	simm.s32 $0x2300;
	s30 =	simm.s32 $0x2B00;
	s31 =	simm.s32 $0x3300  }
0x4: {  	s19 =	simm.s32 $0x5B00;
	s20 =	simm.s32 $0x6300;
	s12 =	simm.s32 $0x6B00  }
0x5: {  	v0 =	vimm.s32 $0xEFCDAB89;
	v1 =	vimm.s32 $0x67452301;
	s13 =	simm.s32 $0x7300;
	s14 =	simm.s32 $0x7B00;
	s15 =	simm.s32 $0x2  }
0x6: {  	v2 =	vimm.s32 $0xDCFE98BA;
	v4 =	vimm.s32 $0xBA98FEDC;
	s16 =	simm.s32 $0x0;
	[smem:$0x7FF] =	sst s1;
	s1 =	sand.u32 $0x1, s21  }
0x7: {  	v5 =	vimm.s32 $0x32107654;
	s5 =	sadd.s32 $0x67A00, s0;
	s6 =	sadd.s32 $0x19800, s0;
	s7 =	sadd.s32 $0x4800, s0  }
0x8: {  	v6 =	vlaneseq.u32;
	v7 =	vimm.s32 $0xFEDCBA98;
	s9 =	sadd.s32 $0xF000, s0;
	s11 =	sadd.s32 $0x9C00, s0;
	s22 =	sadd.s32 $0x14400, s0  }
0x9: {  	v8 =	vimm.s32 $0x76543210;
	v0 =	vunpack.c.l.s4.s8 v0;
	v1 =	vunpack.c.l.s4.s8 v1;
	s25 =	sadd.s32 $0x103400, s0;
	s21 =	simm.s32 $0x1;
	s2 =	sshll.u32 s1, $0x4  }
0xa: {  	vm0 =	vmmov $0xffff;
	v2 =	vunpack.c.l.s4.s8 v2;
	v4 =	vunpack.c.l.s4.s8 v4;
	_ =	strace $0x8000004D;
	s1 =	ssub.s32 $0x2, s1;
	s8 =	sor.u32 s3, s2  }
0xb: {  	v5 =	vunpack.c.l.s4.s8 v5;
	[dreg:$0x5] =	wrdreg s22;
	s4 =	sshrl.u32 s1, $0x1;
	v3 =	vunpack.c.0.s8.s32 v0;
	v1 =	vunpack.c.0.s8.s32 v1;
	s10 =	smul.u32 $0x140, s8  }
0xc: {  	v7 =	vunpack.c.l.s4.s8 v7;
	v8 =	vunpack.c.l.s4.s8 v8;
	[dreg:$0x8] =	wrdreg s25;
	v4 =	vunpack.c.0.s8.s32 v4;
	s2 =	smul.u32 $0x2800, s8;
	s1 =	ssub.s32 s1, s4  }
0xd: {  	v5 =	vunpack.c.0.s8.s32 v5;
	[dreg:$0x4] =	wrdreg s8;
	p0 =	seq.s32 s8, $0x1F;
	s4 =	simm.s32 $0x4300;
	v1 =	vcombine.low v1, v3;
	v3 =	vimm.s32 $0x54761032  }
.Ltmp0:
0xe: {  	vm1 =	vmmov $0x1;
	v7 =	vunpack.c.0.s8.s32 v7;
	s26 =	smax.u32 s1, $0x1;
	s2 =	sadd.s32 s2, s0;
	v3 =	vunpack.c.l.s4.s8 v3;
	(pc) =	sbr.rel .LBB2_1-.Ltmp0, $4  }
0xf: {  	v2 =	vunpack.c.0.s8.s32 v2;
	v8 =	vunpack.c.0.s8.s32 v8;
	v4 =	vcombine.low v5, v4;
	s23 =	sshrl.u32 s10, $0x3;
	[dreg:$0xa] =	wrdreg s26;
	s2 =	sadd.s32 $0xB5C00, s2  }
0x10: {  	v5 =	vshrl.u32 v6, $0x3;
	v7 =	vand.u32 $0xF, v7;
	s3 =	sadd.s32 s23, s0;
	s0 =	sadd.s32 $0x172D8, s0;
	[dreg:$0x6] =	wrdreg s2;
	v3 =	vunpack.c.0.s8.s32 v3  }
0x11: {  	v0 =	vimm.f32 $0.0e+00;
	s1 =	simm.s32 $0x4B00;
	v5 =	vmul.u32 $0x8, v5;
	v7 =	vcombine.low v7, v8;
	s24 =	sadd.s32 $0x16E00, s3;
	[dreg:$0x9] =	wrdreg s0  }
0x12: {  	s0 =	simm.s32 $0x3B00;
	s2 =	simm.s32 $0x5300;
	[dreg:$0x7] =	wrdreg s24;
	v2 =	vcombine.low v3, v2;
	v3 =	vand.u32 $0x7, v6;
	v6 =	vor.u32 $0x8, v6  }
.LBB2_5:
0x13: {  	s3 =	simm.s32 @p0 $0x0;
	s8 =	simm.s32 @p0 $0x8300;
	s16 =	rddreg [dreg:$0x8]  }
0x14: {  	[hbm4b:s16+s3] =	stream.linear.scatter @p0 [tilespmem:s8], [sflag:$0x3], $0x5000, $0x38;
	[tilespmem:$0x1CC80] =	vst v63  }
0x15: {  	s8 =	simm.s32 @p0 $0x3  }
0x16: {  	_ =	swait.ge @p0 [sflag:s8], $0x5000  }
0x17: {  	[sflag:s8] =	ssyncset.done @p0 $0x0  }
0x18: {  	s16 =	simm.s32 @p0 $0x1CB00;
	s17 =	rddreg [dreg:$0x9];
	[sflag:s8] =	ssyncadd.s32 @p0 $0xFFFFB000  }
0x19: {  	[hbm4b:s17+s3] =	stream.linear.scatter @p0 [tilespmem:s16], [sflag:$0x3], $0x50, $0x38;
	[tilespmem:$0x1CC80] =	vst v63  }
0x1a: {  	_ =	swait.ge @p0 [sflag:s8], $0x50  }
0x1b: {  	s3 =	simm.s32 @!p0 $0x0;
	[sflag:s8] =	ssyncset.done @p0 $0x0  }
0x1c: {  	s16 =	rddreg [dreg:$0x6];
	[sflag:s8] =	ssyncadd.s32 @p0 $0xFFFFFFB0;
	s8 =	simm.s32 @!p0 $0x8300  }
0x1d: {  	[hbm4b:s16+s3] =	stream.linear.scatter @!p0 [tilespmem:s8], [sflag:$0x3], $0x14000, $0x38;
	[tilespmem:$0x1CC80] =	vst v63  }
0x1e: {  	s8 =	simm.s32 @!p0 $0x3  }
0x1f: {  	_ =	swait.ge @!p0 [sflag:s8], $0x14000  }
0x20: {  	[sflag:s8] =	ssyncset.done @!p0 $0x0  }
0x21: {  	s16 =	simm.s32 @!p0 $0x1CB00;
	s17 =	rddreg [dreg:$0x7];
	[sflag:s8] =	ssyncadd.s32 @!p0 $0xFFFEC000  }
0x22: {  	[hbm4b:s17+s3] =	stream.linear.scatter @!p0 [tilespmem:s16], [sflag:$0x3], $0x140, $0x38;
	[tilespmem:$0x1CC80] =	vst v63  }
0x23: {  	_ =	swait.ge @!p0 [sflag:s8], $0x140  }
0x24: {  	s25 =	rddreg [dreg:$0xb]  }
0x25: {  	s26 =	rddreg [dreg:$0xa];
	s16 =	sadd.s32 $0x1, s25  }
0x26: {  	p1 =	sne.s32 s16, s26  }
.Ltmp1:
0x27: {  	_ = 	snop;
	(pc) =	sbr.rel @!p1 .LBB2_6-.Ltmp1, $3  }
0x28: {  	_ =	sdelay $0x1  }
0x29: {  	[sflag:s8] =	ssyncset.done @!p0 $0x0  }
0x2a: {  	[sflag:s8] =	ssyncadd.s32 @!p0 $0xFFFFFEC0  }
.LBB2_1:
0x2b: {  	[dreg:$0xb] =	wrdreg s16  }
0x2c: {  	s3 =	rddreg [dreg:$0x1];
	s8 =	simm.s32 $0x0  }
0x2d: {  	[tilespmem:s8], [sflag:$0x3] =	stream.linear.gather [hbm4b:s3+s8], $0x100, $0x38;
	[tilespmem:$0x1CC80] =	vst v63  }
0x2e: {  	_ =	swait.ge [sflag:s18], $0x100  }
0x2f: {  	[sflag:s18] =	ssyncset.done $0x0  }
0x30: {  	[sflag:s18] =	ssyncadd.s32 $0xFFFFFF00  }
0x31: {  	s22 =	simm.s32 $0x100;
	s17 =	rddreg [dreg:$0x2]  }
0x32: {  	[tilespmem:s22], [sflag:$0x3] =	stream.linear.gather [hbm4b:s17+s8], $0x80, $0x38;
	[tilespmem:$0x1CC80] =	vst v63  }
0x33: {  	_ =	swait.ge [sflag:s18], $0x80  }
0x34: {  	[sflag:s18] =	ssyncset.done $0x0  }
0x35: {  	s24 =	simm.s32 $0x8300;
	s23 =	rddreg [dreg:$0x5];
	[sflag:s18] =	ssyncadd.s32 $0xFFFFFF80  }
0x36: {  	[tilespmem:s24], [sflag:$0x3] =	stream.linear.gather [hbm4b:s23+s8], $0x14800, $0x38;
	[tilespmem:$0x1CC80] =	vst v63  }
0x37: {  	_ =	swait.ge [sflag:s18], $0x14800  }
0x38: {  	[sflag:s18] =	ssyncset.done $0x0  }
0x39: {  	[sflag:s18] =	ssyncadd.s32 $0xFFFEB800  }
0x3a: {  	[tilespmem:$0x1CB00] =	vst v0  }
0x3b: {  	[tilespmem:$0x1CB10] =	vst v0  }
0x3c: {  	[tilespmem:$0x1CB20] =	vst v0  }
0x3d: {  	[tilespmem:$0x1CB30] =	vst v0  }
0x3e: {  	[tilespmem:$0x1CB40] =	vst v0  }
0x3f: {  	[tilespmem:$0x1CB50] =	vst v0  }
0x40: {  	[tilespmem:$0x1CB60] =	vst v0  }
0x41: {  	[tilespmem:$0x1CB70] =	vst v0  }
0x42: {  	[tilespmem:$0x1CB80] =	vst v0  }
0x43: {  	[tilespmem:$0x1CB90] =	vst v0  }
0x44: {  	[tilespmem:$0x1CBA0] =	vst v0  }
0x45: {  	[tilespmem:$0x1CBB0] =	vst v0  }
0x46: {  	[tilespmem:$0x1CBC0] =	vst v0  }
0x47: {  	[tilespmem:$0x1CBD0] =	vst v0  }
0x48: {  	[tilespmem:$0x1CBE0] =	vst v0  }
0x49: {  	[tilespmem:$0x1CBF0] =	vst v0  }
0x4a: {  	[tilespmem:$0x1CC00] =	vst v0  }
0x4b: {  	[tilespmem:$0x1CC10] =	vst v0  }
0x4c: {  	[tilespmem:$0x1CC20] =	vst v0  }
0x4d: {  	[tilespmem:$0x1CC30] =	vst v0  }
0x4e: {  	[tilespmem:$0x1CC40] =	vst v0  }
0x4f: {  	s25 =	rddreg [dreg:$0x4];
	[tilespmem:$0x1CC50] =	vst v0  }
0x50: {  	v8 =	vld [tilespmem:s25+$0x100];
	_ =	sdelay $0x4  }
0x51: {  	(v2sf) =	vpush v8, $0x0;
	_ =	sdelay $0x6  }
0x52: {  	(v2sf) =	vpush v8, $0x1;
	_ =	sdelay $0x7  }
0x53: {  	s26 =	spop (v2sf)  }
0x54: {  	s17 =	sand.u32 $0x3F, s26  }
0x55: {  	s22 =	sshra.s32 s26, $0x1F;
	p1 =	slt.s32 s26, $0x1;
	p2 =	sne.s32 s17, $0x0  }
0x56: {  	s23 =	sshrl.u32 s22, $0x1A;
	p1 =	por !p1, !p2  }
0x57: {  	s8 =	simm.s32 $0x1;
	s3 =	sadd.s32 s23, s26;
	p1 =	por !p1, !p1  }
0x58: {  	s3 =	sshra.s32 s3, $0x6;
	s8 =	simm.s32 @!p1 $0x0  }
0x59: {  	s17 =	ssub.s32 s3, s8  }
0x5a: {  	s24 =	spop (v2sf);
	s8 =	sshll.u32 s17, $0x6  }
0x5b: {  	s3 =	ssub.s32 s24, s8  }
0x5c: {  	s3 =	sadd.s32 $0x3F, s3  }
0x5d: {  	s25 =	sand.u32 $0x3F, s3  }
0x5e: {  	s26 =	sshra.s32 s3, $0x1F;
	p6 =	slt.s32 s3, $0x1;
	p5 =	sne.s32 s25, $0x0  }
0x5f: {  	s8 =	sshrl.u32 s26, $0x1A;
	p1 =	por !p6, !p5  }
0x60: {  	s3 =	sadd.s32 s8, s3;
	s8 =	simm.s32 $0x1;
	p1 =	por !p1, !p1  }
0x61: {  	s3 =	sshra.s32 s3, $0x6;
	s8 =	simm.s32 @!p1 $0x0  }
0x62: {  	s8 =	ssub.s32 s3, s8  }
0x63: {  	p1 =	slt.s32 s8, $0x1  }
.Ltmp2:
0x64: {  	_ = 	snop;
	(pc) =	sbr.rel @p1 .LBB2_5-.Ltmp2, $2  }
0x65: {  	_ =	sdelay $0x2  }
0x66: {  	s3 =	simm.s32 $0x0  }
.LBB2_2:
0x67: {  	s16 =	sadd.s32 s17, s3  }
0x68: {  	s16 =	sshll.u32 s16, $0x3  }
0x69: {  	s22 =	sand.u32 $0x1FFFFFF8, s16  }
0x6a: {  	s24 =	simm.s32 $0x180;
	s16 =	simm.s32 $0x0;
	s23 =	sadd.s32 s7, s22  }
0x6b: {  	[tilespmem:s24], [sflag:$0x3] =	stream.linear.gather [hbm4b:s23+s16], $0x40, $0x38;
	[tilespmem:$0x1CC80] =	vst v63  }
0x6c: {  	_ =	swait.ge [sflag:s18], $0x40  }
0x6d: {  	[sflag:s18] =	ssyncset.done $0x0  }
0x6e: {  	s25 =	simm.s32 $0x200;
	s24 =	sadd.s32 s9, s22;
	[sflag:s18] =	ssyncadd.s32 $0xFFFFFFC0  }
0x6f: {  	[tilespmem:s25], [sflag:$0x3] =	stream.linear.gather [hbm4b:s24+s16], $0x40, $0x38;
	[tilespmem:$0x1CC80] =	vst v63  }
0x70: {  	_ =	swait.ge [sflag:s18], $0x40  }
0x71: {  	[sflag:s18] =	ssyncset.done $0x0  }
0x72: {  	s26 =	sadd.s32 s11, s22;
	s22 =	simm.s32 $0x280;
	[sflag:s18] =	ssyncadd.s32 $0xFFFFFFC0  }
0x73: {  	[tilespmem:s22], [sflag:$0x3] =	stream.linear.gather [hbm4b:s26+s16], $0x40, $0x38;
	[tilespmem:$0x1CC80] =	vst v63  }
0x74: {  	_ =	swait.ge [sflag:s18], $0x40  }
0x75: {  	[sflag:s18] =	ssyncset.done $0x0  }
0x76: {  	[sflag:s18] =	ssyncadd.s32 $0xFFFFFFC0  }
0x77: {  	v8 =	vld [tilespmem:$0x180];
	_ =	sdelay $0x4  }
0x78: {  	v9 =	vshll.u32 v8, $0x1  }
0x79: {  	v8 =	vand.u32 $0x7, v8;
	v9 =	vand.u32 $0xFFFFFFF0, v9  }
0x7a: {  	v8 =	vor.u32 v8, v9  }
0x7b: {  	v9 =	vperm.xlane v8, v3;
	_ =	sdelay $0x1  }
0x7c: {  	v8 =	vperm.xlane v8, v6;
	v9 =	vadd.s32 v5, v9;
	_ =	sdelay $0x1  }
0x7d: {  	v8 =	vadd.s32 v5, v8;
	_ =	sdelay $0x1  }
0x7e: {  	s24 =	simm.s32 $0x300  }
0x7f: {  	[tilespmem:s24], [sflag:$0x1] =	stream.indirect_vreg.gather [hbm4b:s5+s16], $0x80, v9, vm0, $0xb8;
	[tilespmem:$0x1CC80] =	vst v63  }
0x80: {  	s25 =	simm.s32 $0xB00  }
0x81: {  	[tilespmem:s25], [sflag:$0x1] =	stream.indirect_vreg.gather [hbm4b:s5+s16], $0x80, v8, vm0, $0xb8;
	[tilespmem:$0x1CC80] =	vst v63  }
0x82: {  	v8 =	vld [tilespmem:$0x190];
	_ =	sdelay $0x4  }
0x83: {  	v57 =	vshll.u32 v8, $0x1  }
0x84: {  	v8 =	vand.u32 $0x7, v8;
	v9 =	vand.u32 $0xFFFFFFF0, v57  }
0x85: {  	v8 =	vor.u32 v8, v9  }
0x86: {  	v9 =	vperm.xlane v8, v3;
	_ =	sdelay $0x1  }
0x87: {  	v8 =	vperm.xlane v8, v6;
	v9 =	vadd.s32 v5, v9;
	_ =	sdelay $0x1  }
0x88: {  	v8 =	vadd.s32 v5, v8;
	_ =	sdelay $0x1  }
0x89: {  	s26 =	simm.s32 $0x1300  }
0x8a: {  	[tilespmem:s26], [sflag:$0x1] =	stream.indirect_vreg.gather [hbm4b:s5+s16], $0x80, v9, vm0, $0xb8;
	[tilespmem:$0x1CC80] =	vst v63  }
0x8b: {  	_ = 	snop  }
0x8c: {  	[tilespmem:s28], [sflag:$0x1] =	stream.indirect_vreg.gather [hbm4b:s5+s16], $0x80, v8, vm0, $0xb8;
	[tilespmem:$0x1CC80] =	vst v63  }
0x8d: {  	v8 =	vld [tilespmem:$0x1A0];
	_ =	sdelay $0x4  }
0x8e: {  	v58 =	vshll.u32 v8, $0x1  }
0x8f: {  	v8 =	vand.u32 $0x7, v8;
	v9 =	vand.u32 $0xFFFFFFF0, v58  }
0x90: {  	v8 =	vor.u32 v8, v9  }
0x91: {  	v9 =	vperm.xlane v8, v3;
	_ =	sdelay $0x1  }
0x92: {  	v8 =	vperm.xlane v8, v6;
	v9 =	vadd.s32 v5, v9;
	_ =	sdelay $0x1  }
0x93: {  	v8 =	vadd.s32 v5, v8;
	_ =	sdelay $0x2  }
0x94: {  	[tilespmem:s29], [sflag:$0x1] =	stream.indirect_vreg.gather [hbm4b:s5+s16], $0x80, v9, vm0, $0xb8;
	[tilespmem:$0x1CC80] =	vst v63  }
0x95: {  	_ = 	snop  }
0x96: {  	[tilespmem:s30], [sflag:$0x1] =	stream.indirect_vreg.gather [hbm4b:s5+s16], $0x80, v8, vm0, $0xb8;
	[tilespmem:$0x1CC80] =	vst v63  }
0x97: {  	v8 =	vld [tilespmem:$0x1B0];
	_ =	sdelay $0x4  }
0x98: {  	v59 =	vshll.u32 v8, $0x1  }
0x99: {  	v8 =	vand.u32 $0x7, v8;
	v9 =	vand.u32 $0xFFFFFFF0, v59  }
0x9a: {  	v8 =	vor.u32 v8, v9  }
0x9b: {  	v9 =	vperm.xlane v8, v3;
	_ =	sdelay $0x1  }
0x9c: {  	v8 =	vperm.xlane v8, v6;
	v9 =	vadd.s32 v5, v9;
	_ =	sdelay $0x1  }
0x9d: {  	v8 =	vadd.s32 v5, v8;
	_ =	sdelay $0x2  }
0x9e: {  	[tilespmem:s31], [sflag:$0x1] =	stream.indirect_vreg.gather [hbm4b:s5+s16], $0x80, v9, vm0, $0xb8;
	[tilespmem:$0x1CC80] =	vst v63  }
0x9f: {  	_ = 	snop  }
0xa0: {  	[tilespmem:s0], [sflag:$0x1] =	stream.indirect_vreg.gather [hbm4b:s5+s16], $0x80, v8, vm0, $0xb8;
	[tilespmem:$0x1CC80] =	vst v63  }
0xa1: {  	v8 =	vld [tilespmem:$0x200];
	_ =	sdelay $0x4  }
0xa2: {  	v60 =	vshll.u32 v8, $0x1  }
0xa3: {  	v8 =	vand.u32 $0x7, v8;
	v9 =	vand.u32 $0xFFFFFFF0, v60  }
0xa4: {  	v8 =	vor.u32 v8, v9  }
0xa5: {  	v9 =	vperm.xlane v8, v3;
	_ =	sdelay $0x1  }
0xa6: {  	v8 =	vperm.xlane v8, v6;
	v9 =	vadd.s32 v5, v9;
	_ =	sdelay $0x1  }
0xa7: {  	v8 =	vadd.s32 v5, v8;
	_ =	sdelay $0x2  }
0xa8: {  	[tilespmem:s4], [sflag:$0x2] =	stream.indirect_vreg.gather [hbm4b:s6+s16], $0x80, v9, vm0, $0xb8;
	[tilespmem:$0x1CC80] =	vst v63  }
0xa9: {  	_ = 	snop  }
0xaa: {  	[tilespmem:s1], [sflag:$0x2] =	stream.indirect_vreg.gather [hbm4b:s6+s16], $0x80, v8, vm0, $0xb8;
	[tilespmem:$0x1CC80] =	vst v63  }
0xab: {  	v8 =	vld [tilespmem:$0x210];
	_ =	sdelay $0x4  }
0xac: {  	v61 =	vshll.u32 v8, $0x1  }
0xad: {  	v8 =	vand.u32 $0x7, v8;
	v9 =	vand.u32 $0xFFFFFFF0, v61  }
0xae: {  	v8 =	vor.u32 v8, v9  }
0xaf: {  	v9 =	vperm.xlane v8, v3;
	_ =	sdelay $0x1  }
0xb0: {  	v8 =	vperm.xlane v8, v6;
	v9 =	vadd.s32 v5, v9;
	_ =	sdelay $0x1  }
0xb1: {  	v8 =	vadd.s32 v5, v8;
	_ =	sdelay $0x2  }
0xb2: {  	[tilespmem:s2], [sflag:$0x2] =	stream.indirect_vreg.gather [hbm4b:s6+s16], $0x80, v9, vm0, $0xb8;
	[tilespmem:$0x1CC80] =	vst v63  }
0xb3: {  	_ = 	snop  }
0xb4: {  	[tilespmem:s19], [sflag:$0x2] =	stream.indirect_vreg.gather [hbm4b:s6+s16], $0x80, v8, vm0, $0xb8;
	[tilespmem:$0x1CC80] =	vst v63  }
0xb5: {  	v8 =	vld [tilespmem:$0x220];
	_ =	sdelay $0x4  }
0xb6: {  	v62 =	vshll.u32 v8, $0x1  }
0xb7: {  	v8 =	vand.u32 $0x7, v8;
	v9 =	vand.u32 $0xFFFFFFF0, v62  }
0xb8: {  	v8 =	vor.u32 v8, v9  }
0xb9: {  	v9 =	vperm.xlane v8, v3;
	_ =	sdelay $0x1  }
0xba: {  	v8 =	vperm.xlane v8, v6;
	v9 =	vadd.s32 v5, v9;
	_ =	sdelay $0x1  }
0xbb: {  	v8 =	vadd.s32 v5, v8;
	_ =	sdelay $0x2  }
0xbc: {  	[tilespmem:s20], [sflag:$0x2] =	stream.indirect_vreg.gather [hbm4b:s6+s16], $0x80, v9, vm0, $0xb8;
	[tilespmem:$0x1CC80] =	vst v63  }
0xbd: {  	_ = 	snop  }
0xbe: {  	[tilespmem:s12], [sflag:$0x2] =	stream.indirect_vreg.gather [hbm4b:s6+s16], $0x80, v8, vm0, $0xb8;
	[tilespmem:$0x1CC80] =	vst v63  }
0xbf: {  	v8 =	vld [tilespmem:$0x230];
	_ =	sdelay $0x4  }
0xc0: {  	v63 =	vshll.u32 v8, $0x1  }
0xc1: {  	v8 =	vand.u32 $0x7, v8;
	v9 =	vand.u32 $0xFFFFFFF0, v63  }
0xc2: {  	v8 =	vor.u32 v8, v9  }
0xc3: {  	v9 =	vperm.xlane v8, v3;
	_ =	sdelay $0x1  }
0xc4: {  	v8 =	vperm.xlane v8, v6;
	v9 =	vadd.s32 v5, v9;
	_ =	sdelay $0x1  }
0xc5: {  	v8 =	vadd.s32 v5, v8;
	_ =	sdelay $0x2  }
0xc6: {  	[tilespmem:s13], [sflag:$0x2] =	stream.indirect_vreg.gather [hbm4b:s6+s16], $0x80, v9, vm0, $0xb8;
	[tilespmem:$0x1CC80] =	vst v63  }
0xc7: {  	_ = 	snop  }
0xc8: {  	[tilespmem:s14], [sflag:$0x2] =	stream.indirect_vreg.gather [hbm4b:s6+s16], $0x80, v8, vm0, $0xb8;
	[tilespmem:$0x1CC80] =	vst v63  }
0xc9: {  	_ =	swait.ge [sflag:s21], $0x4000  }
0xca: {  	[sflag:s21] =	ssyncset.done $0x0  }
0xcb: {  	[sflag:s21] =	ssyncadd.s32 $0xFFFFC000  }
0xcc: {  	_ =	swait.ge [sflag:s15], $0x4000  }
0xcd: {  	[sflag:s15] =	ssyncset.done $0x0  }
0xce: {  	s23 =	simm.s32 $0x0;
	[sflag:s15] =	ssyncadd.s32 $0xFFFFC000  }
.LBB2_3:
0xcf: {  	v16 =	vld [tilespmem:$0x0]  }
0xd0: {  	v18 =	vld [tilespmem:$0x10]  }
0xd1: {  	v20 =	vld [tilespmem:$0x20]  }
0xd2: {  	v22 =	vld [tilespmem:$0x30]  }
0xd3: {  	v24 =	vld [tilespmem:$0x40]  }
0xd4: {  	v26 =	vld [tilespmem:$0x50]  }
0xd5: {  	v29 =	vld [tilespmem:$0x60]  }
0xd6: {  	v32 =	vld [tilespmem:$0x70]  }
0xd7: {  	v34 =	vld [tilespmem:$0x80]  }
0xd8: {  	v47 =	vld [tilespmem:$0x90]  }
0xd9: {  	v52 =	vld [tilespmem:$0xA0]  }
0xda: {  	s24 =	sand.u32 $0x3800, s23;
	s25 =	sand.u32 $0x380, s16;
	v58 =	vld [tilespmem:$0xB0]  }
0xdb: {  	v63 =	vld [tilespmem:$0xC0];
	s24 =	sor.u32 s25, s24  }
0xdc: {  	v10 =	vld [tilespmem:s24+$0x300]  }
0xdd: {  	v12 =	vld [tilespmem:s24+$0x4300]  }
0xde: {  	v13 =	vld [tilespmem:s24+$0x310]  }
0xdf: {  	v17 =	vld [tilespmem:s24+$0x4310]  }
0xe0: {  	v14 =	vld [tilespmem:s24+$0x320]  }
0xe1: {  	v19 =	vld [tilespmem:s24+$0x4320]  }
0xe2: {  	v15 =	vld [tilespmem:s24+$0x330];
	v27 =	vadd.f32 v12, v10  }
0xe3: {  	v21 =	vld [tilespmem:s24+$0x4330]  }
0xe4: {  	v11 =	vld [tilespmem:s24+$0x340];
	v17 =	vadd.f32 v17, v13;
	v30 =	vmul.f32 $2.000000030e-01, v27  }
0xe5: {  	v23 =	vld [tilespmem:s24+$0x4340]  }
0xe6: {  	v9 =	vld [tilespmem:s24+$0x350];
	v19 =	vadd.f32 v19, v14;
	v42 =	vmul.f32 $2.000000030e-01, v17;
	v27 =	vmax.f32 v27, v30  }
0xe7: {  	v25 =	vld [tilespmem:s24+$0x4350];
	v27 =	vmul.f32 v27, v16  }
0xe8: {  	v8 =	vld [tilespmem:s24+$0x360];
	v21 =	vadd.f32 v21, v15;
	v43 =	vmul.f32 $2.000000030e-01, v19;
	v17 =	vmax.f32 v17, v42  }
0xe9: {  	v28 =	vld [tilespmem:s24+$0x4360];
	v18 =	vmul.f32 v17, v18;
	v27 =	vadd.f32 $0.0e+00, v27  }
0xea: {  	v31 =	vld [tilespmem:s24+$0x4370];
	v23 =	vadd.f32 v23, v11;
	v44 =	vmul.f32 $2.000000030e-01, v21;
	v19 =	vmax.f32 v19, v43  }
0xeb: {  	v12 =	vld [tilespmem:s24+$0x370];
	v19 =	vmul.f32 v19, v20;
	v18 =	vadd.f32 v18, v27  }
0xec: {  	v33 =	vld [tilespmem:s24+$0x4700];
	v25 =	vadd.f32 v25, v9;
	v46 =	vmul.f32 $2.000000030e-01, v23;
	v21 =	vmax.f32 v21, v44  }
0xed: {  	v16 =	vld [tilespmem:s24+$0x700];
	v21 =	vmul.f32 v21, v22;
	v19 =	vadd.f32 v19, v18  }
0xee: {  	v45 =	vld [tilespmem:s24+$0x4710];
	v50 =	vadd.f32 v28, v8;
	v49 =	vmul.f32 $2.000000030e-01, v25;
	v48 =	vmax.f32 v23, v46  }
0xef: {  	v17 =	vld [tilespmem:s24+$0x710];
	v22 =	vmul.f32 v48, v24;
	v21 =	vadd.f32 v21, v19  }
0xf0: {  	v51 =	vld [tilespmem:s24+$0x4720];
	v53 =	vmul.f32 $2.000000030e-01, v50;
	v23 =	vmax.f32 v25, v49;
	v31 =	vadd.f32 v31, v12  }
0xf1: {  	v54 =	vmul.f32 v23, v26;
	v18 =	vld [tilespmem:s24+$0x720];
	v21 =	vadd.f32 v22, v21  }
0xf2: {  	v55 =	vld [tilespmem:s24+$0x4730];
	v25 =	vmax.f32 v50, v53;
	v56 =	vmul.f32 $2.000000030e-01, v31;
	v57 =	vadd.f32 v33, v16  }
0xf3: {  	v59 =	vmul.f32 v25, v29;
	v19 =	vld [tilespmem:s24+$0x730];
	v21 =	vadd.f32 v54, v21  }
0xf4: {  	v61 =	vld [tilespmem:s24+$0x4740];
	v26 =	vmax.f32 v31, v56;
	v20 =	vadd.f32 v45, v17;
	v60 =	vmul.f32 $2.000000030e-01, v57  }
0xf5: {  	v25 =	vld [tilespmem:s24+$0x740];
	v62 =	vmul.f32 v26, v32;
	v21 =	vadd.f32 v59, v21  }
0xf6: {  	v38 =	vld [tilespmem:s24+$0x4750];
	v36 =	vmul.f32 $2.000000030e-01, v20;
	v27 =	vmax.f32 v57, v60;
	v28 =	vadd.f32 v51, v18  }
0xf7: {  	v32 =	vld [tilespmem:s24+$0x750];
	v37 =	vmul.f32 v27, v34;
	v21 =	vadd.f32 v62, v21  }
0xf8: {  	v40 =	vld [tilespmem:s24+$0x4760];
	v20 =	vmax.f32 v20, v36;
	v39 =	vmul.f32 $2.000000030e-01, v28;
	v23 =	vadd.f32 v55, v19  }
0xf9: {  	v34 =	vld [tilespmem:s24+$0x760];
	v20 =	vmul.f32 v20, v47;
	v21 =	vadd.f32 v37, v21  }
0xfa: {  	v44 =	vld [tilespmem:s24+$0x4770];
	v42 =	vadd.f32 v61, v25;
	v28 =	vmax.f32 v28, v39;
	v41 =	vmul.f32 $2.000000030e-01, v23  }
0xfb: {  	v31 =	vld [tilespmem:s24+$0x770];
	v43 =	vmul.f32 v28, v52;
	v20 =	vadd.f32 v20, v21  }
0xfc: {  	v46 =	vld [tilespmem:$0xD0];
	v45 =	vmul.f32 $2.000000030e-01, v42;
	v27 =	vadd.f32 v38, v32;
	v23 =	vmax.f32 v23, v41  }
0xfd: {  	v47 =	vmul.f32 v23, v58;
	v20 =	vadd.f32 v43, v20  }
0xfe: {  	v50 =	vld [tilespmem:$0xE0];
	v48 =	vmax.f32 v42, v45;
	v49 =	vmul.f32 $2.000000030e-01, v27;
	v22 =	vadd.f32 v40, v34  }
0xff: {  	v51 =	vmul.f32 v48, v63;
	v20 =	vadd.f32 v47, v20  }
0x100: {  	v24 =	vadd.f32 v44, v31;
	v54 =	vld [tilespmem:$0xF0];
	v52 =	vmax.f32 v27, v49;
	v53 =	vmul.f32 $2.000000030e-01, v22  }
0x101: {  	v55 =	vmul.f32 v52, v46;
	v20 =	vadd.f32 v51, v20  }
0x102: {  	v56 =	vmul.f32 $2.000000030e-01, v24;
	v22 =	vmax.f32 v22, v53  }
0x103: {  	v57 =	vmul.f32 v22, v50;
	v20 =	vadd.f32 v55, v20  }
0x104: {  	v58 =	vmax.f32 v24, v56  }
0x105: {  	v59 =	vmul.f32 v58, v54;
	v20 =	vadd.f32 v57, v20;
	_ =	sdelay $0x1  }
0x106: {  	v20 =	vadd.f32 v59, v20  }
0x107: {  	v60 =	vld [tilespmem:s22+$0x0]  }
0x108: {  	v61 =	vperm.xlane v20, v1;
	_ =	sdelay $0x1  }
0x109: {  	v20 =	vadd.f32 v20, v61;
	_ =	sdelay $0x1  }
0x10a: {  	(v2sf) =	vpush v60, $0x0;
	v22 =	vperm.xlane v20, v2;
	_ =	sdelay $0x1  }
0x10b: {  	v20 =	vadd.f32 v20, v22;
	_ =	sdelay $0x1  }
0x10c: {  	v62 =	vperm.xlane v20, v4;
	_ =	sdelay $0x1  }
0x10d: {  	v20 =	vadd.f32 v20, v62;
	_ =	sdelay $0x1  }
0x10e: {  	v21 =	vperm.xlane v20, v7;
	_ =	sdelay $0x1  }
0x10f: {  	v20 =	vadd.f32 v20, v21;
	_ =	sdelay $0x1  }
0x110: {  	v20 =	vmul.f32 $1.442695020e+00, v20;
	_ =	sdelay $0x1  }
0x111: {  	(erf) = vpow2.f32 v20  }
0x112: {  	s26 =	spop (v2sf)  }
0x113: {  	s24 =	ssub.s32 s26, s10  }
0x114: {  	s24 =	smin.u32 s24, $0x140  }
0x115: {  	s25 =	sshll.u32 s24, $0x8;
	s26 =	sshll.u32 s24, $0x7  }
0x116: {  	s25 =	sand.u32 $0x1F800, s25;
	s26 =	sand.u32 $0x380, s26  }
0x117: {  	s25 =	sor.u32 s26, s25  }
0x118: {  	v63 =	vld [tilespmem:s25+$0x8300]  }
0x119: {  	v28 =	vld [tilespmem:s25+$0x8310]  }
0x11a: {  	v30 =	vld [tilespmem:s25+$0x8320];
	v29 =	vpop (erf)  }
0x11b: {  	v33 =	vld [tilespmem:s25+$0x8330];
	v10 =	vmul.f32 v29, v10  }
0x11c: {  	v35 =	vld [tilespmem:s25+$0x8340];
	v13 =	vmul.f32 v29, v13  }
0x11d: {  	v36 =	vld [tilespmem:s25+$0x8350];
	v14 =	vmul.f32 v29, v14;
	v10 =	vadd.f32 v10, v63  }
0x11e: {  	v37 =	vld [tilespmem:s25+$0x8360];
	v15 =	vmul.f32 v29, v15;
	v13 =	vadd.f32 v13, v28  }
0x11f: {  	v39 =	vld [tilespmem:s25+$0x8370];
	v11 =	vmul.f32 v29, v11;
	v38 =	vadd.f32 v14, v30;
	[tilespmem:s25+$0x8300] =	vst v10  }
0x120: {  	v43 =	vld [tilespmem:s25+$0x8710];
	v9 =	vmul.f32 v29, v9;
	v40 =	vadd.f32 v33, v15;
	[tilespmem:s25+$0x8310] =	vst v13  }
0x121: {  	v41 =	vld [tilespmem:s25+$0x8700];
	v8 =	vmul.f32 v29, v8;
	v42 =	vadd.f32 v35, v11;
	[tilespmem:s25+$0x8320] =	vst v38  }
0x122: {  	v46 =	vld [tilespmem:s25+$0x8730];
	v12 =	vmul.f32 v29, v12;
	v9 =	vadd.f32 v36, v9;
	[tilespmem:s25+$0x8330] =	vst v40  }
0x123: {  	v44 =	vld [tilespmem:s25+$0x8720];
	v48 =	vmul.f32 v29, v17;
	v8 =	vadd.f32 v37, v8;
	[tilespmem:s25+$0x8340] =	vst v42  }
0x124: {  	v51 =	vld [tilespmem:s25+$0x8750];
	v45 =	vmul.f32 v29, v16;
	v47 =	vadd.f32 v39, v12;
	[tilespmem:s25+$0x8350] =	vst v9  }
0x125: {  	v49 =	vld [tilespmem:s25+$0x8740];
	v53 =	vmul.f32 v29, v19;
	v52 =	vadd.f32 v43, v48;
	[tilespmem:s25+$0x8360] =	vst v8  }
0x126: {  	v56 =	vld [tilespmem:s25+$0x8770];
	v50 =	vmul.f32 v29, v18;
	v8 =	vadd.f32 v41, v45;
	[tilespmem:s25+$0x8370] =	vst v47  }
0x127: {  	v54 =	vld [tilespmem:s25+$0x8760];
	v58 =	vmul.f32 v29, v32;
	v57 =	vadd.f32 v46, v53;
	[tilespmem:s25+$0x8710] =	vst v52  }
0x128: {  	v55 =	vmul.f32 v29, v25;
	[tilespmem:s25+$0x8700] =	vst v8;
	v8 =	vadd.f32 v44, v50  }
0x129: {  	v61 =	vmul.f32 v29, v31;
	v60 =	vadd.f32 v51, v58;
	[tilespmem:s25+$0x8730] =	vst v57  }
0x12a: {  	v59 =	vmul.f32 v29, v34;
	[tilespmem:s25+$0x8720] =	vst v8;
	v8 =	vadd.f32 v49, v55  }
0x12b: {  	v62 =	vadd.f32 v56, v61;
	[tilespmem:s25+$0x8750] =	vst v60  }
0x12c: {  	[tilespmem:s25+$0x8740] =	vst v8;
	v8 =	vadd.f32 v54, v59  }
0x12d: {  	[tilespmem:s25+$0x8770] =	vst v62  }
0x12e: {  	[tilespmem:s25+$0x8760] =	vst v8  }
0x12f: {  	v8 =	vld [tilespmem:s24+$0x1CB00];
	_ =	sdelay $0x1  }
0x130: {  	p1 =	sne.s32 s23, $0x3F00  }
.Ltmp3:
0x131: {  	_ = 	snop;
	(pc) =	sbr.rel @p1 .LBB2_3-.Ltmp3, $3  }
0x132: {  	v63 =	vnsel vm1, $0x0, v29  }
0x133: {  	v8 =	vadd.f32 v8, v63;
	_ =	sdelay $0x1  }
0x134: {  	s16 =	sadd.s32 $0x80, s16;
	s23 =	sadd.s32 $0x100, s23;
	s22 =	sadd.s32 $0x1, s22;
	[tilespmem:s24+$0x1CB00] =	vst v8  }
0x135: {  	s3 =	sadd.s32 $0x1, s3  }
0x136: {  	p1 =	sne.s32 s3, s8  }
.Ltmp4:
0x137: {  	_ = 	snop;
	(pc) =	sbr.rel @p1 .LBB2_2-.Ltmp4, $4  }
.Ltmp5:
0x138: {  	_ = 	snop;
	(pc) =	sbr.rel @!p1 .LBB2_5-.Ltmp5, $4  }
0x139: {  	_ = 	snop  }
0x13a: {  	_ = 	snop  }
0x13b: {  	_ = 	snop  }
0x13c: {  	_ = 	snop  }
.LBB2_6:
0x13d: {  	_ =	sfence.sel $0x180000  }
0x13e: {  	[bflag:$0x0] =	sbarrier.arrive $0xFFFF  }
0x13f: {  	_ =	strace $0x9000004D  }
0x140: {  	s0 =	stileid.u32;
	[bflag:$0x2] =	sbarrier.arrive $0xFFFF  }
0x141: {  	p0 =	sne.s32 s0, $0x0;
	s0 =	rddreg [dreg:$0x3]  }
0x142: {  	s0 =	sadd.s32 @!p0 $0x100000, s0  }
0x143: {  	[sflag:s0] =	ssyncadd.tile.s32 @!p0 $0x1;
	_ =	shalt  }
.Lfunc_end2:
_tile_overlayer_lowered:
.L_overlay_start_2:
0x144: {  	(tag) =	ssettag $0x2  }
0x145: {  	s0 =	rddreg [dreg:$0x0];
	s2 =	stileid.u32  }
0x146: {  	s1 =	rddreg [dreg:$0x1];
	p0 =	sne.s32 s2, $0x0  }
0x147: {  	s3 =	rddreg [dreg:$0x2];
	[bflag:$0x3] =	sbarrier.arrive $0xFFFF;
	s2 =	simm.s32 @!p0 $0x1C03  }
0x148: {  	[timem:s3], [sflag:s2] =	dma.local @!p0 [hbm:s0], s1  }
0x149: {  	s0 =	simm.s32 @!p0 $0x3  }
0x14a: {  	_ =	swait.ge @!p0 [sflag:s0], s1  }
0x14b: {  	s1 =	ssub.s32 @!p0 $0x0, s1;
	[sflag:s0] =	ssyncset.done @!p0 $0x0  }
0x14c: {  	[sflag:s0] =	ssyncadd.s32 @!p0 s1  }
0x14d: {  	[bflag:$0x3] =	sbarrier.arrive $0xFFFF  }
0x14e: {  	_ =	shalt  }

</sc_bundles>
